<compile_context>
chip_gen: v7x
topology: tpu7x:2x2x1
jax: 0.10.2.dev20260603
libtpu: 0.0.44.dev20260713+nightly
codegen_flags: <defaults>
</compile_context>

<pallas_src>
import functools

import jax
import jax.numpy as jnp
from jax import lax
from jax.experimental import pallas as pl
from jax.experimental.pallas import tpu as pltpu
from jax.experimental.pallas import tpu_sc as plsc

N = 10000
E = 320000
D = 128
R = 8
NB = 4

NC = 2
NS = 16
NW = NC * NS
EC = 10240
E_PAD = NW * EC
NGRP = EC // 16

C = 1024
NPASS = 10
N_PAD = NPASS * C
ACC_ROWS = R * C
TRASH = ACC_ROWS
ACC_TOT = 8208
ZROWS = ACC_TOT // NS
DSTRIPE = ACC_ROWS // NS
CAP = EC // 128
DEG_ROWS = 80
DEG_DUMP = ACC_ROWS // 128
DEG_STRIPE = DEG_DUMP // NS


def _sc_aggregate(xrows, epack, zeros_blk):
  mesh = plsc.VectorSubcoreMesh(core_axis_name="c", subcore_axis_name="s")

  @functools.partial(
      pl.kernel,
      out_type=(
          jax.ShapeDtypeStruct((NC, NPASS * ACC_ROWS, D), jnp.float32),
          jax.ShapeDtypeStruct((NC, NPASS * DEG_DUMP, 128), jnp.float32),
      ),
      mesh=mesh,
      scratch_types=[
          pltpu.VMEM((EC,), jnp.int32),
          pltpu.VMEM((CAP, 128), jnp.int32),
          pltpu.VMEM((CAP, 128), jnp.int32),
          pltpu.VMEM((128, D), jnp.float32),
          pltpu.VMEM((32, 128), jnp.float32),
          pltpu.VMEM((DEG_ROWS, 128), jnp.float32),
          pltpu.VMEM((DEG_ROWS,), jnp.int32),
          pltpu.VMEM_SHARED((ACC_TOT, D), jnp.float32),
          pltpu.VMEM_SHARED((DEG_ROWS, 128), jnp.float32),
          pltpu.SemaphoreType.DMA,
      ],
      compiler_params=pltpu.CompilerParams(needs_layout_passes=False),
  )
  def body(x_hbm, ep_hbm, zero_hbm, out_hbm, deg_hbm,
           ep_v, gidx, sidx, rows, zbuf, degp, rowid,
           acc, degs, sem):
    c = lax.axis_index("c")
    s = lax.axis_index("s")
    wid = c * NS + s

    pltpu.sync_copy(ep_hbm.at[pl.ds(wid * EC, EC)], ep_v)
    pltpu.sync_copy(zero_hbm.at[pl.ds(0, 32)], zbuf)

    lanes = lax.iota(jnp.int32, 16)
    for k in range(DEG_ROWS // 16):
      rowid[pl.ds(k * 16, 16)] = lanes + k * 16

    def zero_acc_stripe():
      base = s * ZROWS
      for k in range(ZROWS // 32):
        pltpu.sync_copy(zbuf, acc.at[pl.ds(base + k * 32, 32)])
      rem = ZROWS % 32
      if rem:
        pltpu.sync_copy(zbuf.at[pl.ds(0, rem)],
                        acc.at[pl.ds(base + (ZROWS // 32) * 32, rem)])

    def zero_deg_stripe():
      pltpu.sync_copy(zbuf.at[pl.ds(0, DEG_ROWS // NS)],
                      degs.at[pl.ds(s * (DEG_ROWS // NS), DEG_ROWS // NS)])

    zero_acc_stripe()
    zero_deg_stripe()
    plsc.subcore_barrier()

    def pass_body(p, _):
      lo = p * C
      hi = lo + C
      pltpu.sync_copy(zero_hbm.at[pl.ds(0, DEG_ROWS)], degp)

      def scan_grp(g, cnt):
        e = ep_v[pl.ds(g * 16, 16)]
        sv = e & 0x3FFF
        d = lax.shift_right_logical(e, 14) & 0x3FFF
        t = lax.shift_right_logical(e, 28)
        m = (d >= lo) & (d < hi)
        mi = m.astype(jnp.int32)
        doff = d - lo
        tgt = t * C + doff
        dbin = (doff << 3) + t
        plsc.addupdate_scatter(
            degp, [lax.shift_right_logical(dbin, 7), dbin & 127],
            jnp.ones((16,), jnp.float32), mask=m)
        cs = plsc.cumsum(mi)
        pos = jnp.where(m, cnt + cs - 1, 0)
        row = lax.shift_right_logical(pos, 7)
        col = pos & 127
        plsc.store_scatter(sidx, [row, col], tgt, mask=m)
        plsc.store_scatter(gidx, [row, col], sv, mask=m)
        return cnt + lax.squeeze(lax.slice(cs, (15,), (16,)), (0,))

      cnt = lax.fori_loop(0, NGRP, scan_grp, jnp.int32(0))

      cnt128 = (cnt + 127) & ~jnp.int32(127)
      for k in range(8):
        pos = cnt + k * 16 + lanes
        mm = pos < cnt128
        row = lax.shift_right_logical(pos, 7)
        col = pos & 127
        plsc.store_scatter(sidx, [row, col],
                           jnp.full((16,), TRASH, jnp.int32), mask=mm)
        plsc.store_scatter(gidx, [row, col],
                           jnp.zeros((16,), jnp.int32), mask=mm)

      def chunk_body(j, _):
        pltpu.async_copy(x_hbm.at[gidx.at[j]], rows, sem).wait()
        pltpu.sync_copy(rows, acc.at[sidx.at[j]], add=True)
        return 0

      lax.fori_loop(0, lax.shift_right_logical(cnt128, 7), chunk_body, 0)

      pltpu.sync_copy(degp, degs.at[rowid], add=True)

      plsc.subcore_barrier()
      pltpu.sync_copy(
          acc.at[pl.ds(s * DSTRIPE, DSTRIPE)],
          out_hbm.at[c, pl.ds(p * ACC_ROWS + s * DSTRIPE, DSTRIPE), :])
      pltpu.sync_copy(
          degs.at[pl.ds(s * DEG_STRIPE, DEG_STRIPE)],
          deg_hbm.at[c, pl.ds(p * DEG_DUMP + s * DEG_STRIPE, DEG_STRIPE), :])
      zero_acc_stripe()
      zero_deg_stripe()
      plsc.subcore_barrier()
      return 0

    lax.fori_loop(0, NPASS, pass_body, 0)

  return body(xrows, epack, zeros_blk)


def _dense(xpad, agg, deg, comp, bases, root, bias8, relu):
  agg4 = agg.reshape(NC, NPASS, ACC_ROWS, D)
  deg4 = deg.reshape(NC, NPASS, C, R)

  def body(x_ref, a_ref, d_ref, comp_ref, bases_ref, root_ref, bias_ref,
           o_ref):
    a = a_ref[0, 0] + a_ref[1, 0]
    dg = d_ref[0, 0] + d_ref[1, 0]
    comp = comp_ref[...]
    z = [jnp.zeros((C, D), jnp.float32) for _ in range(NB)]
    for r in range(R):
      mean = a[r * C:(r + 1) * C] / jnp.maximum(dg[:, r:r + 1], 1.0)
      for b in range(NB):
        z[b] = z[b] + comp[r, b] * mean
    out = jnp.dot(x_ref[...], root_ref[...], preferred_element_type=jnp.float32)
    for b in range(NB):
      out = out + jnp.dot(z[b], bases_ref[b],
                          preferred_element_type=jnp.float32)
    out = out + bias_ref[0:1, :]
    if relu:
      out = jnp.maximum(out, 0.0)
    o_ref[...] = out

  return pl.pallas_call(
      body,
      grid=(NPASS,),
      in_specs=[
          pl.BlockSpec((C, D), lambda p: (p, 0)),
          pl.BlockSpec((NC, 1, ACC_ROWS, D), lambda p: (0, p, 0, 0)),
          pl.BlockSpec((NC, 1, C, R), lambda p: (0, p, 0, 0)),
          pl.BlockSpec((R, NB), lambda p: (0, 0)),
          pl.BlockSpec((NB, D, D), lambda p: (0, 0, 0)),
          pl.BlockSpec((D, D), lambda p: (0, 0)),
          pl.BlockSpec((8, D), lambda p: (0, 0)),
      ],
      out_specs=pl.BlockSpec((C, D), lambda p: (p, 0)),
      out_shape=jax.ShapeDtypeStruct((N_PAD, D), jnp.float32),
  )(xpad, agg4, deg4, comp, bases, root, bias8)


def kernel(x, edge_index, edge_type, comp1, bases1, root1, bias1,
           comp2, bases2, root2, bias2):
  src = edge_index[0].astype(jnp.int32)
  dst = edge_index[1].astype(jnp.int32)
  typ = edge_type.astype(jnp.int32)
  epack = src | (dst << 14) | (typ << 28)
  epack = jnp.pad(epack, (0, E_PAD - E), constant_values=0x3FFF << 14)
  xpad = jnp.pad(x, ((0, N_PAD - N), (0, 0)))
  zeros_blk = jnp.zeros((80, 128), jnp.float32)
  b1 = jnp.tile(bias1.reshape(1, D), (8, 1))
  b2 = jnp.tile(bias2.reshape(1, D), (8, 1))

  agg1, deg1 = _sc_aggregate(xpad, epack, zeros_blk)
  h = _dense(xpad, agg1, deg1, comp1, bases1, root1, b1, relu=True)
  agg2, deg2 = _sc_aggregate(h, epack, zeros_blk)
  out = _dense(h, agg2, deg2, comp2, bases2, root2, b2, relu=False)
  return out[:N]

# --- scband reference (transcript-rebuilt; emitter-appended) ---
"""Pipeline reference for scband-rgcn-7370163880612 (READ-ONLY COPY).

The authoritative reference and input builder live on the scoring server;
editing this copy changes nothing except your own understanding.
"""

import jax, jax.numpy as jnp
import numpy as np

N_NODES = 10000
N_EDGES = 320000
D_IN = 128
D_HID = 128
D_OUT = 128
N_REL = 8
N_BASES = 4


def setup_inputs(seed: int = 0) -> dict:
    key = jax.random.key(seed)
    ks = jax.random.split(key, 12)
    x = jax.random.normal(ks[0], (N_NODES, D_IN), dtype=jnp.float32)
    edge_index = jax.random.randint(ks[1], (2, N_EDGES), 0, N_NODES, dtype=jnp.int64)
    edge_type = jax.random.randint(ks[2], (N_EDGES,), 0, N_REL, dtype=jnp.int64)
    s1 = 1.0 / np.sqrt(D_IN)
    s2 = 1.0 / np.sqrt(D_HID)
    comp1 = jax.random.normal(ks[3], (N_REL, N_BASES), dtype=jnp.float32) * (1.0 / np.sqrt(N_BASES))
    bases1 = jax.random.normal(ks[4], (N_BASES, D_IN, D_HID), dtype=jnp.float32) * s1
    root1 = jax.random.normal(ks[5], (D_IN, D_HID), dtype=jnp.float32) * s1
    bias1 = jnp.zeros((D_HID,), dtype=jnp.float32)
    comp2 = jax.random.normal(ks[6], (N_REL, N_BASES), dtype=jnp.float32) * (1.0 / np.sqrt(N_BASES))
    bases2 = jax.random.normal(ks[7], (N_BASES, D_HID, D_OUT), dtype=jnp.float32) * s2
    root2 = jax.random.normal(ks[8], (D_HID, D_OUT), dtype=jnp.float32) * s2
    bias2 = jnp.zeros((D_OUT,), dtype=jnp.float32)
    return {"x": x, "edge_index": edge_index, "edge_type": edge_type,
            "comp1": comp1, "bases1": bases1, "root1": root1, "bias1": bias1,
            "comp2": comp2, "bases2": bases2, "root2": root2, "bias2": bias2}


def _rgcn_conv(x, edge_index, edge_type, comp, bases, root, bias):
    # basis decomposition: W_r = sum_b comp[r, b] * bases[b]
    W = jnp.einsum('rb,bio->rio', comp, bases)  # [R, in, out]
    src = edge_index[0]
    dst = edge_index[1]
    N = x.shape[0]
    out = x @ root + bias  # root/self transform
    # precompute x @ W_r for all relations
    xW = jnp.einsum('ni,rio->rno', x, W)  # [R, N, out]
    for r in range(W.shape[0]):
        m = (edge_type == r).astype(x.dtype)  # [E]
        deg = jax.ops.segment_sum(m, dst, num_segments=N)  # per-dst relation degree
        msg = jnp.take(xW[r], src, axis=0) * m[:, None]  # gather + mask
        agg = jax.ops.segment_sum(msg, dst, num_segments=N)  # scatter-add
        out = out + agg / jnp.clip(deg, 1.0)[:, None]  # mean aggregation
    return out


def reference(x, edge_index, edge_type, comp1, bases1, root1, bias1, comp2, bases2, root2, bias2):
    h = _rgcn_conv(x, edge_index, edge_type, comp1, bases1, root1, bias1)
    h = jax.nn.relu(h)
    # dropout p=0.4 is identity in eval mode
    h = _rgcn_conv(h, edge_index, edge_type, comp2, bases2, root2, bias2)
    return h

if __name__ == "__main__":
    import jax
    _d = setup_inputs()
    print(jax.jit(kernel)(*tuple(_d.values())))

</pallas_src>

<mosaic_0001>
#map = affine_map<(d0, d1) -> (0, 0)>
#map1 = affine_map<(d0, d1) -> (0)>
#map2 = affine_map<(d0, d1) -> (0, 0, 0)>
module attributes {stable_mosaic.version = 14 : i64} {
  func.func @body(%arg0: i32, %arg1: i32, %arg2: memref<10240x128xf32, #tpu.memory_space<hbm>>, %arg3: memref<327680xi32, #tpu.memory_space<hbm>>, %arg4: memref<80x128xf32, #tpu.memory_space<hbm>>, %arg5: memref<2x81920x128xf32, #tpu.memory_space<hbm>>, %arg6: memref<2x640x128xf32, #tpu.memory_space<hbm>>, %arg7: memref<10240xi32, #tpu.memory_space<vmem>>, %arg8: memref<80x128xi32, #tpu.memory_space<vmem>>, %arg9: memref<80x128xi32, #tpu.memory_space<vmem>>, %arg10: memref<128x128xf32, #tpu.memory_space<vmem>>, %arg11: memref<32x128xf32, #tpu.memory_space<vmem>>, %arg12: memref<80x128xf32, #tpu.memory_space<vmem>>, %arg13: memref<80xi32, #tpu.memory_space<vmem>>, %arg14: memref<8208x128xf32, #tpu.memory_space<vmem_shared>>, %arg15: memref<80x128xf32, #tpu.memory_space<vmem_shared>>, %arg16: memref<!tpu.dma_semaphore, #tpu.memory_space<semaphore_mem>>) attributes {dimension_semantics = [#tpu.dimension_semantics<core_parallel>, #tpu.dimension_semantics<subcore_parallel>], iteration_bounds = array<i64: 2, 16>, scalar_prefetch = 0 : i64, scratch_operands = 10 : i64, tpu.core_type = #tpu.core_type<sc_vector_subcore>, window_params = [{transform_indices = #map}, {transform_indices = #map1}, {transform_indices = #map}, {transform_indices = #map2}, {transform_indices = #map2}]} {
    %mul3A = arith.constant 16 : i32
    %mul3A_0 = arith.muli %arg0, %mul3A : i32
    %add3A = arith.addi %mul3A_0, %arg1 : i32
    %mul3A_1 = arith.constant 10240 : i32
    %mul3A_2 = arith.muli %add3A, %mul3A_1 : i32
    "tpu.region"() ({
      %run_scoped3A = tpu.sem_alloc : memref<!tpu.dma_semaphore, #tpu.memory_space<semaphore_mem>>
      %dma_start3A = tpu.memref_slice %arg3[%mul3A_2] : memref<327680xi32, #tpu.memory_space<hbm>> -> memref<10240xi32, #tpu.memory_space<hbm>>
      %dma_start3A_71 = tpu.memref_slice %arg3[%mul3A_2] : memref<327680xi32, #tpu.memory_space<hbm>> -> memref<10240xi32, #tpu.memory_space<hbm>>
      tpu.enqueue_dma source(%dma_start3A_71 : memref<10240xi32, #tpu.memory_space<hbm>>) target(%arg7 : memref<10240xi32, #tpu.memory_space<vmem>>) target_semaphore(%run_scoped3A : memref<!tpu.dma_semaphore, #tpu.memory_space<semaphore_mem>>)
      %dma_wait3A = tpu.memref_slice %arg3[%mul3A_2] : memref<327680xi32, #tpu.memory_space<hbm>> -> memref<10240xi32, #tpu.memory_space<hbm>>
      %dma_wait3A_72 = tpu.memref_slice %arg3[%mul3A_2] : memref<327680xi32, #tpu.memory_space<hbm>> -> memref<10240xi32, #tpu.memory_space<hbm>>
      tpu.wait_dma2 semaphore(%run_scoped3A : memref<!tpu.dma_semaphore, #tpu.memory_space<semaphore_mem>>) src(%dma_wait3A_72 : memref<10240xi32, #tpu.memory_space<hbm>>) dst(%arg7 : memref<10240xi32, #tpu.memory_space<vmem>>)
      tpu.yield
    }) : () -> ()
    "tpu.region"() ({
      %run_scoped3A = tpu.sem_alloc : memref<!tpu.dma_semaphore, #tpu.memory_space<semaphore_mem>>
      %dma_start3A = arith.constant 0 : i32
      %dma_start3A_71 = arith.constant 0 : i32
      %dma_start3A_72 = tpu.memref_slice %arg4[%dma_start3A, %dma_start3A_71] : memref<80x128xf32, #tpu.memory_space<hbm>> -> memref<32x128xf32, #tpu.memory_space<hbm>>
      %dma_start3A_73 = arith.constant 0 : i32
      %dma_start3A_74 = arith.constant 0 : i32
      %dma_start3A_75 = tpu.memref_slice %arg4[%dma_start3A_73, %dma_start3A_74] : memref<80x128xf32, #tpu.memory_space<hbm>> -> memref<32x128xf32, #tpu.memory_space<hbm>>
      tpu.enqueue_dma source(%dma_start3A_75 : memref<32x128xf32, #tpu.memory_space<hbm>>) target(%arg11 : memref<32x128xf32, #tpu.memory_space<vmem>>) target_semaphore(%run_scoped3A : memref<!tpu.dma_semaphore, #tpu.memory_space<semaphore_mem>>)
      %dma_wait3A = arith.constant 0 : i32
      %dma_wait3A_76 = arith.constant 0 : i32
      %dma_wait3A_77 = tpu.memref_slice %arg4[%dma_wait3A, %dma_wait3A_76] : memref<80x128xf32, #tpu.memory_space<hbm>> -> memref<32x128xf32, #tpu.memory_space<hbm>>
      %dma_wait3A_78 = arith.constant 0 : i32
      %dma_wait3A_79 = arith.constant 0 : i32
      %dma_wait3A_80 = tpu.memref_slice %arg4[%dma_wait3A_78, %dma_wait3A_79] : memref<80x128xf32, #tpu.memory_space<hbm>> -> memref<32x128xf32, #tpu.memory_space<hbm>>
      tpu.wait_dma2 semaphore(%run_scoped3A : memref<!tpu.dma_semaphore, #tpu.memory_space<semaphore_mem>>) src(%dma_wait3A_80 : memref<32x128xf32, #tpu.memory_space<hbm>>) dst(%arg11 : memref<32x128xf32, #tpu.memory_space<vmem>>)
      tpu.yield
    }) : () -> ()
    %iota3A = tpu.iota {dimensions = array<i32: 0>} : vector<16xi32>
    %add3A_3 = arith.constant 0 : i32
    %add3A_4 = vector.broadcast %add3A_3 : i32 to vector<16xi32>
    %add3A_5 = arith.addi %iota3A, %add3A_4 : vector<16xi32>
    %swap3A = arith.constant 0 : index
    %swap3A_6 = tpu.vector_load %arg13[%swap3A] {strides = array<i32>} : memref<80xi32, #tpu.memory_space<vmem>>, vector<16xi32>,
    tpu.vector_store %arg13[%swap3A], %add3A_5 {strides = array<i32>} : memref<80xi32, #tpu.memory_space<vmem>>, vector<16xi32>,
    %add3A_7 = arith.constant 16 : i32
    %add3A_8 = vector.broadcast %add3A_7 : i32 to vector<16xi32>
    %add3A_9 = arith.addi %iota3A, %add3A_8 : vector<16xi32>
    %swap3A_10 = arith.constant 16 : index
    %swap3A_11 = tpu.vector_load %arg13[%swap3A_10] {strides = array<i32>} : memref<80xi32, #tpu.memory_space<vmem>>, vector<16xi32>,
    tpu.vector_store %arg13[%swap3A_10], %add3A_9 {strides = array<i32>} : memref<80xi32, #tpu.memory_space<vmem>>, vector<16xi32>,
    %add3A_12 = arith.constant 32 : i32
    %add3A_13 = vector.broadcast %add3A_12 : i32 to vector<16xi32>
    %add3A_14 = arith.addi %iota3A, %add3A_13 : vector<16xi32>
    %swap3A_15 = arith.constant 32 : index
    %swap3A_16 = tpu.vector_load %arg13[%swap3A_15] {strides = array<i32>} : memref<80xi32, #tpu.memory_space<vmem>>, vector<16xi32>,
    tpu.vector_store %arg13[%swap3A_15], %add3A_14 {strides = array<i32>} : memref<80xi32, #tpu.memory_space<vmem>>, vector<16xi32>,
    %add3A_17 = arith.constant 48 : i32
    %add3A_18 = vector.broadcast %add3A_17 : i32 to vector<16xi32>
    %add3A_19 = arith.addi %iota3A, %add3A_18 : vector<16xi32>
    %swap3A_20 = arith.constant 48 : index
    %swap3A_21 = tpu.vector_load %arg13[%swap3A_20] {strides = array<i32>} : memref<80xi32, #tpu.memory_space<vmem>>, vector<16xi32>,
    tpu.vector_store %arg13[%swap3A_20], %add3A_19 {strides = array<i32>} : memref<80xi32, #tpu.memory_space<vmem>>, vector<16xi32>,
    %add3A_22 = arith.constant 64 : i32
    %add3A_23 = vector.broadcast %add3A_22 : i32 to vector<16xi32>
    %add3A_24 = arith.addi %iota3A, %add3A_23 : vector<16xi32>
    %swap3A_25 = arith.constant 64 : index
    %swap3A_26 = tpu.vector_load %arg13[%swap3A_25] {strides = array<i32>} : memref<80xi32, #tpu.memory_space<vmem>>, vector<16xi32>,
    tpu.vector_store %arg13[%swap3A_25], %add3A_24 {strides = array<i32>} : memref<80xi32, #tpu.memory_space<vmem>>, vector<16xi32>,
    %mul3A_27 = arith.constant 513 : i32
    %mul3A_28 = arith.muli %arg1, %mul3A_27 : i32
    %add3A_29 = arith.constant 0 : i32
    %add3A_30 = arith.addi %mul3A_28, %add3A_29 : i32
    "tpu.region"() ({
      %run_scoped3A = tpu.sem_alloc : memref<!tpu.dma_semaphore, #tpu.memory_space<semaphore_mem>>
      %dma_start3A = arith.constant 0 : i32
      %dma_start3A_71 = tpu.memref_slice %arg14[%add3A_30, %dma_start3A] : memref<8208x128xf32, #tpu.memory_space<vmem_shared>> -> memref<32x128xf32, #tpu.memory_space<vmem_shared>>
      %dma_start3A_72 = arith.constant 0 : i32
      %dma_start3A_73 = tpu.memref_slice %arg14[%add3A_30, %dma_start3A_72] : memref<8208x128xf32, #tpu.memory_space<vmem_shared>> -> memref<32x128xf32, #tpu.memory_space<vmem_shared>>
      tpu.enqueue_dma source(%arg11 : memref<32x128xf32, #tpu.memory_space<vmem>>) target(%dma_start3A_73 : memref<32x128xf32, #tpu.memory_space<vmem_shared>>) target_semaphore(%run_scoped3A : memref<!tpu.dma_semaphore, #tpu.memory_space<semaphore_mem>>)
      %dma_wait3A = arith.constant 0 : i32
      %dma_wait3A_74 = tpu.memref_slice %arg14[%add3A_30, %dma_wait3A] : memref<8208x128xf32, #tpu.memory_space<vmem_shared>> -> memref<32x128xf32, #tpu.memory_space<vmem_shared>>
      %dma_wait3A_75 = arith.constant 0 : i32
      %dma_wait3A_76 = tpu.memref_slice %arg14[%add3A_30, %dma_wait3A_75] : memref<8208x128xf32, #tpu.memory_space<vmem_shared>> -> memref<32x128xf32, #tpu.memory_space<vmem_shared>>
      tpu.wait_dma2 semaphore(%run_scoped3A : memref<!tpu.dma_semaphore, #tpu.memory_space<semaphore_mem>>) src(%arg11 : memref<32x128xf32, #tpu.memory_space<vmem>>) dst(%dma_wait3A_76 : memref<32x128xf32, #tpu.memory_space<vmem_shared>>)
      tpu.yield
    }) : () -> ()
    %add3A_31 = arith.constant 32 : i32
    %add3A_32 = arith.addi %mul3A_28, %add3A_31 : i32
    "tpu.region"() ({
      %run_scoped3A = tpu.sem_alloc : memref<!tpu.dma_semaphore, #tpu.memory_space<semaphore_mem>>
      %dma_start3A = arith.constant 0 : i32
      %dma_start3A_71 = tpu.memref_slice %arg14[%add3A_32, %dma_start3A] : memref<8208x128xf32, #tpu.memory_space<vmem_shared>> -> memref<32x128xf32, #tpu.memory_space<vmem_shared>>
      %dma_start3A_72 = arith.constant 0 : i32
      %dma_start3A_73 = tpu.memref_slice %arg14[%add3A_32, %dma_start3A_72] : memref<8208x128xf32, #tpu.memory_space<vmem_shared>> -> memref<32x128xf32, #tpu.memory_space<vmem_shared>>
      tpu.enqueue_dma source(%arg11 : memref<32x128xf32, #tpu.memory_space<vmem>>) target(%dma_start3A_73 : memref<32x128xf32, #tpu.memory_space<vmem_shared>>) target_semaphore(%run_scoped3A : memref<!tpu.dma_semaphore, #tpu.memory_space<semaphore_mem>>)
      %dma_wait3A = arith.constant 0 : i32
      %dma_wait3A_74 = tpu.memref_slice %arg14[%add3A_32, %dma_wait3A] : memref<8208x128xf32, #tpu.memory_space<vmem_shared>> -> memref<32x128xf32, #tpu.memory_space<vmem_shared>>
      %dma_wait3A_75 = arith.constant 0 : i32
      %dma_wait3A_76 = tpu.memref_slice %arg14[%add3A_32, %dma_wait3A_75] : memref<8208x128xf32, #tpu.memory_space<vmem_shared>> -> memref<32x128xf32, #tpu.memory_space<vmem_shared>>
      tpu.wait_dma2 semaphore(%run_scoped3A : memref<!tpu.dma_semaphore, #tpu.memory_space<semaphore_mem>>) src(%arg11 : memref<32x128xf32, #tpu.memory_space<vmem>>) dst(%dma_wait3A_76 : memref<32x128xf32, #tpu.memory_space<vmem_shared>>)
      tpu.yield
    }) : () -> ()
    %add3A_33 = arith.constant 64 : i32
    %add3A_34 = arith.addi %mul3A_28, %add3A_33 : i32
    "tpu.region"() ({
      %run_scoped3A = tpu.sem_alloc : memref<!tpu.dma_semaphore, #tpu.memory_space<semaphore_mem>>
      %dma_start3A = arith.constant 0 : i32
      %dma_start3A_71 = tpu.memref_slice %arg14[%add3A_34, %dma_start3A] : memref<8208x128xf32, #tpu.memory_space<vmem_shared>> -> memref<32x128xf32, #tpu.memory_space<vmem_shared>>
      %dma_start3A_72 = arith.constant 0 : i32
      %dma_start3A_73 = tpu.memref_slice %arg14[%add3A_34, %dma_start3A_72] : memref<8208x128xf32, #tpu.memory_space<vmem_shared>> -> memref<32x128xf32, #tpu.memory_space<vmem_shared>>
      tpu.enqueue_dma source(%arg11 : memref<32x128xf32, #tpu.memory_space<vmem>>) target(%dma_start3A_73 : memref<32x128xf32, #tpu.memory_space<vmem_shared>>) target_semaphore(%run_scoped3A : memref<!tpu.dma_semaphore, #tpu.memory_space<semaphore_mem>>)
      %dma_wait3A = arith.constant 0 : i32
      %dma_wait3A_74 = tpu.memref_slice %arg14[%add3A_34, %dma_wait3A] : memref<8208x128xf32, #tpu.memory_space<vmem_shared>> -> memref<32x128xf32, #tpu.memory_space<vmem_shared>>
      %dma_wait3A_75 = arith.constant 0 : i32
      %dma_wait3A_76 = tpu.memref_slice %arg14[%add3A_34, %dma_wait3A_75] : memref<8208x128xf32, #tpu.memory_space<vmem_shared>> -> memref<32x128xf32, #tpu.memory_space<vmem_shared>>
      tpu.wait_dma2 semaphore(%run_scoped3A : memref<!tpu.dma_semaphore, #tpu.memory_space<semaphore_mem>>) src(%arg11 : memref<32x128xf32, #tpu.memory_space<vmem>>) dst(%dma_wait3A_76 : memref<32x128xf32, #tpu.memory_space<vmem_shared>>)
      tpu.yield
    }) : () -> ()
    %add3A_35 = arith.constant 96 : i32
    %add3A_36 = arith.addi %mul3A_28, %add3A_35 : i32
    "tpu.region"() ({
      %run_scoped3A = tpu.sem_alloc : memref<!tpu.dma_semaphore, #tpu.memory_space<semaphore_mem>>
      %dma_start3A = arith.constant 0 : i32
      %dma_start3A_71 = tpu.memref_slice %arg14[%add3A_36, %dma_start3A] : memref<8208x128xf32, #tpu.memory_space<vmem_shared>> -> memref<32x128xf32, #tpu.memory_space<vmem_shared>>
      %dma_start3A_72 = arith.constant 0 : i32
      %dma_start3A_73 = tpu.memref_slice %arg14[%add3A_36, %dma_start3A_72] : memref<8208x128xf32, #tpu.memory_space<vmem_shared>> -> memref<32x128xf32, #tpu.memory_space<vmem_shared>>
      tpu.enqueue_dma source(%arg11 : memref<32x128xf32, #tpu.memory_space<vmem>>) target(%dma_start3A_73 : memref<32x128xf32, #tpu.memory_space<vmem_shared>>) target_semaphore(%run_scoped3A : memref<!tpu.dma_semaphore, #tpu.memory_space<semaphore_mem>>)
      %dma_wait3A = arith.constant 0 : i32
      %dma_wait3A_74 = tpu.memref_slice %arg14[%add3A_36, %dma_wait3A] : memref<8208x128xf32, #tpu.memory_space<vmem_shared>> -> memref<32x128xf32, #tpu.memory_space<vmem_shared>>
      %dma_wait3A_75 = arith.constant 0 : i32
      %dma_wait3A_76 = tpu.memref_slice %arg14[%add3A_36, %dma_wait3A_75] : memref<8208x128xf32, #tpu.memory_space<vmem_shared>> -> memref<32x128xf32, #tpu.memory_space<vmem_shared>>
      tpu.wait_dma2 semaphore(%run_scoped3A : memref<!tpu.dma_semaphore, #tpu.memory_space<semaphore_mem>>) src(%arg11 : memref<32x128xf32, #tpu.memory_space<vmem>>) dst(%dma_wait3A_76 : memref<32x128xf32, #tpu.memory_space<vmem_shared>>)
      tpu.yield
    }) : () -> ()
    %add3A_37 = arith.constant 128 : i32
    %add3A_38 = arith.addi %mul3A_28, %add3A_37 : i32
    "tpu.region"() ({
      %run_scoped3A = tpu.sem_alloc : memref<!tpu.dma_semaphore, #tpu.memory_space<semaphore_mem>>
      %dma_start3A = arith.constant 0 : i32
      %dma_start3A_71 = tpu.memref_slice %arg14[%add3A_38, %dma_start3A] : memref<8208x128xf32, #tpu.memory_space<vmem_shared>> -> memref<32x128xf32, #tpu.memory_space<vmem_shared>>
      %dma_start3A_72 = arith.constant 0 : i32
      %dma_start3A_73 = tpu.memref_slice %arg14[%add3A_38, %dma_start3A_72] : memref<8208x128xf32, #tpu.memory_space<vmem_shared>> -> memref<32x128xf32, #tpu.memory_space<vmem_shared>>
      tpu.enqueue_dma source(%arg11 : memref<32x128xf32, #tpu.memory_space<vmem>>) target(%dma_start3A_73 : memref<32x128xf32, #tpu.memory_space<vmem_shared>>) target_semaphore(%run_scoped3A : memref<!tpu.dma_semaphore, #tpu.memory_space<semaphore_mem>>)
      %dma_wait3A = arith.constant 0 : i32
      %dma_wait3A_74 = tpu.memref_slice %arg14[%add3A_38, %dma_wait3A] : memref<8208x128xf32, #tpu.memory_space<vmem_shared>> -> memref<32x128xf32, #tpu.memory_space<vmem_shared>>
      %dma_wait3A_75 = arith.constant 0 : i32
      %dma_wait3A_76 = tpu.memref_slice %arg14[%add3A_38, %dma_wait3A_75] : memref<8208x128xf32, #tpu.memory_space<vmem_shared>> -> memref<32x128xf32, #tpu.memory_space<vmem_shared>>
      tpu.wait_dma2 semaphore(%run_scoped3A : memref<!tpu.dma_semaphore, #tpu.memory_space<semaphore_mem>>) src(%arg11 : memref<32x128xf32, #tpu.memory_space<vmem>>) dst(%dma_wait3A_76 : memref<32x128xf32, #tpu.memory_space<vmem_shared>>)
      tpu.yield
    }) : () -> ()
    %add3A_39 = arith.constant 160 : i32
    %add3A_40 = arith.addi %mul3A_28, %add3A_39 : i32
    "tpu.region"() ({
      %run_scoped3A = tpu.sem_alloc : memref<!tpu.dma_semaphore, #tpu.memory_space<semaphore_mem>>
      %dma_start3A = arith.constant 0 : i32
      %dma_start3A_71 = tpu.memref_slice %arg14[%add3A_40, %dma_start3A] : memref<8208x128xf32, #tpu.memory_space<vmem_shared>> -> memref<32x128xf32, #tpu.memory_space<vmem_shared>>
      %dma_start3A_72 = arith.constant 0 : i32
      %dma_start3A_73 = tpu.memref_slice %arg14[%add3A_40, %dma_start3A_72] : memref<8208x128xf32, #tpu.memory_space<vmem_shared>> -> memref<32x128xf32, #tpu.memory_space<vmem_shared>>
      tpu.enqueue_dma source(%arg11 : memref<32x128xf32, #tpu.memory_space<vmem>>) target(%dma_start3A_73 : memref<32x128xf32, #tpu.memory_space<vmem_shared>>) target_semaphore(%run_scoped3A : memref<!tpu.dma_semaphore, #tpu.memory_space<semaphore_mem>>)
      %dma_wait3A = arith.constant 0 : i32
      %dma_wait3A_74 = tpu.memref_slice %arg14[%add3A_40, %dma_wait3A] : memref<8208x128xf32, #tpu.memory_space<vmem_shared>> -> memref<32x128xf32, #tpu.memory_space<vmem_shared>>
      %dma_wait3A_75 = arith.constant 0 : i32
      %dma_wait3A_76 = tpu.memref_slice %arg14[%add3A_40, %dma_wait3A_75] : memref<8208x128xf32, #tpu.memory_space<vmem_shared>> -> memref<32x128xf32, #tpu.memory_space<vmem_shared>>
      tpu.wait_dma2 semaphore(%run_scoped3A : memref<!tpu.dma_semaphore, #tpu.memory_space<semaphore_mem>>) src(%arg11 : memref<32x128xf32, #tpu.memory_space<vmem>>) dst(%dma_wait3A_76 : memref<32x128xf32, #tpu.memory_space<vmem_shared>>)
      tpu.yield
    }) : () -> ()
    %add3A_41 = arith.constant 192 : i32
    %add3A_42 = arith.addi %mul3A_28, %add3A_41 : i32
    "tpu.region"() ({
      %run_scoped3A = tpu.sem_alloc : memref<!tpu.dma_semaphore, #tpu.memory_space<semaphore_mem>>
      %dma_start3A = arith.constant 0 : i32
      %dma_start3A_71 = tpu.memref_slice %arg14[%add3A_42, %dma_start3A] : memref<8208x128xf32, #tpu.memory_space<vmem_shared>> -> memref<32x128xf32, #tpu.memory_space<vmem_shared>>
      %dma_start3A_72 = arith.constant 0 : i32
      %dma_start3A_73 = tpu.memref_slice %arg14[%add3A_42, %dma_start3A_72] : memref<8208x128xf32, #tpu.memory_space<vmem_shared>> -> memref<32x128xf32, #tpu.memory_space<vmem_shared>>
      tpu.enqueue_dma source(%arg11 : memref<32x128xf32, #tpu.memory_space<vmem>>) target(%dma_start3A_73 : memref<32x128xf32, #tpu.memory_space<vmem_shared>>) target_semaphore(%run_scoped3A : memref<!tpu.dma_semaphore, #tpu.memory_space<semaphore_mem>>)
      %dma_wait3A = arith.constant 0 : i32
      %dma_wait3A_74 = tpu.memref_slice %arg14[%add3A_42, %dma_wait3A] : memref<8208x128xf32, #tpu.memory_space<vmem_shared>> -> memref<32x128xf32, #tpu.memory_space<vmem_shared>>
      %dma_wait3A_75 = arith.constant 0 : i32
      %dma_wait3A_76 = tpu.memref_slice %arg14[%add3A_42, %dma_wait3A_75] : memref<8208x128xf32, #tpu.memory_space<vmem_shared>> -> memref<32x128xf32, #tpu.memory_space<vmem_shared>>
      tpu.wait_dma2 semaphore(%run_scoped3A : memref<!tpu.dma_semaphore, #tpu.memory_space<semaphore_mem>>) src(%arg11 : memref<32x128xf32, #tpu.memory_space<vmem>>) dst(%dma_wait3A_76 : memref<32x128xf32, #tpu.memory_space<vmem_shared>>)
      tpu.yield
    }) : () -> ()
    %add3A_43 = arith.constant 224 : i32
    %add3A_44 = arith.addi %mul3A_28, %add3A_43 : i32
    "tpu.region"() ({
      %run_scoped3A = tpu.sem_alloc : memref<!tpu.dma_semaphore, #tpu.memory_space<semaphore_mem>>
      %dma_start3A = arith.constant 0 : i32
      %dma_start3A_71 = tpu.memref_slice %arg14[%add3A_44, %dma_start3A] : memref<8208x128xf32, #tpu.memory_space<vmem_shared>> -> memref<32x128xf32, #tpu.memory_space<vmem_shared>>
      %dma_start3A_72 = arith.constant 0 : i32
      %dma_start3A_73 = tpu.memref_slice %arg14[%add3A_44, %dma_start3A_72] : memref<8208x128xf32, #tpu.memory_space<vmem_shared>> -> memref<32x128xf32, #tpu.memory_space<vmem_shared>>
      tpu.enqueue_dma source(%arg11 : memref<32x128xf32, #tpu.memory_space<vmem>>) target(%dma_start3A_73 : memref<32x128xf32, #tpu.memory_space<vmem_shared>>) target_semaphore(%run_scoped3A : memref<!tpu.dma_semaphore, #tpu.memory_space<semaphore_mem>>)
      %dma_wait3A = arith.constant 0 : i32
      %dma_wait3A_74 = tpu.memref_slice %arg14[%add3A_44, %dma_wait3A] : memref<8208x128xf32, #tpu.memory_space<vmem_shared>> -> memref<32x128xf32, #tpu.memory_space<vmem_shared>>
      %dma_wait3A_75 = arith.constant 0 : i32
      %dma_wait3A_76 = tpu.memref_slice %arg14[%add3A_44, %dma_wait3A_75] : memref<8208x128xf32, #tpu.memory_space<vmem_shared>> -> memref<32x128xf32, #tpu.memory_space<vmem_shared>>
      tpu.wait_dma2 semaphore(%run_scoped3A : memref<!tpu.dma_semaphore, #tpu.memory_space<semaphore_mem>>) src(%arg11 : memref<32x128xf32, #tpu.memory_space<vmem>>) dst(%dma_wait3A_76 : memref<32x128xf32, #tpu.memory_space<vmem_shared>>)
      tpu.yield
    }) : () -> ()
    %add3A_45 = arith.constant 256 : i32
    %add3A_46 = arith.addi %mul3A_28, %add3A_45 : i32
    "tpu.region"() ({
      %run_scoped3A = tpu.sem_alloc : memref<!tpu.dma_semaphore, #tpu.memory_space<semaphore_mem>>
      %dma_start3A = arith.constant 0 : i32
      %dma_start3A_71 = tpu.memref_slice %arg14[%add3A_46, %dma_start3A] : memref<8208x128xf32, #tpu.memory_space<vmem_shared>> -> memref<32x128xf32, #tpu.memory_space<vmem_shared>>
      %dma_start3A_72 = arith.constant 0 : i32
      %dma_start3A_73 = tpu.memref_slice %arg14[%add3A_46, %dma_start3A_72] : memref<8208x128xf32, #tpu.memory_space<vmem_shared>> -> memref<32x128xf32, #tpu.memory_space<vmem_shared>>
      tpu.enqueue_dma source(%arg11 : memref<32x128xf32, #tpu.memory_space<vmem>>) target(%dma_start3A_73 : memref<32x128xf32, #tpu.memory_space<vmem_shared>>) target_semaphore(%run_scoped3A : memref<!tpu.dma_semaphore, #tpu.memory_space<semaphore_mem>>)
      %dma_wait3A = arith.constant 0 : i32
      %dma_wait3A_74 = tpu.memref_slice %arg14[%add3A_46, %dma_wait3A] : memref<8208x128xf32, #tpu.memory_space<vmem_shared>> -> memref<32x128xf32, #tpu.memory_space<vmem_shared>>
      %dma_wait3A_75 = arith.constant 0 : i32
      %dma_wait3A_76 = tpu.memref_slice %arg14[%add3A_46, %dma_wait3A_75] : memref<8208x128xf32, #tpu.memory_space<vmem_shared>> -> memref<32x128xf32, #tpu.memory_space<vmem_shared>>
      tpu.wait_dma2 semaphore(%run_scoped3A : memref<!tpu.dma_semaphore, #tpu.memory_space<semaphore_mem>>) src(%arg11 : memref<32x128xf32, #tpu.memory_space<vmem>>) dst(%dma_wait3A_76 : memref<32x128xf32, #tpu.memory_space<vmem_shared>>)
      tpu.yield
    }) : () -> ()
    %add3A_47 = arith.constant 288 : i32
    %add3A_48 = arith.addi %mul3A_28, %add3A_47 : i32
    "tpu.region"() ({
      %run_scoped3A = tpu.sem_alloc : memref<!tpu.dma_semaphore, #tpu.memory_space<semaphore_mem>>
      %dma_start3A = arith.constant 0 : i32
      %dma_start3A_71 = tpu.memref_slice %arg14[%add3A_48, %dma_start3A] : memref<8208x128xf32, #tpu.memory_space<vmem_shared>> -> memref<32x128xf32, #tpu.memory_space<vmem_shared>>
      %dma_start3A_72 = arith.constant 0 : i32
      %dma_start3A_73 = tpu.memref_slice %arg14[%add3A_48, %dma_start3A_72] : memref<8208x128xf32, #tpu.memory_space<vmem_shared>> -> memref<32x128xf32, #tpu.memory_space<vmem_shared>>
      tpu.enqueue_dma source(%arg11 : memref<32x128xf32, #tpu.memory_space<vmem>>) target(%dma_start3A_73 : memref<32x128xf32, #tpu.memory_space<vmem_shared>>) target_semaphore(%run_scoped3A : memref<!tpu.dma_semaphore, #tpu.memory_space<semaphore_mem>>)
      %dma_wait3A = arith.constant 0 : i32
      %dma_wait3A_74 = tpu.memref_slice %arg14[%add3A_48, %dma_wait3A] : memref<8208x128xf32, #tpu.memory_space<vmem_shared>> -> memref<32x128xf32, #tpu.memory_space<vmem_shared>>
      %dma_wait3A_75 = arith.constant 0 : i32
      %dma_wait3A_76 = tpu.memref_slice %arg14[%add3A_48, %dma_wait3A_75] : memref<8208x128xf32, #tpu.memory_space<vmem_shared>> -> memref<32x128xf32, #tpu.memory_space<vmem_shared>>
      tpu.wait_dma2 semaphore(%run_scoped3A : memref<!tpu.dma_semaphore, #tpu.memory_space<semaphore_mem>>) src(%arg11 : memref<32x128xf32, #tpu.memory_space<vmem>>) dst(%dma_wait3A_76 : memref<32x128xf32, #tpu.memory_space<vmem_shared>>)
      tpu.yield
    }) : () -> ()
    %add3A_49 = arith.constant 320 : i32
    %add3A_50 = arith.addi %mul3A_28, %add3A_49 : i32
    "tpu.region"() ({
      %run_scoped3A = tpu.sem_alloc : memref<!tpu.dma_semaphore, #tpu.memory_space<semaphore_mem>>
      %dma_start3A = arith.constant 0 : i32
      %dma_start3A_71 = tpu.memref_slice %arg14[%add3A_50, %dma_start3A] : memref<8208x128xf32, #tpu.memory_space<vmem_shared>> -> memref<32x128xf32, #tpu.memory_space<vmem_shared>>
      %dma_start3A_72 = arith.constant 0 : i32
      %dma_start3A_73 = tpu.memref_slice %arg14[%add3A_50, %dma_start3A_72] : memref<8208x128xf32, #tpu.memory_space<vmem_shared>> -> memref<32x128xf32, #tpu.memory_space<vmem_shared>>
      tpu.enqueue_dma source(%arg11 : memref<32x128xf32, #tpu.memory_space<vmem>>) target(%dma_start3A_73 : memref<32x128xf32, #tpu.memory_space<vmem_shared>>) target_semaphore(%run_scoped3A : memref<!tpu.dma_semaphore, #tpu.memory_space<semaphore_mem>>)
      %dma_wait3A = arith.constant 0 : i32
      %dma_wait3A_74 = tpu.memref_slice %arg14[%add3A_50, %dma_wait3A] : memref<8208x128xf32, #tpu.memory_space<vmem_shared>> -> memref<32x128xf32, #tpu.memory_space<vmem_shared>>
      %dma_wait3A_75 = arith.constant 0 : i32
      %dma_wait3A_76 = tpu.memref_slice %arg14[%add3A_50, %dma_wait3A_75] : memref<8208x128xf32, #tpu.memory_space<vmem_shared>> -> memref<32x128xf32, #tpu.memory_space<vmem_shared>>
      tpu.wait_dma2 semaphore(%run_scoped3A : memref<!tpu.dma_semaphore, #tpu.memory_space<semaphore_mem>>) src(%arg11 : memref<32x128xf32, #tpu.memory_space<vmem>>) dst(%dma_wait3A_76 : memref<32x128xf32, #tpu.memory_space<vmem_shared>>)
      tpu.yield
    }) : () -> ()
    %add3A_51 = arith.constant 352 : i32
    %add3A_52 = arith.addi %mul3A_28, %add3A_51 : i32
    "tpu.region"() ({
      %run_scoped3A = tpu.sem_alloc : memref<!tpu.dma_semaphore, #tpu.memory_space<semaphore_mem>>
      %dma_start3A = arith.constant 0 : i32
      %dma_start3A_71 = tpu.memref_slice %arg14[%add3A_52, %dma_start3A] : memref<8208x128xf32, #tpu.memory_space<vmem_shared>> -> memref<32x128xf32, #tpu.memory_space<vmem_shared>>
      %dma_start3A_72 = arith.constant 0 : i32
      %dma_start3A_73 = tpu.memref_slice %arg14[%add3A_52, %dma_start3A_72] : memref<8208x128xf32, #tpu.memory_space<vmem_shared>> -> memref<32x128xf32, #tpu.memory_space<vmem_shared>>
      tpu.enqueue_dma source(%arg11 : memref<32x128xf32, #tpu.memory_space<vmem>>) target(%dma_start3A_73 : memref<32x128xf32, #tpu.memory_space<vmem_shared>>) target_semaphore(%run_scoped3A : memref<!tpu.dma_semaphore, #tpu.memory_space<semaphore_mem>>)
      %dma_wait3A = arith.constant 0 : i32
      %dma_wait3A_74 = tpu.memref_slice %arg14[%add3A_52, %dma_wait3A] : memref<8208x128xf32, #tpu.memory_space<vmem_shared>> -> memref<32x128xf32, #tpu.memory_space<vmem_shared>>
      %dma_wait3A_75 = arith.constant 0 : i32
      %dma_wait3A_76 = tpu.memref_slice %arg14[%add3A_52, %dma_wait3A_75] : memref<8208x128xf32, #tpu.memory_space<vmem_shared>> -> memref<32x128xf32, #tpu.memory_space<vmem_shared>>
      tpu.wait_dma2 semaphore(%run_scoped3A : memref<!tpu.dma_semaphore, #tpu.memory_space<semaphore_mem>>) src(%arg11 : memref<32x128xf32, #tpu.memory_space<vmem>>) dst(%dma_wait3A_76 : memref<32x128xf32, #tpu.memory_space<vmem_shared>>)
      tpu.yield
    }) : () -> ()
    %add3A_53 = arith.constant 384 : i32
    %add3A_54 = arith.addi %mul3A_28, %add3A_53 : i32
    "tpu.region"() ({
      %run_scoped3A = tpu.sem_alloc : memref<!tpu.dma_semaphore, #tpu.memory_space<semaphore_mem>>
      %dma_start3A = arith.constant 0 : i32
      %dma_start3A_71 = tpu.memref_slice %arg14[%add3A_54, %dma_start3A] : memref<8208x128xf32, #tpu.memory_space<vmem_shared>> -> memref<32x128xf32, #tpu.memory_space<vmem_shared>>
      %dma_start3A_72 = arith.constant 0 : i32
      %dma_start3A_73 = tpu.memref_slice %arg14[%add3A_54, %dma_start3A_72] : memref<8208x128xf32, #tpu.memory_space<vmem_shared>> -> memref<32x128xf32, #tpu.memory_space<vmem_shared>>
      tpu.enqueue_dma source(%arg11 : memref<32x128xf32, #tpu.memory_space<vmem>>) target(%dma_start3A_73 : memref<32x128xf32, #tpu.memory_space<vmem_shared>>) target_semaphore(%run_scoped3A : memref<!tpu.dma_semaphore, #tpu.memory_space<semaphore_mem>>)
      %dma_wait3A = arith.constant 0 : i32
      %dma_wait3A_74 = tpu.memref_slice %arg14[%add3A_54, %dma_wait3A] : memref<8208x128xf32, #tpu.memory_space<vmem_shared>> -> memref<32x128xf32, #tpu.memory_space<vmem_shared>>
      %dma_wait3A_75 = arith.constant 0 : i32
      %dma_wait3A_76 = tpu.memref_slice %arg14[%add3A_54, %dma_wait3A_75] : memref<8208x128xf32, #tpu.memory_space<vmem_shared>> -> memref<32x128xf32, #tpu.memory_space<vmem_shared>>
      tpu.wait_dma2 semaphore(%run_scoped3A : memref<!tpu.dma_semaphore, #tpu.memory_space<semaphore_mem>>) src(%arg11 : memref<32x128xf32, #tpu.memory_space<vmem>>) dst(%dma_wait3A_76 : memref<32x128xf32, #tpu.memory_space<vmem_shared>>)
      tpu.yield
    }) : () -> ()
    %add3A_55 = arith.constant 416 : i32
    %add3A_56 = arith.addi %mul3A_28, %add3A_55 : i32
    "tpu.region"() ({
      %run_scoped3A = tpu.sem_alloc : memref<!tpu.dma_semaphore, #tpu.memory_space<semaphore_mem>>
      %dma_start3A = arith.constant 0 : i32
      %dma_start3A_71 = tpu.memref_slice %arg14[%add3A_56, %dma_start3A] : memref<8208x128xf32, #tpu.memory_space<vmem_shared>> -> memref<32x128xf32, #tpu.memory_space<vmem_shared>>
      %dma_start3A_72 = arith.constant 0 : i32
      %dma_start3A_73 = tpu.memref_slice %arg14[%add3A_56, %dma_start3A_72] : memref<8208x128xf32, #tpu.memory_space<vmem_shared>> -> memref<32x128xf32, #tpu.memory_space<vmem_shared>>
      tpu.enqueue_dma source(%arg11 : memref<32x128xf32, #tpu.memory_space<vmem>>) target(%dma_start3A_73 : memref<32x128xf32, #tpu.memory_space<vmem_shared>>) target_semaphore(%run_scoped3A : memref<!tpu.dma_semaphore, #tpu.memory_space<semaphore_mem>>)
      %dma_wait3A = arith.constant 0 : i32
      %dma_wait3A_74 = tpu.memref_slice %arg14[%add3A_56, %dma_wait3A] : memref<8208x128xf32, #tpu.memory_space<vmem_shared>> -> memref<32x128xf32, #tpu.memory_space<vmem_shared>>
      %dma_wait3A_75 = arith.constant 0 : i32
      %dma_wait3A_76 = tpu.memref_slice %arg14[%add3A_56, %dma_wait3A_75] : memref<8208x128xf32, #tpu.memory_space<vmem_shared>> -> memref<32x128xf32, #tpu.memory_space<vmem_shared>>
      tpu.wait_dma2 semaphore(%run_scoped3A : memref<!tpu.dma_semaphore, #tpu.memory_space<semaphore_mem>>) src(%arg11 : memref<32x128xf32, #tpu.memory_space<vmem>>) dst(%dma_wait3A_76 : memref<32x128xf32, #tpu.memory_space<vmem_shared>>)
      tpu.yield
    }) : () -> ()
    %add3A_57 = arith.constant 448 : i32
    %add3A_58 = arith.addi %mul3A_28, %add3A_57 : i32
    "tpu.region"() ({
      %run_scoped3A = tpu.sem_alloc : memref<!tpu.dma_semaphore, #tpu.memory_space<semaphore_mem>>
      %dma_start3A = arith.constant 0 : i32
      %dma_start3A_71 = tpu.memref_slice %arg14[%add3A_58, %dma_start3A] : memref<8208x128xf32, #tpu.memory_space<vmem_shared>> -> memref<32x128xf32, #tpu.memory_space<vmem_shared>>
      %dma_start3A_72 = arith.constant 0 : i32
      %dma_start3A_73 = tpu.memref_slice %arg14[%add3A_58, %dma_start3A_72] : memref<8208x128xf32, #tpu.memory_space<vmem_shared>> -> memref<32x128xf32, #tpu.memory_space<vmem_shared>>
      tpu.enqueue_dma source(%arg11 : memref<32x128xf32, #tpu.memory_space<vmem>>) target(%dma_start3A_73 : memref<32x128xf32, #tpu.memory_space<vmem_shared>>) target_semaphore(%run_scoped3A : memref<!tpu.dma_semaphore, #tpu.memory_space<semaphore_mem>>)
      %dma_wait3A = arith.constant 0 : i32
      %dma_wait3A_74 = tpu.memref_slice %arg14[%add3A_58, %dma_wait3A] : memref<8208x128xf32, #tpu.memory_space<vmem_shared>> -> memref<32x128xf32, #tpu.memory_space<vmem_shared>>
      %dma_wait3A_75 = arith.constant 0 : i32
      %dma_wait3A_76 = tpu.memref_slice %arg14[%add3A_58, %dma_wait3A_75] : memref<8208x128xf32, #tpu.memory_space<vmem_shared>> -> memref<32x128xf32, #tpu.memory_space<vmem_shared>>
      tpu.wait_dma2 semaphore(%run_scoped3A : memref<!tpu.dma_semaphore, #tpu.memory_space<semaphore_mem>>) src(%arg11 : memref<32x128xf32, #tpu.memory_space<vmem>>) dst(%dma_wait3A_76 : memref<32x128xf32, #tpu.memory_space<vmem_shared>>)
      tpu.yield
    }) : () -> ()
    %add3A_59 = arith.constant 480 : i32
    %add3A_60 = arith.addi %mul3A_28, %add3A_59 : i32
    "tpu.region"() ({
      %run_scoped3A = tpu.sem_alloc : memref<!tpu.dma_semaphore, #tpu.memory_space<semaphore_mem>>
      %dma_start3A = arith.constant 0 : i32
      %dma_start3A_71 = tpu.memref_slice %arg14[%add3A_60, %dma_start3A] : memref<8208x128xf32, #tpu.memory_space<vmem_shared>> -> memref<32x128xf32, #tpu.memory_space<vmem_shared>>
      %dma_start3A_72 = arith.constant 0 : i32
      %dma_start3A_73 = tpu.memref_slice %arg14[%add3A_60, %dma_start3A_72] : memref<8208x128xf32, #tpu.memory_space<vmem_shared>> -> memref<32x128xf32, #tpu.memory_space<vmem_shared>>
      tpu.enqueue_dma source(%arg11 : memref<32x128xf32, #tpu.memory_space<vmem>>) target(%dma_start3A_73 : memref<32x128xf32, #tpu.memory_space<vmem_shared>>) target_semaphore(%run_scoped3A : memref<!tpu.dma_semaphore, #tpu.memory_space<semaphore_mem>>)
      %dma_wait3A = arith.constant 0 : i32
      %dma_wait3A_74 = tpu.memref_slice %arg14[%add3A_60, %dma_wait3A] : memref<8208x128xf32, #tpu.memory_space<vmem_shared>> -> memref<32x128xf32, #tpu.memory_space<vmem_shared>>
      %dma_wait3A_75 = arith.constant 0 : i32
      %dma_wait3A_76 = tpu.memref_slice %arg14[%add3A_60, %dma_wait3A_75] : memref<8208x128xf32, #tpu.memory_space<vmem_shared>> -> memref<32x128xf32, #tpu.memory_space<vmem_shared>>
      tpu.wait_dma2 semaphore(%run_scoped3A : memref<!tpu.dma_semaphore, #tpu.memory_space<semaphore_mem>>) src(%arg11 : memref<32x128xf32, #tpu.memory_space<vmem>>) dst(%dma_wait3A_76 : memref<32x128xf32, #tpu.memory_space<vmem_shared>>)
      tpu.yield
    }) : () -> ()
    %add3A_61 = arith.constant 512 : i32
    %add3A_62 = arith.addi %mul3A_28, %add3A_61 : i32
    "tpu.region"() ({
      %run_scoped3A = tpu.sem_alloc : memref<!tpu.dma_semaphore, #tpu.memory_space<semaphore_mem>>
      %dma_start3A = arith.constant 0 : i32
      %dma_start3A_71 = arith.constant 0 : i32
      %dma_start3A_72 = tpu.memref_slice %arg11[%dma_start3A, %dma_start3A_71] : memref<32x128xf32, #tpu.memory_space<vmem>> -> memref<1x128xf32, #tpu.memory_space<vmem>>
      %dma_start3A_73 = arith.constant 0 : i32
      %dma_start3A_74 = tpu.memref_slice %arg14[%add3A_62, %dma_start3A_73] : memref<8208x128xf32, #tpu.memory_space<vmem_shared>> -> memref<1x128xf32, #tpu.memory_space<vmem_shared>>
      %dma_start3A_75 = arith.constant 0 : i32
      %dma_start3A_76 = tpu.memref_slice %arg14[%add3A_62, %dma_start3A_75] : memref<8208x128xf32, #tpu.memory_space<vmem_shared>> -> memref<1x128xf32, #tpu.memory_space<vmem_shared>>
      %dma_start3A_77 = arith.constant 0 : i32
      %dma_start3A_78 = arith.constant 0 : i32
      %dma_start3A_79 = tpu.memref_slice %arg11[%dma_start3A_77, %dma_start3A_78] : memref<32x128xf32, #tpu.memory_space<vmem>> -> memref<1x128xf32, #tpu.memory_space<vmem>>
      tpu.enqueue_dma source(%dma_start3A_79 : memref<1x128xf32, #tpu.memory_space<vmem>>) target(%dma_start3A_76 : memref<1x128xf32, #tpu.memory_space<vmem_shared>>) target_semaphore(%run_scoped3A : memref<!tpu.dma_semaphore, #tpu.memory_space<semaphore_mem>>)
      %dma_wait3A = arith.constant 0 : i32
      %dma_wait3A_80 = arith.constant 0 : i32
      %dma_wait3A_81 = tpu.memref_slice %arg11[%dma_wait3A, %dma_wait3A_80] : memref<32x128xf32, #tpu.memory_space<vmem>> -> memref<1x128xf32, #tpu.memory_space<vmem>>
      %dma_wait3A_82 = arith.constant 0 : i32
      %dma_wait3A_83 = tpu.memref_slice %arg14[%add3A_62, %dma_wait3A_82] : memref<8208x128xf32, #tpu.memory_space<vmem_shared>> -> memref<1x128xf32, #tpu.memory_space<vmem_shared>>
      %dma_wait3A_84 = arith.constant 0 : i32
      %dma_wait3A_85 = tpu.memref_slice %arg14[%add3A_62, %dma_wait3A_84] : memref<8208x128xf32, #tpu.memory_space<vmem_shared>> -> memref<1x128xf32, #tpu.memory_space<vmem_shared>>
      %dma_wait3A_86 = arith.constant 0 : i32
      %dma_wait3A_87 = arith.constant 0 : i32
      %dma_wait3A_88 = tpu.memref_slice %arg11[%dma_wait3A_86, %dma_wait3A_87] : memref<32x128xf32, #tpu.memory_space<vmem>> -> memref<1x128xf32, #tpu.memory_space<vmem>>
      tpu.wait_dma2 semaphore(%run_scoped3A : memref<!tpu.dma_semaphore, #tpu.memory_space<semaphore_mem>>) src(%dma_wait3A_88 : memref<1x128xf32, #tpu.memory_space<vmem>>) dst(%dma_wait3A_85 : memref<1x128xf32, #tpu.memory_space<vmem_shared>>)
      tpu.yield
    }) : () -> ()
    %mul3A_63 = arith.constant 5 : i32
    %mul3A_64 = arith.muli %arg1, %mul3A_63 : i32
    "tpu.region"() ({
      %run_scoped3A = tpu.sem_alloc : memref<!tpu.dma_semaphore, #tpu.memory_space<semaphore_mem>>
      %dma_start3A = arith.constant 0 : i32
      %dma_start3A_71 = arith.constant 0 : i32
      %dma_start3A_72 = tpu.memref_slice %arg11[%dma_start3A, %dma_start3A_71] : memref<32x128xf32, #tpu.memory_space<vmem>> -> memref<5x128xf32, #tpu.memory_space<vmem>>
      %dma_start3A_73 = arith.constant 0 : i32
      %dma_start3A_74 = tpu.memref_slice %arg15[%mul3A_64, %dma_start3A_73] : memref<80x128xf32, #tpu.memory_space<vmem_shared>> -> memref<5x128xf32, #tpu.memory_space<vmem_shared>>
      %dma_start3A_75 = arith.constant 0 : i32
      %dma_start3A_76 = tpu.memref_slice %arg15[%mul3A_64, %dma_start3A_75] : memref<80x128xf32, #tpu.memory_space<vmem_shared>> -> memref<5x128xf32, #tpu.memory_space<vmem_shared>>
      %dma_start3A_77 = arith.constant 0 : i32
      %dma_start3A_78 = arith.constant 0 : i32
      %dma_start3A_79 = tpu.memref_slice %arg11[%dma_start3A_77, %dma_start3A_78] : memref<32x128xf32, #tpu.memory_space<vmem>> -> memref<5x128xf32, #tpu.memory_space<vmem>>
      tpu.enqueue_dma source(%dma_start3A_79 : memref<5x128xf32, #tpu.memory_space<vmem>>) target(%dma_start3A_76 : memref<5x128xf32, #tpu.memory_space<vmem_shared>>) target_semaphore(%run_scoped3A : memref<!tpu.dma_semaphore, #tpu.memory_space<semaphore_mem>>)
      %dma_wait3A = arith.constant 0 : i32
      %dma_wait3A_80 = arith.constant 0 : i32
      %dma_wait3A_81 = tpu.memref_slice %arg11[%dma_wait3A, %dma_wait3A_80] : memref<32x128xf32, #tpu.memory_space<vmem>> -> memref<5x128xf32, #tpu.memory_space<vmem>>
      %dma_wait3A_82 = arith.constant 0 : i32
      %dma_wait3A_83 = tpu.memref_slice %arg15[%mul3A_64, %dma_wait3A_82] : memref<80x128xf32, #tpu.memory_space<vmem_shared>> -> memref<5x128xf32, #tpu.memory_space<vmem_shared>>
      %dma_wait3A_84 = arith.constant 0 : i32
      %dma_wait3A_85 = tpu.memref_slice %arg15[%mul3A_64, %dma_wait3A_84] : memref<80x128xf32, #tpu.memory_space<vmem_shared>> -> memref<5x128xf32, #tpu.memory_space<vmem_shared>>
      %dma_wait3A_86 = arith.constant 0 : i32
      %dma_wait3A_87 = arith.constant 0 : i32
      %dma_wait3A_88 = tpu.memref_slice %arg11[%dma_wait3A_86, %dma_wait3A_87] : memref<32x128xf32, #tpu.memory_space<vmem>> -> memref<5x128xf32, #tpu.memory_space<vmem>>
      tpu.wait_dma2 semaphore(%run_scoped3A : memref<!tpu.dma_semaphore, #tpu.memory_space<semaphore_mem>>) src(%dma_wait3A_88 : memref<5x128xf32, #tpu.memory_space<vmem>>) dst(%dma_wait3A_85 : memref<5x128xf32, #tpu.memory_space<vmem_shared>>)
      tpu.yield
    }) : () -> ()
    %barrier3A = arith.constant 0 : index
    tpu.barrier barrier_id(%barrier3A)
    %scan3A = arith.constant 0 : i32
    %scan3A_65 = arith.constant 0 : i32
    %scan3A_66 = arith.constant 10 : i32
    %scan3A_67 = arith.addi %scan3A_65, %scan3A_66 : i32
    %scan3A_68 = arith.constant 1 : i32
    %scan3A_69 = scf.for %scan3A_71 = %scan3A_65 to %scan3A_67 step %scan3A_68 iter_args(%scan3A_72 = %scan3A) -> (i32)  : i32 {
      %mul3A_73 = arith.constant 1024 : i32
      %mul3A_74 = arith.muli %scan3A_71, %mul3A_73 : i32
      %add3A_75 = arith.constant 1024 : i32
      %add3A_76 = arith.addi %mul3A_74, %add3A_75 : i32
      "tpu.region"() ({
        %run_scoped3A = tpu.sem_alloc : memref<!tpu.dma_semaphore, #tpu.memory_space<semaphore_mem>>
        %dma_start3A = arith.constant 0 : i32
        %dma_start3A_281 = arith.constant 0 : i32
        %dma_start3A_282 = tpu.memref_slice %arg4[%dma_start3A, %dma_start3A_281] : memref<80x128xf32, #tpu.memory_space<hbm>> -> memref<80x128xf32, #tpu.memory_space<hbm>>
        %dma_start3A_283 = arith.constant 0 : i32
        %dma_start3A_284 = arith.constant 0 : i32
        %dma_start3A_285 = tpu.memref_slice %arg4[%dma_start3A_283, %dma_start3A_284] : memref<80x128xf32, #tpu.memory_space<hbm>> -> memref<80x128xf32, #tpu.memory_space<hbm>>
        tpu.enqueue_dma source(%dma_start3A_285 : memref<80x128xf32, #tpu.memory_space<hbm>>) target(%arg12 : memref<80x128xf32, #tpu.memory_space<vmem>>) target_semaphore(%run_scoped3A : memref<!tpu.dma_semaphore, #tpu.memory_space<semaphore_mem>>)
        %dma_wait3A = arith.constant 0 : i32
        %dma_wait3A_286 = arith.constant 0 : i32
        %dma_wait3A_287 = tpu.memref_slice %arg4[%dma_wait3A, %dma_wait3A_286] : memref<80x128xf32, #tpu.memory_space<hbm>> -> memref<80x128xf32, #tpu.memory_space<hbm>>
        %dma_wait3A_288 = arith.constant 0 : i32
        %dma_wait3A_289 = arith.constant 0 : i32
        %dma_wait3A_290 = tpu.memref_slice %arg4[%dma_wait3A_288, %dma_wait3A_289] : memref<80x128xf32, #tpu.memory_space<hbm>> -> memref<80x128xf32, #tpu.memory_space<hbm>>
        tpu.wait_dma2 semaphore(%run_scoped3A : memref<!tpu.dma_semaphore, #tpu.memory_space<semaphore_mem>>) src(%dma_wait3A_290 : memref<80x128xf32, #tpu.memory_space<hbm>>) dst(%arg12 : memref<80x128xf32, #tpu.memory_space<vmem>>)
        tpu.yield
      }) : () -> ()
      %scan3A_77 = arith.constant 0 : i32
      %scan3A_78 = arith.constant 0 : i32
      %scan3A_79 = arith.constant 640 : i32
      %scan3A_80 = arith.addi %scan3A_78, %scan3A_79 : i32
      %scan3A_81 = arith.constant 1 : i32
      %scan3A_82 = scf.for %scan3A_281 = %scan3A_78 to %scan3A_80 step %scan3A_81 iter_args(%scan3A_282 = %scan3A_77) -> (i32)  : i32 {
        %mul3A_283 = arith.constant 16 : i32
        %mul3A_284 = arith.muli %scan3A_281, %mul3A_283 : i32
        %get3A = arith.index_cast %mul3A_284 : i32 to index
        %get3A_285 = tpu.vector_load %arg7[%get3A] {strides = array<i32>} : memref<10240xi32, #tpu.memory_space<vmem>>, vector<16xi32>,
        %and3A_286 = arith.constant 16383 : i32
        %and3A_287 = vector.broadcast %and3A_286 : i32 to vector<16xi32>
        %and3A_288 = arith.andi %get3A_285, %and3A_287 : vector<16xi32>
        %shift_right_logical3A_289 = arith.constant 14 : i32
        %shift_right_logical3A_290 = vector.broadcast %shift_right_logical3A_289 : i32 to vector<16xi32>
        %shift_right_logical3A_291 = arith.shrui %get3A_285, %shift_right_logical3A_290 : vector<16xi32>
        %and3A_292 = arith.constant 16383 : i32
        %and3A_293 = vector.broadcast %and3A_292 : i32 to vector<16xi32>
        %and3A_294 = arith.andi %shift_right_logical3A_291, %and3A_293 : vector<16xi32>
        %shift_right_logical3A_295 = arith.constant 28 : i32
        %shift_right_logical3A_296 = vector.broadcast %shift_right_logical3A_295 : i32 to vector<16xi32>
        %shift_right_logical3A_297 = arith.shrui %get3A_285, %shift_right_logical3A_296 : vector<16xi32>
        %ge3A = vector.broadcast %mul3A_74 : i32 to vector<16xi32>
        %ge3A_298 = arith.cmpi sge, %and3A_294, %ge3A : vector<16xi32>
        %lt3A_299 = vector.broadcast %add3A_76 : i32 to vector<16xi32>
        %lt3A_300 = arith.cmpi slt, %and3A_294, %lt3A_299 : vector<16xi32>
        %and3A_301 = arith.andi %ge3A_298, %lt3A_300 : vector<16xi1>
        %convert_element_type3A = arith.extui %and3A_301 : vector<16xi1> to vector<16xi32>
        %sub3A = vector.broadcast %mul3A_74 : i32 to vector<16xi32>
        %sub3A_302 = arith.subi %and3A_294, %sub3A : vector<16xi32>
        %mul3A_303 = arith.constant 1024 : i32
        %mul3A_304 = vector.broadcast %mul3A_303 : i32 to vector<16xi32>
        %mul3A_305 = arith.muli %shift_right_logical3A_297, %mul3A_304 : vector<16xi32>
        %add3A_306 = arith.addi %mul3A_305, %sub3A_302 : vector<16xi32>
        %shift_left3A = arith.constant 3 : i32
        %shift_left3A_307 = vector.broadcast %shift_left3A : i32 to vector<16xi32>
        %shift_left3A_308 = arith.shli %sub3A_302, %shift_left3A_307 : vector<16xi32>
        %add3A_309 = arith.addi %shift_left3A_308, %shift_right_logical3A_297 : vector<16xi32>
        %shift_right_logical3A_310 = arith.constant 7 : i32
        %shift_right_logical3A_311 = vector.broadcast %shift_right_logical3A_310 : i32 to vector<16xi32>
        %shift_right_logical3A_312 = arith.shrui %add3A_309, %shift_right_logical3A_311 : vector<16xi32>
        %and3A_313 = arith.constant 127 : i32
        %and3A_314 = vector.broadcast %and3A_313 : i32 to vector<16xi32>
        %and3A_315 = arith.andi %add3A_309, %and3A_314 : vector<16xi32>
        %broadcast_in_dim3A_316 = arith.constant 1.000000e+00 : f32
        %broadcast_in_dim3A_317 = vector.broadcast %broadcast_in_dim3A_316 : f32 to vector<16xf32>
        tpu.vector_store_idx %arg12[%shift_right_logical3A_312, %and3A_315], %broadcast_in_dim3A_317 masked %and3A_301 {add = true} : memref<80x128xf32, #tpu.memory_space<vmem>>[vector<16xi32>, vector<16xi32>], vector<16xf32>, vector<16xi1>
        %broadcast_in_dim3A_318 = arith.constant true
        %broadcast_in_dim3A_319 = vector.broadcast %broadcast_in_dim3A_318 : i1 to vector<16xi1>
        %masked_cumsum3A = tpu.scan <sum>, %convert_element_type3A masked %broadcast_in_dim3A_319 : vector<16xi32>, vector<16xi1> -> vector<16xi32>
        %add3A_320 = vector.broadcast %scan3A_282 : i32 to vector<16xi32>
        %add3A_321 = arith.addi %add3A_320, %masked_cumsum3A : vector<16xi32>
        %sub3A_322 = arith.constant 1 : i32
        %sub3A_323 = vector.broadcast %sub3A_322 : i32 to vector<16xi32>
        %sub3A_324 = arith.subi %add3A_321, %sub3A_323 : vector<16xi32>
        %jit3A = arith.constant 0 : i32
        %broadcast_in_dim3A_325 = vector.broadcast %jit3A : i32 to vector<16xi32>
        %select_n3A = arith.select %and3A_301, %sub3A_324, %broadcast_in_dim3A_325 : vector<16xi1>, vector<16xi32>
        %shift_right_logical3A_326 = arith.constant 7 : i32
        %shift_right_logical3A_327 = vector.broadcast %shift_right_logical3A_326 : i32 to vector<16xi32>
        %shift_right_logical3A_328 = arith.shrui %select_n3A, %shift_right_logical3A_327 : vector<16xi32>
        %and3A_329 = arith.constant 127 : i32
        %and3A_330 = vector.broadcast %and3A_329 : i32 to vector<16xi32>
        %and3A_331 = arith.andi %select_n3A, %and3A_330 : vector<16xi32>
        tpu.vector_store_idx %arg9[%shift_right_logical3A_328, %and3A_331], %add3A_306 masked %and3A_301 : memref<80x128xi32, #tpu.memory_space<vmem>>[vector<16xi32>, vector<16xi32>], vector<16xi32>, vector<16xi1>
        tpu.vector_store_idx %arg8[%shift_right_logical3A_328, %and3A_331], %and3A_288 masked %and3A_301 : memref<80x128xi32, #tpu.memory_space<vmem>>[vector<16xi32>, vector<16xi32>], vector<16xi32>, vector<16xi1>
        %slice3A = vector.extract_strided_slice %masked_cumsum3A {offsets = [15], sizes = [1], strides = [1]} : vector<16xi32> to vector<1xi32>
        %squeeze3A = vector.extract %slice3A[0] : i32 from vector<1xi32>
        %add3A_332 = arith.addi %scan3A_282, %squeeze3A : i32
        scf.yield %add3A_332 : i32
      }
      %scan3A_83 = arith.constant 640 : i32
      %add3A_84 = arith.constant 127 : i32
      %add3A_85 = arith.addi %scan3A_82, %add3A_84 : i32
      %not3A = arith.constant 127 : i32
      %not3A_86 = arith.constant -1 : i32
      %not3A_87 = arith.xori %not3A, %not3A_86 : i32
      %and3A = arith.andi %add3A_85, %not3A_87 : i32
      %add3A_88 = arith.constant 0 : i32
      %add3A_89 = arith.addi %scan3A_82, %add3A_88 : i32
      %add3A_90 = vector.broadcast %add3A_89 : i32 to vector<16xi32>
      %add3A_91 = arith.addi %add3A_90, %iota3A : vector<16xi32>
      %lt3A = vector.broadcast %and3A : i32 to vector<16xi32>
      %lt3A_92 = arith.cmpi slt, %add3A_91, %lt3A : vector<16xi32>
      %shift_right_logical3A = arith.constant 7 : i32
      %shift_right_logical3A_93 = vector.broadcast %shift_right_logical3A : i32 to vector<16xi32>
      %shift_right_logical3A_94 = arith.shrui %add3A_91, %shift_right_logical3A_93 : vector<16xi32>
      %and3A_95 = arith.constant 127 : i32
      %and3A_96 = vector.broadcast %and3A_95 : i32 to vector<16xi32>
      %and3A_97 = arith.andi %add3A_91, %and3A_96 : vector<16xi32>
      %broadcast_in_dim3A = arith.constant 8192 : i32
      %broadcast_in_dim3A_98 = vector.broadcast %broadcast_in_dim3A : i32 to vector<16xi32>
      tpu.vector_store_idx %arg9[%shift_right_logical3A_94, %and3A_97], %broadcast_in_dim3A_98 masked %lt3A_92 : memref<80x128xi32, #tpu.memory_space<vmem>>[vector<16xi32>, vector<16xi32>], vector<16xi32>, vector<16xi1>
      %broadcast_in_dim3A_99 = arith.constant 0 : i32
      %broadcast_in_dim3A_100 = vector.broadcast %broadcast_in_dim3A_99 : i32 to vector<16xi32>
      tpu.vector_store_idx %arg8[%shift_right_logical3A_94, %and3A_97], %broadcast_in_dim3A_100 masked %lt3A_92 : memref<80x128xi32, #tpu.memory_space<vmem>>[vector<16xi32>, vector<16xi32>], vector<16xi32>, vector<16xi1>
      %add3A_101 = arith.constant 16 : i32
      %add3A_102 = arith.addi %scan3A_82, %add3A_101 : i32
      %add3A_103 = vector.broadcast %add3A_102 : i32 to vector<16xi32>
      %add3A_104 = arith.addi %add3A_103, %iota3A : vector<16xi32>
      %lt3A_105 = vector.broadcast %and3A : i32 to vector<16xi32>
      %lt3A_106 = arith.cmpi slt, %add3A_104, %lt3A_105 : vector<16xi32>
      %shift_right_logical3A_107 = arith.constant 7 : i32
      %shift_right_logical3A_108 = vector.broadcast %shift_right_logical3A_107 : i32 to vector<16xi32>
      %shift_right_logical3A_109 = arith.shrui %add3A_104, %shift_right_logical3A_108 : vector<16xi32>
      %and3A_110 = arith.constant 127 : i32
      %and3A_111 = vector.broadcast %and3A_110 : i32 to vector<16xi32>
      %and3A_112 = arith.andi %add3A_104, %and3A_111 : vector<16xi32>
      %broadcast_in_dim3A_113 = arith.constant 8192 : i32
      %broadcast_in_dim3A_114 = vector.broadcast %broadcast_in_dim3A_113 : i32 to vector<16xi32>
      tpu.vector_store_idx %arg9[%shift_right_logical3A_109, %and3A_112], %broadcast_in_dim3A_114 masked %lt3A_106 : memref<80x128xi32, #tpu.memory_space<vmem>>[vector<16xi32>, vector<16xi32>], vector<16xi32>, vector<16xi1>
      %broadcast_in_dim3A_115 = arith.constant 0 : i32
      %broadcast_in_dim3A_116 = vector.broadcast %broadcast_in_dim3A_115 : i32 to vector<16xi32>
      tpu.vector_store_idx %arg8[%shift_right_logical3A_109, %and3A_112], %broadcast_in_dim3A_116 masked %lt3A_106 : memref<80x128xi32, #tpu.memory_space<vmem>>[vector<16xi32>, vector<16xi32>], vector<16xi32>, vector<16xi1>
      %add3A_117 = arith.constant 32 : i32
      %add3A_118 = arith.addi %scan3A_82, %add3A_117 : i32
      %add3A_119 = vector.broadcast %add3A_118 : i32 to vector<16xi32>
      %add3A_120 = arith.addi %add3A_119, %iota3A : vector<16xi32>
      %lt3A_121 = vector.broadcast %and3A : i32 to vector<16xi32>
      %lt3A_122 = arith.cmpi slt, %add3A_120, %lt3A_121 : vector<16xi32>
      %shift_right_logical3A_123 = arith.constant 7 : i32
      %shift_right_logical3A_124 = vector.broadcast %shift_right_logical3A_123 : i32 to vector<16xi32>
      %shift_right_logical3A_125 = arith.shrui %add3A_120, %shift_right_logical3A_124 : vector<16xi32>
      %and3A_126 = arith.constant 127 : i32
      %and3A_127 = vector.broadcast %and3A_126 : i32 to vector<16xi32>
      %and3A_128 = arith.andi %add3A_120, %and3A_127 : vector<16xi32>
      %broadcast_in_dim3A_129 = arith.constant 8192 : i32
      %broadcast_in_dim3A_130 = vector.broadcast %broadcast_in_dim3A_129 : i32 to vector<16xi32>
      tpu.vector_store_idx %arg9[%shift_right_logical3A_125, %and3A_128], %broadcast_in_dim3A_130 masked %lt3A_122 : memref<80x128xi32, #tpu.memory_space<vmem>>[vector<16xi32>, vector<16xi32>], vector<16xi32>, vector<16xi1>
      %broadcast_in_dim3A_131 = arith.constant 0 : i32
      %broadcast_in_dim3A_132 = vector.broadcast %broadcast_in_dim3A_131 : i32 to vector<16xi32>
      tpu.vector_store_idx %arg8[%shift_right_logical3A_125, %and3A_128], %broadcast_in_dim3A_132 masked %lt3A_122 : memref<80x128xi32, #tpu.memory_space<vmem>>[vector<16xi32>, vector<16xi32>], vector<16xi32>, vector<16xi1>
      %add3A_133 = arith.constant 48 : i32
      %add3A_134 = arith.addi %scan3A_82, %add3A_133 : i32
      %add3A_135 = vector.broadcast %add3A_134 : i32 to vector<16xi32>
      %add3A_136 = arith.addi %add3A_135, %iota3A : vector<16xi32>
      %lt3A_137 = vector.broadcast %and3A : i32 to vector<16xi32>
      %lt3A_138 = arith.cmpi slt, %add3A_136, %lt3A_137 : vector<16xi32>
      %shift_right_logical3A_139 = arith.constant 7 : i32
      %shift_right_logical3A_140 = vector.broadcast %shift_right_logical3A_139 : i32 to vector<16xi32>
      %shift_right_logical3A_141 = arith.shrui %add3A_136, %shift_right_logical3A_140 : vector<16xi32>
      %and3A_142 = arith.constant 127 : i32
      %and3A_143 = vector.broadcast %and3A_142 : i32 to vector<16xi32>
      %and3A_144 = arith.andi %add3A_136, %and3A_143 : vector<16xi32>
      %broadcast_in_dim3A_145 = arith.constant 8192 : i32
      %broadcast_in_dim3A_146 = vector.broadcast %broadcast_in_dim3A_145 : i32 to vector<16xi32>
      tpu.vector_store_idx %arg9[%shift_right_logical3A_141, %and3A_144], %broadcast_in_dim3A_146 masked %lt3A_138 : memref<80x128xi32, #tpu.memory_space<vmem>>[vector<16xi32>, vector<16xi32>], vector<16xi32>, vector<16xi1>
      %broadcast_in_dim3A_147 = arith.constant 0 : i32
      %broadcast_in_dim3A_148 = vector.broadcast %broadcast_in_dim3A_147 : i32 to vector<16xi32>
      tpu.vector_store_idx %arg8[%shift_right_logical3A_141, %and3A_144], %broadcast_in_dim3A_148 masked %lt3A_138 : memref<80x128xi32, #tpu.memory_space<vmem>>[vector<16xi32>, vector<16xi32>], vector<16xi32>, vector<16xi1>
      %add3A_149 = arith.constant 64 : i32
      %add3A_150 = arith.addi %scan3A_82, %add3A_149 : i32
      %add3A_151 = vector.broadcast %add3A_150 : i32 to vector<16xi32>
      %add3A_152 = arith.addi %add3A_151, %iota3A : vector<16xi32>
      %lt3A_153 = vector.broadcast %and3A : i32 to vector<16xi32>
      %lt3A_154 = arith.cmpi slt, %add3A_152, %lt3A_153 : vector<16xi32>
      %shift_right_logical3A_155 = arith.constant 7 : i32
      %shift_right_logical3A_156 = vector.broadcast %shift_right_logical3A_155 : i32 to vector<16xi32>
      %shift_right_logical3A_157 = arith.shrui %add3A_152, %shift_right_logical3A_156 : vector<16xi32>
      %and3A_158 = arith.constant 127 : i32
      %and3A_159 = vector.broadcast %and3A_158 : i32 to vector<16xi32>
      %and3A_160 = arith.andi %add3A_152, %and3A_159 : vector<16xi32>
      %broadcast_in_dim3A_161 = arith.constant 8192 : i32
      %broadcast_in_dim3A_162 = vector.broadcast %broadcast_in_dim3A_161 : i32 to vector<16xi32>
      tpu.vector_store_idx %arg9[%shift_right_logical3A_157, %and3A_160], %broadcast_in_dim3A_162 masked %lt3A_154 : memref<80x128xi32, #tpu.memory_space<vmem>>[vector<16xi32>, vector<16xi32>], vector<16xi32>, vector<16xi1>
      %broadcast_in_dim3A_163 = arith.constant 0 : i32
      %broadcast_in_dim3A_164 = vector.broadcast %broadcast_in_dim3A_163 : i32 to vector<16xi32>
      tpu.vector_store_idx %arg8[%shift_right_logical3A_157, %and3A_160], %broadcast_in_dim3A_164 masked %lt3A_154 : memref<80x128xi32, #tpu.memory_space<vmem>>[vector<16xi32>, vector<16xi32>], vector<16xi32>, vector<16xi1>
      %add3A_165 = arith.constant 80 : i32
      %add3A_166 = arith.addi %scan3A_82, %add3A_165 : i32
      %add3A_167 = vector.broadcast %add3A_166 : i32 to vector<16xi32>
      %add3A_168 = arith.addi %add3A_167, %iota3A : vector<16xi32>
      %lt3A_169 = vector.broadcast %and3A : i32 to vector<16xi32>
      %lt3A_170 = arith.cmpi slt, %add3A_168, %lt3A_169 : vector<16xi32>
      %shift_right_logical3A_171 = arith.constant 7 : i32
      %shift_right_logical3A_172 = vector.broadcast %shift_right_logical3A_171 : i32 to vector<16xi32>
      %shift_right_logical3A_173 = arith.shrui %add3A_168, %shift_right_logical3A_172 : vector<16xi32>
      %and3A_174 = arith.constant 127 : i32
      %and3A_175 = vector.broadcast %and3A_174 : i32 to vector<16xi32>
      %and3A_176 = arith.andi %add3A_168, %and3A_175 : vector<16xi32>
      %broadcast_in_dim3A_177 = arith.constant 8192 : i32
      %broadcast_in_dim3A_178 = vector.broadcast %broadcast_in_dim3A_177 : i32 to vector<16xi32>
      tpu.vector_store_idx %arg9[%shift_right_logical3A_173, %and3A_176], %broadcast_in_dim3A_178 masked %lt3A_170 : memref<80x128xi32, #tpu.memory_space<vmem>>[vector<16xi32>, vector<16xi32>], vector<16xi32>, vector<16xi1>
      %broadcast_in_dim3A_179 = arith.constant 0 : i32
      %broadcast_in_dim3A_180 = vector.broadcast %broadcast_in_dim3A_179 : i32 to vector<16xi32>
      tpu.vector_store_idx %arg8[%shift_right_logical3A_173, %and3A_176], %broadcast_in_dim3A_180 masked %lt3A_170 : memref<80x128xi32, #tpu.memory_space<vmem>>[vector<16xi32>, vector<16xi32>], vector<16xi32>, vector<16xi1>
      %add3A_181 = arith.constant 96 : i32
      %add3A_182 = arith.addi %scan3A_82, %add3A_181 : i32
      %add3A_183 = vector.broadcast %add3A_182 : i32 to vector<16xi32>
      %add3A_184 = arith.addi %add3A_183, %iota3A : vector<16xi32>
      %lt3A_185 = vector.broadcast %and3A : i32 to vector<16xi32>
      %lt3A_186 = arith.cmpi slt, %add3A_184, %lt3A_185 : vector<16xi32>
      %shift_right_logical3A_187 = arith.constant 7 : i32
      %shift_right_logical3A_188 = vector.broadcast %shift_right_logical3A_187 : i32 to vector<16xi32>
      %shift_right_logical3A_189 = arith.shrui %add3A_184, %shift_right_logical3A_188 : vector<16xi32>
      %and3A_190 = arith.constant 127 : i32
      %and3A_191 = vector.broadcast %and3A_190 : i32 to vector<16xi32>
      %and3A_192 = arith.andi %add3A_184, %and3A_191 : vector<16xi32>
      %broadcast_in_dim3A_193 = arith.constant 8192 : i32
      %broadcast_in_dim3A_194 = vector.broadcast %broadcast_in_dim3A_193 : i32 to vector<16xi32>
      tpu.vector_store_idx %arg9[%shift_right_logical3A_189, %and3A_192], %broadcast_in_dim3A_194 masked %lt3A_186 : memref<80x128xi32, #tpu.memory_space<vmem>>[vector<16xi32>, vector<16xi32>], vector<16xi32>, vector<16xi1>
      %broadcast_in_dim3A_195 = arith.constant 0 : i32
      %broadcast_in_dim3A_196 = vector.broadcast %broadcast_in_dim3A_195 : i32 to vector<16xi32>
      tpu.vector_store_idx %arg8[%shift_right_logical3A_189, %and3A_192], %broadcast_in_dim3A_196 masked %lt3A_186 : memref<80x128xi32, #tpu.memory_space<vmem>>[vector<16xi32>, vector<16xi32>], vector<16xi32>, vector<16xi1>
      %add3A_197 = arith.constant 112 : i32
      %add3A_198 = arith.addi %scan3A_82, %add3A_197 : i32
      %add3A_199 = vector.broadcast %add3A_198 : i32 to vector<16xi32>
      %add3A_200 = arith.addi %add3A_199, %iota3A : vector<16xi32>
      %lt3A_201 = vector.broadcast %and3A : i32 to vector<16xi32>
      %lt3A_202 = arith.cmpi slt, %add3A_200, %lt3A_201 : vector<16xi32>
      %shift_right_logical3A_203 = arith.constant 7 : i32
      %shift_right_logical3A_204 = vector.broadcast %shift_right_logical3A_203 : i32 to vector<16xi32>
      %shift_right_logical3A_205 = arith.shrui %add3A_200, %shift_right_logical3A_204 : vector<16xi32>
      %and3A_206 = arith.constant 127 : i32
      %and3A_207 = vector.broadcast %and3A_206 : i32 to vector<16xi32>
      %and3A_208 = arith.andi %add3A_200, %and3A_207 : vector<16xi32>
      %broadcast_in_dim3A_209 = arith.constant 8192 : i32
      %broadcast_in_dim3A_210 = vector.broadcast %broadcast_in_dim3A_209 : i32 to vector<16xi32>
      tpu.vector_store_idx %arg9[%shift_right_logical3A_205, %and3A_208], %broadcast_in_dim3A_210 masked %lt3A_202 : memref<80x128xi32, #tpu.memory_space<vmem>>[vector<16xi32>, vector<16xi32>], vector<16xi32>, vector<16xi1>
      %broadcast_in_dim3A_211 = arith.constant 0 : i32
      %broadcast_in_dim3A_212 = vector.broadcast %broadcast_in_dim3A_211 : i32 to vector<16xi32>
      tpu.vector_store_idx %arg8[%shift_right_logical3A_205, %and3A_208], %broadcast_in_dim3A_212 masked %lt3A_202 : memref<80x128xi32, #tpu.memory_space<vmem>>[vector<16xi32>, vector<16xi32>], vector<16xi32>, vector<16xi1>
      %shift_right_logical3A_213 = arith.constant 7 : i32
      %shift_right_logical3A_214 = arith.shrui %and3A, %shift_right_logical3A_213 : i32
      %while3A = arith.constant 0 : i32
      %while3A_215 = arith.constant 0 : i32
      %while3A_216 = arith.subi %shift_right_logical3A_214, %while3A : i32
      %while3A_217 = arith.addi %while3A, %while3A_216 : i32
      %while3A_218 = arith.constant 1 : i32
      %while3A_219 = arith.divsi %while3A_216, %while3A_218 : i32
      %while3A_220 = arith.muli %while3A_219, %while3A_218 : i32
      %while3A_221 = arith.addi %while3A, %while3A_220 : i32
      %while3A_222 = arith.constant 1 : i32
      %while3A_223 = scf.for %while3A_281 = %while3A to %while3A_221 step %while3A_222 iter_args(%while3A_282 = %while3A_215) -> (i32)  : i32 {
        %dma_start3A = arith.constant 0 : i32
        %dma_start3A_283 = tpu.memref_slice %arg8[%while3A_281, %dma_start3A] : memref<80x128xi32, #tpu.memory_space<vmem>> -> memref<1x128xi32, #tpu.memory_space<vmem>>
        %dma_start3A_284 = tpu.memref_squeeze %dma_start3A_283 : memref<1x128xi32, #tpu.memory_space<vmem>> -> memref<128xi32, #tpu.memory_space<vmem>>
        %dma_start3A_285 = arith.constant 0 : i32
        %dma_start3A_286 = arith.constant 0 : i32
        %dma_start3A_287 = tpu.memref_slice %arg2[%dma_start3A_285, %dma_start3A_286] : memref<10240x128xf32, #tpu.memory_space<hbm>> -> memref<10240x128xf32, #tpu.memory_space<hbm>>
        tpu.enqueue_indirect_dma source(%dma_start3A_287 : memref<10240x128xf32, #tpu.memory_space<hbm>>) target(%arg10 : memref<128x128xf32, #tpu.memory_space<vmem>>) offsets(%dma_start3A_284 : memref<128xi32, #tpu.memory_space<vmem>>) semaphore(%arg16 : memref<!tpu.dma_semaphore, #tpu.memory_space<semaphore_mem>>)
        %dma_wait3A = arith.constant 0 : i32
        %dma_wait3A_288 = tpu.memref_slice %arg8[%while3A_281, %dma_wait3A] : memref<80x128xi32, #tpu.memory_space<vmem>> -> memref<1x128xi32, #tpu.memory_space<vmem>>
        %dma_wait3A_289 = tpu.memref_squeeze %dma_wait3A_288 : memref<1x128xi32, #tpu.memory_space<vmem>> -> memref<128xi32, #tpu.memory_space<vmem>>
        %dma_wait3A_290 = arith.constant 0 : i32
        %dma_wait3A_291 = arith.constant 0 : i32
        %dma_wait3A_292 = tpu.memref_slice %arg2[%dma_wait3A_290, %dma_wait3A_291] : memref<10240x128xf32, #tpu.memory_space<hbm>> -> memref<10240x128xf32, #tpu.memory_space<hbm>>
        tpu.wait_indirect_dma semaphore(%arg16 : memref<!tpu.dma_semaphore, #tpu.memory_space<semaphore_mem>>) src(%dma_wait3A_292 : memref<10240x128xf32, #tpu.memory_space<hbm>>) dst(%arg10 : memref<128x128xf32, #tpu.memory_space<vmem>>)
        "tpu.region"() ({
          %run_scoped3A = tpu.sem_alloc : memref<!tpu.dma_semaphore, #tpu.memory_space<semaphore_mem>>
          %dma_start3A_294 = arith.constant 0 : i32
          %dma_start3A_295 = tpu.memref_slice %arg9[%while3A_281, %dma_start3A_294] : memref<80x128xi32, #tpu.memory_space<vmem>> -> memref<1x128xi32, #tpu.memory_space<vmem>>
          %dma_start3A_296 = tpu.memref_squeeze %dma_start3A_295 : memref<1x128xi32, #tpu.memory_space<vmem>> -> memref<128xi32, #tpu.memory_space<vmem>>
          %dma_start3A_297 = arith.constant 0 : i32
          %dma_start3A_298 = arith.constant 0 : i32
          %dma_start3A_299 = tpu.memref_slice %arg14[%dma_start3A_297, %dma_start3A_298] : memref<8208x128xf32, #tpu.memory_space<vmem_shared>> -> memref<8208x128xf32, #tpu.memory_space<vmem_shared>>
          tpu.enqueue_indirect_dma source(%arg10 : memref<128x128xf32, #tpu.memory_space<vmem>>) target(%dma_start3A_299 : memref<8208x128xf32, #tpu.memory_space<vmem_shared>>) offsets(%dma_start3A_296 : memref<128xi32, #tpu.memory_space<vmem>>) semaphore(%run_scoped3A : memref<!tpu.dma_semaphore, #tpu.memory_space<semaphore_mem>>) {add = true}
          %dma_wait3A_300 = arith.constant 0 : i32
          %dma_wait3A_301 = tpu.memref_slice %arg9[%while3A_281, %dma_wait3A_300] : memref<80x128xi32, #tpu.memory_space<vmem>> -> memref<1x128xi32, #tpu.memory_space<vmem>>
          %dma_wait3A_302 = tpu.memref_squeeze %dma_wait3A_301 : memref<1x128xi32, #tpu.memory_space<vmem>> -> memref<128xi32, #tpu.memory_space<vmem>>
          %dma_wait3A_303 = arith.constant 0 : i32
          %dma_wait3A_304 = arith.constant 0 : i32
          %dma_wait3A_305 = tpu.memref_slice %arg14[%dma_wait3A_303, %dma_wait3A_304] : memref<8208x128xf32, #tpu.memory_space<vmem_shared>> -> memref<8208x128xf32, #tpu.memory_space<vmem_shared>>
          tpu.wait_indirect_dma semaphore(%run_scoped3A : memref<!tpu.dma_semaphore, #tpu.memory_space<semaphore_mem>>) src(%arg10 : memref<128x128xf32, #tpu.memory_space<vmem>>) dst(%dma_wait3A_305 : memref<8208x128xf32, #tpu.memory_space<vmem_shared>>)
          tpu.yield
        }) : () -> ()
        %while3A_293 = arith.constant 0 : i32
        scf.yield %while3A_293 : i32
      }
      %while3A_224 = arith.constant 1 : i32
      %while3A_225 = scf.for %while3A_281 = %while3A_221 to %while3A_217 step %while3A_224 iter_args(%while3A_282 = %while3A_223) -> (i32)  : i32 {
        %dma_start3A = arith.constant 0 : i32
        %dma_start3A_283 = tpu.memref_slice %arg8[%while3A_281, %dma_start3A] : memref<80x128xi32, #tpu.memory_space<vmem>> -> memref<1x128xi32, #tpu.memory_space<vmem>>
        %dma_start3A_284 = tpu.memref_squeeze %dma_start3A_283 : memref<1x128xi32, #tpu.memory_space<vmem>> -> memref<128xi32, #tpu.memory_space<vmem>>
        %dma_start3A_285 = arith.constant 0 : i32
        %dma_start3A_286 = arith.constant 0 : i32
        %dma_start3A_287 = tpu.memref_slice %arg2[%dma_start3A_285, %dma_start3A_286] : memref<10240x128xf32, #tpu.memory_space<hbm>> -> memref<10240x128xf32, #tpu.memory_space<hbm>>
        tpu.enqueue_indirect_dma source(%dma_start3A_287 : memref<10240x128xf32, #tpu.memory_space<hbm>>) target(%arg10 : memref<128x128xf32, #tpu.memory_space<vmem>>) offsets(%dma_start3A_284 : memref<128xi32, #tpu.memory_space<vmem>>) semaphore(%arg16 : memref<!tpu.dma_semaphore, #tpu.memory_space<semaphore_mem>>)
        %dma_wait3A = arith.constant 0 : i32
        %dma_wait3A_288 = tpu.memref_slice %arg8[%while3A_281, %dma_wait3A] : memref<80x128xi32, #tpu.memory_space<vmem>> -> memref<1x128xi32, #tpu.memory_space<vmem>>
        %dma_wait3A_289 = tpu.memref_squeeze %dma_wait3A_288 : memref<1x128xi32, #tpu.memory_space<vmem>> -> memref<128xi32, #tpu.memory_space<vmem>>
        %dma_wait3A_290 = arith.constant 0 : i32
        %dma_wait3A_291 = arith.constant 0 : i32
        %dma_wait3A_292 = tpu.memref_slice %arg2[%dma_wait3A_290, %dma_wait3A_291] : memref<10240x128xf32, #tpu.memory_space<hbm>> -> memref<10240x128xf32, #tpu.memory_space<hbm>>
        tpu.wait_indirect_dma semaphore(%arg16 : memref<!tpu.dma_semaphore, #tpu.memory_space<semaphore_mem>>) src(%dma_wait3A_292 : memref<10240x128xf32, #tpu.memory_space<hbm>>) dst(%arg10 : memref<128x128xf32, #tpu.memory_space<vmem>>)
        "tpu.region"() ({
          %run_scoped3A = tpu.sem_alloc : memref<!tpu.dma_semaphore, #tpu.memory_space<semaphore_mem>>
          %dma_start3A_294 = arith.constant 0 : i32
          %dma_start3A_295 = tpu.memref_slice %arg9[%while3A_281, %dma_start3A_294] : memref<80x128xi32, #tpu.memory_space<vmem>> -> memref<1x128xi32, #tpu.memory_space<vmem>>
          %dma_start3A_296 = tpu.memref_squeeze %dma_start3A_295 : memref<1x128xi32, #tpu.memory_space<vmem>> -> memref<128xi32, #tpu.memory_space<vmem>>
          %dma_start3A_297 = arith.constant 0 : i32
          %dma_start3A_298 = arith.constant 0 : i32
          %dma_start3A_299 = tpu.memref_slice %arg14[%dma_start3A_297, %dma_start3A_298] : memref<8208x128xf32, #tpu.memory_space<vmem_shared>> -> memref<8208x128xf32, #tpu.memory_space<vmem_shared>>
          tpu.enqueue_indirect_dma source(%arg10 : memref<128x128xf32, #tpu.memory_space<vmem>>) target(%dma_start3A_299 : memref<8208x128xf32, #tpu.memory_space<vmem_shared>>) offsets(%dma_start3A_296 : memref<128xi32, #tpu.memory_space<vmem>>) semaphore(%run_scoped3A : memref<!tpu.dma_semaphore, #tpu.memory_space<semaphore_mem>>) {add = true}
          %dma_wait3A_300 = arith.constant 0 : i32
          %dma_wait3A_301 = tpu.memref_slice %arg9[%while3A_281, %dma_wait3A_300] : memref<80x128xi32, #tpu.memory_space<vmem>> -> memref<1x128xi32, #tpu.memory_space<vmem>>
          %dma_wait3A_302 = tpu.memref_squeeze %dma_wait3A_301 : memref<1x128xi32, #tpu.memory_space<vmem>> -> memref<128xi32, #tpu.memory_space<vmem>>
          %dma_wait3A_303 = arith.constant 0 : i32
          %dma_wait3A_304 = arith.constant 0 : i32
          %dma_wait3A_305 = tpu.memref_slice %arg14[%dma_wait3A_303, %dma_wait3A_304] : memref<8208x128xf32, #tpu.memory_space<vmem_shared>> -> memref<8208x128xf32, #tpu.memory_space<vmem_shared>>
          tpu.wait_indirect_dma semaphore(%run_scoped3A : memref<!tpu.dma_semaphore, #tpu.memory_space<semaphore_mem>>) src(%arg10 : memref<128x128xf32, #tpu.memory_space<vmem>>) dst(%dma_wait3A_305 : memref<8208x128xf32, #tpu.memory_space<vmem_shared>>)
          tpu.yield
        }) : () -> ()
        %while3A_293 = arith.constant 0 : i32
        scf.yield %while3A_293 : i32
      }
      "tpu.region"() ({
        %run_scoped3A = tpu.sem_alloc : memref<!tpu.dma_semaphore, #tpu.memory_space<semaphore_mem>>
        %dma_start3A = arith.constant 0 : i32
        %dma_start3A_281 = arith.constant 0 : i32
        %dma_start3A_282 = tpu.memref_slice %arg15[%dma_start3A, %dma_start3A_281] : memref<80x128xf32, #tpu.memory_space<vmem_shared>> -> memref<80x128xf32, #tpu.memory_space<vmem_shared>>
        tpu.enqueue_indirect_dma source(%arg12 : memref<80x128xf32, #tpu.memory_space<vmem>>) target(%dma_start3A_282 : memref<80x128xf32, #tpu.memory_space<vmem_shared>>) offsets(%arg13 : memref<80xi32, #tpu.memory_space<vmem>>) semaphore(%run_scoped3A : memref<!tpu.dma_semaphore, #tpu.memory_space<semaphore_mem>>) {add = true}
        %dma_wait3A = arith.constant 0 : i32
        %dma_wait3A_283 = arith.constant 0 : i32
        %dma_wait3A_284 = tpu.memref_slice %arg15[%dma_wait3A, %dma_wait3A_283] : memref<80x128xf32, #tpu.memory_space<vmem_shared>> -> memref<80x128xf32, #tpu.memory_space<vmem_shared>>
        tpu.wait_indirect_dma semaphore(%run_scoped3A : memref<!tpu.dma_semaphore, #tpu.memory_space<semaphore_mem>>) src(%arg12 : memref<80x128xf32, #tpu.memory_space<vmem>>) dst(%dma_wait3A_284 : memref<80x128xf32, #tpu.memory_space<vmem_shared>>)
        tpu.yield
      }) : () -> ()
      %barrier3A_226 = arith.constant 0 : index
      tpu.barrier barrier_id(%barrier3A_226)
      %mul3A_227 = arith.constant 512 : i32
      %mul3A_228 = arith.muli %arg1, %mul3A_227 : i32
      %mul3A_229 = arith.constant 8192 : i32
      %mul3A_230 = arith.muli %scan3A_71, %mul3A_229 : i32
      %mul3A_231 = arith.constant 512 : i32
      %mul3A_232 = arith.muli %arg1, %mul3A_231 : i32
      %add3A_233 = arith.addi %mul3A_230, %mul3A_232 : i32
      "tpu.region"() ({
        %run_scoped3A = tpu.sem_alloc : memref<!tpu.dma_semaphore, #tpu.memory_space<semaphore_mem>>
        %dma_start3A = arith.constant 0 : i32
        %dma_start3A_281 = tpu.memref_slice %arg5[%arg0, %add3A_233, %dma_start3A] : memref<2x81920x128xf32, #tpu.memory_space<hbm>> -> memref<1x512x128xf32, #tpu.memory_space<hbm>>
        %dma_start3A_282 = tpu.memref_squeeze %dma_start3A_281 : memref<1x512x128xf32, #tpu.memory_space<hbm>> -> memref<512x128xf32, #tpu.memory_space<hbm>>
        %dma_start3A_283 = arith.constant 0 : i32
        %dma_start3A_284 = tpu.memref_slice %arg14[%mul3A_228, %dma_start3A_283] : memref<8208x128xf32, #tpu.memory_space<vmem_shared>> -> memref<512x128xf32, #tpu.memory_space<vmem_shared>>
        tpu.enqueue_dma source(%dma_start3A_284 : memref<512x128xf32, #tpu.memory_space<vmem_shared>>) target(%dma_start3A_282 : memref<512x128xf32, #tpu.memory_space<hbm>>) target_semaphore(%run_scoped3A : memref<!tpu.dma_semaphore, #tpu.memory_space<semaphore_mem>>)
        %dma_wait3A = arith.constant 0 : i32
        %dma_wait3A_285 = tpu.memref_slice %arg5[%arg0, %add3A_233, %dma_wait3A] : memref<2x81920x128xf32, #tpu.memory_space<hbm>> -> memref<1x512x128xf32, #tpu.memory_space<hbm>>
        %dma_wait3A_286 = tpu.memref_squeeze %dma_wait3A_285 : memref<1x512x128xf32, #tpu.memory_space<hbm>> -> memref<512x128xf32, #tpu.memory_space<hbm>>
        %dma_wait3A_287 = arith.constant 0 : i32
        %dma_wait3A_288 = tpu.memref_slice %arg14[%mul3A_228, %dma_wait3A_287] : memref<8208x128xf32, #tpu.memory_space<vmem_shared>> -> memref<512x128xf32, #tpu.memory_space<vmem_shared>>
        tpu.wait_dma2 semaphore(%run_scoped3A : memref<!tpu.dma_semaphore, #tpu.memory_space<semaphore_mem>>) src(%dma_wait3A_288 : memref<512x128xf32, #tpu.memory_space<vmem_shared>>) dst(%dma_wait3A_286 : memref<512x128xf32, #tpu.memory_space<hbm>>)
        tpu.yield
      }) : () -> ()
      %mul3A_234 = arith.constant 4 : i32
      %mul3A_235 = arith.muli %arg1, %mul3A_234 : i32
      %mul3A_236 = arith.constant 64 : i32
      %mul3A_237 = arith.muli %scan3A_71, %mul3A_236 : i32
      %mul3A_238 = arith.constant 4 : i32
      %mul3A_239 = arith.muli %arg1, %mul3A_238 : i32
      %add3A_240 = arith.addi %mul3A_237, %mul3A_239 : i32
      "tpu.region"() ({
        %run_scoped3A = tpu.sem_alloc : memref<!tpu.dma_semaphore, #tpu.memory_space<semaphore_mem>>
        %dma_start3A = arith.constant 0 : i32
        %dma_start3A_281 = tpu.memref_slice %arg6[%arg0, %add3A_240, %dma_start3A] : memref<2x640x128xf32, #tpu.memory_space<hbm>> -> memref<1x4x128xf32, #tpu.memory_space<hbm>>
        %dma_start3A_282 = tpu.memref_squeeze %dma_start3A_281 : memref<1x4x128xf32, #tpu.memory_space<hbm>> -> memref<4x128xf32, #tpu.memory_space<hbm>>
        %dma_start3A_283 = arith.constant 0 : i32
        %dma_start3A_284 = tpu.memref_slice %arg15[%mul3A_235, %dma_start3A_283] : memref<80x128xf32, #tpu.memory_space<vmem_shared>> -> memref<4x128xf32, #tpu.memory_space<vmem_shared>>
        tpu.enqueue_dma source(%dma_start3A_284 : memref<4x128xf32, #tpu.memory_space<vmem_shared>>) target(%dma_start3A_282 : memref<4x128xf32, #tpu.memory_space<hbm>>) target_semaphore(%run_scoped3A : memref<!tpu.dma_semaphore, #tpu.memory_space<semaphore_mem>>)
        %dma_wait3A = arith.constant 0 : i32
        %dma_wait3A_285 = tpu.memref_slice %arg6[%arg0, %add3A_240, %dma_wait3A] : memref<2x640x128xf32, #tpu.memory_space<hbm>> -> memref<1x4x128xf32, #tpu.memory_space<hbm>>
        %dma_wait3A_286 = tpu.memref_squeeze %dma_wait3A_285 : memref<1x4x128xf32, #tpu.memory_space<hbm>> -> memref<4x128xf32, #tpu.memory_space<hbm>>
        %dma_wait3A_287 = arith.constant 0 : i32
        %dma_wait3A_288 = tpu.memref_slice %arg15[%mul3A_235, %dma_wait3A_287] : memref<80x128xf32, #tpu.memory_space<vmem_shared>> -> memref<4x128xf32, #tpu.memory_space<vmem_shared>>
        tpu.wait_dma2 semaphore(%run_scoped3A : memref<!tpu.dma_semaphore, #tpu.memory_space<semaphore_mem>>) src(%dma_wait3A_288 : memref<4x128xf32, #tpu.memory_space<vmem_shared>>) dst(%dma_wait3A_286 : memref<4x128xf32, #tpu.memory_space<hbm>>)
        tpu.yield
      }) : () -> ()
      %mul3A_241 = arith.constant 513 : i32
      %mul3A_242 = arith.muli %arg1, %mul3A_241 : i32
      %add3A_243 = arith.constant 0 : i32
      %add3A_244 = arith.addi %mul3A_242, %add3A_243 : i32
      "tpu.region"() ({
        %run_scoped3A = tpu.sem_alloc : memref<!tpu.dma_semaphore, #tpu.memory_space<semaphore_mem>>
        %dma_start3A = arith.constant 0 : i32
        %dma_start3A_281 = tpu.memref_slice %arg14[%add3A_244, %dma_start3A] : memref<8208x128xf32, #tpu.memory_space<vmem_shared>> -> memref<32x128xf32, #tpu.memory_space<vmem_shared>>
        %dma_start3A_282 = arith.constant 0 : i32
        %dma_start3A_283 = tpu.memref_slice %arg14[%add3A_244, %dma_start3A_282] : memref<8208x128xf32, #tpu.memory_space<vmem_shared>> -> memref<32x128xf32, #tpu.memory_space<vmem_shared>>
        tpu.enqueue_dma source(%arg11 : memref<32x128xf32, #tpu.memory_space<vmem>>) target(%dma_start3A_283 : memref<32x128xf32, #tpu.memory_space<vmem_shared>>) target_semaphore(%run_scoped3A : memref<!tpu.dma_semaphore, #tpu.memory_space<semaphore_mem>>)
        %dma_wait3A = arith.constant 0 : i32
        %dma_wait3A_284 = tpu.memref_slice %arg14[%add3A_244, %dma_wait3A] : memref<8208x128xf32, #tpu.memory_space<vmem_shared>> -> memref<32x128xf32, #tpu.memory_space<vmem_shared>>
        %dma_wait3A_285 = arith.constant 0 : i32
        %dma_wait3A_286 = tpu.memref_slice %arg14[%add3A_244, %dma_wait3A_285] : memref<8208x128xf32, #tpu.memory_space<vmem_shared>> -> memref<32x128xf32, #tpu.memory_space<vmem_shared>>
        tpu.wait_dma2 semaphore(%run_scoped3A : memref<!tpu.dma_semaphore, #tpu.memory_space<semaphore_mem>>) src(%arg11 : memref<32x128xf32, #tpu.memory_space<vmem>>) dst(%dma_wait3A_286 : memref<32x128xf32, #tpu.memory_space<vmem_shared>>)
        tpu.yield
      }) : () -> ()
      %add3A_245 = arith.constant 32 : i32
      %add3A_246 = arith.addi %mul3A_242, %add3A_245 : i32
      "tpu.region"() ({
        %run_scoped3A = tpu.sem_alloc : memref<!tpu.dma_semaphore, #tpu.memory_space<semaphore_mem>>
        %dma_start3A = arith.constant 0 : i32
        %dma_start3A_281 = tpu.memref_slice %arg14[%add3A_246, %dma_start3A] : memref<8208x128xf32, #tpu.memory_space<vmem_shared>> -> memref<32x128xf32, #tpu.memory_space<vmem_shared>>
        %dma_start3A_282 = arith.constant 0 : i32
        %dma_start3A_283 = tpu.memref_slice %arg14[%add3A_246, %dma_start3A_282] : memref<8208x128xf32, #tpu.memory_space<vmem_shared>> -> memref<32x128xf32, #tpu.memory_space<vmem_shared>>
        tpu.enqueue_dma source(%arg11 : memref<32x128xf32, #tpu.memory_space<vmem>>) target(%dma_start3A_283 : memref<32x128xf32, #tpu.memory_space<vmem_shared>>) target_semaphore(%run_scoped3A : memref<!tpu.dma_semaphore, #tpu.memory_space<semaphore_mem>>)
        %dma_wait3A = arith.constant 0 : i32
        %dma_wait3A_284 = tpu.memref_slice %arg14[%add3A_246, %dma_wait3A] : memref<8208x128xf32, #tpu.memory_space<vmem_shared>> -> memref<32x128xf32, #tpu.memory_space<vmem_shared>>
        %dma_wait3A_285 = arith.constant 0 : i32
        %dma_wait3A_286 = tpu.memref_slice %arg14[%add3A_246, %dma_wait3A_285] : memref<8208x128xf32, #tpu.memory_space<vmem_shared>> -> memref<32x128xf32, #tpu.memory_space<vmem_shared>>
        tpu.wait_dma2 semaphore(%run_scoped3A : memref<!tpu.dma_semaphore, #tpu.memory_space<semaphore_mem>>) src(%arg11 : memref<32x128xf32, #tpu.memory_space<vmem>>) dst(%dma_wait3A_286 : memref<32x128xf32, #tpu.memory_space<vmem_shared>>)
        tpu.yield
      }) : () -> ()
      %add3A_247 = arith.constant 64 : i32
      %add3A_248 = arith.addi %mul3A_242, %add3A_247 : i32
      "tpu.region"() ({
        %run_scoped3A = tpu.sem_alloc : memref<!tpu.dma_semaphore, #tpu.memory_space<semaphore_mem>>
        %dma_start3A = arith.constant 0 : i32
        %dma_start3A_281 = tpu.memref_slice %arg14[%add3A_248, %dma_start3A] : memref<8208x128xf32, #tpu.memory_space<vmem_shared>> -> memref<32x128xf32, #tpu.memory_space<vmem_shared>>
        %dma_start3A_282 = arith.constant 0 : i32
        %dma_start3A_283 = tpu.memref_slice %arg14[%add3A_248, %dma_start3A_282] : memref<8208x128xf32, #tpu.memory_space<vmem_shared>> -> memref<32x128xf32, #tpu.memory_space<vmem_shared>>
        tpu.enqueue_dma source(%arg11 : memref<32x128xf32, #tpu.memory_space<vmem>>) target(%dma_start3A_283 : memref<32x128xf32, #tpu.memory_space<vmem_shared>>) target_semaphore(%run_scoped3A : memref<!tpu.dma_semaphore, #tpu.memory_space<semaphore_mem>>)
        %dma_wait3A = arith.constant 0 : i32
        %dma_wait3A_284 = tpu.memref_slice %arg14[%add3A_248, %dma_wait3A] : memref<8208x128xf32, #tpu.memory_space<vmem_shared>> -> memref<32x128xf32, #tpu.memory_space<vmem_shared>>
        %dma_wait3A_285 = arith.constant 0 : i32
        %dma_wait3A_286 = tpu.memref_slice %arg14[%add3A_248, %dma_wait3A_285] : memref<8208x128xf32, #tpu.memory_space<vmem_shared>> -> memref<32x128xf32, #tpu.memory_space<vmem_shared>>
        tpu.wait_dma2 semaphore(%run_scoped3A : memref<!tpu.dma_semaphore, #tpu.memory_space<semaphore_mem>>) src(%arg11 : memref<32x128xf32, #tpu.memory_space<vmem>>) dst(%dma_wait3A_286 : memref<32x128xf32, #tpu.memory_space<vmem_shared>>)
        tpu.yield
      }) : () -> ()
      %add3A_249 = arith.constant 96 : i32
      %add3A_250 = arith.addi %mul3A_242, %add3A_249 : i32
      "tpu.region"() ({
        %run_scoped3A = tpu.sem_alloc : memref<!tpu.dma_semaphore, #tpu.memory_space<semaphore_mem>>
        %dma_start3A = arith.constant 0 : i32
        %dma_start3A_281 = tpu.memref_slice %arg14[%add3A_250, %dma_start3A] : memref<8208x128xf32, #tpu.memory_space<vmem_shared>> -> memref<32x128xf32, #tpu.memory_space<vmem_shared>>
        %dma_start3A_282 = arith.constant 0 : i32
        %dma_start3A_283 = tpu.memref_slice %arg14[%add3A_250, %dma_start3A_282] : memref<8208x128xf32, #tpu.memory_space<vmem_shared>> -> memref<32x128xf32, #tpu.memory_space<vmem_shared>>
        tpu.enqueue_dma source(%arg11 : memref<32x128xf32, #tpu.memory_space<vmem>>) target(%dma_start3A_283 : memref<32x128xf32, #tpu.memory_space<vmem_shared>>) target_semaphore(%run_scoped3A : memref<!tpu.dma_semaphore, #tpu.memory_space<semaphore_mem>>)
        %dma_wait3A = arith.constant 0 : i32
        %dma_wait3A_284 = tpu.memref_slice %arg14[%add3A_250, %dma_wait3A] : memref<8208x128xf32, #tpu.memory_space<vmem_shared>> -> memref<32x128xf32, #tpu.memory_space<vmem_shared>>
        %dma_wait3A_285 = arith.constant 0 : i32
        %dma_wait3A_286 = tpu.memref_slice %arg14[%add3A_250, %dma_wait3A_285] : memref<8208x128xf32, #tpu.memory_space<vmem_shared>> -> memref<32x128xf32, #tpu.memory_space<vmem_shared>>
        tpu.wait_dma2 semaphore(%run_scoped3A : memref<!tpu.dma_semaphore, #tpu.memory_space<semaphore_mem>>) src(%arg11 : memref<32x128xf32, #tpu.memory_space<vmem>>) dst(%dma_wait3A_286 : memref<32x128xf32, #tpu.memory_space<vmem_shared>>)
        tpu.yield
      }) : () -> ()
      %add3A_251 = arith.constant 128 : i32
      %add3A_252 = arith.addi %mul3A_242, %add3A_251 : i32
      "tpu.region"() ({
        %run_scoped3A = tpu.sem_alloc : memref<!tpu.dma_semaphore, #tpu.memory_space<semaphore_mem>>
        %dma_start3A = arith.constant 0 : i32
        %dma_start3A_281 = tpu.memref_slice %arg14[%add3A_252, %dma_start3A] : memref<8208x128xf32, #tpu.memory_space<vmem_shared>> -> memref<32x128xf32, #tpu.memory_space<vmem_shared>>
        %dma_start3A_282 = arith.constant 0 : i32
        %dma_start3A_283 = tpu.memref_slice %arg14[%add3A_252, %dma_start3A_282] : memref<8208x128xf32, #tpu.memory_space<vmem_shared>> -> memref<32x128xf32, #tpu.memory_space<vmem_shared>>
        tpu.enqueue_dma source(%arg11 : memref<32x128xf32, #tpu.memory_space<vmem>>) target(%dma_start3A_283 : memref<32x128xf32, #tpu.memory_space<vmem_shared>>) target_semaphore(%run_scoped3A : memref<!tpu.dma_semaphore, #tpu.memory_space<semaphore_mem>>)
        %dma_wait3A = arith.constant 0 : i32
        %dma_wait3A_284 = tpu.memref_slice %arg14[%add3A_252, %dma_wait3A] : memref<8208x128xf32, #tpu.memory_space<vmem_shared>> -> memref<32x128xf32, #tpu.memory_space<vmem_shared>>
        %dma_wait3A_285 = arith.constant 0 : i32
        %dma_wait3A_286 = tpu.memref_slice %arg14[%add3A_252, %dma_wait3A_285] : memref<8208x128xf32, #tpu.memory_space<vmem_shared>> -> memref<32x128xf32, #tpu.memory_space<vmem_shared>>
        tpu.wait_dma2 semaphore(%run_scoped3A : memref<!tpu.dma_semaphore, #tpu.memory_space<semaphore_mem>>) src(%arg11 : memref<32x128xf32, #tpu.memory_space<vmem>>) dst(%dma_wait3A_286 : memref<32x128xf32, #tpu.memory_space<vmem_shared>>)
        tpu.yield
      }) : () -> ()
      %add3A_253 = arith.constant 160 : i32
      %add3A_254 = arith.addi %mul3A_242, %add3A_253 : i32
      "tpu.region"() ({
        %run_scoped3A = tpu.sem_alloc : memref<!tpu.dma_semaphore, #tpu.memory_space<semaphore_mem>>
        %dma_start3A = arith.constant 0 : i32
        %dma_start3A_281 = tpu.memref_slice %arg14[%add3A_254, %dma_start3A] : memref<8208x128xf32, #tpu.memory_space<vmem_shared>> -> memref<32x128xf32, #tpu.memory_space<vmem_shared>>
        %dma_start3A_282 = arith.constant 0 : i32
        %dma_start3A_283 = tpu.memref_slice %arg14[%add3A_254, %dma_start3A_282] : memref<8208x128xf32, #tpu.memory_space<vmem_shared>> -> memref<32x128xf32, #tpu.memory_space<vmem_shared>>
        tpu.enqueue_dma source(%arg11 : memref<32x128xf32, #tpu.memory_space<vmem>>) target(%dma_start3A_283 : memref<32x128xf32, #tpu.memory_space<vmem_shared>>) target_semaphore(%run_scoped3A : memref<!tpu.dma_semaphore, #tpu.memory_space<semaphore_mem>>)
        %dma_wait3A = arith.constant 0 : i32
        %dma_wait3A_284 = tpu.memref_slice %arg14[%add3A_254, %dma_wait3A] : memref<8208x128xf32, #tpu.memory_space<vmem_shared>> -> memref<32x128xf32, #tpu.memory_space<vmem_shared>>
        %dma_wait3A_285 = arith.constant 0 : i32
        %dma_wait3A_286 = tpu.memref_slice %arg14[%add3A_254, %dma_wait3A_285] : memref<8208x128xf32, #tpu.memory_space<vmem_shared>> -> memref<32x128xf32, #tpu.memory_space<vmem_shared>>
        tpu.wait_dma2 semaphore(%run_scoped3A : memref<!tpu.dma_semaphore, #tpu.memory_space<semaphore_mem>>) src(%arg11 : memref<32x128xf32, #tpu.memory_space<vmem>>) dst(%dma_wait3A_286 : memref<32x128xf32, #tpu.memory_space<vmem_shared>>)
        tpu.yield
      }) : () -> ()
      %add3A_255 = arith.constant 192 : i32
      %add3A_256 = arith.addi %mul3A_242, %add3A_255 : i32
      "tpu.region"() ({
        %run_scoped3A = tpu.sem_alloc : memref<!tpu.dma_semaphore, #tpu.memory_space<semaphore_mem>>
        %dma_start3A = arith.constant 0 : i32
        %dma_start3A_281 = tpu.memref_slice %arg14[%add3A_256, %dma_start3A] : memref<8208x128xf32, #tpu.memory_space<vmem_shared>> -> memref<32x128xf32, #tpu.memory_space<vmem_shared>>
        %dma_start3A_282 = arith.constant 0 : i32
        %dma_start3A_283 = tpu.memref_slice %arg14[%add3A_256, %dma_start3A_282] : memref<8208x128xf32, #tpu.memory_space<vmem_shared>> -> memref<32x128xf32, #tpu.memory_space<vmem_shared>>
        tpu.enqueue_dma source(%arg11 : memref<32x128xf32, #tpu.memory_space<vmem>>) target(%dma_start3A_283 : memref<32x128xf32, #tpu.memory_space<vmem_shared>>) target_semaphore(%run_scoped3A : memref<!tpu.dma_semaphore, #tpu.memory_space<semaphore_mem>>)
        %dma_wait3A = arith.constant 0 : i32
        %dma_wait3A_284 = tpu.memref_slice %arg14[%add3A_256, %dma_wait3A] : memref<8208x128xf32, #tpu.memory_space<vmem_shared>> -> memref<32x128xf32, #tpu.memory_space<vmem_shared>>
        %dma_wait3A_285 = arith.constant 0 : i32
        %dma_wait3A_286 = tpu.memref_slice %arg14[%add3A_256, %dma_wait3A_285] : memref<8208x128xf32, #tpu.memory_space<vmem_shared>> -> memref<32x128xf32, #tpu.memory_space<vmem_shared>>
        tpu.wait_dma2 semaphore(%run_scoped3A : memref<!tpu.dma_semaphore, #tpu.memory_space<semaphore_mem>>) src(%arg11 : memref<32x128xf32, #tpu.memory_space<vmem>>) dst(%dma_wait3A_286 : memref<32x128xf32, #tpu.memory_space<vmem_shared>>)
        tpu.yield
      }) : () -> ()
      %add3A_257 = arith.constant 224 : i32
      %add3A_258 = arith.addi %mul3A_242, %add3A_257 : i32
      "tpu.region"() ({
        %run_scoped3A = tpu.sem_alloc : memref<!tpu.dma_semaphore, #tpu.memory_space<semaphore_mem>>
        %dma_start3A = arith.constant 0 : i32
        %dma_start3A_281 = tpu.memref_slice %arg14[%add3A_258, %dma_start3A] : memref<8208x128xf32, #tpu.memory_space<vmem_shared>> -> memref<32x128xf32, #tpu.memory_space<vmem_shared>>
        %dma_start3A_282 = arith.constant 0 : i32
        %dma_start3A_283 = tpu.memref_slice %arg14[%add3A_258, %dma_start3A_282] : memref<8208x128xf32, #tpu.memory_space<vmem_shared>> -> memref<32x128xf32, #tpu.memory_space<vmem_shared>>
        tpu.enqueue_dma source(%arg11 : memref<32x128xf32, #tpu.memory_space<vmem>>) target(%dma_start3A_283 : memref<32x128xf32, #tpu.memory_space<vmem_shared>>) target_semaphore(%run_scoped3A : memref<!tpu.dma_semaphore, #tpu.memory_space<semaphore_mem>>)
        %dma_wait3A = arith.constant 0 : i32
        %dma_wait3A_284 = tpu.memref_slice %arg14[%add3A_258, %dma_wait3A] : memref<8208x128xf32, #tpu.memory_space<vmem_shared>> -> memref<32x128xf32, #tpu.memory_space<vmem_shared>>
        %dma_wait3A_285 = arith.constant 0 : i32
        %dma_wait3A_286 = tpu.memref_slice %arg14[%add3A_258, %dma_wait3A_285] : memref<8208x128xf32, #tpu.memory_space<vmem_shared>> -> memref<32x128xf32, #tpu.memory_space<vmem_shared>>
        tpu.wait_dma2 semaphore(%run_scoped3A : memref<!tpu.dma_semaphore, #tpu.memory_space<semaphore_mem>>) src(%arg11 : memref<32x128xf32, #tpu.memory_space<vmem>>) dst(%dma_wait3A_286 : memref<32x128xf32, #tpu.memory_space<vmem_shared>>)
        tpu.yield
      }) : () -> ()
      %add3A_259 = arith.constant 256 : i32
      %add3A_260 = arith.addi %mul3A_242, %add3A_259 : i32
      "tpu.region"() ({
        %run_scoped3A = tpu.sem_alloc : memref<!tpu.dma_semaphore, #tpu.memory_space<semaphore_mem>>
        %dma_start3A = arith.constant 0 : i32
        %dma_start3A_281 = tpu.memref_slice %arg14[%add3A_260, %dma_start3A] : memref<8208x128xf32, #tpu.memory_space<vmem_shared>> -> memref<32x128xf32, #tpu.memory_space<vmem_shared>>
        %dma_start3A_282 = arith.constant 0 : i32
        %dma_start3A_283 = tpu.memref_slice %arg14[%add3A_260, %dma_start3A_282] : memref<8208x128xf32, #tpu.memory_space<vmem_shared>> -> memref<32x128xf32, #tpu.memory_space<vmem_shared>>
        tpu.enqueue_dma source(%arg11 : memref<32x128xf32, #tpu.memory_space<vmem>>) target(%dma_start3A_283 : memref<32x128xf32, #tpu.memory_space<vmem_shared>>) target_semaphore(%run_scoped3A : memref<!tpu.dma_semaphore, #tpu.memory_space<semaphore_mem>>)
        %dma_wait3A = arith.constant 0 : i32
        %dma_wait3A_284 = tpu.memref_slice %arg14[%add3A_260, %dma_wait3A] : memref<8208x128xf32, #tpu.memory_space<vmem_shared>> -> memref<32x128xf32, #tpu.memory_space<vmem_shared>>
        %dma_wait3A_285 = arith.constant 0 : i32
        %dma_wait3A_286 = tpu.memref_slice %arg14[%add3A_260, %dma_wait3A_285] : memref<8208x128xf32, #tpu.memory_space<vmem_shared>> -> memref<32x128xf32, #tpu.memory_space<vmem_shared>>
        tpu.wait_dma2 semaphore(%run_scoped3A : memref<!tpu.dma_semaphore, #tpu.memory_space<semaphore_mem>>) src(%arg11 : memref<32x128xf32, #tpu.memory_space<vmem>>) dst(%dma_wait3A_286 : memref<32x128xf32, #tpu.memory_space<vmem_shared>>)
        tpu.yield
      }) : () -> ()
      %add3A_261 = arith.constant 288 : i32
      %add3A_262 = arith.addi %mul3A_242, %add3A_261 : i32
      "tpu.region"() ({
        %run_scoped3A = tpu.sem_alloc : memref<!tpu.dma_semaphore, #tpu.memory_space<semaphore_mem>>
        %dma_start3A = arith.constant 0 : i32
        %dma_start3A_281 = tpu.memref_slice %arg14[%add3A_262, %dma_start3A] : memref<8208x128xf32, #tpu.memory_space<vmem_shared>> -> memref<32x128xf32, #tpu.memory_space<vmem_shared>>
        %dma_start3A_282 = arith.constant 0 : i32
        %dma_start3A_283 = tpu.memref_slice %arg14[%add3A_262, %dma_start3A_282] : memref<8208x128xf32, #tpu.memory_space<vmem_shared>> -> memref<32x128xf32, #tpu.memory_space<vmem_shared>>
        tpu.enqueue_dma source(%arg11 : memref<32x128xf32, #tpu.memory_space<vmem>>) target(%dma_start3A_283 : memref<32x128xf32, #tpu.memory_space<vmem_shared>>) target_semaphore(%run_scoped3A : memref<!tpu.dma_semaphore, #tpu.memory_space<semaphore_mem>>)
        %dma_wait3A = arith.constant 0 : i32
        %dma_wait3A_284 = tpu.memref_slice %arg14[%add3A_262, %dma_wait3A] : memref<8208x128xf32, #tpu.memory_space<vmem_shared>> -> memref<32x128xf32, #tpu.memory_space<vmem_shared>>
        %dma_wait3A_285 = arith.constant 0 : i32
        %dma_wait3A_286 = tpu.memref_slice %arg14[%add3A_262, %dma_wait3A_285] : memref<8208x128xf32, #tpu.memory_space<vmem_shared>> -> memref<32x128xf32, #tpu.memory_space<vmem_shared>>
        tpu.wait_dma2 semaphore(%run_scoped3A : memref<!tpu.dma_semaphore, #tpu.memory_space<semaphore_mem>>) src(%arg11 : memref<32x128xf32, #tpu.memory_space<vmem>>) dst(%dma_wait3A_286 : memref<32x128xf32, #tpu.memory_space<vmem_shared>>)
        tpu.yield
      }) : () -> ()
      %add3A_263 = arith.constant 320 : i32
      %add3A_264 = arith.addi %mul3A_242, %add3A_263 : i32
      "tpu.region"() ({
        %run_scoped3A = tpu.sem_alloc : memref<!tpu.dma_semaphore, #tpu.memory_space<semaphore_mem>>
        %dma_start3A = arith.constant 0 : i32
        %dma_start3A_281 = tpu.memref_slice %arg14[%add3A_264, %dma_start3A] : memref<8208x128xf32, #tpu.memory_space<vmem_shared>> -> memref<32x128xf32, #tpu.memory_space<vmem_shared>>
        %dma_start3A_282 = arith.constant 0 : i32
        %dma_start3A_283 = tpu.memref_slice %arg14[%add3A_264, %dma_start3A_282] : memref<8208x128xf32, #tpu.memory_space<vmem_shared>> -> memref<32x128xf32, #tpu.memory_space<vmem_shared>>
        tpu.enqueue_dma source(%arg11 : memref<32x128xf32, #tpu.memory_space<vmem>>) target(%dma_start3A_283 : memref<32x128xf32, #tpu.memory_space<vmem_shared>>) target_semaphore(%run_scoped3A : memref<!tpu.dma_semaphore, #tpu.memory_space<semaphore_mem>>)
        %dma_wait3A = arith.constant 0 : i32
        %dma_wait3A_284 = tpu.memref_slice %arg14[%add3A_264, %dma_wait3A] : memref<8208x128xf32, #tpu.memory_space<vmem_shared>> -> memref<32x128xf32, #tpu.memory_space<vmem_shared>>
        %dma_wait3A_285 = arith.constant 0 : i32
        %dma_wait3A_286 = tpu.memref_slice %arg14[%add3A_264, %dma_wait3A_285] : memref<8208x128xf32, #tpu.memory_space<vmem_shared>> -> memref<32x128xf32, #tpu.memory_space<vmem_shared>>
        tpu.wait_dma2 semaphore(%run_scoped3A : memref<!tpu.dma_semaphore, #tpu.memory_space<semaphore_mem>>) src(%arg11 : memref<32x128xf32, #tpu.memory_space<vmem>>) dst(%dma_wait3A_286 : memref<32x128xf32, #tpu.memory_space<vmem_shared>>)
        tpu.yield
      }) : () -> ()
      %add3A_265 = arith.constant 352 : i32
      %add3A_266 = arith.addi %mul3A_242, %add3A_265 : i32
      "tpu.region"() ({
        %run_scoped3A = tpu.sem_alloc : memref<!tpu.dma_semaphore, #tpu.memory_space<semaphore_mem>>
        %dma_start3A = arith.constant 0 : i32
        %dma_start3A_281 = tpu.memref_slice %arg14[%add3A_266, %dma_start3A] : memref<8208x128xf32, #tpu.memory_space<vmem_shared>> -> memref<32x128xf32, #tpu.memory_space<vmem_shared>>
        %dma_start3A_282 = arith.constant 0 : i32
        %dma_start3A_283 = tpu.memref_slice %arg14[%add3A_266, %dma_start3A_282] : memref<8208x128xf32, #tpu.memory_space<vmem_shared>> -> memref<32x128xf32, #tpu.memory_space<vmem_shared>>
        tpu.enqueue_dma source(%arg11 : memref<32x128xf32, #tpu.memory_space<vmem>>) target(%dma_start3A_283 : memref<32x128xf32, #tpu.memory_space<vmem_shared>>) target_semaphore(%run_scoped3A : memref<!tpu.dma_semaphore, #tpu.memory_space<semaphore_mem>>)
        %dma_wait3A = arith.constant 0 : i32
        %dma_wait3A_284 = tpu.memref_slice %arg14[%add3A_266, %dma_wait3A] : memref<8208x128xf32, #tpu.memory_space<vmem_shared>> -> memref<32x128xf32, #tpu.memory_space<vmem_shared>>
        %dma_wait3A_285 = arith.constant 0 : i32
        %dma_wait3A_286 = tpu.memref_slice %arg14[%add3A_266, %dma_wait3A_285] : memref<8208x128xf32, #tpu.memory_space<vmem_shared>> -> memref<32x128xf32, #tpu.memory_space<vmem_shared>>
        tpu.wait_dma2 semaphore(%run_scoped3A : memref<!tpu.dma_semaphore, #tpu.memory_space<semaphore_mem>>) src(%arg11 : memref<32x128xf32, #tpu.memory_space<vmem>>) dst(%dma_wait3A_286 : memref<32x128xf32, #tpu.memory_space<vmem_shared>>)
        tpu.yield
      }) : () -> ()
      %add3A_267 = arith.constant 384 : i32
      %add3A_268 = arith.addi %mul3A_242, %add3A_267 : i32
      "tpu.region"() ({
        %run_scoped3A = tpu.sem_alloc : memref<!tpu.dma_semaphore, #tpu.memory_space<semaphore_mem>>
        %dma_start3A = arith.constant 0 : i32
        %dma_start3A_281 = tpu.memref_slice %arg14[%add3A_268, %dma_start3A] : memref<8208x128xf32, #tpu.memory_space<vmem_shared>> -> memref<32x128xf32, #tpu.memory_space<vmem_shared>>
        %dma_start3A_282 = arith.constant 0 : i32
        %dma_start3A_283 = tpu.memref_slice %arg14[%add3A_268, %dma_start3A_282] : memref<8208x128xf32, #tpu.memory_space<vmem_shared>> -> memref<32x128xf32, #tpu.memory_space<vmem_shared>>
        tpu.enqueue_dma source(%arg11 : memref<32x128xf32, #tpu.memory_space<vmem>>) target(%dma_start3A_283 : memref<32x128xf32, #tpu.memory_space<vmem_shared>>) target_semaphore(%run_scoped3A : memref<!tpu.dma_semaphore, #tpu.memory_space<semaphore_mem>>)
        %dma_wait3A = arith.constant 0 : i32
        %dma_wait3A_284 = tpu.memref_slice %arg14[%add3A_268, %dma_wait3A] : memref<8208x128xf32, #tpu.memory_space<vmem_shared>> -> memref<32x128xf32, #tpu.memory_space<vmem_shared>>
        %dma_wait3A_285 = arith.constant 0 : i32
        %dma_wait3A_286 = tpu.memref_slice %arg14[%add3A_268, %dma_wait3A_285] : memref<8208x128xf32, #tpu.memory_space<vmem_shared>> -> memref<32x128xf32, #tpu.memory_space<vmem_shared>>
        tpu.wait_dma2 semaphore(%run_scoped3A : memref<!tpu.dma_semaphore, #tpu.memory_space<semaphore_mem>>) src(%arg11 : memref<32x128xf32, #tpu.memory_space<vmem>>) dst(%dma_wait3A_286 : memref<32x128xf32, #tpu.memory_space<vmem_shared>>)
        tpu.yield
      }) : () -> ()
      %add3A_269 = arith.constant 416 : i32
      %add3A_270 = arith.addi %mul3A_242, %add3A_269 : i32
      "tpu.region"() ({
        %run_scoped3A = tpu.sem_alloc : memref<!tpu.dma_semaphore, #tpu.memory_space<semaphore_mem>>
        %dma_start3A = arith.constant 0 : i32
        %dma_start3A_281 = tpu.memref_slice %arg14[%add3A_270, %dma_start3A] : memref<8208x128xf32, #tpu.memory_space<vmem_shared>> -> memref<32x128xf32, #tpu.memory_space<vmem_shared>>
        %dma_start3A_282 = arith.constant 0 : i32
        %dma_start3A_283 = tpu.memref_slice %arg14[%add3A_270, %dma_start3A_282] : memref<8208x128xf32, #tpu.memory_space<vmem_shared>> -> memref<32x128xf32, #tpu.memory_space<vmem_shared>>
        tpu.enqueue_dma source(%arg11 : memref<32x128xf32, #tpu.memory_space<vmem>>) target(%dma_start3A_283 : memref<32x128xf32, #tpu.memory_space<vmem_shared>>) target_semaphore(%run_scoped3A : memref<!tpu.dma_semaphore, #tpu.memory_space<semaphore_mem>>)
        %dma_wait3A = arith.constant 0 : i32
        %dma_wait3A_284 = tpu.memref_slice %arg14[%add3A_270, %dma_wait3A] : memref<8208x128xf32, #tpu.memory_space<vmem_shared>> -> memref<32x128xf32, #tpu.memory_space<vmem_shared>>
        %dma_wait3A_285 = arith.constant 0 : i32
        %dma_wait3A_286 = tpu.memref_slice %arg14[%add3A_270, %dma_wait3A_285] : memref<8208x128xf32, #tpu.memory_space<vmem_shared>> -> memref<32x128xf32, #tpu.memory_space<vmem_shared>>
        tpu.wait_dma2 semaphore(%run_scoped3A : memref<!tpu.dma_semaphore, #tpu.memory_space<semaphore_mem>>) src(%arg11 : memref<32x128xf32, #tpu.memory_space<vmem>>) dst(%dma_wait3A_286 : memref<32x128xf32, #tpu.memory_space<vmem_shared>>)
        tpu.yield
      }) : () -> ()
      %add3A_271 = arith.constant 448 : i32
      %add3A_272 = arith.addi %mul3A_242, %add3A_271 : i32
      "tpu.region"() ({
        %run_scoped3A = tpu.sem_alloc : memref<!tpu.dma_semaphore, #tpu.memory_space<semaphore_mem>>
        %dma_start3A = arith.constant 0 : i32
        %dma_start3A_281 = tpu.memref_slice %arg14[%add3A_272, %dma_start3A] : memref<8208x128xf32, #tpu.memory_space<vmem_shared>> -> memref<32x128xf32, #tpu.memory_space<vmem_shared>>
        %dma_start3A_282 = arith.constant 0 : i32
        %dma_start3A_283 = tpu.memref_slice %arg14[%add3A_272, %dma_start3A_282] : memref<8208x128xf32, #tpu.memory_space<vmem_shared>> -> memref<32x128xf32, #tpu.memory_space<vmem_shared>>
        tpu.enqueue_dma source(%arg11 : memref<32x128xf32, #tpu.memory_space<vmem>>) target(%dma_start3A_283 : memref<32x128xf32, #tpu.memory_space<vmem_shared>>) target_semaphore(%run_scoped3A : memref<!tpu.dma_semaphore, #tpu.memory_space<semaphore_mem>>)
        %dma_wait3A = arith.constant 0 : i32
        %dma_wait3A_284 = tpu.memref_slice %arg14[%add3A_272, %dma_wait3A] : memref<8208x128xf32, #tpu.memory_space<vmem_shared>> -> memref<32x128xf32, #tpu.memory_space<vmem_shared>>
        %dma_wait3A_285 = arith.constant 0 : i32
        %dma_wait3A_286 = tpu.memref_slice %arg14[%add3A_272, %dma_wait3A_285] : memref<8208x128xf32, #tpu.memory_space<vmem_shared>> -> memref<32x128xf32, #tpu.memory_space<vmem_shared>>
        tpu.wait_dma2 semaphore(%run_scoped3A : memref<!tpu.dma_semaphore, #tpu.memory_space<semaphore_mem>>) src(%arg11 : memref<32x128xf32, #tpu.memory_space<vmem>>) dst(%dma_wait3A_286 : memref<32x128xf32, #tpu.memory_space<vmem_shared>>)
        tpu.yield
      }) : () -> ()
      %add3A_273 = arith.constant 480 : i32
      %add3A_274 = arith.addi %mul3A_242, %add3A_273 : i32
      "tpu.region"() ({
        %run_scoped3A = tpu.sem_alloc : memref<!tpu.dma_semaphore, #tpu.memory_space<semaphore_mem>>
        %dma_start3A = arith.constant 0 : i32
        %dma_start3A_281 = tpu.memref_slice %arg14[%add3A_274, %dma_start3A] : memref<8208x128xf32, #tpu.memory_space<vmem_shared>> -> memref<32x128xf32, #tpu.memory_space<vmem_shared>>
        %dma_start3A_282 = arith.constant 0 : i32
        %dma_start3A_283 = tpu.memref_slice %arg14[%add3A_274, %dma_start3A_282] : memref<8208x128xf32, #tpu.memory_space<vmem_shared>> -> memref<32x128xf32, #tpu.memory_space<vmem_shared>>
        tpu.enqueue_dma source(%arg11 : memref<32x128xf32, #tpu.memory_space<vmem>>) target(%dma_start3A_283 : memref<32x128xf32, #tpu.memory_space<vmem_shared>>) target_semaphore(%run_scoped3A : memref<!tpu.dma_semaphore, #tpu.memory_space<semaphore_mem>>)
        %dma_wait3A = arith.constant 0 : i32
        %dma_wait3A_284 = tpu.memref_slice %arg14[%add3A_274, %dma_wait3A] : memref<8208x128xf32, #tpu.memory_space<vmem_shared>> -> memref<32x128xf32, #tpu.memory_space<vmem_shared>>
        %dma_wait3A_285 = arith.constant 0 : i32
        %dma_wait3A_286 = tpu.memref_slice %arg14[%add3A_274, %dma_wait3A_285] : memref<8208x128xf32, #tpu.memory_space<vmem_shared>> -> memref<32x128xf32, #tpu.memory_space<vmem_shared>>
        tpu.wait_dma2 semaphore(%run_scoped3A : memref<!tpu.dma_semaphore, #tpu.memory_space<semaphore_mem>>) src(%arg11 : memref<32x128xf32, #tpu.memory_space<vmem>>) dst(%dma_wait3A_286 : memref<32x128xf32, #tpu.memory_space<vmem_shared>>)
        tpu.yield
      }) : () -> ()
      %add3A_275 = arith.constant 512 : i32
      %add3A_276 = arith.addi %mul3A_242, %add3A_275 : i32
      "tpu.region"() ({
        %run_scoped3A = tpu.sem_alloc : memref<!tpu.dma_semaphore, #tpu.memory_space<semaphore_mem>>
        %dma_start3A = arith.constant 0 : i32
        %dma_start3A_281 = arith.constant 0 : i32
        %dma_start3A_282 = tpu.memref_slice %arg11[%dma_start3A, %dma_start3A_281] : memref<32x128xf32, #tpu.memory_space<vmem>> -> memref<1x128xf32, #tpu.memory_space<vmem>>
        %dma_start3A_283 = arith.constant 0 : i32
        %dma_start3A_284 = tpu.memref_slice %arg14[%add3A_276, %dma_start3A_283] : memref<8208x128xf32, #tpu.memory_space<vmem_shared>> -> memref<1x128xf32, #tpu.memory_space<vmem_shared>>
        %dma_start3A_285 = arith.constant 0 : i32
        %dma_start3A_286 = tpu.memref_slice %arg14[%add3A_276, %dma_start3A_285] : memref<8208x128xf32, #tpu.memory_space<vmem_shared>> -> memref<1x128xf32, #tpu.memory_space<vmem_shared>>
        %dma_start3A_287 = arith.constant 0 : i32
        %dma_start3A_288 = arith.constant 0 : i32
        %dma_start3A_289 = tpu.memref_slice %arg11[%dma_start3A_287, %dma_start3A_288] : memref<32x128xf32, #tpu.memory_space<vmem>> -> memref<1x128xf32, #tpu.memory_space<vmem>>
        tpu.enqueue_dma source(%dma_start3A_289 : memref<1x128xf32, #tpu.memory_space<vmem>>) target(%dma_start3A_286 : memref<1x128xf32, #tpu.memory_space<vmem_shared>>) target_semaphore(%run_scoped3A : memref<!tpu.dma_semaphore, #tpu.memory_space<semaphore_mem>>)
        %dma_wait3A = arith.constant 0 : i32
        %dma_wait3A_290 = arith.constant 0 : i32
        %dma_wait3A_291 = tpu.memref_slice %arg11[%dma_wait3A, %dma_wait3A_290] : memref<32x128xf32, #tpu.memory_space<vmem>> -> memref<1x128xf32, #tpu.memory_space<vmem>>
        %dma_wait3A_292 = arith.constant 0 : i32
        %dma_wait3A_293 = tpu.memref_slice %arg14[%add3A_276, %dma_wait3A_292] : memref<8208x128xf32, #tpu.memory_space<vmem_shared>> -> memref<1x128xf32, #tpu.memory_space<vmem_shared>>
        %dma_wait3A_294 = arith.constant 0 : i32
        %dma_wait3A_295 = tpu.memref_slice %arg14[%add3A_276, %dma_wait3A_294] : memref<8208x128xf32, #tpu.memory_space<vmem_shared>> -> memref<1x128xf32, #tpu.memory_space<vmem_shared>>
        %dma_wait3A_296 = arith.constant 0 : i32
        %dma_wait3A_297 = arith.constant 0 : i32
        %dma_wait3A_298 = tpu.memref_slice %arg11[%dma_wait3A_296, %dma_wait3A_297] : memref<32x128xf32, #tpu.memory_space<vmem>> -> memref<1x128xf32, #tpu.memory_space<vmem>>
        tpu.wait_dma2 semaphore(%run_scoped3A : memref<!tpu.dma_semaphore, #tpu.memory_space<semaphore_mem>>) src(%dma_wait3A_298 : memref<1x128xf32, #tpu.memory_space<vmem>>) dst(%dma_wait3A_295 : memref<1x128xf32, #tpu.memory_space<vmem_shared>>)
        tpu.yield
      }) : () -> ()
      %mul3A_277 = arith.constant 5 : i32
      %mul3A_278 = arith.muli %arg1, %mul3A_277 : i32
      "tpu.region"() ({
        %run_scoped3A = tpu.sem_alloc : memref<!tpu.dma_semaphore, #tpu.memory_space<semaphore_mem>>
        %dma_start3A = arith.constant 0 : i32
        %dma_start3A_281 = arith.constant 0 : i32
        %dma_start3A_282 = tpu.memref_slice %arg11[%dma_start3A, %dma_start3A_281] : memref<32x128xf32, #tpu.memory_space<vmem>> -> memref<5x128xf32, #tpu.memory_space<vmem>>
        %dma_start3A_283 = arith.constant 0 : i32
        %dma_start3A_284 = tpu.memref_slice %arg15[%mul3A_278, %dma_start3A_283] : memref<80x128xf32, #tpu.memory_space<vmem_shared>> -> memref<5x128xf32, #tpu.memory_space<vmem_shared>>
        %dma_start3A_285 = arith.constant 0 : i32
        %dma_start3A_286 = tpu.memref_slice %arg15[%mul3A_278, %dma_start3A_285] : memref<80x128xf32, #tpu.memory_space<vmem_shared>> -> memref<5x128xf32, #tpu.memory_space<vmem_shared>>
        %dma_start3A_287 = arith.constant 0 : i32
        %dma_start3A_288 = arith.constant 0 : i32
        %dma_start3A_289 = tpu.memref_slice %arg11[%dma_start3A_287, %dma_start3A_288] : memref<32x128xf32, #tpu.memory_space<vmem>> -> memref<5x128xf32, #tpu.memory_space<vmem>>
        tpu.enqueue_dma source(%dma_start3A_289 : memref<5x128xf32, #tpu.memory_space<vmem>>) target(%dma_start3A_286 : memref<5x128xf32, #tpu.memory_space<vmem_shared>>) target_semaphore(%run_scoped3A : memref<!tpu.dma_semaphore, #tpu.memory_space<semaphore_mem>>)
        %dma_wait3A = arith.constant 0 : i32
        %dma_wait3A_290 = arith.constant 0 : i32
        %dma_wait3A_291 = tpu.memref_slice %arg11[%dma_wait3A, %dma_wait3A_290] : memref<32x128xf32, #tpu.memory_space<vmem>> -> memref<5x128xf32, #tpu.memory_space<vmem>>
        %dma_wait3A_292 = arith.constant 0 : i32
        %dma_wait3A_293 = tpu.memref_slice %arg15[%mul3A_278, %dma_wait3A_292] : memref<80x128xf32, #tpu.memory_space<vmem_shared>> -> memref<5x128xf32, #tpu.memory_space<vmem_shared>>
        %dma_wait3A_294 = arith.constant 0 : i32
        %dma_wait3A_295 = tpu.memref_slice %arg15[%mul3A_278, %dma_wait3A_294] : memref<80x128xf32, #tpu.memory_space<vmem_shared>> -> memref<5x128xf32, #tpu.memory_space<vmem_shared>>
        %dma_wait3A_296 = arith.constant 0 : i32
        %dma_wait3A_297 = arith.constant 0 : i32
        %dma_wait3A_298 = tpu.memref_slice %arg11[%dma_wait3A_296, %dma_wait3A_297] : memref<32x128xf32, #tpu.memory_space<vmem>> -> memref<5x128xf32, #tpu.memory_space<vmem>>
        tpu.wait_dma2 semaphore(%run_scoped3A : memref<!tpu.dma_semaphore, #tpu.memory_space<semaphore_mem>>) src(%dma_wait3A_298 : memref<5x128xf32, #tpu.memory_space<vmem>>) dst(%dma_wait3A_295 : memref<5x128xf32, #tpu.memory_space<vmem_shared>>)
        tpu.yield
      }) : () -> ()
      %barrier3A_279 = arith.constant 0 : index
      tpu.barrier barrier_id(%barrier3A_279)
      %scan3A_280 = arith.constant 0 : i32
      scf.yield %scan3A_280 : i32
    }
    %scan3A_70 = arith.constant 10 : i32
    return
  }
}

#map = affine_map<(d0, d1) -> (0, 0)>
#map1 = affine_map<(d0, d1) -> (0)>
#map2 = affine_map<(d0, d1) -> (0, 0, 0)>
module attributes {stable_mosaic.version = 14 : i64} {
  func.func @body(%arg0: i32, %arg1: i32, %arg2: memref<10240x128xf32, #tpu.memory_space<hbm>>, %arg3: memref<327680xi32, #tpu.memory_space<hbm>>, %arg4: memref<80x128xf32, #tpu.memory_space<hbm>>, %arg5: memref<2x81920x128xf32, #tpu.memory_space<hbm>>, %arg6: memref<2x640x128xf32, #tpu.memory_space<hbm>>, %arg7: memref<10240xi32, #tpu.memory_space<vmem>>, %arg8: memref<80x128xi32, #tpu.memory_space<vmem>>, %arg9: memref<80x128xi32, #tpu.memory_space<vmem>>, %arg10: memref<128x128xf32, #tpu.memory_space<vmem>>, %arg11: memref<32x128xf32, #tpu.memory_space<vmem>>, %arg12: memref<80x128xf32, #tpu.memory_space<vmem>>, %arg13: memref<80xi32, #tpu.memory_space<vmem>>, %arg14: memref<8208x128xf32, #tpu.memory_space<vmem_shared>>, %arg15: memref<80x128xf32, #tpu.memory_space<vmem_shared>>, %arg16: memref<!tpu.dma_semaphore, #tpu.memory_space<semaphore_mem>>) attributes {dimension_semantics = [#tpu.dimension_semantics<core_parallel>, #tpu.dimension_semantics<subcore_parallel>], iteration_bounds = array<i64: 2, 16>, scalar_prefetch = 0 : i64, scratch_operands = 10 : i64, tpu.core_type = #tpu.core_type<sc_vector_subcore>, window_params = [{transform_indices = #map}, {transform_indices = #map1}, {transform_indices = #map}, {transform_indices = #map2}, {transform_indices = #map2}]} {
    %mul3A = arith.constant 16 : i32
    %mul3A_0 = arith.muli %arg0, %mul3A : i32
    %add3A = arith.addi %mul3A_0, %arg1 : i32
    %mul3A_1 = arith.constant 10240 : i32
    %mul3A_2 = arith.muli %add3A, %mul3A_1 : i32
    "tpu.region"() ({
      %run_scoped3A = tpu.sem_alloc : memref<!tpu.dma_semaphore, #tpu.memory_space<semaphore_mem>>
      %dma_start3A = tpu.memref_slice %arg3[%mul3A_2] : memref<327680xi32, #tpu.memory_space<hbm>> -> memref<10240xi32, #tpu.memory_space<hbm>>
      %dma_start3A_71 = tpu.memref_slice %arg3[%mul3A_2] : memref<327680xi32, #tpu.memory_space<hbm>> -> memref<10240xi32, #tpu.memory_space<hbm>>
      tpu.enqueue_dma source(%dma_start3A_71 : memref<10240xi32, #tpu.memory_space<hbm>>) target(%arg7 : memref<10240xi32, #tpu.memory_space<vmem>>) target_semaphore(%run_scoped3A : memref<!tpu.dma_semaphore, #tpu.memory_space<semaphore_mem>>)
      %dma_wait3A = tpu.memref_slice %arg3[%mul3A_2] : memref<327680xi32, #tpu.memory_space<hbm>> -> memref<10240xi32, #tpu.memory_space<hbm>>
      %dma_wait3A_72 = tpu.memref_slice %arg3[%mul3A_2] : memref<327680xi32, #tpu.memory_space<hbm>> -> memref<10240xi32, #tpu.memory_space<hbm>>
      tpu.wait_dma2 semaphore(%run_scoped3A : memref<!tpu.dma_semaphore, #tpu.memory_space<semaphore_mem>>) src(%dma_wait3A_72 : memref<10240xi32, #tpu.memory_space<hbm>>) dst(%arg7 : memref<10240xi32, #tpu.memory_space<vmem>>)
      tpu.yield
    }) : () -> ()
    "tpu.region"() ({
      %run_scoped3A = tpu.sem_alloc : memref<!tpu.dma_semaphore, #tpu.memory_space<semaphore_mem>>
      %dma_start3A = arith.constant 0 : i32
      %dma_start3A_71 = arith.constant 0 : i32
      %dma_start3A_72 = tpu.memref_slice %arg4[%dma_start3A, %dma_start3A_71] : memref<80x128xf32, #tpu.memory_space<hbm>> -> memref<32x128xf32, #tpu.memory_space<hbm>>
      %dma_start3A_73 = arith.constant 0 : i32
      %dma_start3A_74 = arith.constant 0 : i32
      %dma_start3A_75 = tpu.memref_slice %arg4[%dma_start3A_73, %dma_start3A_74] : memref<80x128xf32, #tpu.memory_space<hbm>> -> memref<32x128xf32, #tpu.memory_space<hbm>>
      tpu.enqueue_dma source(%dma_start3A_75 : memref<32x128xf32, #tpu.memory_space<hbm>>) target(%arg11 : memref<32x128xf32, #tpu.memory_space<vmem>>) target_semaphore(%run_scoped3A : memref<!tpu.dma_semaphore, #tpu.memory_space<semaphore_mem>>)
      %dma_wait3A = arith.constant 0 : i32
      %dma_wait3A_76 = arith.constant 0 : i32
      %dma_wait3A_77 = tpu.memref_slice %arg4[%dma_wait3A, %dma_wait3A_76] : memref<80x128xf32, #tpu.memory_space<hbm>> -> memref<32x128xf32, #tpu.memory_space<hbm>>
      %dma_wait3A_78 = arith.constant 0 : i32
      %dma_wait3A_79 = arith.constant 0 : i32
      %dma_wait3A_80 = tpu.memref_slice %arg4[%dma_wait3A_78, %dma_wait3A_79] : memref<80x128xf32, #tpu.memory_space<hbm>> -> memref<32x128xf32, #tpu.memory_space<hbm>>
      tpu.wait_dma2 semaphore(%run_scoped3A : memref<!tpu.dma_semaphore, #tpu.memory_space<semaphore_mem>>) src(%dma_wait3A_80 : memref<32x128xf32, #tpu.memory_space<hbm>>) dst(%arg11 : memref<32x128xf32, #tpu.memory_space<vmem>>)
      tpu.yield
    }) : () -> ()
    %iota3A = tpu.iota {dimensions = array<i32: 0>} : vector<16xi32>
    %add3A_3 = arith.constant 0 : i32
    %add3A_4 = vector.broadcast %add3A_3 : i32 to vector<16xi32>
    %add3A_5 = arith.addi %iota3A, %add3A_4 : vector<16xi32>
    %swap3A = arith.constant 0 : index
    %swap3A_6 = tpu.vector_load %arg13[%swap3A] {strides = array<i32>} : memref<80xi32, #tpu.memory_space<vmem>>, vector<16xi32>,
    tpu.vector_store %arg13[%swap3A], %add3A_5 {strides = array<i32>} : memref<80xi32, #tpu.memory_space<vmem>>, vector<16xi32>,
    %add3A_7 = arith.constant 16 : i32
    %add3A_8 = vector.broadcast %add3A_7 : i32 to vector<16xi32>
    %add3A_9 = arith.addi %iota3A, %add3A_8 : vector<16xi32>
    %swap3A_10 = arith.constant 16 : index
    %swap3A_11 = tpu.vector_load %arg13[%swap3A_10] {strides = array<i32>} : memref<80xi32, #tpu.memory_space<vmem>>, vector<16xi32>,
    tpu.vector_store %arg13[%swap3A_10], %add3A_9 {strides = array<i32>} : memref<80xi32, #tpu.memory_space<vmem>>, vector<16xi32>,
    %add3A_12 = arith.constant 32 : i32
    %add3A_13 = vector.broadcast %add3A_12 : i32 to vector<16xi32>
    %add3A_14 = arith.addi %iota3A, %add3A_13 : vector<16xi32>
    %swap3A_15 = arith.constant 32 : index
    %swap3A_16 = tpu.vector_load %arg13[%swap3A_15] {strides = array<i32>} : memref<80xi32, #tpu.memory_space<vmem>>, vector<16xi32>,
    tpu.vector_store %arg13[%swap3A_15], %add3A_14 {strides = array<i32>} : memref<80xi32, #tpu.memory_space<vmem>>, vector<16xi32>,
    %add3A_17 = arith.constant 48 : i32
    %add3A_18 = vector.broadcast %add3A_17 : i32 to vector<16xi32>
    %add3A_19 = arith.addi %iota3A, %add3A_18 : vector<16xi32>
    %swap3A_20 = arith.constant 48 : index
    %swap3A_21 = tpu.vector_load %arg13[%swap3A_20] {strides = array<i32>} : memref<80xi32, #tpu.memory_space<vmem>>, vector<16xi32>,
    tpu.vector_store %arg13[%swap3A_20], %add3A_19 {strides = array<i32>} : memref<80xi32, #tpu.memory_space<vmem>>, vector<16xi32>,
    %add3A_22 = arith.constant 64 : i32
    %add3A_23 = vector.broadcast %add3A_22 : i32 to vector<16xi32>
    %add3A_24 = arith.addi %iota3A, %add3A_23 : vector<16xi32>
    %swap3A_25 = arith.constant 64 : index
    %swap3A_26 = tpu.vector_load %arg13[%swap3A_25] {strides = array<i32>} : memref<80xi32, #tpu.memory_space<vmem>>, vector<16xi32>,
    tpu.vector_store %arg13[%swap3A_25], %add3A_24 {strides = array<i32>} : memref<80xi32, #tpu.memory_space<vmem>>, vector<16xi32>,
    %mul3A_27 = arith.constant 513 : i32
    %mul3A_28 = arith.muli %arg1, %mul3A_27 : i32
    %add3A_29 = arith.constant 0 : i32
    %add3A_30 = arith.addi %mul3A_28, %add3A_29 : i32
    "tpu.region"() ({
      %run_scoped3A = tpu.sem_alloc : memref<!tpu.dma_semaphore, #tpu.memory_space<semaphore_mem>>
      %dma_start3A = arith.constant 0 : i32
      %dma_start3A_71 = tpu.memref_slice %arg14[%add3A_30, %dma_start3A] : memref<8208x128xf32, #tpu.memory_space<vmem_shared>> -> memref<32x128xf32, #tpu.memory_space<vmem_shared>>
      %dma_start3A_72 = arith.constant 0 : i32
      %dma_start3A_73 = tpu.memref_slice %arg14[%add3A_30, %dma_start3A_72] : memref<8208x128xf32, #tpu.memory_space<vmem_shared>> -> memref<32x128xf32, #tpu.memory_space<vmem_shared>>
      tpu.enqueue_dma source(%arg11 : memref<32x128xf32, #tpu.memory_space<vmem>>) target(%dma_start3A_73 : memref<32x128xf32, #tpu.memory_space<vmem_shared>>) target_semaphore(%run_scoped3A : memref<!tpu.dma_semaphore, #tpu.memory_space<semaphore_mem>>)
      %dma_wait3A = arith.constant 0 : i32
      %dma_wait3A_74 = tpu.memref_slice %arg14[%add3A_30, %dma_wait3A] : memref<8208x128xf32, #tpu.memory_space<vmem_shared>> -> memref<32x128xf32, #tpu.memory_space<vmem_shared>>
      %dma_wait3A_75 = arith.constant 0 : i32
      %dma_wait3A_76 = tpu.memref_slice %arg14[%add3A_30, %dma_wait3A_75] : memref<8208x128xf32, #tpu.memory_space<vmem_shared>> -> memref<32x128xf32, #tpu.memory_space<vmem_shared>>
      tpu.wait_dma2 semaphore(%run_scoped3A : memref<!tpu.dma_semaphore, #tpu.memory_space<semaphore_mem>>) src(%arg11 : memref<32x128xf32, #tpu.memory_space<vmem>>) dst(%dma_wait3A_76 : memref<32x128xf32, #tpu.memory_space<vmem_shared>>)
      tpu.yield
    }) : () -> ()
    %add3A_31 = arith.constant 32 : i32
    %add3A_32 = arith.addi %mul3A_28, %add3A_31 : i32
    "tpu.region"() ({
      %run_scoped3A = tpu.sem_alloc : memref<!tpu.dma_semaphore, #tpu.memory_space<semaphore_mem>>
      %dma_start3A = arith.constant 0 : i32
      %dma_start3A_71 = tpu.memref_slice %arg14[%add3A_32, %dma_start3A] : memref<8208x128xf32, #tpu.memory_space<vmem_shared>> -> memref<32x128xf32, #tpu.memory_space<vmem_shared>>
      %dma_start3A_72 = arith.constant 0 : i32
      %dma_start3A_73 = tpu.memref_slice %arg14[%add3A_32, %dma_start3A_72] : memref<8208x128xf32, #tpu.memory_space<vmem_shared>> -> memref<32x128xf32, #tpu.memory_space<vmem_shared>>
      tpu.enqueue_dma source(%arg11 : memref<32x128xf32, #tpu.memory_space<vmem>>) target(%dma_start3A_73 : memref<32x128xf32, #tpu.memory_space<vmem_shared>>) target_semaphore(%run_scoped3A : memref<!tpu.dma_semaphore, #tpu.memory_space<semaphore_mem>>)
      %dma_wait3A = arith.constant 0 : i32
      %dma_wait3A_74 = tpu.memref_slice %arg14[%add3A_32, %dma_wait3A] : memref<8208x128xf32, #tpu.memory_space<vmem_shared>> -> memref<32x128xf32, #tpu.memory_space<vmem_shared>>
      %dma_wait3A_75 = arith.constant 0 : i32
      %dma_wait3A_76 = tpu.memref_slice %arg14[%add3A_32, %dma_wait3A_75] : memref<8208x128xf32, #tpu.memory_space<vmem_shared>> -> memref<32x128xf32, #tpu.memory_space<vmem_shared>>
      tpu.wait_dma2 semaphore(%run_scoped3A : memref<!tpu.dma_semaphore, #tpu.memory_space<semaphore_mem>>) src(%arg11 : memref<32x128xf32, #tpu.memory_space<vmem>>) dst(%dma_wait3A_76 : memref<32x128xf32, #tpu.memory_space<vmem_shared>>)
      tpu.yield
    }) : () -> ()
    %add3A_33 = arith.constant 64 : i32
    %add3A_34 = arith.addi %mul3A_28, %add3A_33 : i32
    "tpu.region"() ({
      %run_scoped3A = tpu.sem_alloc : memref<!tpu.dma_semaphore, #tpu.memory_space<semaphore_mem>>
      %dma_start3A = arith.constant 0 : i32
      %dma_start3A_71 = tpu.memref_slice %arg14[%add3A_34, %dma_start3A] : memref<8208x128xf32, #tpu.memory_space<vmem_shared>> -> memref<32x128xf32, #tpu.memory_space<vmem_shared>>
      %dma_start3A_72 = arith.constant 0 : i32
      %dma_start3A_73 = tpu.memref_slice %arg14[%add3A_34, %dma_start3A_72] : memref<8208x128xf32, #tpu.memory_space<vmem_shared>> -> memref<32x128xf32, #tpu.memory_space<vmem_shared>>
      tpu.enqueue_dma source(%arg11 : memref<32x128xf32, #tpu.memory_space<vmem>>) target(%dma_start3A_73 : memref<32x128xf32, #tpu.memory_space<vmem_shared>>) target_semaphore(%run_scoped3A : memref<!tpu.dma_semaphore, #tpu.memory_space<semaphore_mem>>)
      %dma_wait3A = arith.constant 0 : i32
      %dma_wait3A_74 = tpu.memref_slice %arg14[%add3A_34, %dma_wait3A] : memref<8208x128xf32, #tpu.memory_space<vmem_shared>> -> memref<32x128xf32, #tpu.memory_space<vmem_shared>>
      %dma_wait3A_75 = arith.constant 0 : i32
      %dma_wait3A_76 = tpu.memref_slice %arg14[%add3A_34, %dma_wait3A_75] : memref<8208x128xf32, #tpu.memory_space<vmem_shared>> -> memref<32x128xf32, #tpu.memory_space<vmem_shared>>
      tpu.wait_dma2 semaphore(%run_scoped3A : memref<!tpu.dma_semaphore, #tpu.memory_space<semaphore_mem>>) src(%arg11 : memref<32x128xf32, #tpu.memory_space<vmem>>) dst(%dma_wait3A_76 : memref<32x128xf32, #tpu.memory_space<vmem_shared>>)
      tpu.yield
    }) : () -> ()
    %add3A_35 = arith.constant 96 : i32
    %add3A_36 = arith.addi %mul3A_28, %add3A_35 : i32
    "tpu.region"() ({
      %run_scoped3A = tpu.sem_alloc : memref<!tpu.dma_semaphore, #tpu.memory_space<semaphore_mem>>
      %dma_start3A = arith.constant 0 : i32
      %dma_start3A_71 = tpu.memref_slice %arg14[%add3A_36, %dma_start3A] : memref<8208x128xf32, #tpu.memory_space<vmem_shared>> -> memref<32x128xf32, #tpu.memory_space<vmem_shared>>
      %dma_start3A_72 = arith.constant 0 : i32
      %dma_start3A_73 = tpu.memref_slice %arg14[%add3A_36, %dma_start3A_72] : memref<8208x128xf32, #tpu.memory_space<vmem_shared>> -> memref<32x128xf32, #tpu.memory_space<vmem_shared>>
      tpu.enqueue_dma source(%arg11 : memref<32x128xf32, #tpu.memory_space<vmem>>) target(%dma_start3A_73 : memref<32x128xf32, #tpu.memory_space<vmem_shared>>) target_semaphore(%run_scoped3A : memref<!tpu.dma_semaphore, #tpu.memory_space<semaphore_mem>>)
      %dma_wait3A = arith.constant 0 : i32
      %dma_wait3A_74 = tpu.memref_slice %arg14[%add3A_36, %dma_wait3A] : memref<8208x128xf32, #tpu.memory_space<vmem_shared>> -> memref<32x128xf32, #tpu.memory_space<vmem_shared>>
      %dma_wait3A_75 = arith.constant 0 : i32
      %dma_wait3A_76 = tpu.memref_slice %arg14[%add3A_36, %dma_wait3A_75] : memref<8208x128xf32, #tpu.memory_space<vmem_shared>> -> memref<32x128xf32, #tpu.memory_space<vmem_shared>>
      tpu.wait_dma2 semaphore(%run_scoped3A : memref<!tpu.dma_semaphore, #tpu.memory_space<semaphore_mem>>) src(%arg11 : memref<32x128xf32, #tpu.memory_space<vmem>>) dst(%dma_wait3A_76 : memref<32x128xf32, #tpu.memory_space<vmem_shared>>)
      tpu.yield
    }) : () -> ()
    %add3A_37 = arith.constant 128 : i32
    %add3A_38 = arith.addi %mul3A_28, %add3A_37 : i32
    "tpu.region"() ({
      %run_scoped3A = tpu.sem_alloc : memref<!tpu.dma_semaphore, #tpu.memory_space<semaphore_mem>>
      %dma_start3A = arith.constant 0 : i32
      %dma_start3A_71 = tpu.memref_slice %arg14[%add3A_38, %dma_start3A] : memref<8208x128xf32, #tpu.memory_space<vmem_shared>> -> memref<32x128xf32, #tpu.memory_space<vmem_shared>>
      %dma_start3A_72 = arith.constant 0 : i32
      %dma_start3A_73 = tpu.memref_slice %arg14[%add3A_38, %dma_start3A_72] : memref<8208x128xf32, #tpu.memory_space<vmem_shared>> -> memref<32x128xf32, #tpu.memory_space<vmem_shared>>
      tpu.enqueue_dma source(%arg11 : memref<32x128xf32, #tpu.memory_space<vmem>>) target(%dma_start3A_73 : memref<32x128xf32, #tpu.memory_space<vmem_shared>>) target_semaphore(%run_scoped3A : memref<!tpu.dma_semaphore, #tpu.memory_space<semaphore_mem>>)
      %dma_wait3A = arith.constant 0 : i32
      %dma_wait3A_74 = tpu.memref_slice %arg14[%add3A_38, %dma_wait3A] : memref<8208x128xf32, #tpu.memory_space<vmem_shared>> -> memref<32x128xf32, #tpu.memory_space<vmem_shared>>
      %dma_wait3A_75 = arith.constant 0 : i32
      %dma_wait3A_76 = tpu.memref_slice %arg14[%add3A_38, %dma_wait3A_75] : memref<8208x128xf32, #tpu.memory_space<vmem_shared>> -> memref<32x128xf32, #tpu.memory_space<vmem_shared>>
      tpu.wait_dma2 semaphore(%run_scoped3A : memref<!tpu.dma_semaphore, #tpu.memory_space<semaphore_mem>>) src(%arg11 : memref<32x128xf32, #tpu.memory_space<vmem>>) dst(%dma_wait3A_76 : memref<32x128xf32, #tpu.memory_space<vmem_shared>>)
      tpu.yield
    }) : () -> ()
    %add3A_39 = arith.constant 160 : i32
    %add3A_40 = arith.addi %mul3A_28, %add3A_39 : i32
    "tpu.region"() ({
      %run_scoped3A = tpu.sem_alloc : memref<!tpu.dma_semaphore, #tpu.memory_space<semaphore_mem>>
      %dma_start3A = arith.constant 0 : i32
      %dma_start3A_71 = tpu.memref_slice %arg14[%add3A_40, %dma_start3A] : memref<8208x128xf32, #tpu.memory_space<vmem_shared>> -> memref<32x128xf32, #tpu.memory_space<vmem_shared>>
      %dma_start3A_72 = arith.constant 0 : i32
      %dma_start3A_73 = tpu.memref_slice %arg14[%add3A_40, %dma_start3A_72] : memref<8208x128xf32, #tpu.memory_space<vmem_shared>> -> memref<32x128xf32, #tpu.memory_space<vmem_shared>>
      tpu.enqueue_dma source(%arg11 : memref<32x128xf32, #tpu.memory_space<vmem>>) target(%dma_start3A_73 : memref<32x128xf32, #tpu.memory_space<vmem_shared>>) target_semaphore(%run_scoped3A : memref<!tpu.dma_semaphore, #tpu.memory_space<semaphore_mem>>)
      %dma_wait3A = arith.constant 0 : i32
      %dma_wait3A_74 = tpu.memref_slice %arg14[%add3A_40, %dma_wait3A] : memref<8208x128xf32, #tpu.memory_space<vmem_shared>> -> memref<32x128xf32, #tpu.memory_space<vmem_shared>>
      %dma_wait3A_75 = arith.constant 0 : i32
      %dma_wait3A_76 = tpu.memref_slice %arg14[%add3A_40, %dma_wait3A_75] : memref<8208x128xf32, #tpu.memory_space<vmem_shared>> -> memref<32x128xf32, #tpu.memory_space<vmem_shared>>
      tpu.wait_dma2 semaphore(%run_scoped3A : memref<!tpu.dma_semaphore, #tpu.memory_space<semaphore_mem>>) src(%arg11 : memref<32x128xf32, #tpu.memory_space<vmem>>) dst(%dma_wait3A_76 : memref<32x128xf32, #tpu.memory_space<vmem_shared>>)
      tpu.yield
    }) : () -> ()
    %add3A_41 = arith.constant 192 : i32
    %add3A_42 = arith.addi %mul3A_28, %add3A_41 : i32
    "tpu.region"() ({
      %run_scoped3A = tpu.sem_alloc : memref<!tpu.dma_semaphore, #tpu.memory_space<semaphore_mem>>
      %dma_start3A = arith.constant 0 : i32
      %dma_start3A_71 = tpu.memref_slice %arg14[%add3A_42, %dma_start3A] : memref<8208x128xf32, #tpu.memory_space<vmem_shared>> -> memref<32x128xf32, #tpu.memory_space<vmem_shared>>
      %dma_start3A_72 = arith.constant 0 : i32
      %dma_start3A_73 = tpu.memref_slice %arg14[%add3A_42, %dma_start3A_72] : memref<8208x128xf32, #tpu.memory_space<vmem_shared>> -> memref<32x128xf32, #tpu.memory_space<vmem_shared>>
      tpu.enqueue_dma source(%arg11 : memref<32x128xf32, #tpu.memory_space<vmem>>) target(%dma_start3A_73 : memref<32x128xf32, #tpu.memory_space<vmem_shared>>) target_semaphore(%run_scoped3A : memref<!tpu.dma_semaphore, #tpu.memory_space<semaphore_mem>>)
      %dma_wait3A = arith.constant 0 : i32
      %dma_wait3A_74 = tpu.memref_slice %arg14[%add3A_42, %dma_wait3A] : memref<8208x128xf32, #tpu.memory_space<vmem_shared>> -> memref<32x128xf32, #tpu.memory_space<vmem_shared>>
      %dma_wait3A_75 = arith.constant 0 : i32
      %dma_wait3A_76 = tpu.memref_slice %arg14[%add3A_42, %dma_wait3A_75] : memref<8208x128xf32, #tpu.memory_space<vmem_shared>> -> memref<32x128xf32, #tpu.memory_space<vmem_shared>>
      tpu.wait_dma2 semaphore(%run_scoped3A : memref<!tpu.dma_semaphore, #tpu.memory_space<semaphore_mem>>) src(%arg11 : memref<32x128xf32, #tpu.memory_space<vmem>>) dst(%dma_wait3A_76 : memref<32x128xf32, #tpu.memory_space<vmem_shared>>)
      tpu.yield
    }) : () -> ()
    %add3A_43 = arith.constant 224 : i32
    %add3A_44 = arith.addi %mul3A_28, %add3A_43 : i32
    "tpu.region"() ({
      %run_scoped3A = tpu.sem_alloc : memref<!tpu.dma_semaphore, #tpu.memory_space<semaphore_mem>>
      %dma_start3A = arith.constant 0 : i32
      %dma_start3A_71 = tpu.memref_slice %arg14[%add3A_44, %dma_start3A] : memref<8208x128xf32, #tpu.memory_space<vmem_shared>> -> memref<32x128xf32, #tpu.memory_space<vmem_shared>>
      %dma_start3A_72 = arith.constant 0 : i32
      %dma_start3A_73 = tpu.memref_slice %arg14[%add3A_44, %dma_start3A_72] : memref<8208x128xf32, #tpu.memory_space<vmem_shared>> -> memref<32x128xf32, #tpu.memory_space<vmem_shared>>
      tpu.enqueue_dma source(%arg11 : memref<32x128xf32, #tpu.memory_space<vmem>>) target(%dma_start3A_73 : memref<32x128xf32, #tpu.memory_space<vmem_shared>>) target_semaphore(%run_scoped3A : memref<!tpu.dma_semaphore, #tpu.memory_space<semaphore_mem>>)
      %dma_wait3A = arith.constant 0 : i32
      %dma_wait3A_74 = tpu.memref_slice %arg14[%add3A_44, %dma_wait3A] : memref<8208x128xf32, #tpu.memory_space<vmem_shared>> -> memref<32x128xf32, #tpu.memory_space<vmem_shared>>
      %dma_wait3A_75 = arith.constant 0 : i32
      %dma_wait3A_76 = tpu.memref_slice %arg14[%add3A_44, %dma_wait3A_75] : memref<8208x128xf32, #tpu.memory_space<vmem_shared>> -> memref<32x128xf32, #tpu.memory_space<vmem_shared>>
      tpu.wait_dma2 semaphore(%run_scoped3A : memref<!tpu.dma_semaphore, #tpu.memory_space<semaphore_mem>>) src(%arg11 : memref<32x128xf32, #tpu.memory_space<vmem>>) dst(%dma_wait3A_76 : memref<32x128xf32, #tpu.memory_space<vmem_shared>>)
      tpu.yield
    }) : () -> ()
    %add3A_45 = arith.constant 256 : i32
    %add3A_46 = arith.addi %mul3A_28, %add3A_45 : i32
    "tpu.region"() ({
      %run_scoped3A = tpu.sem_alloc : memref<!tpu.dma_semaphore, #tpu.memory_space<semaphore_mem>>
      %dma_start3A = arith.constant 0 : i32
      %dma_start3A_71 = tpu.memref_slice %arg14[%add3A_46, %dma_start3A] : memref<8208x128xf32, #tpu.memory_space<vmem_shared>> -> memref<32x128xf32, #tpu.memory_space<vmem_shared>>
      %dma_start3A_72 = arith.constant 0 : i32
      %dma_start3A_73 = tpu.memref_slice %arg14[%add3A_46, %dma_start3A_72] : memref<8208x128xf32, #tpu.memory_space<vmem_shared>> -> memref<32x128xf32, #tpu.memory_space<vmem_shared>>
      tpu.enqueue_dma source(%arg11 : memref<32x128xf32, #tpu.memory_space<vmem>>) target(%dma_start3A_73 : memref<32x128xf32, #tpu.memory_space<vmem_shared>>) target_semaphore(%run_scoped3A : memref<!tpu.dma_semaphore, #tpu.memory_space<semaphore_mem>>)
      %dma_wait3A = arith.constant 0 : i32
      %dma_wait3A_74 = tpu.memref_slice %arg14[%add3A_46, %dma_wait3A] : memref<8208x128xf32, #tpu.memory_space<vmem_shared>> -> memref<32x128xf32, #tpu.memory_space<vmem_shared>>
      %dma_wait3A_75 = arith.constant 0 : i32
      %dma_wait3A_76 = tpu.memref_slice %arg14[%add3A_46, %dma_wait3A_75] : memref<8208x128xf32, #tpu.memory_space<vmem_shared>> -> memref<32x128xf32, #tpu.memory_space<vmem_shared>>
      tpu.wait_dma2 semaphore(%run_scoped3A : memref<!tpu.dma_semaphore, #tpu.memory_space<semaphore_mem>>) src(%arg11 : memref<32x128xf32, #tpu.memory_space<vmem>>) dst(%dma_wait3A_76 : memref<32x128xf32, #tpu.memory_space<vmem_shared>>)
      tpu.yield
    }) : () -> ()
    %add3A_47 = arith.constant 288 : i32
    %add3A_48 = arith.addi %mul3A_28, %add3A_47 : i32
    "tpu.region"() ({
      %run_scoped3A = tpu.sem_alloc : memref<!tpu.dma_semaphore, #tpu.memory_space<semaphore_mem>>
      %dma_start3A = arith.constant 0 : i32
      %dma_start3A_71 = tpu.memref_slice %arg14[%add3A_48, %dma_start3A] : memref<8208x128xf32, #tpu.memory_space<vmem_shared>> -> memref<32x128xf32, #tpu.memory_space<vmem_shared>>
      %dma_start3A_72 = arith.constant 0 : i32
      %dma_start3A_73 = tpu.memref_slice %arg14[%add3A_48, %dma_start3A_72] : memref<8208x128xf32, #tpu.memory_space<vmem_shared>> -> memref<32x128xf32, #tpu.memory_space<vmem_shared>>
      tpu.enqueue_dma source(%arg11 : memref<32x128xf32, #tpu.memory_space<vmem>>) target(%dma_start3A_73 : memref<32x128xf32, #tpu.memory_space<vmem_shared>>) target_semaphore(%run_scoped3A : memref<!tpu.dma_semaphore, #tpu.memory_space<semaphore_mem>>)
      %dma_wait3A = arith.constant 0 : i32
      %dma_wait3A_74 = tpu.memref_slice %arg14[%add3A_48, %dma_wait3A] : memref<8208x128xf32, #tpu.memory_space<vmem_shared>> -> memref<32x128xf32, #tpu.memory_space<vmem_shared>>
      %dma_wait3A_75 = arith.constant 0 : i32
      %dma_wait3A_76 = tpu.memref_slice %arg14[%add3A_48, %dma_wait3A_75] : memref<8208x128xf32, #tpu.memory_space<vmem_shared>> -> memref<32x128xf32, #tpu.memory_space<vmem_shared>>
      tpu.wait_dma2 semaphore(%run_scoped3A : memref<!tpu.dma_semaphore, #tpu.memory_space<semaphore_mem>>) src(%arg11 : memref<32x128xf32, #tpu.memory_space<vmem>>) dst(%dma_wait3A_76 : memref<32x128xf32, #tpu.memory_space<vmem_shared>>)
      tpu.yield
    }) : () -> ()
    %add3A_49 = arith.constant 320 : i32
    %add3A_50 = arith.addi %mul3A_28, %add3A_49 : i32
    "tpu.region"() ({
      %run_scoped3A = tpu.sem_alloc : memref<!tpu.dma_semaphore, #tpu.memory_space<semaphore_mem>>
      %dma_start3A = arith.constant 0 : i32
      %dma_start3A_71 = tpu.memref_slice %arg14[%add3A_50, %dma_start3A] : memref<8208x128xf32, #tpu.memory_space<vmem_shared>> -> memref<32x128xf32, #tpu.memory_space<vmem_shared>>
      %dma_start3A_72 = arith.constant 0 : i32
      %dma_start3A_73 = tpu.memref_slice %arg14[%add3A_50, %dma_start3A_72] : memref<8208x128xf32, #tpu.memory_space<vmem_shared>> -> memref<32x128xf32, #tpu.memory_space<vmem_shared>>
      tpu.enqueue_dma source(%arg11 : memref<32x128xf32, #tpu.memory_space<vmem>>) target(%dma_start3A_73 : memref<32x128xf32, #tpu.memory_space<vmem_shared>>) target_semaphore(%run_scoped3A : memref<!tpu.dma_semaphore, #tpu.memory_space<semaphore_mem>>)
      %dma_wait3A = arith.constant 0 : i32
      %dma_wait3A_74 = tpu.memref_slice %arg14[%add3A_50, %dma_wait3A] : memref<8208x128xf32, #tpu.memory_space<vmem_shared>> -> memref<32x128xf32, #tpu.memory_space<vmem_shared>>
      %dma_wait3A_75 = arith.constant 0 : i32
      %dma_wait3A_76 = tpu.memref_slice %arg14[%add3A_50, %dma_wait3A_75] : memref<8208x128xf32, #tpu.memory_space<vmem_shared>> -> memref<32x128xf32, #tpu.memory_space<vmem_shared>>
      tpu.wait_dma2 semaphore(%run_scoped3A : memref<!tpu.dma_semaphore, #tpu.memory_space<semaphore_mem>>) src(%arg11 : memref<32x128xf32, #tpu.memory_space<vmem>>) dst(%dma_wait3A_76 : memref<32x128xf32, #tpu.memory_space<vmem_shared>>)
      tpu.yield
    }) : () -> ()
    %add3A_51 = arith.constant 352 : i32
    %add3A_52 = arith.addi %mul3A_28, %add3A_51 : i32
    "tpu.region"() ({
      %run_scoped3A = tpu.sem_alloc : memref<!tpu.dma_semaphore, #tpu.memory_space<semaphore_mem>>
      %dma_start3A = arith.constant 0 : i32
      %dma_start3A_71 = tpu.memref_slice %arg14[%add3A_52, %dma_start3A] : memref<8208x128xf32, #tpu.memory_space<vmem_shared>> -> memref<32x128xf32, #tpu.memory_space<vmem_shared>>
      %dma_start3A_72 = arith.constant 0 : i32
      %dma_start3A_73 = tpu.memref_slice %arg14[%add3A_52, %dma_start3A_72] : memref<8208x128xf32, #tpu.memory_space<vmem_shared>> -> memref<32x128xf32, #tpu.memory_space<vmem_shared>>
      tpu.enqueue_dma source(%arg11 : memref<32x128xf32, #tpu.memory_space<vmem>>) target(%dma_start3A_73 : memref<32x128xf32, #tpu.memory_space<vmem_shared>>) target_semaphore(%run_scoped3A : memref<!tpu.dma_semaphore, #tpu.memory_space<semaphore_mem>>)
      %dma_wait3A = arith.constant 0 : i32
      %dma_wait3A_74 = tpu.memref_slice %arg14[%add3A_52, %dma_wait3A] : memref<8208x128xf32, #tpu.memory_space<vmem_shared>> -> memref<32x128xf32, #tpu.memory_space<vmem_shared>>
      %dma_wait3A_75 = arith.constant 0 : i32
      %dma_wait3A_76 = tpu.memref_slice %arg14[%add3A_52, %dma_wait3A_75] : memref<8208x128xf32, #tpu.memory_space<vmem_shared>> -> memref<32x128xf32, #tpu.memory_space<vmem_shared>>
      tpu.wait_dma2 semaphore(%run_scoped3A : memref<!tpu.dma_semaphore, #tpu.memory_space<semaphore_mem>>) src(%arg11 : memref<32x128xf32, #tpu.memory_space<vmem>>) dst(%dma_wait3A_76 : memref<32x128xf32, #tpu.memory_space<vmem_shared>>)
      tpu.yield
    }) : () -> ()
    %add3A_53 = arith.constant 384 : i32
    %add3A_54 = arith.addi %mul3A_28, %add3A_53 : i32
    "tpu.region"() ({
      %run_scoped3A = tpu.sem_alloc : memref<!tpu.dma_semaphore, #tpu.memory_space<semaphore_mem>>
      %dma_start3A = arith.constant 0 : i32
      %dma_start3A_71 = tpu.memref_slice %arg14[%add3A_54, %dma_start3A] : memref<8208x128xf32, #tpu.memory_space<vmem_shared>> -> memref<32x128xf32, #tpu.memory_space<vmem_shared>>
      %dma_start3A_72 = arith.constant 0 : i32
      %dma_start3A_73 = tpu.memref_slice %arg14[%add3A_54, %dma_start3A_72] : memref<8208x128xf32, #tpu.memory_space<vmem_shared>> -> memref<32x128xf32, #tpu.memory_space<vmem_shared>>
      tpu.enqueue_dma source(%arg11 : memref<32x128xf32, #tpu.memory_space<vmem>>) target(%dma_start3A_73 : memref<32x128xf32, #tpu.memory_space<vmem_shared>>) target_semaphore(%run_scoped3A : memref<!tpu.dma_semaphore, #tpu.memory_space<semaphore_mem>>)
      %dma_wait3A = arith.constant 0 : i32
      %dma_wait3A_74 = tpu.memref_slice %arg14[%add3A_54, %dma_wait3A] : memref<8208x128xf32, #tpu.memory_space<vmem_shared>> -> memref<32x128xf32, #tpu.memory_space<vmem_shared>>
      %dma_wait3A_75 = arith.constant 0 : i32
      %dma_wait3A_76 = tpu.memref_slice %arg14[%add3A_54, %dma_wait3A_75] : memref<8208x128xf32, #tpu.memory_space<vmem_shared>> -> memref<32x128xf32, #tpu.memory_space<vmem_shared>>
      tpu.wait_dma2 semaphore(%run_scoped3A : memref<!tpu.dma_semaphore, #tpu.memory_space<semaphore_mem>>) src(%arg11 : memref<32x128xf32, #tpu.memory_space<vmem>>) dst(%dma_wait3A_76 : memref<32x128xf32, #tpu.memory_space<vmem_shared>>)
      tpu.yield
    }) : () -> ()
    %add3A_55 = arith.constant 416 : i32
    %add3A_56 = arith.addi %mul3A_28, %add3A_55 : i32
    "tpu.region"() ({
      %run_scoped3A = tpu.sem_alloc : memref<!tpu.dma_semaphore, #tpu.memory_space<semaphore_mem>>
      %dma_start3A = arith.constant 0 : i32
      %dma_start3A_71 = tpu.memref_slice %arg14[%add3A_56, %dma_start3A] : memref<8208x128xf32, #tpu.memory_space<vmem_shared>> -> memref<32x128xf32, #tpu.memory_space<vmem_shared>>
      %dma_start3A_72 = arith.constant 0 : i32
      %dma_start3A_73 = tpu.memref_slice %arg14[%add3A_56, %dma_start3A_72] : memref<8208x128xf32, #tpu.memory_space<vmem_shared>> -> memref<32x128xf32, #tpu.memory_space<vmem_shared>>
      tpu.enqueue_dma source(%arg11 : memref<32x128xf32, #tpu.memory_space<vmem>>) target(%dma_start3A_73 : memref<32x128xf32, #tpu.memory_space<vmem_shared>>) target_semaphore(%run_scoped3A : memref<!tpu.dma_semaphore, #tpu.memory_space<semaphore_mem>>)
      %dma_wait3A = arith.constant 0 : i32
      %dma_wait3A_74 = tpu.memref_slice %arg14[%add3A_56, %dma_wait3A] : memref<8208x128xf32, #tpu.memory_space<vmem_shared>> -> memref<32x128xf32, #tpu.memory_space<vmem_shared>>
      %dma_wait3A_75 = arith.constant 0 : i32
      %dma_wait3A_76 = tpu.memref_slice %arg14[%add3A_56, %dma_wait3A_75] : memref<8208x128xf32, #tpu.memory_space<vmem_shared>> -> memref<32x128xf32, #tpu.memory_space<vmem_shared>>
      tpu.wait_dma2 semaphore(%run_scoped3A : memref<!tpu.dma_semaphore, #tpu.memory_space<semaphore_mem>>) src(%arg11 : memref<32x128xf32, #tpu.memory_space<vmem>>) dst(%dma_wait3A_76 : memref<32x128xf32, #tpu.memory_space<vmem_shared>>)
      tpu.yield
    }) : () -> ()
    %add3A_57 = arith.constant 448 : i32
    %add3A_58 = arith.addi %mul3A_28, %add3A_57 : i32
    "tpu.region"() ({
      %run_scoped3A = tpu.sem_alloc : memref<!tpu.dma_semaphore, #tpu.memory_space<semaphore_mem>>
      %dma_start3A = arith.constant 0 : i32
      %dma_start3A_71 = tpu.memref_slice %arg14[%add3A_58, %dma_start3A] : memref<8208x128xf32, #tpu.memory_space<vmem_shared>> -> memref<32x128xf32, #tpu.memory_space<vmem_shared>>
      %dma_start3A_72 = arith.constant 0 : i32
      %dma_start3A_73 = tpu.memref_slice %arg14[%add3A_58, %dma_start3A_72] : memref<8208x128xf32, #tpu.memory_space<vmem_shared>> -> memref<32x128xf32, #tpu.memory_space<vmem_shared>>
      tpu.enqueue_dma source(%arg11 : memref<32x128xf32, #tpu.memory_space<vmem>>) target(%dma_start3A_73 : memref<32x128xf32, #tpu.memory_space<vmem_shared>>) target_semaphore(%run_scoped3A : memref<!tpu.dma_semaphore, #tpu.memory_space<semaphore_mem>>)
      %dma_wait3A = arith.constant 0 : i32
      %dma_wait3A_74 = tpu.memref_slice %arg14[%add3A_58, %dma_wait3A] : memref<8208x128xf32, #tpu.memory_space<vmem_shared>> -> memref<32x128xf32, #tpu.memory_space<vmem_shared>>
      %dma_wait3A_75 = arith.constant 0 : i32
      %dma_wait3A_76 = tpu.memref_slice %arg14[%add3A_58, %dma_wait3A_75] : memref<8208x128xf32, #tpu.memory_space<vmem_shared>> -> memref<32x128xf32, #tpu.memory_space<vmem_shared>>
      tpu.wait_dma2 semaphore(%run_scoped3A : memref<!tpu.dma_semaphore, #tpu.memory_space<semaphore_mem>>) src(%arg11 : memref<32x128xf32, #tpu.memory_space<vmem>>) dst(%dma_wait3A_76 : memref<32x128xf32, #tpu.memory_space<vmem_shared>>)
      tpu.yield
    }) : () -> ()
    %add3A_59 = arith.constant 480 : i32
    %add3A_60 = arith.addi %mul3A_28, %add3A_59 : i32
    "tpu.region"() ({
      %run_scoped3A = tpu.sem_alloc : memref<!tpu.dma_semaphore, #tpu.memory_space<semaphore_mem>>
      %dma_start3A = arith.constant 0 : i32
      %dma_start3A_71 = tpu.memref_slice %arg14[%add3A_60, %dma_start3A] : memref<8208x128xf32, #tpu.memory_space<vmem_shared>> -> memref<32x128xf32, #tpu.memory_space<vmem_shared>>
      %dma_start3A_72 = arith.constant 0 : i32
      %dma_start3A_73 = tpu.memref_slice %arg14[%add3A_60, %dma_start3A_72] : memref<8208x128xf32, #tpu.memory_space<vmem_shared>> -> memref<32x128xf32, #tpu.memory_space<vmem_shared>>
      tpu.enqueue_dma source(%arg11 : memref<32x128xf32, #tpu.memory_space<vmem>>) target(%dma_start3A_73 : memref<32x128xf32, #tpu.memory_space<vmem_shared>>) target_semaphore(%run_scoped3A : memref<!tpu.dma_semaphore, #tpu.memory_space<semaphore_mem>>)
      %dma_wait3A = arith.constant 0 : i32
      %dma_wait3A_74 = tpu.memref_slice %arg14[%add3A_60, %dma_wait3A] : memref<8208x128xf32, #tpu.memory_space<vmem_shared>> -> memref<32x128xf32, #tpu.memory_space<vmem_shared>>
      %dma_wait3A_75 = arith.constant 0 : i32
      %dma_wait3A_76 = tpu.memref_slice %arg14[%add3A_60, %dma_wait3A_75] : memref<8208x128xf32, #tpu.memory_space<vmem_shared>> -> memref<32x128xf32, #tpu.memory_space<vmem_shared>>
      tpu.wait_dma2 semaphore(%run_scoped3A : memref<!tpu.dma_semaphore, #tpu.memory_space<semaphore_mem>>) src(%arg11 : memref<32x128xf32, #tpu.memory_space<vmem>>) dst(%dma_wait3A_76 : memref<32x128xf32, #tpu.memory_space<vmem_shared>>)
      tpu.yield
    }) : () -> ()
    %add3A_61 = arith.constant 512 : i32
    %add3A_62 = arith.addi %mul3A_28, %add3A_61 : i32
    "tpu.region"() ({
      %run_scoped3A = tpu.sem_alloc : memref<!tpu.dma_semaphore, #tpu.memory_space<semaphore_mem>>
      %dma_start3A = arith.constant 0 : i32
      %dma_start3A_71 = arith.constant 0 : i32
      %dma_start3A_72 = tpu.memref_slice %arg11[%dma_start3A, %dma_start3A_71] : memref<32x128xf32, #tpu.memory_space<vmem>> -> memref<1x128xf32, #tpu.memory_space<vmem>>
      %dma_start3A_73 = arith.constant 0 : i32
      %dma_start3A_74 = tpu.memref_slice %arg14[%add3A_62, %dma_start3A_73] : memref<8208x128xf32, #tpu.memory_space<vmem_shared>> -> memref<1x128xf32, #tpu.memory_space<vmem_shared>>
      %dma_start3A_75 = arith.constant 0 : i32
      %dma_start3A_76 = tpu.memref_slice %arg14[%add3A_62, %dma_start3A_75] : memref<8208x128xf32, #tpu.memory_space<vmem_shared>> -> memref<1x128xf32, #tpu.memory_space<vmem_shared>>
      %dma_start3A_77 = arith.constant 0 : i32
      %dma_start3A_78 = arith.constant 0 : i32
      %dma_start3A_79 = tpu.memref_slice %arg11[%dma_start3A_77, %dma_start3A_78] : memref<32x128xf32, #tpu.memory_space<vmem>> -> memref<1x128xf32, #tpu.memory_space<vmem>>
      tpu.enqueue_dma source(%dma_start3A_79 : memref<1x128xf32, #tpu.memory_space<vmem>>) target(%dma_start3A_76 : memref<1x128xf32, #tpu.memory_space<vmem_shared>>) target_semaphore(%run_scoped3A : memref<!tpu.dma_semaphore, #tpu.memory_space<semaphore_mem>>)
      %dma_wait3A = arith.constant 0 : i32
      %dma_wait3A_80 = arith.constant 0 : i32
      %dma_wait3A_81 = tpu.memref_slice %arg11[%dma_wait3A, %dma_wait3A_80] : memref<32x128xf32, #tpu.memory_space<vmem>> -> memref<1x128xf32, #tpu.memory_space<vmem>>
      %dma_wait3A_82 = arith.constant 0 : i32
      %dma_wait3A_83 = tpu.memref_slice %arg14[%add3A_62, %dma_wait3A_82] : memref<8208x128xf32, #tpu.memory_space<vmem_shared>> -> memref<1x128xf32, #tpu.memory_space<vmem_shared>>
      %dma_wait3A_84 = arith.constant 0 : i32
      %dma_wait3A_85 = tpu.memref_slice %arg14[%add3A_62, %dma_wait3A_84] : memref<8208x128xf32, #tpu.memory_space<vmem_shared>> -> memref<1x128xf32, #tpu.memory_space<vmem_shared>>
      %dma_wait3A_86 = arith.constant 0 : i32
      %dma_wait3A_87 = arith.constant 0 : i32
      %dma_wait3A_88 = tpu.memref_slice %arg11[%dma_wait3A_86, %dma_wait3A_87] : memref<32x128xf32, #tpu.memory_space<vmem>> -> memref<1x128xf32, #tpu.memory_space<vmem>>
      tpu.wait_dma2 semaphore(%run_scoped3A : memref<!tpu.dma_semaphore, #tpu.memory_space<semaphore_mem>>) src(%dma_wait3A_88 : memref<1x128xf32, #tpu.memory_space<vmem>>) dst(%dma_wait3A_85 : memref<1x128xf32, #tpu.memory_space<vmem_shared>>)
      tpu.yield
    }) : () -> ()
    %mul3A_63 = arith.constant 5 : i32
    %mul3A_64 = arith.muli %arg1, %mul3A_63 : i32
    "tpu.region"() ({
      %run_scoped3A = tpu.sem_alloc : memref<!tpu.dma_semaphore, #tpu.memory_space<semaphore_mem>>
      %dma_start3A = arith.constant 0 : i32
      %dma_start3A_71 = arith.constant 0 : i32
      %dma_start3A_72 = tpu.memref_slice %arg11[%dma_start3A, %dma_start3A_71] : memref<32x128xf32, #tpu.memory_space<vmem>> -> memref<5x128xf32, #tpu.memory_space<vmem>>
      %dma_start3A_73 = arith.constant 0 : i32
      %dma_start3A_74 = tpu.memref_slice %arg15[%mul3A_64, %dma_start3A_73] : memref<80x128xf32, #tpu.memory_space<vmem_shared>> -> memref<5x128xf32, #tpu.memory_space<vmem_shared>>
      %dma_start3A_75 = arith.constant 0 : i32
      %dma_start3A_76 = tpu.memref_slice %arg15[%mul3A_64, %dma_start3A_75] : memref<80x128xf32, #tpu.memory_space<vmem_shared>> -> memref<5x128xf32, #tpu.memory_space<vmem_shared>>
      %dma_start3A_77 = arith.constant 0 : i32
      %dma_start3A_78 = arith.constant 0 : i32
      %dma_start3A_79 = tpu.memref_slice %arg11[%dma_start3A_77, %dma_start3A_78] : memref<32x128xf32, #tpu.memory_space<vmem>> -> memref<5x128xf32, #tpu.memory_space<vmem>>
      tpu.enqueue_dma source(%dma_start3A_79 : memref<5x128xf32, #tpu.memory_space<vmem>>) target(%dma_start3A_76 : memref<5x128xf32, #tpu.memory_space<vmem_shared>>) target_semaphore(%run_scoped3A : memref<!tpu.dma_semaphore, #tpu.memory_space<semaphore_mem>>)
      %dma_wait3A = arith.constant 0 : i32
      %dma_wait3A_80 = arith.constant 0 : i32
      %dma_wait3A_81 = tpu.memref_slice %arg11[%dma_wait3A, %dma_wait3A_80] : memref<32x128xf32, #tpu.memory_space<vmem>> -> memref<5x128xf32, #tpu.memory_space<vmem>>
      %dma_wait3A_82 = arith.constant 0 : i32
      %dma_wait3A_83 = tpu.memref_slice %arg15[%mul3A_64, %dma_wait3A_82] : memref<80x128xf32, #tpu.memory_space<vmem_shared>> -> memref<5x128xf32, #tpu.memory_space<vmem_shared>>
      %dma_wait3A_84 = arith.constant 0 : i32
      %dma_wait3A_85 = tpu.memref_slice %arg15[%mul3A_64, %dma_wait3A_84] : memref<80x128xf32, #tpu.memory_space<vmem_shared>> -> memref<5x128xf32, #tpu.memory_space<vmem_shared>>
      %dma_wait3A_86 = arith.constant 0 : i32
      %dma_wait3A_87 = arith.constant 0 : i32
      %dma_wait3A_88 = tpu.memref_slice %arg11[%dma_wait3A_86, %dma_wait3A_87] : memref<32x128xf32, #tpu.memory_space<vmem>> -> memref<5x128xf32, #tpu.memory_space<vmem>>
      tpu.wait_dma2 semaphore(%run_scoped3A : memref<!tpu.dma_semaphore, #tpu.memory_space<semaphore_mem>>) src(%dma_wait3A_88 : memref<5x128xf32, #tpu.memory_space<vmem>>) dst(%dma_wait3A_85 : memref<5x128xf32, #tpu.memory_space<vmem_shared>>)
      tpu.yield
    }) : () -> ()
    %barrier3A = arith.constant 0 : index
    tpu.barrier barrier_id(%barrier3A)
    %scan3A = arith.constant 0 : i32
    %scan3A_65 = arith.constant 0 : i32
    %scan3A_66 = arith.constant 10 : i32
    %scan3A_67 = arith.addi %scan3A_65, %scan3A_66 : i32
    %scan3A_68 = arith.constant 1 : i32
    %scan3A_69 = scf.for %scan3A_71 = %scan3A_65 to %scan3A_67 step %scan3A_68 iter_args(%scan3A_72 = %scan3A) -> (i32)  : i32 {
      %mul3A_73 = arith.constant 1024 : i32
      %mul3A_74 = arith.muli %scan3A_71, %mul3A_73 : i32
      %add3A_75 = arith.constant 1024 : i32
      %add3A_76 = arith.addi %mul3A_74, %add3A_75 : i32
      "tpu.region"() ({
        %run_scoped3A = tpu.sem_alloc : memref<!tpu.dma_semaphore, #tpu.memory_space<semaphore_mem>>
        %dma_start3A = arith.constant 0 : i32
        %dma_start3A_281 = arith.constant 0 : i32
        %dma_start3A_282 = tpu.memref_slice %arg4[%dma_start3A, %dma_start3A_281] : memref<80x128xf32, #tpu.memory_space<hbm>> -> memref<80x128xf32, #tpu.memory_space<hbm>>
        %dma_start3A_283 = arith.constant 0 : i32
        %dma_start3A_284 = arith.constant 0 : i32
        %dma_start3A_285 = tpu.memref_slice %arg4[%dma_start3A_283, %dma_start3A_284] : memref<80x128xf32, #tpu.memory_space<hbm>> -> memref<80x128xf32, #tpu.memory_space<hbm>>
        tpu.enqueue_dma source(%dma_start3A_285 : memref<80x128xf32, #tpu.memory_space<hbm>>) target(%arg12 : memref<80x128xf32, #tpu.memory_space<vmem>>) target_semaphore(%run_scoped3A : memref<!tpu.dma_semaphore, #tpu.memory_space<semaphore_mem>>)
        %dma_wait3A = arith.constant 0 : i32
        %dma_wait3A_286 = arith.constant 0 : i32
        %dma_wait3A_287 = tpu.memref_slice %arg4[%dma_wait3A, %dma_wait3A_286] : memref<80x128xf32, #tpu.memory_space<hbm>> -> memref<80x128xf32, #tpu.memory_space<hbm>>
        %dma_wait3A_288 = arith.constant 0 : i32
        %dma_wait3A_289 = arith.constant 0 : i32
        %dma_wait3A_290 = tpu.memref_slice %arg4[%dma_wait3A_288, %dma_wait3A_289] : memref<80x128xf32, #tpu.memory_space<hbm>> -> memref<80x128xf32, #tpu.memory_space<hbm>>
        tpu.wait_dma2 semaphore(%run_scoped3A : memref<!tpu.dma_semaphore, #tpu.memory_space<semaphore_mem>>) src(%dma_wait3A_290 : memref<80x128xf32, #tpu.memory_space<hbm>>) dst(%arg12 : memref<80x128xf32, #tpu.memory_space<vmem>>)
        tpu.yield
      }) : () -> ()
      %scan3A_77 = arith.constant 0 : i32
      %scan3A_78 = arith.constant 0 : i32
      %scan3A_79 = arith.constant 640 : i32
      %scan3A_80 = arith.addi %scan3A_78, %scan3A_79 : i32
      %scan3A_81 = arith.constant 1 : i32
      %scan3A_82 = scf.for %scan3A_281 = %scan3A_78 to %scan3A_80 step %scan3A_81 iter_args(%scan3A_282 = %scan3A_77) -> (i32)  : i32 {
        %mul3A_283 = arith.constant 16 : i32
        %mul3A_284 = arith.muli %scan3A_281, %mul3A_283 : i32
        %get3A = arith.index_cast %mul3A_284 : i32 to index
        %get3A_285 = tpu.vector_load %arg7[%get3A] {strides = array<i32>} : memref<10240xi32, #tpu.memory_space<vmem>>, vector<16xi32>,
        %and3A_286 = arith.constant 16383 : i32
        %and3A_287 = vector.broadcast %and3A_286 : i32 to vector<16xi32>
        %and3A_288 = arith.andi %get3A_285, %and3A_287 : vector<16xi32>
        %shift_right_logical3A_289 = arith.constant 14 : i32
        %shift_right_logical3A_290 = vector.broadcast %shift_right_logical3A_289 : i32 to vector<16xi32>
        %shift_right_logical3A_291 = arith.shrui %get3A_285, %shift_right_logical3A_290 : vector<16xi32>
        %and3A_292 = arith.constant 16383 : i32
        %and3A_293 = vector.broadcast %and3A_292 : i32 to vector<16xi32>
        %and3A_294 = arith.andi %shift_right_logical3A_291, %and3A_293 : vector<16xi32>
        %shift_right_logical3A_295 = arith.constant 28 : i32
        %shift_right_logical3A_296 = vector.broadcast %shift_right_logical3A_295 : i32 to vector<16xi32>
        %shift_right_logical3A_297 = arith.shrui %get3A_285, %shift_right_logical3A_296 : vector<16xi32>
        %ge3A = vector.broadcast %mul3A_74 : i32 to vector<16xi32>
        %ge3A_298 = arith.cmpi sge, %and3A_294, %ge3A : vector<16xi32>
        %lt3A_299 = vector.broadcast %add3A_76 : i32 to vector<16xi32>
        %lt3A_300 = arith.cmpi slt, %and3A_294, %lt3A_299 : vector<16xi32>
        %and3A_301 = arith.andi %ge3A_298, %lt3A_300 : vector<16xi1>
        %convert_element_type3A = arith.extui %and3A_301 : vector<16xi1> to vector<16xi32>
        %sub3A = vector.broadcast %mul3A_74 : i32 to vector<16xi32>
        %sub3A_302 = arith.subi %and3A_294, %sub3A : vector<16xi32>
        %mul3A_303 = arith.constant 1024 : i32
        %mul3A_304 = vector.broadcast %mul3A_303 : i32 to vector<16xi32>
        %mul3A_305 = arith.muli %shift_right_logical3A_297, %mul3A_304 : vector<16xi32>
        %add3A_306 = arith.addi %mul3A_305, %sub3A_302 : vector<16xi32>
        %shift_left3A = arith.constant 3 : i32
        %shift_left3A_307 = vector.broadcast %shift_left3A : i32 to vector<16xi32>
        %shift_left3A_308 = arith.shli %sub3A_302, %shift_left3A_307 : vector<16xi32>
        %add3A_309 = arith.addi %shift_left3A_308, %shift_right_logical3A_297 : vector<16xi32>
        %shift_right_logical3A_310 = arith.constant 7 : i32
        %shift_right_logical3A_311 = vector.broadcast %shift_right_logical3A_310 : i32 to vector<16xi32>
        %shift_right_logical3A_312 = arith.shrui %add3A_309, %shift_right_logical3A_311 : vector<16xi32>
        %and3A_313 = arith.constant 127 : i32
        %and3A_314 = vector.broadcast %and3A_313 : i32 to vector<16xi32>
        %and3A_315 = arith.andi %add3A_309, %and3A_314 : vector<16xi32>
        %broadcast_in_dim3A_316 = arith.constant 1.000000e+00 : f32
        %broadcast_in_dim3A_317 = vector.broadcast %broadcast_in_dim3A_316 : f32 to vector<16xf32>
        tpu.vector_store_idx %arg12[%shift_right_logical3A_312, %and3A_315], %broadcast_in_dim3A_317 masked %and3A_301 {add = true} : memref<80x128xf32, #tpu.memory_space<vmem>>[vector<16xi32>, vector<16xi32>], vector<16xf32>, vector<16xi1>
        %broadcast_in_dim3A_318 = arith.constant true
        %broadcast_in_dim3A_319 = vector.broadcast %broadcast_in_dim3A_318 : i1 to vector<16xi1>
        %masked_cumsum3A = tpu.scan <sum>, %convert_element_type3A masked %broadcast_in_dim3A_319 : vector<16xi32>, vector<16xi1> -> vector<16xi32>
        %add3A_320 = vector.broadcast %scan3A_282 : i32 to vector<16xi32>
        %add3A_321 = arith.addi %add3A_320, %masked_cumsum3A : vector<16xi32>
        %sub3A_322 = arith.constant 1 : i32
        %sub3A_323 = vector.broadcast %sub3A_322 : i32 to vector<16xi32>
        %sub3A_324 = arith.subi %add3A_321, %sub3A_323 : vector<16xi32>
        %jit3A = arith.constant 0 : i32
        %broadcast_in_dim3A_325 = vector.broadcast %jit3A : i32 to vector<16xi32>
        %select_n3A = arith.select %and3A_301, %sub3A_324, %broadcast_in_dim3A_325 : vector<16xi1>, vector<16xi32>
        %shift_right_logical3A_326 = arith.constant 7 : i32
        %shift_right_logical3A_327 = vector.broadcast %shift_right_logical3A_326 : i32 to vector<16xi32>
        %shift_right_logical3A_328 = arith.shrui %select_n3A, %shift_right_logical3A_327 : vector<16xi32>
        %and3A_329 = arith.constant 127 : i32
        %and3A_330 = vector.broadcast %and3A_329 : i32 to vector<16xi32>
        %and3A_331 = arith.andi %select_n3A, %and3A_330 : vector<16xi32>
        tpu.vector_store_idx %arg9[%shift_right_logical3A_328, %and3A_331], %add3A_306 masked %and3A_301 : memref<80x128xi32, #tpu.memory_space<vmem>>[vector<16xi32>, vector<16xi32>], vector<16xi32>, vector<16xi1>
        tpu.vector_store_idx %arg8[%shift_right_logical3A_328, %and3A_331], %and3A_288 masked %and3A_301 : memref<80x128xi32, #tpu.memory_space<vmem>>[vector<16xi32>, vector<16xi32>], vector<16xi32>, vector<16xi1>
        %slice3A = vector.extract_strided_slice %masked_cumsum3A {offsets = [15], sizes = [1], strides = [1]} : vector<16xi32> to vector<1xi32>
        %squeeze3A = vector.extract %slice3A[0] : i32 from vector<1xi32>
        %add3A_332 = arith.addi %scan3A_282, %squeeze3A : i32
        scf.yield %add3A_332 : i32
      }
      %scan3A_83 = arith.constant 640 : i32
      %add3A_84 = arith.constant 127 : i32
      %add3A_85 = arith.addi %scan3A_82, %add3A_84 : i32
      %not3A = arith.constant 127 : i32
      %not3A_86 = arith.constant -1 : i32
      %not3A_87 = arith.xori %not3A, %not3A_86 : i32
      %and3A = arith.andi %add3A_85, %not3A_87 : i32
      %add3A_88 = arith.constant 0 : i32
      %add3A_89 = arith.addi %scan3A_82, %add3A_88 : i32
      %add3A_90 = vector.broadcast %add3A_89 : i32 to vector<16xi32>
      %add3A_91 = arith.addi %add3A_90, %iota3A : vector<16xi32>
      %lt3A = vector.broadcast %and3A : i32 to vector<16xi32>
      %lt3A_92 = arith.cmpi slt, %add3A_91, %lt3A : vector<16xi32>
      %shift_right_logical3A = arith.constant 7 : i32
      %shift_right_logical3A_93 = vector.broadcast %shift_right_logical3A : i32 to vector<16xi32>
      %shift_right_logical3A_94 = arith.shrui %add3A_91, %shift_right_logical3A_93 : vector<16xi32>
      %and3A_95 = arith.constant 127 : i32
      %and3A_96 = vector.broadcast %and3A_95 : i32 to vector<16xi32>
      %and3A_97 = arith.andi %add3A_91, %and3A_96 : vector<16xi32>
      %broadcast_in_dim3A = arith.constant 8192 : i32
      %broadcast_in_dim3A_98 = vector.broadcast %broadcast_in_dim3A : i32 to vector<16xi32>
      tpu.vector_store_idx %arg9[%shift_right_logical3A_94, %and3A_97], %broadcast_in_dim3A_98 masked %lt3A_92 : memref<80x128xi32, #tpu.memory_space<vmem>>[vector<16xi32>, vector<16xi32>], vector<16xi32>, vector<16xi1>
      %broadcast_in_dim3A_99 = arith.constant 0 : i32
      %broadcast_in_dim3A_100 = vector.broadcast %broadcast_in_dim3A_99 : i32 to vector<16xi32>
      tpu.vector_store_idx %arg8[%shift_right_logical3A_94, %and3A_97], %broadcast_in_dim3A_100 masked %lt3A_92 : memref<80x128xi32, #tpu.memory_space<vmem>>[vector<16xi32>, vector<16xi32>], vector<16xi32>, vector<16xi1>
      %add3A_101 = arith.constant 16 : i32
      %add3A_102 = arith.addi %scan3A_82, %add3A_101 : i32
      %add3A_103 = vector.broadcast %add3A_102 : i32 to vector<16xi32>
      %add3A_104 = arith.addi %add3A_103, %iota3A : vector<16xi32>
      %lt3A_105 = vector.broadcast %and3A : i32 to vector<16xi32>
      %lt3A_106 = arith.cmpi slt, %add3A_104, %lt3A_105 : vector<16xi32>
      %shift_right_logical3A_107 = arith.constant 7 : i32
      %shift_right_logical3A_108 = vector.broadcast %shift_right_logical3A_107 : i32 to vector<16xi32>
      %shift_right_logical3A_109 = arith.shrui %add3A_104, %shift_right_logical3A_108 : vector<16xi32>
      %and3A_110 = arith.constant 127 : i32
      %and3A_111 = vector.broadcast %and3A_110 : i32 to vector<16xi32>
      %and3A_112 = arith.andi %add3A_104, %and3A_111 : vector<16xi32>
      %broadcast_in_dim3A_113 = arith.constant 8192 : i32
      %broadcast_in_dim3A_114 = vector.broadcast %broadcast_in_dim3A_113 : i32 to vector<16xi32>
      tpu.vector_store_idx %arg9[%shift_right_logical3A_109, %and3A_112], %broadcast_in_dim3A_114 masked %lt3A_106 : memref<80x128xi32, #tpu.memory_space<vmem>>[vector<16xi32>, vector<16xi32>], vector<16xi32>, vector<16xi1>
      %broadcast_in_dim3A_115 = arith.constant 0 : i32
      %broadcast_in_dim3A_116 = vector.broadcast %broadcast_in_dim3A_115 : i32 to vector<16xi32>
      tpu.vector_store_idx %arg8[%shift_right_logical3A_109, %and3A_112], %broadcast_in_dim3A_116 masked %lt3A_106 : memref<80x128xi32, #tpu.memory_space<vmem>>[vector<16xi32>, vector<16xi32>], vector<16xi32>, vector<16xi1>
      %add3A_117 = arith.constant 32 : i32
      %add3A_118 = arith.addi %scan3A_82, %add3A_117 : i32
      %add3A_119 = vector.broadcast %add3A_118 : i32 to vector<16xi32>
      %add3A_120 = arith.addi %add3A_119, %iota3A : vector<16xi32>
      %lt3A_121 = vector.broadcast %and3A : i32 to vector<16xi32>
      %lt3A_122 = arith.cmpi slt, %add3A_120, %lt3A_121 : vector<16xi32>
      %shift_right_logical3A_123 = arith.constant 7 : i32
      %shift_right_logical3A_124 = vector.broadcast %shift_right_logical3A_123 : i32 to vector<16xi32>
      %shift_right_logical3A_125 = arith.shrui %add3A_120, %shift_right_logical3A_124 : vector<16xi32>
      %and3A_126 = arith.constant 127 : i32
      %and3A_127 = vector.broadcast %and3A_126 : i32 to vector<16xi32>
      %and3A_128 = arith.andi %add3A_120, %and3A_127 : vector<16xi32>
      %broadcast_in_dim3A_129 = arith.constant 8192 : i32
      %broadcast_in_dim3A_130 = vector.broadcast %broadcast_in_dim3A_129 : i32 to vector<16xi32>
      tpu.vector_store_idx %arg9[%shift_right_logical3A_125, %and3A_128], %broadcast_in_dim3A_130 masked %lt3A_122 : memref<80x128xi32, #tpu.memory_space<vmem>>[vector<16xi32>, vector<16xi32>], vector<16xi32>, vector<16xi1>
      %broadcast_in_dim3A_131 = arith.constant 0 : i32
      %broadcast_in_dim3A_132 = vector.broadcast %broadcast_in_dim3A_131 : i32 to vector<16xi32>
      tpu.vector_store_idx %arg8[%shift_right_logical3A_125, %and3A_128], %broadcast_in_dim3A_132 masked %lt3A_122 : memref<80x128xi32, #tpu.memory_space<vmem>>[vector<16xi32>, vector<16xi32>], vector<16xi32>, vector<16xi1>
      %add3A_133 = arith.constant 48 : i32
      %add3A_134 = arith.addi %scan3A_82, %add3A_133 : i32
      %add3A_135 = vector.broadcast %add3A_134 : i32 to vector<16xi32>
      %add3A_136 = arith.addi %add3A_135, %iota3A : vector<16xi32>
      %lt3A_137 = vector.broadcast %and3A : i32 to vector<16xi32>
      %lt3A_138 = arith.cmpi slt, %add3A_136, %lt3A_137 : vector<16xi32>
      %shift_right_logical3A_139 = arith.constant 7 : i32
      %shift_right_logical3A_140 = vector.broadcast %shift_right_logical3A_139 : i32 to vector<16xi32>
      %shift_right_logical3A_141 = arith.shrui %add3A_136, %shift_right_logical3A_140 : vector<16xi32>
      %and3A_142 = arith.constant 127 : i32
      %and3A_143 = vector.broadcast %and3A_142 : i32 to vector<16xi32>
      %and3A_144 = arith.andi %add3A_136, %and3A_143 : vector<16xi32>
      %broadcast_in_dim3A_145 = arith.constant 8192 : i32
      %broadcast_in_dim3A_146 = vector.broadcast %broadcast_in_dim3A_145 : i32 to vector<16xi32>
      tpu.vector_store_idx %arg9[%shift_right_logical3A_141, %and3A_144], %broadcast_in_dim3A_146 masked %lt3A_138 : memref<80x128xi32, #tpu.memory_space<vmem>>[vector<16xi32>, vector<16xi32>], vector<16xi32>, vector<16xi1>
      %broadcast_in_dim3A_147 = arith.constant 0 : i32
      %broadcast_in_dim3A_148 = vector.broadcast %broadcast_in_dim3A_147 : i32 to vector<16xi32>
      tpu.vector_store_idx %arg8[%shift_right_logical3A_141, %and3A_144], %broadcast_in_dim3A_148 masked %lt3A_138 : memref<80x128xi32, #tpu.memory_space<vmem>>[vector<16xi32>, vector<16xi32>], vector<16xi32>, vector<16xi1>
      %add3A_149 = arith.constant 64 : i32
      %add3A_150 = arith.addi %scan3A_82, %add3A_149 : i32
      %add3A_151 = vector.broadcast %add3A_150 : i32 to vector<16xi32>
      %add3A_152 = arith.addi %add3A_151, %iota3A : vector<16xi32>
      %lt3A_153 = vector.broadcast %and3A : i32 to vector<16xi32>
      %lt3A_154 = arith.cmpi slt, %add3A_152, %lt3A_153 : vector<16xi32>
      %shift_right_logical3A_155 = arith.constant 7 : i32
      %shift_right_logical3A_156 = vector.broadcast %shift_right_logical3A_155 : i32 to vector<16xi32>
      %shift_right_logical3A_157 = arith.shrui %add3A_152, %shift_right_logical3A_156 : vector<16xi32>
      %and3A_158 = arith.constant 127 : i32
      %and3A_159 = vector.broadcast %and3A_158 : i32 to vector<16xi32>
      %and3A_160 = arith.andi %add3A_152, %and3A_159 : vector<16xi32>
      %broadcast_in_dim3A_161 = arith.constant 8192 : i32
      %broadcast_in_dim3A_162 = vector.broadcast %broadcast_in_dim3A_161 : i32 to vector<16xi32>
      tpu.vector_store_idx %arg9[%shift_right_logical3A_157, %and3A_160], %broadcast_in_dim3A_162 masked %lt3A_154 : memref<80x128xi32, #tpu.memory_space<vmem>>[vector<16xi32>, vector<16xi32>], vector<16xi32>, vector<16xi1>
      %broadcast_in_dim3A_163 = arith.constant 0 : i32
      %broadcast_in_dim3A_164 = vector.broadcast %broadcast_in_dim3A_163 : i32 to vector<16xi32>
      tpu.vector_store_idx %arg8[%shift_right_logical3A_157, %and3A_160], %broadcast_in_dim3A_164 masked %lt3A_154 : memref<80x128xi32, #tpu.memory_space<vmem>>[vector<16xi32>, vector<16xi32>], vector<16xi32>, vector<16xi1>
      %add3A_165 = arith.constant 80 : i32
      %add3A_166 = arith.addi %scan3A_82, %add3A_165 : i32
      %add3A_167 = vector.broadcast %add3A_166 : i32 to vector<16xi32>
      %add3A_168 = arith.addi %add3A_167, %iota3A : vector<16xi32>
      %lt3A_169 = vector.broadcast %and3A : i32 to vector<16xi32>
      %lt3A_170 = arith.cmpi slt, %add3A_168, %lt3A_169 : vector<16xi32>
      %shift_right_logical3A_171 = arith.constant 7 : i32
      %shift_right_logical3A_172 = vector.broadcast %shift_right_logical3A_171 : i32 to vector<16xi32>
      %shift_right_logical3A_173 = arith.shrui %add3A_168, %shift_right_logical3A_172 : vector<16xi32>
      %and3A_174 = arith.constant 127 : i32
      %and3A_175 = vector.broadcast %and3A_174 : i32 to vector<16xi32>
      %and3A_176 = arith.andi %add3A_168, %and3A_175 : vector<16xi32>
      %broadcast_in_dim3A_177 = arith.constant 8192 : i32
      %broadcast_in_dim3A_178 = vector.broadcast %broadcast_in_dim3A_177 : i32 to vector<16xi32>
      tpu.vector_store_idx %arg9[%shift_right_logical3A_173, %and3A_176], %broadcast_in_dim3A_178 masked %lt3A_170 : memref<80x128xi32, #tpu.memory_space<vmem>>[vector<16xi32>, vector<16xi32>], vector<16xi32>, vector<16xi1>
      %broadcast_in_dim3A_179 = arith.constant 0 : i32
      %broadcast_in_dim3A_180 = vector.broadcast %broadcast_in_dim3A_179 : i32 to vector<16xi32>
      tpu.vector_store_idx %arg8[%shift_right_logical3A_173, %and3A_176], %broadcast_in_dim3A_180 masked %lt3A_170 : memref<80x128xi32, #tpu.memory_space<vmem>>[vector<16xi32>, vector<16xi32>], vector<16xi32>, vector<16xi1>
      %add3A_181 = arith.constant 96 : i32
      %add3A_182 = arith.addi %scan3A_82, %add3A_181 : i32
      %add3A_183 = vector.broadcast %add3A_182 : i32 to vector<16xi32>
      %add3A_184 = arith.addi %add3A_183, %iota3A : vector<16xi32>
      %lt3A_185 = vector.broadcast %and3A : i32 to vector<16xi32>
      %lt3A_186 = arith.cmpi slt, %add3A_184, %lt3A_185 : vector<16xi32>
      %shift_right_logical3A_187 = arith.constant 7 : i32
      %shift_right_logical3A_188 = vector.broadcast %shift_right_logical3A_187 : i32 to vector<16xi32>
      %shift_right_logical3A_189 = arith.shrui %add3A_184, %shift_right_logical3A_188 : vector<16xi32>
      %and3A_190 = arith.constant 127 : i32
      %and3A_191 = vector.broadcast %and3A_190 : i32 to vector<16xi32>
      %and3A_192 = arith.andi %add3A_184, %and3A_191 : vector<16xi32>
      %broadcast_in_dim3A_193 = arith.constant 8192 : i32
      %broadcast_in_dim3A_194 = vector.broadcast %broadcast_in_dim3A_193 : i32 to vector<16xi32>
      tpu.vector_store_idx %arg9[%shift_right_logical3A_189, %and3A_192], %broadcast_in_dim3A_194 masked %lt3A_186 : memref<80x128xi32, #tpu.memory_space<vmem>>[vector<16xi32>, vector<16xi32>], vector<16xi32>, vector<16xi1>
      %broadcast_in_dim3A_195 = arith.constant 0 : i32
      %broadcast_in_dim3A_196 = vector.broadcast %broadcast_in_dim3A_195 : i32 to vector<16xi32>
      tpu.vector_store_idx %arg8[%shift_right_logical3A_189, %and3A_192], %broadcast_in_dim3A_196 masked %lt3A_186 : memref<80x128xi32, #tpu.memory_space<vmem>>[vector<16xi32>, vector<16xi32>], vector<16xi32>, vector<16xi1>
      %add3A_197 = arith.constant 112 : i32
      %add3A_198 = arith.addi %scan3A_82, %add3A_197 : i32
      %add3A_199 = vector.broadcast %add3A_198 : i32 to vector<16xi32>
      %add3A_200 = arith.addi %add3A_199, %iota3A : vector<16xi32>
      %lt3A_201 = vector.broadcast %and3A : i32 to vector<16xi32>
      %lt3A_202 = arith.cmpi slt, %add3A_200, %lt3A_201 : vector<16xi32>
      %shift_right_logical3A_203 = arith.constant 7 : i32
      %shift_right_logical3A_204 = vector.broadcast %shift_right_logical3A_203 : i32 to vector<16xi32>
      %shift_right_logical3A_205 = arith.shrui %add3A_200, %shift_right_logical3A_204 : vector<16xi32>
      %and3A_206 = arith.constant 127 : i32
      %and3A_207 = vector.broadcast %and3A_206 : i32 to vector<16xi32>
      %and3A_208 = arith.andi %add3A_200, %and3A_207 : vector<16xi32>
      %broadcast_in_dim3A_209 = arith.constant 8192 : i32
      %broadcast_in_dim3A_210 = vector.broadcast %broadcast_in_dim3A_209 : i32 to vector<16xi32>
      tpu.vector_store_idx %arg9[%shift_right_logical3A_205, %and3A_208], %broadcast_in_dim3A_210 masked %lt3A_202 : memref<80x128xi32, #tpu.memory_space<vmem>>[vector<16xi32>, vector<16xi32>], vector<16xi32>, vector<16xi1>
      %broadcast_in_dim3A_211 = arith.constant 0 : i32
      %broadcast_in_dim3A_212 = vector.broadcast %broadcast_in_dim3A_211 : i32 to vector<16xi32>
      tpu.vector_store_idx %arg8[%shift_right_logical3A_205, %and3A_208], %broadcast_in_dim3A_212 masked %lt3A_202 : memref<80x128xi32, #tpu.memory_space<vmem>>[vector<16xi32>, vector<16xi32>], vector<16xi32>, vector<16xi1>
      %shift_right_logical3A_213 = arith.constant 7 : i32
      %shift_right_logical3A_214 = arith.shrui %and3A, %shift_right_logical3A_213 : i32
      %while3A = arith.constant 0 : i32
      %while3A_215 = arith.constant 0 : i32
      %while3A_216 = arith.subi %shift_right_logical3A_214, %while3A : i32
      %while3A_217 = arith.addi %while3A, %while3A_216 : i32
      %while3A_218 = arith.constant 1 : i32
      %while3A_219 = arith.divsi %while3A_216, %while3A_218 : i32
      %while3A_220 = arith.muli %while3A_219, %while3A_218 : i32
      %while3A_221 = arith.addi %while3A, %while3A_220 : i32
      %while3A_222 = arith.constant 1 : i32
      %while3A_223 = scf.for %while3A_281 = %while3A to %while3A_221 step %while3A_222 iter_args(%while3A_282 = %while3A_215) -> (i32)  : i32 {
        %dma_start3A = arith.constant 0 : i32
        %dma_start3A_283 = tpu.memref_slice %arg8[%while3A_281, %dma_start3A] : memref<80x128xi32, #tpu.memory_space<vmem>> -> memref<1x128xi32, #tpu.memory_space<vmem>>
        %dma_start3A_284 = tpu.memref_squeeze %dma_start3A_283 : memref<1x128xi32, #tpu.memory_space<vmem>> -> memref<128xi32, #tpu.memory_space<vmem>>
        %dma_start3A_285 = arith.constant 0 : i32
        %dma_start3A_286 = arith.constant 0 : i32
        %dma_start3A_287 = tpu.memref_slice %arg2[%dma_start3A_285, %dma_start3A_286] : memref<10240x128xf32, #tpu.memory_space<hbm>> -> memref<10240x128xf32, #tpu.memory_space<hbm>>
        tpu.enqueue_indirect_dma source(%dma_start3A_287 : memref<10240x128xf32, #tpu.memory_space<hbm>>) target(%arg10 : memref<128x128xf32, #tpu.memory_space<vmem>>) offsets(%dma_start3A_284 : memref<128xi32, #tpu.memory_space<vmem>>) semaphore(%arg16 : memref<!tpu.dma_semaphore, #tpu.memory_space<semaphore_mem>>)
        %dma_wait3A = arith.constant 0 : i32
        %dma_wait3A_288 = tpu.memref_slice %arg8[%while3A_281, %dma_wait3A] : memref<80x128xi32, #tpu.memory_space<vmem>> -> memref<1x128xi32, #tpu.memory_space<vmem>>
        %dma_wait3A_289 = tpu.memref_squeeze %dma_wait3A_288 : memref<1x128xi32, #tpu.memory_space<vmem>> -> memref<128xi32, #tpu.memory_space<vmem>>
        %dma_wait3A_290 = arith.constant 0 : i32
        %dma_wait3A_291 = arith.constant 0 : i32
        %dma_wait3A_292 = tpu.memref_slice %arg2[%dma_wait3A_290, %dma_wait3A_291] : memref<10240x128xf32, #tpu.memory_space<hbm>> -> memref<10240x128xf32, #tpu.memory_space<hbm>>
        tpu.wait_indirect_dma semaphore(%arg16 : memref<!tpu.dma_semaphore, #tpu.memory_space<semaphore_mem>>) src(%dma_wait3A_292 : memref<10240x128xf32, #tpu.memory_space<hbm>>) dst(%arg10 : memref<128x128xf32, #tpu.memory_space<vmem>>)
        "tpu.region"() ({
          %run_scoped3A = tpu.sem_alloc : memref<!tpu.dma_semaphore, #tpu.memory_space<semaphore_mem>>
          %dma_start3A_294 = arith.constant 0 : i32
          %dma_start3A_295 = tpu.memref_slice %arg9[%while3A_281, %dma_start3A_294] : memref<80x128xi32, #tpu.memory_space<vmem>> -> memref<1x128xi32, #tpu.memory_space<vmem>>
          %dma_start3A_296 = tpu.memref_squeeze %dma_start3A_295 : memref<1x128xi32, #tpu.memory_space<vmem>> -> memref<128xi32, #tpu.memory_space<vmem>>
          %dma_start3A_297 = arith.constant 0 : i32
          %dma_start3A_298 = arith.constant 0 : i32
          %dma_start3A_299 = tpu.memref_slice %arg14[%dma_start3A_297, %dma_start3A_298] : memref<8208x128xf32, #tpu.memory_space<vmem_shared>> -> memref<8208x128xf32, #tpu.memory_space<vmem_shared>>
          tpu.enqueue_indirect_dma source(%arg10 : memref<128x128xf32, #tpu.memory_space<vmem>>) target(%dma_start3A_299 : memref<8208x128xf32, #tpu.memory_space<vmem_shared>>) offsets(%dma_start3A_296 : memref<128xi32, #tpu.memory_space<vmem>>) semaphore(%run_scoped3A : memref<!tpu.dma_semaphore, #tpu.memory_space<semaphore_mem>>) {add = true}
          %dma_wait3A_300 = arith.constant 0 : i32
          %dma_wait3A_301 = tpu.memref_slice %arg9[%while3A_281, %dma_wait3A_300] : memref<80x128xi32, #tpu.memory_space<vmem>> -> memref<1x128xi32, #tpu.memory_space<vmem>>
          %dma_wait3A_302 = tpu.memref_squeeze %dma_wait3A_301 : memref<1x128xi32, #tpu.memory_space<vmem>> -> memref<128xi32, #tpu.memory_space<vmem>>
          %dma_wait3A_303 = arith.constant 0 : i32
          %dma_wait3A_304 = arith.constant 0 : i32
          %dma_wait3A_305 = tpu.memref_slice %arg14[%dma_wait3A_303, %dma_wait3A_304] : memref<8208x128xf32, #tpu.memory_space<vmem_shared>> -> memref<8208x128xf32, #tpu.memory_space<vmem_shared>>
          tpu.wait_indirect_dma semaphore(%run_scoped3A : memref<!tpu.dma_semaphore, #tpu.memory_space<semaphore_mem>>) src(%arg10 : memref<128x128xf32, #tpu.memory_space<vmem>>) dst(%dma_wait3A_305 : memref<8208x128xf32, #tpu.memory_space<vmem_shared>>)
          tpu.yield
        }) : () -> ()
        %while3A_293 = arith.constant 0 : i32
        scf.yield %while3A_293 : i32
      }
      %while3A_224 = arith.constant 1 : i32
      %while3A_225 = scf.for %while3A_281 = %while3A_221 to %while3A_217 step %while3A_224 iter_args(%while3A_282 = %while3A_223) -> (i32)  : i32 {
        %dma_start3A = arith.constant 0 : i32
        %dma_start3A_283 = tpu.memref_slice %arg8[%while3A_281, %dma_start3A] : memref<80x128xi32, #tpu.memory_space<vmem>> -> memref<1x128xi32, #tpu.memory_space<vmem>>
        %dma_start3A_284 = tpu.memref_squeeze %dma_start3A_283 : memref<1x128xi32, #tpu.memory_space<vmem>> -> memref<128xi32, #tpu.memory_space<vmem>>
        %dma_start3A_285 = arith.constant 0 : i32
        %dma_start3A_286 = arith.constant 0 : i32
        %dma_start3A_287 = tpu.memref_slice %arg2[%dma_start3A_285, %dma_start3A_286] : memref<10240x128xf32, #tpu.memory_space<hbm>> -> memref<10240x128xf32, #tpu.memory_space<hbm>>
        tpu.enqueue_indirect_dma source(%dma_start3A_287 : memref<10240x128xf32, #tpu.memory_space<hbm>>) target(%arg10 : memref<128x128xf32, #tpu.memory_space<vmem>>) offsets(%dma_start3A_284 : memref<128xi32, #tpu.memory_space<vmem>>) semaphore(%arg16 : memref<!tpu.dma_semaphore, #tpu.memory_space<semaphore_mem>>)
        %dma_wait3A = arith.constant 0 : i32
        %dma_wait3A_288 = tpu.memref_slice %arg8[%while3A_281, %dma_wait3A] : memref<80x128xi32, #tpu.memory_space<vmem>> -> memref<1x128xi32, #tpu.memory_space<vmem>>
        %dma_wait3A_289 = tpu.memref_squeeze %dma_wait3A_288 : memref<1x128xi32, #tpu.memory_space<vmem>> -> memref<128xi32, #tpu.memory_space<vmem>>
        %dma_wait3A_290 = arith.constant 0 : i32
        %dma_wait3A_291 = arith.constant 0 : i32
        %dma_wait3A_292 = tpu.memref_slice %arg2[%dma_wait3A_290, %dma_wait3A_291] : memref<10240x128xf32, #tpu.memory_space<hbm>> -> memref<10240x128xf32, #tpu.memory_space<hbm>>
        tpu.wait_indirect_dma semaphore(%arg16 : memref<!tpu.dma_semaphore, #tpu.memory_space<semaphore_mem>>) src(%dma_wait3A_292 : memref<10240x128xf32, #tpu.memory_space<hbm>>) dst(%arg10 : memref<128x128xf32, #tpu.memory_space<vmem>>)
        "tpu.region"() ({
          %run_scoped3A = tpu.sem_alloc : memref<!tpu.dma_semaphore, #tpu.memory_space<semaphore_mem>>
          %dma_start3A_294 = arith.constant 0 : i32
          %dma_start3A_295 = tpu.memref_slice %arg9[%while3A_281, %dma_start3A_294] : memref<80x128xi32, #tpu.memory_space<vmem>> -> memref<1x128xi32, #tpu.memory_space<vmem>>
          %dma_start3A_296 = tpu.memref_squeeze %dma_start3A_295 : memref<1x128xi32, #tpu.memory_space<vmem>> -> memref<128xi32, #tpu.memory_space<vmem>>
          %dma_start3A_297 = arith.constant 0 : i32
          %dma_start3A_298 = arith.constant 0 : i32
          %dma_start3A_299 = tpu.memref_slice %arg14[%dma_start3A_297, %dma_start3A_298] : memref<8208x128xf32, #tpu.memory_space<vmem_shared>> -> memref<8208x128xf32, #tpu.memory_space<vmem_shared>>
          tpu.enqueue_indirect_dma source(%arg10 : memref<128x128xf32, #tpu.memory_space<vmem>>) target(%dma_start3A_299 : memref<8208x128xf32, #tpu.memory_space<vmem_shared>>) offsets(%dma_start3A_296 : memref<128xi32, #tpu.memory_space<vmem>>) semaphore(%run_scoped3A : memref<!tpu.dma_semaphore, #tpu.memory_space<semaphore_mem>>) {add = true}
          %dma_wait3A_300 = arith.constant 0 : i32
          %dma_wait3A_301 = tpu.memref_slice %arg9[%while3A_281, %dma_wait3A_300] : memref<80x128xi32, #tpu.memory_space<vmem>> -> memref<1x128xi32, #tpu.memory_space<vmem>>
          %dma_wait3A_302 = tpu.memref_squeeze %dma_wait3A_301 : memref<1x128xi32, #tpu.memory_space<vmem>> -> memref<128xi32, #tpu.memory_space<vmem>>
          %dma_wait3A_303 = arith.constant 0 : i32
          %dma_wait3A_304 = arith.constant 0 : i32
          %dma_wait3A_305 = tpu.memref_slice %arg14[%dma_wait3A_303, %dma_wait3A_304] : memref<8208x128xf32, #tpu.memory_space<vmem_shared>> -> memref<8208x128xf32, #tpu.memory_space<vmem_shared>>
          tpu.wait_indirect_dma semaphore(%run_scoped3A : memref<!tpu.dma_semaphore, #tpu.memory_space<semaphore_mem>>) src(%arg10 : memref<128x128xf32, #tpu.memory_space<vmem>>) dst(%dma_wait3A_305 : memref<8208x128xf32, #tpu.memory_space<vmem_shared>>)
          tpu.yield
        }) : () -> ()
        %while3A_293 = arith.constant 0 : i32
        scf.yield %while3A_293 : i32
      }
      "tpu.region"() ({
        %run_scoped3A = tpu.sem_alloc : memref<!tpu.dma_semaphore, #tpu.memory_space<semaphore_mem>>
        %dma_start3A = arith.constant 0 : i32
        %dma_start3A_281 = arith.constant 0 : i32
        %dma_start3A_282 = tpu.memref_slice %arg15[%dma_start3A, %dma_start3A_281] : memref<80x128xf32, #tpu.memory_space<vmem_shared>> -> memref<80x128xf32, #tpu.memory_space<vmem_shared>>
        tpu.enqueue_indirect_dma source(%arg12 : memref<80x128xf32, #tpu.memory_space<vmem>>) target(%dma_start3A_282 : memref<80x128xf32, #tpu.memory_space<vmem_shared>>) offsets(%arg13 : memref<80xi32, #tpu.memory_space<vmem>>) semaphore(%run_scoped3A : memref<!tpu.dma_semaphore, #tpu.memory_space<semaphore_mem>>) {add = true}
        %dma_wait3A = arith.constant 0 : i32
        %dma_wait3A_283 = arith.constant 0 : i32
        %dma_wait3A_284 = tpu.memref_slice %arg15[%dma_wait3A, %dma_wait3A_283] : memref<80x128xf32, #tpu.memory_space<vmem_shared>> -> memref<80x128xf32, #tpu.memory_space<vmem_shared>>
        tpu.wait_indirect_dma semaphore(%run_scoped3A : memref<!tpu.dma_semaphore, #tpu.memory_space<semaphore_mem>>) src(%arg12 : memref<80x128xf32, #tpu.memory_space<vmem>>) dst(%dma_wait3A_284 : memref<80x128xf32, #tpu.memory_space<vmem_shared>>)
        tpu.yield
      }) : () -> ()
      %barrier3A_226 = arith.constant 0 : index
      tpu.barrier barrier_id(%barrier3A_226)
      %mul3A_227 = arith.constant 512 : i32
      %mul3A_228 = arith.muli %arg1, %mul3A_227 : i32
      %mul3A_229 = arith.constant 8192 : i32
      %mul3A_230 = arith.muli %scan3A_71, %mul3A_229 : i32
      %mul3A_231 = arith.constant 512 : i32
      %mul3A_232 = arith.muli %arg1, %mul3A_231 : i32
      %add3A_233 = arith.addi %mul3A_230, %mul3A_232 : i32
      "tpu.region"() ({
        %run_scoped3A = tpu.sem_alloc : memref<!tpu.dma_semaphore, #tpu.memory_space<semaphore_mem>>
        %dma_start3A = arith.constant 0 : i32
        %dma_start3A_281 = tpu.memref_slice %arg5[%arg0, %add3A_233, %dma_start3A] : memref<2x81920x128xf32, #tpu.memory_space<hbm>> -> memref<1x512x128xf32, #tpu.memory_space<hbm>>
        %dma_start3A_282 = tpu.memref_squeeze %dma_start3A_281 : memref<1x512x128xf32, #tpu.memory_space<hbm>> -> memref<512x128xf32, #tpu.memory_space<hbm>>
        %dma_start3A_283 = arith.constant 0 : i32
        %dma_start3A_284 = tpu.memref_slice %arg14[%mul3A_228, %dma_start3A_283] : memref<8208x128xf32, #tpu.memory_space<vmem_shared>> -> memref<512x128xf32, #tpu.memory_space<vmem_shared>>
        tpu.enqueue_dma source(%dma_start3A_284 : memref<512x128xf32, #tpu.memory_space<vmem_shared>>) target(%dma_start3A_282 : memref<512x128xf32, #tpu.memory_space<hbm>>) target_semaphore(%run_scoped3A : memref<!tpu.dma_semaphore, #tpu.memory_space<semaphore_mem>>)
        %dma_wait3A = arith.constant 0 : i32
        %dma_wait3A_285 = tpu.memref_slice %arg5[%arg0, %add3A_233, %dma_wait3A] : memref<2x81920x128xf32, #tpu.memory_space<hbm>> -> memref<1x512x128xf32, #tpu.memory_space<hbm>>
        %dma_wait3A_286 = tpu.memref_squeeze %dma_wait3A_285 : memref<1x512x128xf32, #tpu.memory_space<hbm>> -> memref<512x128xf32, #tpu.memory_space<hbm>>
        %dma_wait3A_287 = arith.constant 0 : i32
        %dma_wait3A_288 = tpu.memref_slice %arg14[%mul3A_228, %dma_wait3A_287] : memref<8208x128xf32, #tpu.memory_space<vmem_shared>> -> memref<512x128xf32, #tpu.memory_space<vmem_shared>>
        tpu.wait_dma2 semaphore(%run_scoped3A : memref<!tpu.dma_semaphore, #tpu.memory_space<semaphore_mem>>) src(%dma_wait3A_288 : memref<512x128xf32, #tpu.memory_space<vmem_shared>>) dst(%dma_wait3A_286 : memref<512x128xf32, #tpu.memory_space<hbm>>)
        tpu.yield
      }) : () -> ()
      %mul3A_234 = arith.constant 4 : i32
      %mul3A_235 = arith.muli %arg1, %mul3A_234 : i32
      %mul3A_236 = arith.constant 64 : i32
      %mul3A_237 = arith.muli %scan3A_71, %mul3A_236 : i32
      %mul3A_238 = arith.constant 4 : i32
      %mul3A_239 = arith.muli %arg1, %mul3A_238 : i32
      %add3A_240 = arith.addi %mul3A_237, %mul3A_239 : i32
      "tpu.region"() ({
        %run_scoped3A = tpu.sem_alloc : memref<!tpu.dma_semaphore, #tpu.memory_space<semaphore_mem>>
        %dma_start3A = arith.constant 0 : i32
        %dma_start3A_281 = tpu.memref_slice %arg6[%arg0, %add3A_240, %dma_start3A] : memref<2x640x128xf32, #tpu.memory_space<hbm>> -> memref<1x4x128xf32, #tpu.memory_space<hbm>>
        %dma_start3A_282 = tpu.memref_squeeze %dma_start3A_281 : memref<1x4x128xf32, #tpu.memory_space<hbm>> -> memref<4x128xf32, #tpu.memory_space<hbm>>
        %dma_start3A_283 = arith.constant 0 : i32
        %dma_start3A_284 = tpu.memref_slice %arg15[%mul3A_235, %dma_start3A_283] : memref<80x128xf32, #tpu.memory_space<vmem_shared>> -> memref<4x128xf32, #tpu.memory_space<vmem_shared>>
        tpu.enqueue_dma source(%dma_start3A_284 : memref<4x128xf32, #tpu.memory_space<vmem_shared>>) target(%dma_start3A_282 : memref<4x128xf32, #tpu.memory_space<hbm>>) target_semaphore(%run_scoped3A : memref<!tpu.dma_semaphore, #tpu.memory_space<semaphore_mem>>)
        %dma_wait3A = arith.constant 0 : i32
        %dma_wait3A_285 = tpu.memref_slice %arg6[%arg0, %add3A_240, %dma_wait3A] : memref<2x640x128xf32, #tpu.memory_space<hbm>> -> memref<1x4x128xf32, #tpu.memory_space<hbm>>
        %dma_wait3A_286 = tpu.memref_squeeze %dma_wait3A_285 : memref<1x4x128xf32, #tpu.memory_space<hbm>> -> memref<4x128xf32, #tpu.memory_space<hbm>>
        %dma_wait3A_287 = arith.constant 0 : i32
        %dma_wait3A_288 = tpu.memref_slice %arg15[%mul3A_235, %dma_wait3A_287] : memref<80x128xf32, #tpu.memory_space<vmem_shared>> -> memref<4x128xf32, #tpu.memory_space<vmem_shared>>
        tpu.wait_dma2 semaphore(%run_scoped3A : memref<!tpu.dma_semaphore, #tpu.memory_space<semaphore_mem>>) src(%dma_wait3A_288 : memref<4x128xf32, #tpu.memory_space<vmem_shared>>) dst(%dma_wait3A_286 : memref<4x128xf32, #tpu.memory_space<hbm>>)
        tpu.yield
      }) : () -> ()
      %mul3A_241 = arith.constant 513 : i32
      %mul3A_242 = arith.muli %arg1, %mul3A_241 : i32
      %add3A_243 = arith.constant 0 : i32
      %add3A_244 = arith.addi %mul3A_242, %add3A_243 : i32
      "tpu.region"() ({
        %run_scoped3A = tpu.sem_alloc : memref<!tpu.dma_semaphore, #tpu.memory_space<semaphore_mem>>
        %dma_start3A = arith.constant 0 : i32
        %dma_start3A_281 = tpu.memref_slice %arg14[%add3A_244, %dma_start3A] : memref<8208x128xf32, #tpu.memory_space<vmem_shared>> -> memref<32x128xf32, #tpu.memory_space<vmem_shared>>
        %dma_start3A_282 = arith.constant 0 : i32
        %dma_start3A_283 = tpu.memref_slice %arg14[%add3A_244, %dma_start3A_282] : memref<8208x128xf32, #tpu.memory_space<vmem_shared>> -> memref<32x128xf32, #tpu.memory_space<vmem_shared>>
        tpu.enqueue_dma source(%arg11 : memref<32x128xf32, #tpu.memory_space<vmem>>) target(%dma_start3A_283 : memref<32x128xf32, #tpu.memory_space<vmem_shared>>) target_semaphore(%run_scoped3A : memref<!tpu.dma_semaphore, #tpu.memory_space<semaphore_mem>>)
        %dma_wait3A = arith.constant 0 : i32
        %dma_wait3A_284 = tpu.memref_slice %arg14[%add3A_244, %dma_wait3A] : memref<8208x128xf32, #tpu.memory_space<vmem_shared>> -> memref<32x128xf32, #tpu.memory_space<vmem_shared>>
        %dma_wait3A_285 = arith.constant 0 : i32
        %dma_wait3A_286 = tpu.memref_slice %arg14[%add3A_244, %dma_wait3A_285] : memref<8208x128xf32, #tpu.memory_space<vmem_shared>> -> memref<32x128xf32, #tpu.memory_space<vmem_shared>>
        tpu.wait_dma2 semaphore(%run_scoped3A : memref<!tpu.dma_semaphore, #tpu.memory_space<semaphore_mem>>) src(%arg11 : memref<32x128xf32, #tpu.memory_space<vmem>>) dst(%dma_wait3A_286 : memref<32x128xf32, #tpu.memory_space<vmem_shared>>)
        tpu.yield
      }) : () -> ()
      %add3A_245 = arith.constant 32 : i32
      %add3A_246 = arith.addi %mul3A_242, %add3A_245 : i32
      "tpu.region"() ({
        %run_scoped3A = tpu.sem_alloc : memref<!tpu.dma_semaphore, #tpu.memory_space<semaphore_mem>>
        %dma_start3A = arith.constant 0 : i32
        %dma_start3A_281 = tpu.memref_slice %arg14[%add3A_246, %dma_start3A] : memref<8208x128xf32, #tpu.memory_space<vmem_shared>> -> memref<32x128xf32, #tpu.memory_space<vmem_shared>>
        %dma_start3A_282 = arith.constant 0 : i32
        %dma_start3A_283 = tpu.memref_slice %arg14[%add3A_246, %dma_start3A_282] : memref<8208x128xf32, #tpu.memory_space<vmem_shared>> -> memref<32x128xf32, #tpu.memory_space<vmem_shared>>
        tpu.enqueue_dma source(%arg11 : memref<32x128xf32, #tpu.memory_space<vmem>>) target(%dma_start3A_283 : memref<32x128xf32, #tpu.memory_space<vmem_shared>>) target_semaphore(%run_scoped3A : memref<!tpu.dma_semaphore, #tpu.memory_space<semaphore_mem>>)
        %dma_wait3A = arith.constant 0 : i32
        %dma_wait3A_284 = tpu.memref_slice %arg14[%add3A_246, %dma_wait3A] : memref<8208x128xf32, #tpu.memory_space<vmem_shared>> -> memref<32x128xf32, #tpu.memory_space<vmem_shared>>
        %dma_wait3A_285 = arith.constant 0 : i32
        %dma_wait3A_286 = tpu.memref_slice %arg14[%add3A_246, %dma_wait3A_285] : memref<8208x128xf32, #tpu.memory_space<vmem_shared>> -> memref<32x128xf32, #tpu.memory_space<vmem_shared>>
        tpu.wait_dma2 semaphore(%run_scoped3A : memref<!tpu.dma_semaphore, #tpu.memory_space<semaphore_mem>>) src(%arg11 : memref<32x128xf32, #tpu.memory_space<vmem>>) dst(%dma_wait3A_286 : memref<32x128xf32, #tpu.memory_space<vmem_shared>>)
        tpu.yield
      }) : () -> ()
      %add3A_247 = arith.constant 64 : i32
      %add3A_248 = arith.addi %mul3A_242, %add3A_247 : i32
      "tpu.region"() ({
        %run_scoped3A = tpu.sem_alloc : memref<!tpu.dma_semaphore, #tpu.memory_space<semaphore_mem>>
        %dma_start3A = arith.constant 0 : i32
        %dma_start3A_281 = tpu.memref_slice %arg14[%add3A_248, %dma_start3A] : memref<8208x128xf32, #tpu.memory_space<vmem_shared>> -> memref<32x128xf32, #tpu.memory_space<vmem_shared>>
        %dma_start3A_282 = arith.constant 0 : i32
        %dma_start3A_283 = tpu.memref_slice %arg14[%add3A_248, %dma_start3A_282] : memref<8208x128xf32, #tpu.memory_space<vmem_shared>> -> memref<32x128xf32, #tpu.memory_space<vmem_shared>>
        tpu.enqueue_dma source(%arg11 : memref<32x128xf32, #tpu.memory_space<vmem>>) target(%dma_start3A_283 : memref<32x128xf32, #tpu.memory_space<vmem_shared>>) target_semaphore(%run_scoped3A : memref<!tpu.dma_semaphore, #tpu.memory_space<semaphore_mem>>)
        %dma_wait3A = arith.constant 0 : i32
        %dma_wait3A_284 = tpu.memref_slice %arg14[%add3A_248, %dma_wait3A] : memref<8208x128xf32, #tpu.memory_space<vmem_shared>> -> memref<32x128xf32, #tpu.memory_space<vmem_shared>>
        %dma_wait3A_285 = arith.constant 0 : i32
        %dma_wait3A_286 = tpu.memref_slice %arg14[%add3A_248, %dma_wait3A_285] : memref<8208x128xf32, #tpu.memory_space<vmem_shared>> -> memref<32x128xf32, #tpu.memory_space<vmem_shared>>
        tpu.wait_dma2 semaphore(%run_scoped3A : memref<!tpu.dma_semaphore, #tpu.memory_space<semaphore_mem>>) src(%arg11 : memref<32x128xf32, #tpu.memory_space<vmem>>) dst(%dma_wait3A_286 : memref<32x128xf32, #tpu.memory_space<vmem_shared>>)
        tpu.yield
      }) : () -> ()
      %add3A_249 = arith.constant 96 : i32
      %add3A_250 = arith.addi %mul3A_242, %add3A_249 : i32
      "tpu.region"() ({
        %run_scoped3A = tpu.sem_alloc : memref<!tpu.dma_semaphore, #tpu.memory_space<semaphore_mem>>
        %dma_start3A = arith.constant 0 : i32
        %dma_start3A_281 = tpu.memref_slice %arg14[%add3A_250, %dma_start3A] : memref<8208x128xf32, #tpu.memory_space<vmem_shared>> -> memref<32x128xf32, #tpu.memory_space<vmem_shared>>
        %dma_start3A_282 = arith.constant 0 : i32
        %dma_start3A_283 = tpu.memref_slice %arg14[%add3A_250, %dma_start3A_282] : memref<8208x128xf32, #tpu.memory_space<vmem_shared>> -> memref<32x128xf32, #tpu.memory_space<vmem_shared>>
        tpu.enqueue_dma source(%arg11 : memref<32x128xf32, #tpu.memory_space<vmem>>) target(%dma_start3A_283 : memref<32x128xf32, #tpu.memory_space<vmem_shared>>) target_semaphore(%run_scoped3A : memref<!tpu.dma_semaphore, #tpu.memory_space<semaphore_mem>>)
        %dma_wait3A = arith.constant 0 : i32
        %dma_wait3A_284 = tpu.memref_slice %arg14[%add3A_250, %dma_wait3A] : memref<8208x128xf32, #tpu.memory_space<vmem_shared>> -> memref<32x128xf32, #tpu.memory_space<vmem_shared>>
        %dma_wait3A_285 = arith.constant 0 : i32
        %dma_wait3A_286 = tpu.memref_slice %arg14[%add3A_250, %dma_wait3A_285] : memref<8208x128xf32, #tpu.memory_space<vmem_shared>> -> memref<32x128xf32, #tpu.memory_space<vmem_shared>>
        tpu.wait_dma2 semaphore(%run_scoped3A : memref<!tpu.dma_semaphore, #tpu.memory_space<semaphore_mem>>) src(%arg11 : memref<32x128xf32, #tpu.memory_space<vmem>>) dst(%dma_wait3A_286 : memref<32x128xf32, #tpu.memory_space<vmem_shared>>)
        tpu.yield
      }) : () -> ()
      %add3A_251 = arith.constant 128 : i32
      %add3A_252 = arith.addi %mul3A_242, %add3A_251 : i32
      "tpu.region"() ({
        %run_scoped3A = tpu.sem_alloc : memref<!tpu.dma_semaphore, #tpu.memory_space<semaphore_mem>>
        %dma_start3A = arith.constant 0 : i32
        %dma_start3A_281 = tpu.memref_slice %arg14[%add3A_252, %dma_start3A] : memref<8208x128xf32, #tpu.memory_space<vmem_shared>> -> memref<32x128xf32, #tpu.memory_space<vmem_shared>>
        %dma_start3A_282 = arith.constant 0 : i32
        %dma_start3A_283 = tpu.memref_slice %arg14[%add3A_252, %dma_start3A_282] : memref<8208x128xf32, #tpu.memory_space<vmem_shared>> -> memref<32x128xf32, #tpu.memory_space<vmem_shared>>
        tpu.enqueue_dma source(%arg11 : memref<32x128xf32, #tpu.memory_space<vmem>>) target(%dma_start3A_283 : memref<32x128xf32, #tpu.memory_space<vmem_shared>>) target_semaphore(%run_scoped3A : memref<!tpu.dma_semaphore, #tpu.memory_space<semaphore_mem>>)
        %dma_wait3A = arith.constant 0 : i32
        %dma_wait3A_284 = tpu.memref_slice %arg14[%add3A_252, %dma_wait3A] : memref<8208x128xf32, #tpu.memory_space<vmem_shared>> -> memref<32x128xf32, #tpu.memory_space<vmem_shared>>
        %dma_wait3A_285 = arith.constant 0 : i32
        %dma_wait3A_286 = tpu.memref_slice %arg14[%add3A_252, %dma_wait3A_285] : memref<8208x128xf32, #tpu.memory_space<vmem_shared>> -> memref<32x128xf32, #tpu.memory_space<vmem_shared>>
        tpu.wait_dma2 semaphore(%run_scoped3A : memref<!tpu.dma_semaphore, #tpu.memory_space<semaphore_mem>>) src(%arg11 : memref<32x128xf32, #tpu.memory_space<vmem>>) dst(%dma_wait3A_286 : memref<32x128xf32, #tpu.memory_space<vmem_shared>>)
        tpu.yield
      }) : () -> ()
      %add3A_253 = arith.constant 160 : i32
      %add3A_254 = arith.addi %mul3A_242, %add3A_253 : i32
      "tpu.region"() ({
        %run_scoped3A = tpu.sem_alloc : memref<!tpu.dma_semaphore, #tpu.memory_space<semaphore_mem>>
        %dma_start3A = arith.constant 0 : i32
        %dma_start3A_281 = tpu.memref_slice %arg14[%add3A_254, %dma_start3A] : memref<8208x128xf32, #tpu.memory_space<vmem_shared>> -> memref<32x128xf32, #tpu.memory_space<vmem_shared>>
        %dma_start3A_282 = arith.constant 0 : i32
        %dma_start3A_283 = tpu.memref_slice %arg14[%add3A_254, %dma_start3A_282] : memref<8208x128xf32, #tpu.memory_space<vmem_shared>> -> memref<32x128xf32, #tpu.memory_space<vmem_shared>>
        tpu.enqueue_dma source(%arg11 : memref<32x128xf32, #tpu.memory_space<vmem>>) target(%dma_start3A_283 : memref<32x128xf32, #tpu.memory_space<vmem_shared>>) target_semaphore(%run_scoped3A : memref<!tpu.dma_semaphore, #tpu.memory_space<semaphore_mem>>)
        %dma_wait3A = arith.constant 0 : i32
        %dma_wait3A_284 = tpu.memref_slice %arg14[%add3A_254, %dma_wait3A] : memref<8208x128xf32, #tpu.memory_space<vmem_shared>> -> memref<32x128xf32, #tpu.memory_space<vmem_shared>>
        %dma_wait3A_285 = arith.constant 0 : i32
        %dma_wait3A_286 = tpu.memref_slice %arg14[%add3A_254, %dma_wait3A_285] : memref<8208x128xf32, #tpu.memory_space<vmem_shared>> -> memref<32x128xf32, #tpu.memory_space<vmem_shared>>
        tpu.wait_dma2 semaphore(%run_scoped3A : memref<!tpu.dma_semaphore, #tpu.memory_space<semaphore_mem>>) src(%arg11 : memref<32x128xf32, #tpu.memory_space<vmem>>) dst(%dma_wait3A_286 : memref<32x128xf32, #tpu.memory_space<vmem_shared>>)
        tpu.yield
      }) : () -> ()
      %add3A_255 = arith.constant 192 : i32
      %add3A_256 = arith.addi %mul3A_242, %add3A_255 : i32
      "tpu.region"() ({
        %run_scoped3A = tpu.sem_alloc : memref<!tpu.dma_semaphore, #tpu.memory_space<semaphore_mem>>
        %dma_start3A = arith.constant 0 : i32
        %dma_start3A_281 = tpu.memref_slice %arg14[%add3A_256, %dma_start3A] : memref<8208x128xf32, #tpu.memory_space<vmem_shared>> -> memref<32x128xf32, #tpu.memory_space<vmem_shared>>
        %dma_start3A_282 = arith.constant 0 : i32
        %dma_start3A_283 = tpu.memref_slice %arg14[%add3A_256, %dma_start3A_282] : memref<8208x128xf32, #tpu.memory_space<vmem_shared>> -> memref<32x128xf32, #tpu.memory_space<vmem_shared>>
        tpu.enqueue_dma source(%arg11 : memref<32x128xf32, #tpu.memory_space<vmem>>) target(%dma_start3A_283 : memref<32x128xf32, #tpu.memory_space<vmem_shared>>) target_semaphore(%run_scoped3A : memref<!tpu.dma_semaphore, #tpu.memory_space<semaphore_mem>>)
        %dma_wait3A = arith.constant 0 : i32
        %dma_wait3A_284 = tpu.memref_slice %arg14[%add3A_256, %dma_wait3A] : memref<8208x128xf32, #tpu.memory_space<vmem_shared>> -> memref<32x128xf32, #tpu.memory_space<vmem_shared>>
        %dma_wait3A_285 = arith.constant 0 : i32
        %dma_wait3A_286 = tpu.memref_slice %arg14[%add3A_256, %dma_wait3A_285] : memref<8208x128xf32, #tpu.memory_space<vmem_shared>> -> memref<32x128xf32, #tpu.memory_space<vmem_shared>>
        tpu.wait_dma2 semaphore(%run_scoped3A : memref<!tpu.dma_semaphore, #tpu.memory_space<semaphore_mem>>) src(%arg11 : memref<32x128xf32, #tpu.memory_space<vmem>>) dst(%dma_wait3A_286 : memref<32x128xf32, #tpu.memory_space<vmem_shared>>)
        tpu.yield
      }) : () -> ()
      %add3A_257 = arith.constant 224 : i32
      %add3A_258 = arith.addi %mul3A_242, %add3A_257 : i32
      "tpu.region"() ({
        %run_scoped3A = tpu.sem_alloc : memref<!tpu.dma_semaphore, #tpu.memory_space<semaphore_mem>>
        %dma_start3A = arith.constant 0 : i32
        %dma_start3A_281 = tpu.memref_slice %arg14[%add3A_258, %dma_start3A] : memref<8208x128xf32, #tpu.memory_space<vmem_shared>> -> memref<32x128xf32, #tpu.memory_space<vmem_shared>>
        %dma_start3A_282 = arith.constant 0 : i32
        %dma_start3A_283 = tpu.memref_slice %arg14[%add3A_258, %dma_start3A_282] : memref<8208x128xf32, #tpu.memory_space<vmem_shared>> -> memref<32x128xf32, #tpu.memory_space<vmem_shared>>
        tpu.enqueue_dma source(%arg11 : memref<32x128xf32, #tpu.memory_space<vmem>>) target(%dma_start3A_283 : memref<32x128xf32, #tpu.memory_space<vmem_shared>>) target_semaphore(%run_scoped3A : memref<!tpu.dma_semaphore, #tpu.memory_space<semaphore_mem>>)
        %dma_wait3A = arith.constant 0 : i32
        %dma_wait3A_284 = tpu.memref_slice %arg14[%add3A_258, %dma_wait3A] : memref<8208x128xf32, #tpu.memory_space<vmem_shared>> -> memref<32x128xf32, #tpu.memory_space<vmem_shared>>
        %dma_wait3A_285 = arith.constant 0 : i32
        %dma_wait3A_286 = tpu.memref_slice %arg14[%add3A_258, %dma_wait3A_285] : memref<8208x128xf32, #tpu.memory_space<vmem_shared>> -> memref<32x128xf32, #tpu.memory_space<vmem_shared>>
        tpu.wait_dma2 semaphore(%run_scoped3A : memref<!tpu.dma_semaphore, #tpu.memory_space<semaphore_mem>>) src(%arg11 : memref<32x128xf32, #tpu.memory_space<vmem>>) dst(%dma_wait3A_286 : memref<32x128xf32, #tpu.memory_space<vmem_shared>>)
        tpu.yield
      }) : () -> ()
      %add3A_259 = arith.constant 256 : i32
      %add3A_260 = arith.addi %mul3A_242, %add3A_259 : i32
      "tpu.region"() ({
        %run_scoped3A = tpu.sem_alloc : memref<!tpu.dma_semaphore, #tpu.memory_space<semaphore_mem>>
        %dma_start3A = arith.constant 0 : i32
        %dma_start3A_281 = tpu.memref_slice %arg14[%add3A_260, %dma_start3A] : memref<8208x128xf32, #tpu.memory_space<vmem_shared>> -> memref<32x128xf32, #tpu.memory_space<vmem_shared>>
        %dma_start3A_282 = arith.constant 0 : i32
        %dma_start3A_283 = tpu.memref_slice %arg14[%add3A_260, %dma_start3A_282] : memref<8208x128xf32, #tpu.memory_space<vmem_shared>> -> memref<32x128xf32, #tpu.memory_space<vmem_shared>>
        tpu.enqueue_dma source(%arg11 : memref<32x128xf32, #tpu.memory_space<vmem>>) target(%dma_start3A_283 : memref<32x128xf32, #tpu.memory_space<vmem_shared>>) target_semaphore(%run_scoped3A : memref<!tpu.dma_semaphore, #tpu.memory_space<semaphore_mem>>)
        %dma_wait3A = arith.constant 0 : i32
        %dma_wait3A_284 = tpu.memref_slice %arg14[%add3A_260, %dma_wait3A] : memref<8208x128xf32, #tpu.memory_space<vmem_shared>> -> memref<32x128xf32, #tpu.memory_space<vmem_shared>>
        %dma_wait3A_285 = arith.constant 0 : i32
        %dma_wait3A_286 = tpu.memref_slice %arg14[%add3A_260, %dma_wait3A_285] : memref<8208x128xf32, #tpu.memory_space<vmem_shared>> -> memref<32x128xf32, #tpu.memory_space<vmem_shared>>
        tpu.wait_dma2 semaphore(%run_scoped3A : memref<!tpu.dma_semaphore, #tpu.memory_space<semaphore_mem>>) src(%arg11 : memref<32x128xf32, #tpu.memory_space<vmem>>) dst(%dma_wait3A_286 : memref<32x128xf32, #tpu.memory_space<vmem_shared>>)
        tpu.yield
      }) : () -> ()
      %add3A_261 = arith.constant 288 : i32
      %add3A_262 = arith.addi %mul3A_242, %add3A_261 : i32
      "tpu.region"() ({
        %run_scoped3A = tpu.sem_alloc : memref<!tpu.dma_semaphore, #tpu.memory_space<semaphore_mem>>
        %dma_start3A = arith.constant 0 : i32
        %dma_start3A_281 = tpu.memref_slice %arg14[%add3A_262, %dma_start3A] : memref<8208x128xf32, #tpu.memory_space<vmem_shared>> -> memref<32x128xf32, #tpu.memory_space<vmem_shared>>
        %dma_start3A_282 = arith.constant 0 : i32
        %dma_start3A_283 = tpu.memref_slice %arg14[%add3A_262, %dma_start3A_282] : memref<8208x128xf32, #tpu.memory_space<vmem_shared>> -> memref<32x128xf32, #tpu.memory_space<vmem_shared>>
        tpu.enqueue_dma source(%arg11 : memref<32x128xf32, #tpu.memory_space<vmem>>) target(%dma_start3A_283 : memref<32x128xf32, #tpu.memory_space<vmem_shared>>) target_semaphore(%run_scoped3A : memref<!tpu.dma_semaphore, #tpu.memory_space<semaphore_mem>>)
        %dma_wait3A = arith.constant 0 : i32
        %dma_wait3A_284 = tpu.memref_slice %arg14[%add3A_262, %dma_wait3A] : memref<8208x128xf32, #tpu.memory_space<vmem_shared>> -> memref<32x128xf32, #tpu.memory_space<vmem_shared>>
        %dma_wait3A_285 = arith.constant 0 : i32
        %dma_wait3A_286 = tpu.memref_slice %arg14[%add3A_262, %dma_wait3A_285] : memref<8208x128xf32, #tpu.memory_space<vmem_shared>> -> memref<32x128xf32, #tpu.memory_space<vmem_shared>>
        tpu.wait_dma2 semaphore(%run_scoped3A : memref<!tpu.dma_semaphore, #tpu.memory_space<semaphore_mem>>) src(%arg11 : memref<32x128xf32, #tpu.memory_space<vmem>>) dst(%dma_wait3A_286 : memref<32x128xf32, #tpu.memory_space<vmem_shared>>)
        tpu.yield
      }) : () -> ()
      %add3A_263 = arith.constant 320 : i32
      %add3A_264 = arith.addi %mul3A_242, %add3A_263 : i32
      "tpu.region"() ({
        %run_scoped3A = tpu.sem_alloc : memref<!tpu.dma_semaphore, #tpu.memory_space<semaphore_mem>>
        %dma_start3A = arith.constant 0 : i32
        %dma_start3A_281 = tpu.memref_slice %arg14[%add3A_264, %dma_start3A] : memref<8208x128xf32, #tpu.memory_space<vmem_shared>> -> memref<32x128xf32, #tpu.memory_space<vmem_shared>>
        %dma_start3A_282 = arith.constant 0 : i32
        %dma_start3A_283 = tpu.memref_slice %arg14[%add3A_264, %dma_start3A_282] : memref<8208x128xf32, #tpu.memory_space<vmem_shared>> -> memref<32x128xf32, #tpu.memory_space<vmem_shared>>
        tpu.enqueue_dma source(%arg11 : memref<32x128xf32, #tpu.memory_space<vmem>>) target(%dma_start3A_283 : memref<32x128xf32, #tpu.memory_space<vmem_shared>>) target_semaphore(%run_scoped3A : memref<!tpu.dma_semaphore, #tpu.memory_space<semaphore_mem>>)
        %dma_wait3A = arith.constant 0 : i32
        %dma_wait3A_284 = tpu.memref_slice %arg14[%add3A_264, %dma_wait3A] : memref<8208x128xf32, #tpu.memory_space<vmem_shared>> -> memref<32x128xf32, #tpu.memory_space<vmem_shared>>
        %dma_wait3A_285 = arith.constant 0 : i32
        %dma_wait3A_286 = tpu.memref_slice %arg14[%add3A_264, %dma_wait3A_285] : memref<8208x128xf32, #tpu.memory_space<vmem_shared>> -> memref<32x128xf32, #tpu.memory_space<vmem_shared>>
        tpu.wait_dma2 semaphore(%run_scoped3A : memref<!tpu.dma_semaphore, #tpu.memory_space<semaphore_mem>>) src(%arg11 : memref<32x128xf32, #tpu.memory_space<vmem>>) dst(%dma_wait3A_286 : memref<32x128xf32, #tpu.memory_space<vmem_shared>>)
        tpu.yield
      }) : () -> ()
      %add3A_265 = arith.constant 352 : i32
      %add3A_266 = arith.addi %mul3A_242, %add3A_265 : i32
      "tpu.region"() ({
        %run_scoped3A = tpu.sem_alloc : memref<!tpu.dma_semaphore, #tpu.memory_space<semaphore_mem>>
        %dma_start3A = arith.constant 0 : i32
        %dma_start3A_281 = tpu.memref_slice %arg14[%add3A_266, %dma_start3A] : memref<8208x128xf32, #tpu.memory_space<vmem_shared>> -> memref<32x128xf32, #tpu.memory_space<vmem_shared>>
        %dma_start3A_282 = arith.constant 0 : i32
        %dma_start3A_283 = tpu.memref_slice %arg14[%add3A_266, %dma_start3A_282] : memref<8208x128xf32, #tpu.memory_space<vmem_shared>> -> memref<32x128xf32, #tpu.memory_space<vmem_shared>>
        tpu.enqueue_dma source(%arg11 : memref<32x128xf32, #tpu.memory_space<vmem>>) target(%dma_start3A_283 : memref<32x128xf32, #tpu.memory_space<vmem_shared>>) target_semaphore(%run_scoped3A : memref<!tpu.dma_semaphore, #tpu.memory_space<semaphore_mem>>)
        %dma_wait3A = arith.constant 0 : i32
        %dma_wait3A_284 = tpu.memref_slice %arg14[%add3A_266, %dma_wait3A] : memref<8208x128xf32, #tpu.memory_space<vmem_shared>> -> memref<32x128xf32, #tpu.memory_space<vmem_shared>>
        %dma_wait3A_285 = arith.constant 0 : i32
        %dma_wait3A_286 = tpu.memref_slice %arg14[%add3A_266, %dma_wait3A_285] : memref<8208x128xf32, #tpu.memory_space<vmem_shared>> -> memref<32x128xf32, #tpu.memory_space<vmem_shared>>
        tpu.wait_dma2 semaphore(%run_scoped3A : memref<!tpu.dma_semaphore, #tpu.memory_space<semaphore_mem>>) src(%arg11 : memref<32x128xf32, #tpu.memory_space<vmem>>) dst(%dma_wait3A_286 : memref<32x128xf32, #tpu.memory_space<vmem_shared>>)
        tpu.yield
      }) : () -> ()
      %add3A_267 = arith.constant 384 : i32
      %add3A_268 = arith.addi %mul3A_242, %add3A_267 : i32
      "tpu.region"() ({
        %run_scoped3A = tpu.sem_alloc : memref<!tpu.dma_semaphore, #tpu.memory_space<semaphore_mem>>
        %dma_start3A = arith.constant 0 : i32
        %dma_start3A_281 = tpu.memref_slice %arg14[%add3A_268, %dma_start3A] : memref<8208x128xf32, #tpu.memory_space<vmem_shared>> -> memref<32x128xf32, #tpu.memory_space<vmem_shared>>
        %dma_start3A_282 = arith.constant 0 : i32
        %dma_start3A_283 = tpu.memref_slice %arg14[%add3A_268, %dma_start3A_282] : memref<8208x128xf32, #tpu.memory_space<vmem_shared>> -> memref<32x128xf32, #tpu.memory_space<vmem_shared>>
        tpu.enqueue_dma source(%arg11 : memref<32x128xf32, #tpu.memory_space<vmem>>) target(%dma_start3A_283 : memref<32x128xf32, #tpu.memory_space<vmem_shared>>) target_semaphore(%run_scoped3A : memref<!tpu.dma_semaphore, #tpu.memory_space<semaphore_mem>>)
        %dma_wait3A = arith.constant 0 : i32
        %dma_wait3A_284 = tpu.memref_slice %arg14[%add3A_268, %dma_wait3A] : memref<8208x128xf32, #tpu.memory_space<vmem_shared>> -> memref<32x128xf32, #tpu.memory_space<vmem_shared>>
        %dma_wait3A_285 = arith.constant 0 : i32
        %dma_wait3A_286 = tpu.memref_slice %arg14[%add3A_268, %dma_wait3A_285] : memref<8208x128xf32, #tpu.memory_space<vmem_shared>> -> memref<32x128xf32, #tpu.memory_space<vmem_shared>>
        tpu.wait_dma2 semaphore(%run_scoped3A : memref<!tpu.dma_semaphore, #tpu.memory_space<semaphore_mem>>) src(%arg11 : memref<32x128xf32, #tpu.memory_space<vmem>>) dst(%dma_wait3A_286 : memref<32x128xf32, #tpu.memory_space<vmem_shared>>)
        tpu.yield
      }) : () -> ()
      %add3A_269 = arith.constant 416 : i32
      %add3A_270 = arith.addi %mul3A_242, %add3A_269 : i32
      "tpu.region"() ({
        %run_scoped3A = tpu.sem_alloc : memref<!tpu.dma_semaphore, #tpu.memory_space<semaphore_mem>>
        %dma_start3A = arith.constant 0 : i32
        %dma_start3A_281 = tpu.memref_slice %arg14[%add3A_270, %dma_start3A] : memref<8208x128xf32, #tpu.memory_space<vmem_shared>> -> memref<32x128xf32, #tpu.memory_space<vmem_shared>>
        %dma_start3A_282 = arith.constant 0 : i32
        %dma_start3A_283 = tpu.memref_slice %arg14[%add3A_270, %dma_start3A_282] : memref<8208x128xf32, #tpu.memory_space<vmem_shared>> -> memref<32x128xf32, #tpu.memory_space<vmem_shared>>
        tpu.enqueue_dma source(%arg11 : memref<32x128xf32, #tpu.memory_space<vmem>>) target(%dma_start3A_283 : memref<32x128xf32, #tpu.memory_space<vmem_shared>>) target_semaphore(%run_scoped3A : memref<!tpu.dma_semaphore, #tpu.memory_space<semaphore_mem>>)
        %dma_wait3A = arith.constant 0 : i32
        %dma_wait3A_284 = tpu.memref_slice %arg14[%add3A_270, %dma_wait3A] : memref<8208x128xf32, #tpu.memory_space<vmem_shared>> -> memref<32x128xf32, #tpu.memory_space<vmem_shared>>
        %dma_wait3A_285 = arith.constant 0 : i32
        %dma_wait3A_286 = tpu.memref_slice %arg14[%add3A_270, %dma_wait3A_285] : memref<8208x128xf32, #tpu.memory_space<vmem_shared>> -> memref<32x128xf32, #tpu.memory_space<vmem_shared>>
        tpu.wait_dma2 semaphore(%run_scoped3A : memref<!tpu.dma_semaphore, #tpu.memory_space<semaphore_mem>>) src(%arg11 : memref<32x128xf32, #tpu.memory_space<vmem>>) dst(%dma_wait3A_286 : memref<32x128xf32, #tpu.memory_space<vmem_shared>>)
        tpu.yield
      }) : () -> ()
      %add3A_271 = arith.constant 448 : i32
      %add3A_272 = arith.addi %mul3A_242, %add3A_271 : i32
      "tpu.region"() ({
        %run_scoped3A = tpu.sem_alloc : memref<!tpu.dma_semaphore, #tpu.memory_space<semaphore_mem>>
        %dma_start3A = arith.constant 0 : i32
        %dma_start3A_281 = tpu.memref_slice %arg14[%add3A_272, %dma_start3A] : memref<8208x128xf32, #tpu.memory_space<vmem_shared>> -> memref<32x128xf32, #tpu.memory_space<vmem_shared>>
        %dma_start3A_282 = arith.constant 0 : i32
        %dma_start3A_283 = tpu.memref_slice %arg14[%add3A_272, %dma_start3A_282] : memref<8208x128xf32, #tpu.memory_space<vmem_shared>> -> memref<32x128xf32, #tpu.memory_space<vmem_shared>>
        tpu.enqueue_dma source(%arg11 : memref<32x128xf32, #tpu.memory_space<vmem>>) target(%dma_start3A_283 : memref<32x128xf32, #tpu.memory_space<vmem_shared>>) target_semaphore(%run_scoped3A : memref<!tpu.dma_semaphore, #tpu.memory_space<semaphore_mem>>)
        %dma_wait3A = arith.constant 0 : i32
        %dma_wait3A_284 = tpu.memref_slice %arg14[%add3A_272, %dma_wait3A] : memref<8208x128xf32, #tpu.memory_space<vmem_shared>> -> memref<32x128xf32, #tpu.memory_space<vmem_shared>>
        %dma_wait3A_285 = arith.constant 0 : i32
        %dma_wait3A_286 = tpu.memref_slice %arg14[%add3A_272, %dma_wait3A_285] : memref<8208x128xf32, #tpu.memory_space<vmem_shared>> -> memref<32x128xf32, #tpu.memory_space<vmem_shared>>
        tpu.wait_dma2 semaphore(%run_scoped3A : memref<!tpu.dma_semaphore, #tpu.memory_space<semaphore_mem>>) src(%arg11 : memref<32x128xf32, #tpu.memory_space<vmem>>) dst(%dma_wait3A_286 : memref<32x128xf32, #tpu.memory_space<vmem_shared>>)
        tpu.yield
      }) : () -> ()
      %add3A_273 = arith.constant 480 : i32
      %add3A_274 = arith.addi %mul3A_242, %add3A_273 : i32
      "tpu.region"() ({
        %run_scoped3A = tpu.sem_alloc : memref<!tpu.dma_semaphore, #tpu.memory_space<semaphore_mem>>
        %dma_start3A = arith.constant 0 : i32
        %dma_start3A_281 = tpu.memref_slice %arg14[%add3A_274, %dma_start3A] : memref<8208x128xf32, #tpu.memory_space<vmem_shared>> -> memref<32x128xf32, #tpu.memory_space<vmem_shared>>
        %dma_start3A_282 = arith.constant 0 : i32
        %dma_start3A_283 = tpu.memref_slice %arg14[%add3A_274, %dma_start3A_282] : memref<8208x128xf32, #tpu.memory_space<vmem_shared>> -> memref<32x128xf32, #tpu.memory_space<vmem_shared>>
        tpu.enqueue_dma source(%arg11 : memref<32x128xf32, #tpu.memory_space<vmem>>) target(%dma_start3A_283 : memref<32x128xf32, #tpu.memory_space<vmem_shared>>) target_semaphore(%run_scoped3A : memref<!tpu.dma_semaphore, #tpu.memory_space<semaphore_mem>>)
        %dma_wait3A = arith.constant 0 : i32
        %dma_wait3A_284 = tpu.memref_slice %arg14[%add3A_274, %dma_wait3A] : memref<8208x128xf32, #tpu.memory_space<vmem_shared>> -> memref<32x128xf32, #tpu.memory_space<vmem_shared>>
        %dma_wait3A_285 = arith.constant 0 : i32
        %dma_wait3A_286 = tpu.memref_slice %arg14[%add3A_274, %dma_wait3A_285] : memref<8208x128xf32, #tpu.memory_space<vmem_shared>> -> memref<32x128xf32, #tpu.memory_space<vmem_shared>>
        tpu.wait_dma2 semaphore(%run_scoped3A : memref<!tpu.dma_semaphore, #tpu.memory_space<semaphore_mem>>) src(%arg11 : memref<32x128xf32, #tpu.memory_space<vmem>>) dst(%dma_wait3A_286 : memref<32x128xf32, #tpu.memory_space<vmem_shared>>)
        tpu.yield
      }) : () -> ()
      %add3A_275 = arith.constant 512 : i32
      %add3A_276 = arith.addi %mul3A_242, %add3A_275 : i32
      "tpu.region"() ({
        %run_scoped3A = tpu.sem_alloc : memref<!tpu.dma_semaphore, #tpu.memory_space<semaphore_mem>>
        %dma_start3A = arith.constant 0 : i32
        %dma_start3A_281 = arith.constant 0 : i32
        %dma_start3A_282 = tpu.memref_slice %arg11[%dma_start3A, %dma_start3A_281] : memref<32x128xf32, #tpu.memory_space<vmem>> -> memref<1x128xf32, #tpu.memory_space<vmem>>
        %dma_start3A_283 = arith.constant 0 : i32
        %dma_start3A_284 = tpu.memref_slice %arg14[%add3A_276, %dma_start3A_283] : memref<8208x128xf32, #tpu.memory_space<vmem_shared>> -> memref<1x128xf32, #tpu.memory_space<vmem_shared>>
        %dma_start3A_285 = arith.constant 0 : i32
        %dma_start3A_286 = tpu.memref_slice %arg14[%add3A_276, %dma_start3A_285] : memref<8208x128xf32, #tpu.memory_space<vmem_shared>> -> memref<1x128xf32, #tpu.memory_space<vmem_shared>>
        %dma_start3A_287 = arith.constant 0 : i32
        %dma_start3A_288 = arith.constant 0 : i32
        %dma_start3A_289 = tpu.memref_slice %arg11[%dma_start3A_287, %dma_start3A_288] : memref<32x128xf32, #tpu.memory_space<vmem>> -> memref<1x128xf32, #tpu.memory_space<vmem>>
        tpu.enqueue_dma source(%dma_start3A_289 : memref<1x128xf32, #tpu.memory_space<vmem>>) target(%dma_start3A_286 : memref<1x128xf32, #tpu.memory_space<vmem_shared>>) target_semaphore(%run_scoped3A : memref<!tpu.dma_semaphore, #tpu.memory_space<semaphore_mem>>)
        %dma_wait3A = arith.constant 0 : i32
        %dma_wait3A_290 = arith.constant 0 : i32
        %dma_wait3A_291 = tpu.memref_slice %arg11[%dma_wait3A, %dma_wait3A_290] : memref<32x128xf32, #tpu.memory_space<vmem>> -> memref<1x128xf32, #tpu.memory_space<vmem>>
        %dma_wait3A_292 = arith.constant 0 : i32
        %dma_wait3A_293 = tpu.memref_slice %arg14[%add3A_276, %dma_wait3A_292] : memref<8208x128xf32, #tpu.memory_space<vmem_shared>> -> memref<1x128xf32, #tpu.memory_space<vmem_shared>>
        %dma_wait3A_294 = arith.constant 0 : i32
        %dma_wait3A_295 = tpu.memref_slice %arg14[%add3A_276, %dma_wait3A_294] : memref<8208x128xf32, #tpu.memory_space<vmem_shared>> -> memref<1x128xf32, #tpu.memory_space<vmem_shared>>
        %dma_wait3A_296 = arith.constant 0 : i32
        %dma_wait3A_297 = arith.constant 0 : i32
        %dma_wait3A_298 = tpu.memref_slice %arg11[%dma_wait3A_296, %dma_wait3A_297] : memref<32x128xf32, #tpu.memory_space<vmem>> -> memref<1x128xf32, #tpu.memory_space<vmem>>
        tpu.wait_dma2 semaphore(%run_scoped3A : memref<!tpu.dma_semaphore, #tpu.memory_space<semaphore_mem>>) src(%dma_wait3A_298 : memref<1x128xf32, #tpu.memory_space<vmem>>) dst(%dma_wait3A_295 : memref<1x128xf32, #tpu.memory_space<vmem_shared>>)
        tpu.yield
      }) : () -> ()
      %mul3A_277 = arith.constant 5 : i32
      %mul3A_278 = arith.muli %arg1, %mul3A_277 : i32
      "tpu.region"() ({
        %run_scoped3A = tpu.sem_alloc : memref<!tpu.dma_semaphore, #tpu.memory_space<semaphore_mem>>
        %dma_start3A = arith.constant 0 : i32
        %dma_start3A_281 = arith.constant 0 : i32
        %dma_start3A_282 = tpu.memref_slice %arg11[%dma_start3A, %dma_start3A_281] : memref<32x128xf32, #tpu.memory_space<vmem>> -> memref<5x128xf32, #tpu.memory_space<vmem>>
        %dma_start3A_283 = arith.constant 0 : i32
        %dma_start3A_284 = tpu.memref_slice %arg15[%mul3A_278, %dma_start3A_283] : memref<80x128xf32, #tpu.memory_space<vmem_shared>> -> memref<5x128xf32, #tpu.memory_space<vmem_shared>>
        %dma_start3A_285 = arith.constant 0 : i32
        %dma_start3A_286 = tpu.memref_slice %arg15[%mul3A_278, %dma_start3A_285] : memref<80x128xf32, #tpu.memory_space<vmem_shared>> -> memref<5x128xf32, #tpu.memory_space<vmem_shared>>
        %dma_start3A_287 = arith.constant 0 : i32
        %dma_start3A_288 = arith.constant 0 : i32
        %dma_start3A_289 = tpu.memref_slice %arg11[%dma_start3A_287, %dma_start3A_288] : memref<32x128xf32, #tpu.memory_space<vmem>> -> memref<5x128xf32, #tpu.memory_space<vmem>>
        tpu.enqueue_dma source(%dma_start3A_289 : memref<5x128xf32, #tpu.memory_space<vmem>>) target(%dma_start3A_286 : memref<5x128xf32, #tpu.memory_space<vmem_shared>>) target_semaphore(%run_scoped3A : memref<!tpu.dma_semaphore, #tpu.memory_space<semaphore_mem>>)
        %dma_wait3A = arith.constant 0 : i32
        %dma_wait3A_290 = arith.constant 0 : i32
        %dma_wait3A_291 = tpu.memref_slice %arg11[%dma_wait3A, %dma_wait3A_290] : memref<32x128xf32, #tpu.memory_space<vmem>> -> memref<5x128xf32, #tpu.memory_space<vmem>>
        %dma_wait3A_292 = arith.constant 0 : i32
        %dma_wait3A_293 = tpu.memref_slice %arg15[%mul3A_278, %dma_wait3A_292] : memref<80x128xf32, #tpu.memory_space<vmem_shared>> -> memref<5x128xf32, #tpu.memory_space<vmem_shared>>
        %dma_wait3A_294 = arith.constant 0 : i32
        %dma_wait3A_295 = tpu.memref_slice %arg15[%mul3A_278, %dma_wait3A_294] : memref<80x128xf32, #tpu.memory_space<vmem_shared>> -> memref<5x128xf32, #tpu.memory_space<vmem_shared>>
        %dma_wait3A_296 = arith.constant 0 : i32
        %dma_wait3A_297 = arith.constant 0 : i32
        %dma_wait3A_298 = tpu.memref_slice %arg11[%dma_wait3A_296, %dma_wait3A_297] : memref<32x128xf32, #tpu.memory_space<vmem>> -> memref<5x128xf32, #tpu.memory_space<vmem>>
        tpu.wait_dma2 semaphore(%run_scoped3A : memref<!tpu.dma_semaphore, #tpu.memory_space<semaphore_mem>>) src(%dma_wait3A_298 : memref<5x128xf32, #tpu.memory_space<vmem>>) dst(%dma_wait3A_295 : memref<5x128xf32, #tpu.memory_space<vmem_shared>>)
        tpu.yield
      }) : () -> ()
      %barrier3A_279 = arith.constant 0 : index
      tpu.barrier barrier_id(%barrier3A_279)
      %scan3A_280 = arith.constant 0 : i32
      scf.yield %scan3A_280 : i32
    }
    %scan3A_70 = arith.constant 10 : i32
    return
  }
}

module attributes {stable_mosaic.version = 14 : i64} {
  func.func @body(%arg0: i32, %arg1: memref<1024x128xf32, #tpu.memory_space<vmem>>, %arg2: memref<2x1x8192x128xf32, #tpu.memory_space<vmem>>, %arg3: memref<2x1x1024x8xf32, #tpu.memory_space<vmem>>, %arg4: memref<8x4xf32, #tpu.memory_space<vmem>>, %arg5: memref<4x128x128xf32, #tpu.memory_space<vmem>>, %arg6: memref<128x128xf32, #tpu.memory_space<vmem>>, %arg7: memref<8x128xf32, #tpu.memory_space<vmem>>, %arg8: memref<1024x128xf32, #tpu.memory_space<vmem>>) attributes {dimension_semantics = [#tpu.dimension_semantics<arbitrary>], iteration_bounds = array<i64: 10>, scalar_prefetch = 0 : i64, scratch_operands = 0 : i64, tpu.core_type = #tpu.core_type<tc>, window_params = [{transform_indices = @transform_0, window_bounds = array<i64: 1024, 128>}, {transform_indices = @transform_1, window_bounds = array<i64: 2, 1, 8192, 128>}, {transform_indices = @transform_2, window_bounds = array<i64: 2, 1, 1024, 8>}, {pipeline_mode = #tpu.pipeline_mode<synchronous>, transform_indices = @transform_3, window_bounds = array<i64: 8, 4>}, {pipeline_mode = #tpu.pipeline_mode<synchronous>, transform_indices = @transform_4, window_bounds = array<i64: 4, 128, 128>}, {pipeline_mode = #tpu.pipeline_mode<synchronous>, transform_indices = @transform_5, window_bounds = array<i64: 128, 128>}, {pipeline_mode = #tpu.pipeline_mode<synchronous>, transform_indices = @transform_6, window_bounds = array<i64: 8, 128>}, {transform_indices = @transform_7, window_bounds = array<i64: 1024, 128>}]} {
    %get3A = arith.constant 0 : index
    %get3A_0 = arith.constant 0 : index
    %get3A_1 = arith.constant 0 : index
    %get3A_2 = arith.constant 0 : index
    %get3A_3 = vector.load %arg2[%get3A, %get3A_0, %get3A_1, %get3A_2] : memref<2x1x8192x128xf32, #tpu.memory_space<vmem>>, vector<1x1x8192x128xf32>
    %get3A_4 = vector.shape_cast %get3A_3 : vector<1x1x8192x128xf32> to vector<8192x128xf32>
    %get3A_5 = arith.constant 1 : index
    %get3A_6 = arith.constant 0 : index
    %get3A_7 = arith.constant 0 : index
    %get3A_8 = arith.constant 0 : index
    %get3A_9 = vector.load %arg2[%get3A_5, %get3A_6, %get3A_7, %get3A_8] : memref<2x1x8192x128xf32, #tpu.memory_space<vmem>>, vector<1x1x8192x128xf32>
    %get3A_10 = vector.shape_cast %get3A_9 : vector<1x1x8192x128xf32> to vector<8192x128xf32>
    %add3A = arith.addf %get3A_4, %get3A_10 : vector<8192x128xf32>
    %get3A_11 = arith.constant 0 : index
    %get3A_12 = arith.constant 0 : index
    %get3A_13 = arith.constant 0 : index
    %get3A_14 = arith.constant 0 : index
    %get3A_15 = vector.load %arg3[%get3A_11, %get3A_12, %get3A_13, %get3A_14] : memref<2x1x1024x8xf32, #tpu.memory_space<vmem>>, vector<1x1x1024x8xf32>
    %get3A_16 = vector.shape_cast %get3A_15 : vector<1x1x1024x8xf32> to vector<1024x8xf32>
    %get3A_17 = arith.constant 1 : index
    %get3A_18 = arith.constant 0 : index
    %get3A_19 = arith.constant 0 : index
    %get3A_20 = arith.constant 0 : index
    %get3A_21 = vector.load %arg3[%get3A_17, %get3A_18, %get3A_19, %get3A_20] : memref<2x1x1024x8xf32, #tpu.memory_space<vmem>>, vector<1x1x1024x8xf32>
    %get3A_22 = vector.shape_cast %get3A_21 : vector<1x1x1024x8xf32> to vector<1024x8xf32>
    %add3A_23 = arith.addf %get3A_16, %get3A_22 : vector<1024x8xf32>
    %get3A_24 = arith.constant 0 : index
    %get3A_25 = arith.constant 0 : index
    %get3A_26 = vector.load %arg4[%get3A_24, %get3A_25] : memref<8x4xf32, #tpu.memory_space<vmem>>, vector<8x4xf32>
    %broadcast_in_dim3A = arith.constant 0.000000e+00 : f32
    %broadcast_in_dim3A_27 = vector.broadcast %broadcast_in_dim3A : f32 to vector<1024x128xf32>
    %broadcast_in_dim3A_28 = arith.constant 0.000000e+00 : f32
    %broadcast_in_dim3A_29 = vector.broadcast %broadcast_in_dim3A_28 : f32 to vector<1024x128xf32>
    %broadcast_in_dim3A_30 = arith.constant 0.000000e+00 : f32
    %broadcast_in_dim3A_31 = vector.broadcast %broadcast_in_dim3A_30 : f32 to vector<1024x128xf32>
    %broadcast_in_dim3A_32 = arith.constant 0.000000e+00 : f32
    %broadcast_in_dim3A_33 = vector.broadcast %broadcast_in_dim3A_32 : f32 to vector<1024x128xf32>
    %slice3A = vector.extract_strided_slice %add3A {offsets = [0, 0], sizes = [1024, 128], strides = [1, 1]} : vector<8192x128xf32> to vector<1024x128xf32>
    %slice3A_34 = vector.extract_strided_slice %add3A_23 {offsets = [0, 0], sizes = [1024, 1], strides = [1, 1]} : vector<1024x8xf32> to vector<1024x1xf32>
    %max3A = arith.constant 1.000000e+00 : f32
    %max3A_35 = vector.broadcast %max3A : f32 to vector<1024x1xf32>
    %max3A_36 = arith.maximumf %slice3A_34, %max3A_35 : vector<1024x1xf32>
    %div3A = vector.broadcast %max3A_36 : vector<1024x1xf32> to vector<1024x128xf32>
    %div3A_37 = arith.divf %slice3A, %div3A : vector<1024x128xf32>
    %slice3A_38 = vector.extract_strided_slice %get3A_26 {offsets = [0, 0], sizes = [1, 1], strides = [1, 1]} : vector<8x4xf32> to vector<1x1xf32>
    %squeeze3A = vector.extract %slice3A_38[0, 0] : f32 from vector<1x1xf32>
    %mul3A = vector.broadcast %squeeze3A : f32 to vector<1024x128xf32>
    %mul3A_39 = arith.mulf %mul3A, %div3A_37 : vector<1024x128xf32>
    %add3A_40 = arith.addf %broadcast_in_dim3A_27, %mul3A_39 : vector<1024x128xf32>
    %slice3A_41 = vector.extract_strided_slice %get3A_26 {offsets = [0, 1], sizes = [1, 1], strides = [1, 1]} : vector<8x4xf32> to vector<1x1xf32>
    %squeeze3A_42 = vector.extract %slice3A_41[0, 0] : f32 from vector<1x1xf32>
    %mul3A_43 = vector.broadcast %squeeze3A_42 : f32 to vector<1024x128xf32>
    %mul3A_44 = arith.mulf %mul3A_43, %div3A_37 : vector<1024x128xf32>
    %add3A_45 = arith.addf %broadcast_in_dim3A_29, %mul3A_44 : vector<1024x128xf32>
    %slice3A_46 = vector.extract_strided_slice %get3A_26 {offsets = [0, 2], sizes = [1, 1], strides = [1, 1]} : vector<8x4xf32> to vector<1x1xf32>
    %squeeze3A_47 = vector.extract %slice3A_46[0, 0] : f32 from vector<1x1xf32>
    %mul3A_48 = vector.broadcast %squeeze3A_47 : f32 to vector<1024x128xf32>
    %mul3A_49 = arith.mulf %mul3A_48, %div3A_37 : vector<1024x128xf32>
    %add3A_50 = arith.addf %broadcast_in_dim3A_31, %mul3A_49 : vector<1024x128xf32>
    %slice3A_51 = vector.extract_strided_slice %get3A_26 {offsets = [0, 3], sizes = [1, 1], strides = [1, 1]} : vector<8x4xf32> to vector<1x1xf32>
    %squeeze3A_52 = vector.extract %slice3A_51[0, 0] : f32 from vector<1x1xf32>
    %mul3A_53 = vector.broadcast %squeeze3A_52 : f32 to vector<1024x128xf32>
    %mul3A_54 = arith.mulf %mul3A_53, %div3A_37 : vector<1024x128xf32>
    %add3A_55 = arith.addf %broadcast_in_dim3A_33, %mul3A_54 : vector<1024x128xf32>
    %slice3A_56 = vector.extract_strided_slice %add3A {offsets = [1024, 0], sizes = [1024, 128], strides = [1, 1]} : vector<8192x128xf32> to vector<1024x128xf32>
    %slice3A_57 = vector.extract_strided_slice %add3A_23 {offsets = [0, 1], sizes = [1024, 1], strides = [1, 1]} : vector<1024x8xf32> to vector<1024x1xf32>
    %max3A_58 = arith.constant 1.000000e+00 : f32
    %max3A_59 = vector.broadcast %max3A_58 : f32 to vector<1024x1xf32>
    %max3A_60 = arith.maximumf %slice3A_57, %max3A_59 : vector<1024x1xf32>
    %div3A_61 = vector.broadcast %max3A_60 : vector<1024x1xf32> to vector<1024x128xf32>
    %div3A_62 = arith.divf %slice3A_56, %div3A_61 : vector<1024x128xf32>
    %slice3A_63 = vector.extract_strided_slice %get3A_26 {offsets = [1, 0], sizes = [1, 1], strides = [1, 1]} : vector<8x4xf32> to vector<1x1xf32>
    %squeeze3A_64 = vector.extract %slice3A_63[0, 0] : f32 from vector<1x1xf32>
    %mul3A_65 = vector.broadcast %squeeze3A_64 : f32 to vector<1024x128xf32>
    %mul3A_66 = arith.mulf %mul3A_65, %div3A_62 : vector<1024x128xf32>
    %add3A_67 = arith.addf %add3A_40, %mul3A_66 : vector<1024x128xf32>
    %slice3A_68 = vector.extract_strided_slice %get3A_26 {offsets = [1, 1], sizes = [1, 1], strides = [1, 1]} : vector<8x4xf32> to vector<1x1xf32>
    %squeeze3A_69 = vector.extract %slice3A_68[0, 0] : f32 from vector<1x1xf32>
    %mul3A_70 = vector.broadcast %squeeze3A_69 : f32 to vector<1024x128xf32>
    %mul3A_71 = arith.mulf %mul3A_70, %div3A_62 : vector<1024x128xf32>
    %add3A_72 = arith.addf %add3A_45, %mul3A_71 : vector<1024x128xf32>
    %slice3A_73 = vector.extract_strided_slice %get3A_26 {offsets = [1, 2], sizes = [1, 1], strides = [1, 1]} : vector<8x4xf32> to vector<1x1xf32>
    %squeeze3A_74 = vector.extract %slice3A_73[0, 0] : f32 from vector<1x1xf32>
    %mul3A_75 = vector.broadcast %squeeze3A_74 : f32 to vector<1024x128xf32>
    %mul3A_76 = arith.mulf %mul3A_75, %div3A_62 : vector<1024x128xf32>
    %add3A_77 = arith.addf %add3A_50, %mul3A_76 : vector<1024x128xf32>
    %slice3A_78 = vector.extract_strided_slice %get3A_26 {offsets = [1, 3], sizes = [1, 1], strides = [1, 1]} : vector<8x4xf32> to vector<1x1xf32>
    %squeeze3A_79 = vector.extract %slice3A_78[0, 0] : f32 from vector<1x1xf32>
    %mul3A_80 = vector.broadcast %squeeze3A_79 : f32 to vector<1024x128xf32>
    %mul3A_81 = arith.mulf %mul3A_80, %div3A_62 : vector<1024x128xf32>
    %add3A_82 = arith.addf %add3A_55, %mul3A_81 : vector<1024x128xf32>
    %slice3A_83 = vector.extract_strided_slice %add3A {offsets = [2048, 0], sizes = [1024, 128], strides = [1, 1]} : vector<8192x128xf32> to vector<1024x128xf32>
    %slice3A_84 = vector.extract_strided_slice %add3A_23 {offsets = [0, 2], sizes = [1024, 1], strides = [1, 1]} : vector<1024x8xf32> to vector<1024x1xf32>
    %max3A_85 = arith.constant 1.000000e+00 : f32
    %max3A_86 = vector.broadcast %max3A_85 : f32 to vector<1024x1xf32>
    %max3A_87 = arith.maximumf %slice3A_84, %max3A_86 : vector<1024x1xf32>
    %div3A_88 = vector.broadcast %max3A_87 : vector<1024x1xf32> to vector<1024x128xf32>
    %div3A_89 = arith.divf %slice3A_83, %div3A_88 : vector<1024x128xf32>
    %slice3A_90 = vector.extract_strided_slice %get3A_26 {offsets = [2, 0], sizes = [1, 1], strides = [1, 1]} : vector<8x4xf32> to vector<1x1xf32>
    %squeeze3A_91 = vector.extract %slice3A_90[0, 0] : f32 from vector<1x1xf32>
    %mul3A_92 = vector.broadcast %squeeze3A_91 : f32 to vector<1024x128xf32>
    %mul3A_93 = arith.mulf %mul3A_92, %div3A_89 : vector<1024x128xf32>
    %add3A_94 = arith.addf %add3A_67, %mul3A_93 : vector<1024x128xf32>
    %slice3A_95 = vector.extract_strided_slice %get3A_26 {offsets = [2, 1], sizes = [1, 1], strides = [1, 1]} : vector<8x4xf32> to vector<1x1xf32>
    %squeeze3A_96 = vector.extract %slice3A_95[0, 0] : f32 from vector<1x1xf32>
    %mul3A_97 = vector.broadcast %squeeze3A_96 : f32 to vector<1024x128xf32>
    %mul3A_98 = arith.mulf %mul3A_97, %div3A_89 : vector<1024x128xf32>
    %add3A_99 = arith.addf %add3A_72, %mul3A_98 : vector<1024x128xf32>
    %slice3A_100 = vector.extract_strided_slice %get3A_26 {offsets = [2, 2], sizes = [1, 1], strides = [1, 1]} : vector<8x4xf32> to vector<1x1xf32>
    %squeeze3A_101 = vector.extract %slice3A_100[0, 0] : f32 from vector<1x1xf32>
    %mul3A_102 = vector.broadcast %squeeze3A_101 : f32 to vector<1024x128xf32>
    %mul3A_103 = arith.mulf %mul3A_102, %div3A_89 : vector<1024x128xf32>
    %add3A_104 = arith.addf %add3A_77, %mul3A_103 : vector<1024x128xf32>
    %slice3A_105 = vector.extract_strided_slice %get3A_26 {offsets = [2, 3], sizes = [1, 1], strides = [1, 1]} : vector<8x4xf32> to vector<1x1xf32>
    %squeeze3A_106 = vector.extract %slice3A_105[0, 0] : f32 from vector<1x1xf32>
    %mul3A_107 = vector.broadcast %squeeze3A_106 : f32 to vector<1024x128xf32>
    %mul3A_108 = arith.mulf %mul3A_107, %div3A_89 : vector<1024x128xf32>
    %add3A_109 = arith.addf %add3A_82, %mul3A_108 : vector<1024x128xf32>
    %slice3A_110 = vector.extract_strided_slice %add3A {offsets = [3072, 0], sizes = [1024, 128], strides = [1, 1]} : vector<8192x128xf32> to vector<1024x128xf32>
    %slice3A_111 = vector.extract_strided_slice %add3A_23 {offsets = [0, 3], sizes = [1024, 1], strides = [1, 1]} : vector<1024x8xf32> to vector<1024x1xf32>
    %max3A_112 = arith.constant 1.000000e+00 : f32
    %max3A_113 = vector.broadcast %max3A_112 : f32 to vector<1024x1xf32>
    %max3A_114 = arith.maximumf %slice3A_111, %max3A_113 : vector<1024x1xf32>
    %div3A_115 = vector.broadcast %max3A_114 : vector<1024x1xf32> to vector<1024x128xf32>
    %div3A_116 = arith.divf %slice3A_110, %div3A_115 : vector<1024x128xf32>
    %slice3A_117 = vector.extract_strided_slice %get3A_26 {offsets = [3, 0], sizes = [1, 1], strides = [1, 1]} : vector<8x4xf32> to vector<1x1xf32>
    %squeeze3A_118 = vector.extract %slice3A_117[0, 0] : f32 from vector<1x1xf32>
    %mul3A_119 = vector.broadcast %squeeze3A_118 : f32 to vector<1024x128xf32>
    %mul3A_120 = arith.mulf %mul3A_119, %div3A_116 : vector<1024x128xf32>
    %add3A_121 = arith.addf %add3A_94, %mul3A_120 : vector<1024x128xf32>
    %slice3A_122 = vector.extract_strided_slice %get3A_26 {offsets = [3, 1], sizes = [1, 1], strides = [1, 1]} : vector<8x4xf32> to vector<1x1xf32>
    %squeeze3A_123 = vector.extract %slice3A_122[0, 0] : f32 from vector<1x1xf32>
    %mul3A_124 = vector.broadcast %squeeze3A_123 : f32 to vector<1024x128xf32>
    %mul3A_125 = arith.mulf %mul3A_124, %div3A_116 : vector<1024x128xf32>
    %add3A_126 = arith.addf %add3A_99, %mul3A_125 : vector<1024x128xf32>
    %slice3A_127 = vector.extract_strided_slice %get3A_26 {offsets = [3, 2], sizes = [1, 1], strides = [1, 1]} : vector<8x4xf32> to vector<1x1xf32>
    %squeeze3A_128 = vector.extract %slice3A_127[0, 0] : f32 from vector<1x1xf32>
    %mul3A_129 = vector.broadcast %squeeze3A_128 : f32 to vector<1024x128xf32>
    %mul3A_130 = arith.mulf %mul3A_129, %div3A_116 : vector<1024x128xf32>
    %add3A_131 = arith.addf %add3A_104, %mul3A_130 : vector<1024x128xf32>
    %slice3A_132 = vector.extract_strided_slice %get3A_26 {offsets = [3, 3], sizes = [1, 1], strides = [1, 1]} : vector<8x4xf32> to vector<1x1xf32>
    %squeeze3A_133 = vector.extract %slice3A_132[0, 0] : f32 from vector<1x1xf32>
    %mul3A_134 = vector.broadcast %squeeze3A_133 : f32 to vector<1024x128xf32>
    %mul3A_135 = arith.mulf %mul3A_134, %div3A_116 : vector<1024x128xf32>
    %add3A_136 = arith.addf %add3A_109, %mul3A_135 : vector<1024x128xf32>
    %slice3A_137 = vector.extract_strided_slice %add3A {offsets = [4096, 0], sizes = [1024, 128], strides = [1, 1]} : vector<8192x128xf32> to vector<1024x128xf32>
    %slice3A_138 = vector.extract_strided_slice %add3A_23 {offsets = [0, 4], sizes = [1024, 1], strides = [1, 1]} : vector<1024x8xf32> to vector<1024x1xf32>
    %max3A_139 = arith.constant 1.000000e+00 : f32
    %max3A_140 = vector.broadcast %max3A_139 : f32 to vector<1024x1xf32>
    %max3A_141 = arith.maximumf %slice3A_138, %max3A_140 : vector<1024x1xf32>
    %div3A_142 = vector.broadcast %max3A_141 : vector<1024x1xf32> to vector<1024x128xf32>
    %div3A_143 = arith.divf %slice3A_137, %div3A_142 : vector<1024x128xf32>
    %slice3A_144 = vector.extract_strided_slice %get3A_26 {offsets = [4, 0], sizes = [1, 1], strides = [1, 1]} : vector<8x4xf32> to vector<1x1xf32>
    %squeeze3A_145 = vector.extract %slice3A_144[0, 0] : f32 from vector<1x1xf32>
    %mul3A_146 = vector.broadcast %squeeze3A_145 : f32 to vector<1024x128xf32>
    %mul3A_147 = arith.mulf %mul3A_146, %div3A_143 : vector<1024x128xf32>
    %add3A_148 = arith.addf %add3A_121, %mul3A_147 : vector<1024x128xf32>
    %slice3A_149 = vector.extract_strided_slice %get3A_26 {offsets = [4, 1], sizes = [1, 1], strides = [1, 1]} : vector<8x4xf32> to vector<1x1xf32>
    %squeeze3A_150 = vector.extract %slice3A_149[0, 0] : f32 from vector<1x1xf32>
    %mul3A_151 = vector.broadcast %squeeze3A_150 : f32 to vector<1024x128xf32>
    %mul3A_152 = arith.mulf %mul3A_151, %div3A_143 : vector<1024x128xf32>
    %add3A_153 = arith.addf %add3A_126, %mul3A_152 : vector<1024x128xf32>
    %slice3A_154 = vector.extract_strided_slice %get3A_26 {offsets = [4, 2], sizes = [1, 1], strides = [1, 1]} : vector<8x4xf32> to vector<1x1xf32>
    %squeeze3A_155 = vector.extract %slice3A_154[0, 0] : f32 from vector<1x1xf32>
    %mul3A_156 = vector.broadcast %squeeze3A_155 : f32 to vector<1024x128xf32>
    %mul3A_157 = arith.mulf %mul3A_156, %div3A_143 : vector<1024x128xf32>
    %add3A_158 = arith.addf %add3A_131, %mul3A_157 : vector<1024x128xf32>
    %slice3A_159 = vector.extract_strided_slice %get3A_26 {offsets = [4, 3], sizes = [1, 1], strides = [1, 1]} : vector<8x4xf32> to vector<1x1xf32>
    %squeeze3A_160 = vector.extract %slice3A_159[0, 0] : f32 from vector<1x1xf32>
    %mul3A_161 = vector.broadcast %squeeze3A_160 : f32 to vector<1024x128xf32>
    %mul3A_162 = arith.mulf %mul3A_161, %div3A_143 : vector<1024x128xf32>
    %add3A_163 = arith.addf %add3A_136, %mul3A_162 : vector<1024x128xf32>
    %slice3A_164 = vector.extract_strided_slice %add3A {offsets = [5120, 0], sizes = [1024, 128], strides = [1, 1]} : vector<8192x128xf32> to vector<1024x128xf32>
    %slice3A_165 = vector.extract_strided_slice %add3A_23 {offsets = [0, 5], sizes = [1024, 1], strides = [1, 1]} : vector<1024x8xf32> to vector<1024x1xf32>
    %max3A_166 = arith.constant 1.000000e+00 : f32
    %max3A_167 = vector.broadcast %max3A_166 : f32 to vector<1024x1xf32>
    %max3A_168 = arith.maximumf %slice3A_165, %max3A_167 : vector<1024x1xf32>
    %div3A_169 = vector.broadcast %max3A_168 : vector<1024x1xf32> to vector<1024x128xf32>
    %div3A_170 = arith.divf %slice3A_164, %div3A_169 : vector<1024x128xf32>
    %slice3A_171 = vector.extract_strided_slice %get3A_26 {offsets = [5, 0], sizes = [1, 1], strides = [1, 1]} : vector<8x4xf32> to vector<1x1xf32>
    %squeeze3A_172 = vector.extract %slice3A_171[0, 0] : f32 from vector<1x1xf32>
    %mul3A_173 = vector.broadcast %squeeze3A_172 : f32 to vector<1024x128xf32>
    %mul3A_174 = arith.mulf %mul3A_173, %div3A_170 : vector<1024x128xf32>
    %add3A_175 = arith.addf %add3A_148, %mul3A_174 : vector<1024x128xf32>
    %slice3A_176 = vector.extract_strided_slice %get3A_26 {offsets = [5, 1], sizes = [1, 1], strides = [1, 1]} : vector<8x4xf32> to vector<1x1xf32>
    %squeeze3A_177 = vector.extract %slice3A_176[0, 0] : f32 from vector<1x1xf32>
    %mul3A_178 = vector.broadcast %squeeze3A_177 : f32 to vector<1024x128xf32>
    %mul3A_179 = arith.mulf %mul3A_178, %div3A_170 : vector<1024x128xf32>
    %add3A_180 = arith.addf %add3A_153, %mul3A_179 : vector<1024x128xf32>
    %slice3A_181 = vector.extract_strided_slice %get3A_26 {offsets = [5, 2], sizes = [1, 1], strides = [1, 1]} : vector<8x4xf32> to vector<1x1xf32>
    %squeeze3A_182 = vector.extract %slice3A_181[0, 0] : f32 from vector<1x1xf32>
    %mul3A_183 = vector.broadcast %squeeze3A_182 : f32 to vector<1024x128xf32>
    %mul3A_184 = arith.mulf %mul3A_183, %div3A_170 : vector<1024x128xf32>
    %add3A_185 = arith.addf %add3A_158, %mul3A_184 : vector<1024x128xf32>
    %slice3A_186 = vector.extract_strided_slice %get3A_26 {offsets = [5, 3], sizes = [1, 1], strides = [1, 1]} : vector<8x4xf32> to vector<1x1xf32>
    %squeeze3A_187 = vector.extract %slice3A_186[0, 0] : f32 from vector<1x1xf32>
    %mul3A_188 = vector.broadcast %squeeze3A_187 : f32 to vector<1024x128xf32>
    %mul3A_189 = arith.mulf %mul3A_188, %div3A_170 : vector<1024x128xf32>
    %add3A_190 = arith.addf %add3A_163, %mul3A_189 : vector<1024x128xf32>
    %slice3A_191 = vector.extract_strided_slice %add3A {offsets = [6144, 0], sizes = [1024, 128], strides = [1, 1]} : vector<8192x128xf32> to vector<1024x128xf32>
    %slice3A_192 = vector.extract_strided_slice %add3A_23 {offsets = [0, 6], sizes = [1024, 1], strides = [1, 1]} : vector<1024x8xf32> to vector<1024x1xf32>
    %max3A_193 = arith.constant 1.000000e+00 : f32
    %max3A_194 = vector.broadcast %max3A_193 : f32 to vector<1024x1xf32>
    %max3A_195 = arith.maximumf %slice3A_192, %max3A_194 : vector<1024x1xf32>
    %div3A_196 = vector.broadcast %max3A_195 : vector<1024x1xf32> to vector<1024x128xf32>
    %div3A_197 = arith.divf %slice3A_191, %div3A_196 : vector<1024x128xf32>
    %slice3A_198 = vector.extract_strided_slice %get3A_26 {offsets = [6, 0], sizes = [1, 1], strides = [1, 1]} : vector<8x4xf32> to vector<1x1xf32>
    %squeeze3A_199 = vector.extract %slice3A_198[0, 0] : f32 from vector<1x1xf32>
    %mul3A_200 = vector.broadcast %squeeze3A_199 : f32 to vector<1024x128xf32>
    %mul3A_201 = arith.mulf %mul3A_200, %div3A_197 : vector<1024x128xf32>
    %add3A_202 = arith.addf %add3A_175, %mul3A_201 : vector<1024x128xf32>
    %slice3A_203 = vector.extract_strided_slice %get3A_26 {offsets = [6, 1], sizes = [1, 1], strides = [1, 1]} : vector<8x4xf32> to vector<1x1xf32>
    %squeeze3A_204 = vector.extract %slice3A_203[0, 0] : f32 from vector<1x1xf32>
    %mul3A_205 = vector.broadcast %squeeze3A_204 : f32 to vector<1024x128xf32>
    %mul3A_206 = arith.mulf %mul3A_205, %div3A_197 : vector<1024x128xf32>
    %add3A_207 = arith.addf %add3A_180, %mul3A_206 : vector<1024x128xf32>
    %slice3A_208 = vector.extract_strided_slice %get3A_26 {offsets = [6, 2], sizes = [1, 1], strides = [1, 1]} : vector<8x4xf32> to vector<1x1xf32>
    %squeeze3A_209 = vector.extract %slice3A_208[0, 0] : f32 from vector<1x1xf32>
    %mul3A_210 = vector.broadcast %squeeze3A_209 : f32 to vector<1024x128xf32>
    %mul3A_211 = arith.mulf %mul3A_210, %div3A_197 : vector<1024x128xf32>
    %add3A_212 = arith.addf %add3A_185, %mul3A_211 : vector<1024x128xf32>
    %slice3A_213 = vector.extract_strided_slice %get3A_26 {offsets = [6, 3], sizes = [1, 1], strides = [1, 1]} : vector<8x4xf32> to vector<1x1xf32>
    %squeeze3A_214 = vector.extract %slice3A_213[0, 0] : f32 from vector<1x1xf32>
    %mul3A_215 = vector.broadcast %squeeze3A_214 : f32 to vector<1024x128xf32>
    %mul3A_216 = arith.mulf %mul3A_215, %div3A_197 : vector<1024x128xf32>
    %add3A_217 = arith.addf %add3A_190, %mul3A_216 : vector<1024x128xf32>
    %slice3A_218 = vector.extract_strided_slice %add3A {offsets = [7168, 0], sizes = [1024, 128], strides = [1, 1]} : vector<8192x128xf32> to vector<1024x128xf32>
    %slice3A_219 = vector.extract_strided_slice %add3A_23 {offsets = [0, 7], sizes = [1024, 1], strides = [1, 1]} : vector<1024x8xf32> to vector<1024x1xf32>
    %max3A_220 = arith.constant 1.000000e+00 : f32
    %max3A_221 = vector.broadcast %max3A_220 : f32 to vector<1024x1xf32>
    %max3A_222 = arith.maximumf %slice3A_219, %max3A_221 : vector<1024x1xf32>
    %div3A_223 = vector.broadcast %max3A_222 : vector<1024x1xf32> to vector<1024x128xf32>
    %div3A_224 = arith.divf %slice3A_218, %div3A_223 : vector<1024x128xf32>
    %slice3A_225 = vector.extract_strided_slice %get3A_26 {offsets = [7, 0], sizes = [1, 1], strides = [1, 1]} : vector<8x4xf32> to vector<1x1xf32>
    %squeeze3A_226 = vector.extract %slice3A_225[0, 0] : f32 from vector<1x1xf32>
    %mul3A_227 = vector.broadcast %squeeze3A_226 : f32 to vector<1024x128xf32>
    %mul3A_228 = arith.mulf %mul3A_227, %div3A_224 : vector<1024x128xf32>
    %add3A_229 = arith.addf %add3A_202, %mul3A_228 : vector<1024x128xf32>
    %slice3A_230 = vector.extract_strided_slice %get3A_26 {offsets = [7, 1], sizes = [1, 1], strides = [1, 1]} : vector<8x4xf32> to vector<1x1xf32>
    %squeeze3A_231 = vector.extract %slice3A_230[0, 0] : f32 from vector<1x1xf32>
    %mul3A_232 = vector.broadcast %squeeze3A_231 : f32 to vector<1024x128xf32>
    %mul3A_233 = arith.mulf %mul3A_232, %div3A_224 : vector<1024x128xf32>
    %add3A_234 = arith.addf %add3A_207, %mul3A_233 : vector<1024x128xf32>
    %slice3A_235 = vector.extract_strided_slice %get3A_26 {offsets = [7, 2], sizes = [1, 1], strides = [1, 1]} : vector<8x4xf32> to vector<1x1xf32>
    %squeeze3A_236 = vector.extract %slice3A_235[0, 0] : f32 from vector<1x1xf32>
    %mul3A_237 = vector.broadcast %squeeze3A_236 : f32 to vector<1024x128xf32>
    %mul3A_238 = arith.mulf %mul3A_237, %div3A_224 : vector<1024x128xf32>
    %add3A_239 = arith.addf %add3A_212, %mul3A_238 : vector<1024x128xf32>
    %slice3A_240 = vector.extract_strided_slice %get3A_26 {offsets = [7, 3], sizes = [1, 1], strides = [1, 1]} : vector<8x4xf32> to vector<1x1xf32>
    %squeeze3A_241 = vector.extract %slice3A_240[0, 0] : f32 from vector<1x1xf32>
    %mul3A_242 = vector.broadcast %squeeze3A_241 : f32 to vector<1024x128xf32>
    %mul3A_243 = arith.mulf %mul3A_242, %div3A_224 : vector<1024x128xf32>
    %add3A_244 = arith.addf %add3A_217, %mul3A_243 : vector<1024x128xf32>
    %get3A_245 = arith.constant 0 : index
    %get3A_246 = arith.constant 0 : index
    %get3A_247 = vector.load %arg1[%get3A_245, %get3A_246] : memref<1024x128xf32, #tpu.memory_space<vmem>>, vector<1024x128xf32>
    %get3A_248 = arith.constant 0 : index
    %get3A_249 = arith.constant 0 : index
    %get3A_250 = vector.load %arg6[%get3A_248, %get3A_249] : memref<128x128xf32, #tpu.memory_space<vmem>>, vector<128x128xf32>
    %dot_general3A = arith.constant dense<0.000000e+00> : vector<1024x128xf32>
    %dot_general3A_251 = tpu.matmul %get3A_247, %get3A_250, %dot_general3A {dimension_numbers = #tpu.dot_dimension_numbers<[1], [0], [0], [1], [0, 0, 1, 1], [], []>, transpose_lhs_hint = false} : vector<1024x128xf32>, vector<128x128xf32>, vector<1024x128xf32> -> vector<1024x128xf32>
    %get3A_252 = arith.constant 0 : index
    %get3A_253 = arith.constant 0 : index
    %get3A_254 = arith.constant 0 : index
    %get3A_255 = vector.load %arg5[%get3A_252, %get3A_253, %get3A_254] : memref<4x128x128xf32, #tpu.memory_space<vmem>>, vector<1x128x128xf32>
    %get3A_256 = vector.shape_cast %get3A_255 : vector<1x128x128xf32> to vector<128x128xf32>
    %dot_general3A_257 = arith.constant dense<0.000000e+00> : vector<1024x128xf32>
    %dot_general3A_258 = tpu.matmul %add3A_229, %get3A_256, %dot_general3A_257 {dimension_numbers = #tpu.dot_dimension_numbers<[1], [0], [0], [1], [0, 0, 1, 1], [], []>, transpose_lhs_hint = false} : vector<1024x128xf32>, vector<128x128xf32>, vector<1024x128xf32> -> vector<1024x128xf32>
    %add3A_259 = arith.addf %dot_general3A_251, %dot_general3A_258 : vector<1024x128xf32>
    %get3A_260 = arith.constant 1 : index
    %get3A_261 = arith.constant 0 : index
    %get3A_262 = arith.constant 0 : index
    %get3A_263 = vector.load %arg5[%get3A_260, %get3A_261, %get3A_262] : memref<4x128x128xf32, #tpu.memory_space<vmem>>, vector<1x128x128xf32>
    %get3A_264 = vector.shape_cast %get3A_263 : vector<1x128x128xf32> to vector<128x128xf32>
    %dot_general3A_265 = arith.constant dense<0.000000e+00> : vector<1024x128xf32>
    %dot_general3A_266 = tpu.matmul %add3A_234, %get3A_264, %dot_general3A_265 {dimension_numbers = #tpu.dot_dimension_numbers<[1], [0], [0], [1], [0, 0, 1, 1], [], []>, transpose_lhs_hint = false} : vector<1024x128xf32>, vector<128x128xf32>, vector<1024x128xf32> -> vector<1024x128xf32>
    %add3A_267 = arith.addf %add3A_259, %dot_general3A_266 : vector<1024x128xf32>
    %get3A_268 = arith.constant 2 : index
    %get3A_269 = arith.constant 0 : index
    %get3A_270 = arith.constant 0 : index
    %get3A_271 = vector.load %arg5[%get3A_268, %get3A_269, %get3A_270] : memref<4x128x128xf32, #tpu.memory_space<vmem>>, vector<1x128x128xf32>
    %get3A_272 = vector.shape_cast %get3A_271 : vector<1x128x128xf32> to vector<128x128xf32>
    %dot_general3A_273 = arith.constant dense<0.000000e+00> : vector<1024x128xf32>
    %dot_general3A_274 = tpu.matmul %add3A_239, %get3A_272, %dot_general3A_273 {dimension_numbers = #tpu.dot_dimension_numbers<[1], [0], [0], [1], [0, 0, 1, 1], [], []>, transpose_lhs_hint = false} : vector<1024x128xf32>, vector<128x128xf32>, vector<1024x128xf32> -> vector<1024x128xf32>
    %add3A_275 = arith.addf %add3A_267, %dot_general3A_274 : vector<1024x128xf32>
    %get3A_276 = arith.constant 3 : index
    %get3A_277 = arith.constant 0 : index
    %get3A_278 = arith.constant 0 : index
    %get3A_279 = vector.load %arg5[%get3A_276, %get3A_277, %get3A_278] : memref<4x128x128xf32, #tpu.memory_space<vmem>>, vector<1x128x128xf32>
    %get3A_280 = vector.shape_cast %get3A_279 : vector<1x128x128xf32> to vector<128x128xf32>
    %dot_general3A_281 = arith.constant dense<0.000000e+00> : vector<1024x128xf32>
    %dot_general3A_282 = tpu.matmul %add3A_244, %get3A_280, %dot_general3A_281 {dimension_numbers = #tpu.dot_dimension_numbers<[1], [0], [0], [1], [0, 0, 1, 1], [], []>, transpose_lhs_hint = false} : vector<1024x128xf32>, vector<128x128xf32>, vector<1024x128xf32> -> vector<1024x128xf32>
    %add3A_283 = arith.addf %add3A_275, %dot_general3A_282 : vector<1024x128xf32>
    %get3A_284 = arith.constant 0 : index
    %get3A_285 = arith.constant 0 : index
    %get3A_286 = vector.load %arg7[%get3A_284, %get3A_285] : memref<8x128xf32, #tpu.memory_space<vmem>>, vector<1x128xf32>
    %add3A_287 = vector.broadcast %get3A_286 : vector<1x128xf32> to vector<1024x128xf32>
    %add3A_288 = arith.addf %add3A_283, %add3A_287 : vector<1024x128xf32>
    %max3A_289 = arith.constant 0.000000e+00 : f32
    %max3A_290 = vector.broadcast %max3A_289 : f32 to vector<1024x128xf32>
    %max3A_291 = arith.maximumf %add3A_288, %max3A_290 : vector<1024x128xf32>
    %swap3A = arith.constant 0 : index
    %swap3A_292 = arith.constant 0 : index
    %swap3A_293 = vector.load %arg8[%swap3A, %swap3A_292] : memref<1024x128xf32, #tpu.memory_space<vmem>>, vector<1024x128xf32>
    tpu.vector_store %arg8[%swap3A, %swap3A_292], %max3A_291 {strides = array<i32>} : memref<1024x128xf32, #tpu.memory_space<vmem>>, vector<1024x128xf32>,
    return
  }
  func.func @transform_0(%arg0: i32) -> (i32, i32) {
    %c0_i32 = arith.constant 0 : i32
    %c0_i32_0 = arith.constant 0 : i32
    return %arg0, %c0_i32 : i32, i32
  }
  func.func @transform_1(%arg0: i32) -> (i32, i32, i32, i32) {
    %c0_i32 = arith.constant 0 : i32
    %c0_i32_0 = arith.constant 0 : i32
    %c0_i32_1 = arith.constant 0 : i32
    %c0_i32_2 = arith.constant 0 : i32
    return %c0_i32, %arg0, %c0_i32_0, %c0_i32_1 : i32, i32, i32, i32
  }
  func.func @transform_2(%arg0: i32) -> (i32, i32, i32, i32) {
    %c0_i32 = arith.constant 0 : i32
    %c0_i32_0 = arith.constant 0 : i32
    %c0_i32_1 = arith.constant 0 : i32
    %c0_i32_2 = arith.constant 0 : i32
    return %c0_i32, %arg0, %c0_i32_0, %c0_i32_1 : i32, i32, i32, i32
  }
  func.func @transform_3(%arg0: i32) -> (i32, i32) {
    %c0_i32 = arith.constant 0 : i32
    %c0_i32_0 = arith.constant 0 : i32
    %c0_i32_1 = arith.constant 0 : i32
    return %c0_i32, %c0_i32_0 : i32, i32
  }
  func.func @transform_4(%arg0: i32) -> (i32, i32, i32) {
    %c0_i32 = arith.constant 0 : i32
    %c0_i32_0 = arith.constant 0 : i32
    %c0_i32_1 = arith.constant 0 : i32
    %c0_i32_2 = arith.constant 0 : i32
    return %c0_i32, %c0_i32_0, %c0_i32_1 : i32, i32, i32
  }
  func.func @transform_5(%arg0: i32) -> (i32, i32) {
    %c0_i32 = arith.constant 0 : i32
    %c0_i32_0 = arith.constant 0 : i32
    %c0_i32_1 = arith.constant 0 : i32
    return %c0_i32, %c0_i32_0 : i32, i32
  }
  func.func @transform_6(%arg0: i32) -> (i32, i32) {
    %c0_i32 = arith.constant 0 : i32
    %c0_i32_0 = arith.constant 0 : i32
    %c0_i32_1 = arith.constant 0 : i32
    return %c0_i32, %c0_i32_0 : i32, i32
  }
  func.func @transform_7(%arg0: i32) -> (i32, i32) {
    %c0_i32 = arith.constant 0 : i32
    %c0_i32_0 = arith.constant 0 : i32
    return %arg0, %c0_i32 : i32, i32
  }
}

module attributes {stable_mosaic.version = 14 : i64} {
  func.func @body(%arg0: i32, %arg1: memref<1024x128xf32, #tpu.memory_space<vmem>>, %arg2: memref<2x1x8192x128xf32, #tpu.memory_space<vmem>>, %arg3: memref<2x1x1024x8xf32, #tpu.memory_space<vmem>>, %arg4: memref<8x4xf32, #tpu.memory_space<vmem>>, %arg5: memref<4x128x128xf32, #tpu.memory_space<vmem>>, %arg6: memref<128x128xf32, #tpu.memory_space<vmem>>, %arg7: memref<8x128xf32, #tpu.memory_space<vmem>>, %arg8: memref<1024x128xf32, #tpu.memory_space<vmem>>) attributes {dimension_semantics = [#tpu.dimension_semantics<arbitrary>], iteration_bounds = array<i64: 10>, scalar_prefetch = 0 : i64, scratch_operands = 0 : i64, tpu.core_type = #tpu.core_type<tc>, window_params = [{transform_indices = @transform_0, window_bounds = array<i64: 1024, 128>}, {transform_indices = @transform_1, window_bounds = array<i64: 2, 1, 8192, 128>}, {transform_indices = @transform_2, window_bounds = array<i64: 2, 1, 1024, 8>}, {pipeline_mode = #tpu.pipeline_mode<synchronous>, transform_indices = @transform_3, window_bounds = array<i64: 8, 4>}, {pipeline_mode = #tpu.pipeline_mode<synchronous>, transform_indices = @transform_4, window_bounds = array<i64: 4, 128, 128>}, {pipeline_mode = #tpu.pipeline_mode<synchronous>, transform_indices = @transform_5, window_bounds = array<i64: 128, 128>}, {pipeline_mode = #tpu.pipeline_mode<synchronous>, transform_indices = @transform_6, window_bounds = array<i64: 8, 128>}, {transform_indices = @transform_7, window_bounds = array<i64: 1024, 128>}]} {
    %get3A = arith.constant 0 : index
    %get3A_0 = arith.constant 0 : index
    %get3A_1 = arith.constant 0 : index
    %get3A_2 = arith.constant 0 : index
    %get3A_3 = vector.load %arg2[%get3A, %get3A_0, %get3A_1, %get3A_2] : memref<2x1x8192x128xf32, #tpu.memory_space<vmem>>, vector<1x1x8192x128xf32>
    %get3A_4 = vector.shape_cast %get3A_3 : vector<1x1x8192x128xf32> to vector<8192x128xf32>
    %get3A_5 = arith.constant 1 : index
    %get3A_6 = arith.constant 0 : index
    %get3A_7 = arith.constant 0 : index
    %get3A_8 = arith.constant 0 : index
    %get3A_9 = vector.load %arg2[%get3A_5, %get3A_6, %get3A_7, %get3A_8] : memref<2x1x8192x128xf32, #tpu.memory_space<vmem>>, vector<1x1x8192x128xf32>
    %get3A_10 = vector.shape_cast %get3A_9 : vector<1x1x8192x128xf32> to vector<8192x128xf32>
    %add3A = arith.addf %get3A_4, %get3A_10 : vector<8192x128xf32>
    %get3A_11 = arith.constant 0 : index
    %get3A_12 = arith.constant 0 : index
    %get3A_13 = arith.constant 0 : index
    %get3A_14 = arith.constant 0 : index
    %get3A_15 = vector.load %arg3[%get3A_11, %get3A_12, %get3A_13, %get3A_14] : memref<2x1x1024x8xf32, #tpu.memory_space<vmem>>, vector<1x1x1024x8xf32>
    %get3A_16 = vector.shape_cast %get3A_15 : vector<1x1x1024x8xf32> to vector<1024x8xf32>
    %get3A_17 = arith.constant 1 : index
    %get3A_18 = arith.constant 0 : index
    %get3A_19 = arith.constant 0 : index
    %get3A_20 = arith.constant 0 : index
    %get3A_21 = vector.load %arg3[%get3A_17, %get3A_18, %get3A_19, %get3A_20] : memref<2x1x1024x8xf32, #tpu.memory_space<vmem>>, vector<1x1x1024x8xf32>
    %get3A_22 = vector.shape_cast %get3A_21 : vector<1x1x1024x8xf32> to vector<1024x8xf32>
    %add3A_23 = arith.addf %get3A_16, %get3A_22 : vector<1024x8xf32>
    %get3A_24 = arith.constant 0 : index
    %get3A_25 = arith.constant 0 : index
    %get3A_26 = vector.load %arg4[%get3A_24, %get3A_25] : memref<8x4xf32, #tpu.memory_space<vmem>>, vector<8x4xf32>
    %broadcast_in_dim3A = arith.constant 0.000000e+00 : f32
    %broadcast_in_dim3A_27 = vector.broadcast %broadcast_in_dim3A : f32 to vector<1024x128xf32>
    %broadcast_in_dim3A_28 = arith.constant 0.000000e+00 : f32
    %broadcast_in_dim3A_29 = vector.broadcast %broadcast_in_dim3A_28 : f32 to vector<1024x128xf32>
    %broadcast_in_dim3A_30 = arith.constant 0.000000e+00 : f32
    %broadcast_in_dim3A_31 = vector.broadcast %broadcast_in_dim3A_30 : f32 to vector<1024x128xf32>
    %broadcast_in_dim3A_32 = arith.constant 0.000000e+00 : f32
    %broadcast_in_dim3A_33 = vector.broadcast %broadcast_in_dim3A_32 : f32 to vector<1024x128xf32>
    %slice3A = vector.extract_strided_slice %add3A {offsets = [0, 0], sizes = [1024, 128], strides = [1, 1]} : vector<8192x128xf32> to vector<1024x128xf32>
    %slice3A_34 = vector.extract_strided_slice %add3A_23 {offsets = [0, 0], sizes = [1024, 1], strides = [1, 1]} : vector<1024x8xf32> to vector<1024x1xf32>
    %max3A = arith.constant 1.000000e+00 : f32
    %max3A_35 = vector.broadcast %max3A : f32 to vector<1024x1xf32>
    %max3A_36 = arith.maximumf %slice3A_34, %max3A_35 : vector<1024x1xf32>
    %div3A = vector.broadcast %max3A_36 : vector<1024x1xf32> to vector<1024x128xf32>
    %div3A_37 = arith.divf %slice3A, %div3A : vector<1024x128xf32>
    %slice3A_38 = vector.extract_strided_slice %get3A_26 {offsets = [0, 0], sizes = [1, 1], strides = [1, 1]} : vector<8x4xf32> to vector<1x1xf32>
    %squeeze3A = vector.extract %slice3A_38[0, 0] : f32 from vector<1x1xf32>
    %mul3A = vector.broadcast %squeeze3A : f32 to vector<1024x128xf32>
    %mul3A_39 = arith.mulf %mul3A, %div3A_37 : vector<1024x128xf32>
    %add3A_40 = arith.addf %broadcast_in_dim3A_27, %mul3A_39 : vector<1024x128xf32>
    %slice3A_41 = vector.extract_strided_slice %get3A_26 {offsets = [0, 1], sizes = [1, 1], strides = [1, 1]} : vector<8x4xf32> to vector<1x1xf32>
    %squeeze3A_42 = vector.extract %slice3A_41[0, 0] : f32 from vector<1x1xf32>
    %mul3A_43 = vector.broadcast %squeeze3A_42 : f32 to vector<1024x128xf32>
    %mul3A_44 = arith.mulf %mul3A_43, %div3A_37 : vector<1024x128xf32>
    %add3A_45 = arith.addf %broadcast_in_dim3A_29, %mul3A_44 : vector<1024x128xf32>
    %slice3A_46 = vector.extract_strided_slice %get3A_26 {offsets = [0, 2], sizes = [1, 1], strides = [1, 1]} : vector<8x4xf32> to vector<1x1xf32>
    %squeeze3A_47 = vector.extract %slice3A_46[0, 0] : f32 from vector<1x1xf32>
    %mul3A_48 = vector.broadcast %squeeze3A_47 : f32 to vector<1024x128xf32>
    %mul3A_49 = arith.mulf %mul3A_48, %div3A_37 : vector<1024x128xf32>
    %add3A_50 = arith.addf %broadcast_in_dim3A_31, %mul3A_49 : vector<1024x128xf32>
    %slice3A_51 = vector.extract_strided_slice %get3A_26 {offsets = [0, 3], sizes = [1, 1], strides = [1, 1]} : vector<8x4xf32> to vector<1x1xf32>
    %squeeze3A_52 = vector.extract %slice3A_51[0, 0] : f32 from vector<1x1xf32>
    %mul3A_53 = vector.broadcast %squeeze3A_52 : f32 to vector<1024x128xf32>
    %mul3A_54 = arith.mulf %mul3A_53, %div3A_37 : vector<1024x128xf32>
    %add3A_55 = arith.addf %broadcast_in_dim3A_33, %mul3A_54 : vector<1024x128xf32>
    %slice3A_56 = vector.extract_strided_slice %add3A {offsets = [1024, 0], sizes = [1024, 128], strides = [1, 1]} : vector<8192x128xf32> to vector<1024x128xf32>
    %slice3A_57 = vector.extract_strided_slice %add3A_23 {offsets = [0, 1], sizes = [1024, 1], strides = [1, 1]} : vector<1024x8xf32> to vector<1024x1xf32>
    %max3A_58 = arith.constant 1.000000e+00 : f32
    %max3A_59 = vector.broadcast %max3A_58 : f32 to vector<1024x1xf32>
    %max3A_60 = arith.maximumf %slice3A_57, %max3A_59 : vector<1024x1xf32>
    %div3A_61 = vector.broadcast %max3A_60 : vector<1024x1xf32> to vector<1024x128xf32>
    %div3A_62 = arith.divf %slice3A_56, %div3A_61 : vector<1024x128xf32>
    %slice3A_63 = vector.extract_strided_slice %get3A_26 {offsets = [1, 0], sizes = [1, 1], strides = [1, 1]} : vector<8x4xf32> to vector<1x1xf32>
    %squeeze3A_64 = vector.extract %slice3A_63[0, 0] : f32 from vector<1x1xf32>
    %mul3A_65 = vector.broadcast %squeeze3A_64 : f32 to vector<1024x128xf32>
    %mul3A_66 = arith.mulf %mul3A_65, %div3A_62 : vector<1024x128xf32>
    %add3A_67 = arith.addf %add3A_40, %mul3A_66 : vector<1024x128xf32>
    %slice3A_68 = vector.extract_strided_slice %get3A_26 {offsets = [1, 1], sizes = [1, 1], strides = [1, 1]} : vector<8x4xf32> to vector<1x1xf32>
    %squeeze3A_69 = vector.extract %slice3A_68[0, 0] : f32 from vector<1x1xf32>
    %mul3A_70 = vector.broadcast %squeeze3A_69 : f32 to vector<1024x128xf32>
    %mul3A_71 = arith.mulf %mul3A_70, %div3A_62 : vector<1024x128xf32>
    %add3A_72 = arith.addf %add3A_45, %mul3A_71 : vector<1024x128xf32>
    %slice3A_73 = vector.extract_strided_slice %get3A_26 {offsets = [1, 2], sizes = [1, 1], strides = [1, 1]} : vector<8x4xf32> to vector<1x1xf32>
    %squeeze3A_74 = vector.extract %slice3A_73[0, 0] : f32 from vector<1x1xf32>
    %mul3A_75 = vector.broadcast %squeeze3A_74 : f32 to vector<1024x128xf32>
    %mul3A_76 = arith.mulf %mul3A_75, %div3A_62 : vector<1024x128xf32>
    %add3A_77 = arith.addf %add3A_50, %mul3A_76 : vector<1024x128xf32>
    %slice3A_78 = vector.extract_strided_slice %get3A_26 {offsets = [1, 3], sizes = [1, 1], strides = [1, 1]} : vector<8x4xf32> to vector<1x1xf32>
    %squeeze3A_79 = vector.extract %slice3A_78[0, 0] : f32 from vector<1x1xf32>
    %mul3A_80 = vector.broadcast %squeeze3A_79 : f32 to vector<1024x128xf32>
    %mul3A_81 = arith.mulf %mul3A_80, %div3A_62 : vector<1024x128xf32>
    %add3A_82 = arith.addf %add3A_55, %mul3A_81 : vector<1024x128xf32>
    %slice3A_83 = vector.extract_strided_slice %add3A {offsets = [2048, 0], sizes = [1024, 128], strides = [1, 1]} : vector<8192x128xf32> to vector<1024x128xf32>
    %slice3A_84 = vector.extract_strided_slice %add3A_23 {offsets = [0, 2], sizes = [1024, 1], strides = [1, 1]} : vector<1024x8xf32> to vector<1024x1xf32>
    %max3A_85 = arith.constant 1.000000e+00 : f32
    %max3A_86 = vector.broadcast %max3A_85 : f32 to vector<1024x1xf32>
    %max3A_87 = arith.maximumf %slice3A_84, %max3A_86 : vector<1024x1xf32>
    %div3A_88 = vector.broadcast %max3A_87 : vector<1024x1xf32> to vector<1024x128xf32>
    %div3A_89 = arith.divf %slice3A_83, %div3A_88 : vector<1024x128xf32>
    %slice3A_90 = vector.extract_strided_slice %get3A_26 {offsets = [2, 0], sizes = [1, 1], strides = [1, 1]} : vector<8x4xf32> to vector<1x1xf32>
    %squeeze3A_91 = vector.extract %slice3A_90[0, 0] : f32 from vector<1x1xf32>
    %mul3A_92 = vector.broadcast %squeeze3A_91 : f32 to vector<1024x128xf32>
    %mul3A_93 = arith.mulf %mul3A_92, %div3A_89 : vector<1024x128xf32>
    %add3A_94 = arith.addf %add3A_67, %mul3A_93 : vector<1024x128xf32>
    %slice3A_95 = vector.extract_strided_slice %get3A_26 {offsets = [2, 1], sizes = [1, 1], strides = [1, 1]} : vector<8x4xf32> to vector<1x1xf32>
    %squeeze3A_96 = vector.extract %slice3A_95[0, 0] : f32 from vector<1x1xf32>
    %mul3A_97 = vector.broadcast %squeeze3A_96 : f32 to vector<1024x128xf32>
    %mul3A_98 = arith.mulf %mul3A_97, %div3A_89 : vector<1024x128xf32>
    %add3A_99 = arith.addf %add3A_72, %mul3A_98 : vector<1024x128xf32>
    %slice3A_100 = vector.extract_strided_slice %get3A_26 {offsets = [2, 2], sizes = [1, 1], strides = [1, 1]} : vector<8x4xf32> to vector<1x1xf32>
    %squeeze3A_101 = vector.extract %slice3A_100[0, 0] : f32 from vector<1x1xf32>
    %mul3A_102 = vector.broadcast %squeeze3A_101 : f32 to vector<1024x128xf32>
    %mul3A_103 = arith.mulf %mul3A_102, %div3A_89 : vector<1024x128xf32>
    %add3A_104 = arith.addf %add3A_77, %mul3A_103 : vector<1024x128xf32>
    %slice3A_105 = vector.extract_strided_slice %get3A_26 {offsets = [2, 3], sizes = [1, 1], strides = [1, 1]} : vector<8x4xf32> to vector<1x1xf32>
    %squeeze3A_106 = vector.extract %slice3A_105[0, 0] : f32 from vector<1x1xf32>
    %mul3A_107 = vector.broadcast %squeeze3A_106 : f32 to vector<1024x128xf32>
    %mul3A_108 = arith.mulf %mul3A_107, %div3A_89 : vector<1024x128xf32>
    %add3A_109 = arith.addf %add3A_82, %mul3A_108 : vector<1024x128xf32>
    %slice3A_110 = vector.extract_strided_slice %add3A {offsets = [3072, 0], sizes = [1024, 128], strides = [1, 1]} : vector<8192x128xf32> to vector<1024x128xf32>
    %slice3A_111 = vector.extract_strided_slice %add3A_23 {offsets = [0, 3], sizes = [1024, 1], strides = [1, 1]} : vector<1024x8xf32> to vector<1024x1xf32>
    %max3A_112 = arith.constant 1.000000e+00 : f32
    %max3A_113 = vector.broadcast %max3A_112 : f32 to vector<1024x1xf32>
    %max3A_114 = arith.maximumf %slice3A_111, %max3A_113 : vector<1024x1xf32>
    %div3A_115 = vector.broadcast %max3A_114 : vector<1024x1xf32> to vector<1024x128xf32>
    %div3A_116 = arith.divf %slice3A_110, %div3A_115 : vector<1024x128xf32>
    %slice3A_117 = vector.extract_strided_slice %get3A_26 {offsets = [3, 0], sizes = [1, 1], strides = [1, 1]} : vector<8x4xf32> to vector<1x1xf32>
    %squeeze3A_118 = vector.extract %slice3A_117[0, 0] : f32 from vector<1x1xf32>
    %mul3A_119 = vector.broadcast %squeeze3A_118 : f32 to vector<1024x128xf32>
    %mul3A_120 = arith.mulf %mul3A_119, %div3A_116 : vector<1024x128xf32>
    %add3A_121 = arith.addf %add3A_94, %mul3A_120 : vector<1024x128xf32>
    %slice3A_122 = vector.extract_strided_slice %get3A_26 {offsets = [3, 1], sizes = [1, 1], strides = [1, 1]} : vector<8x4xf32> to vector<1x1xf32>
    %squeeze3A_123 = vector.extract %slice3A_122[0, 0] : f32 from vector<1x1xf32>
    %mul3A_124 = vector.broadcast %squeeze3A_123 : f32 to vector<1024x128xf32>
    %mul3A_125 = arith.mulf %mul3A_124, %div3A_116 : vector<1024x128xf32>
    %add3A_126 = arith.addf %add3A_99, %mul3A_125 : vector<1024x128xf32>
    %slice3A_127 = vector.extract_strided_slice %get3A_26 {offsets = [3, 2], sizes = [1, 1], strides = [1, 1]} : vector<8x4xf32> to vector<1x1xf32>
    %squeeze3A_128 = vector.extract %slice3A_127[0, 0] : f32 from vector<1x1xf32>
    %mul3A_129 = vector.broadcast %squeeze3A_128 : f32 to vector<1024x128xf32>
    %mul3A_130 = arith.mulf %mul3A_129, %div3A_116 : vector<1024x128xf32>
    %add3A_131 = arith.addf %add3A_104, %mul3A_130 : vector<1024x128xf32>
    %slice3A_132 = vector.extract_strided_slice %get3A_26 {offsets = [3, 3], sizes = [1, 1], strides = [1, 1]} : vector<8x4xf32> to vector<1x1xf32>
    %squeeze3A_133 = vector.extract %slice3A_132[0, 0] : f32 from vector<1x1xf32>
    %mul3A_134 = vector.broadcast %squeeze3A_133 : f32 to vector<1024x128xf32>
    %mul3A_135 = arith.mulf %mul3A_134, %div3A_116 : vector<1024x128xf32>
    %add3A_136 = arith.addf %add3A_109, %mul3A_135 : vector<1024x128xf32>
    %slice3A_137 = vector.extract_strided_slice %add3A {offsets = [4096, 0], sizes = [1024, 128], strides = [1, 1]} : vector<8192x128xf32> to vector<1024x128xf32>
    %slice3A_138 = vector.extract_strided_slice %add3A_23 {offsets = [0, 4], sizes = [1024, 1], strides = [1, 1]} : vector<1024x8xf32> to vector<1024x1xf32>
    %max3A_139 = arith.constant 1.000000e+00 : f32
    %max3A_140 = vector.broadcast %max3A_139 : f32 to vector<1024x1xf32>
    %max3A_141 = arith.maximumf %slice3A_138, %max3A_140 : vector<1024x1xf32>
    %div3A_142 = vector.broadcast %max3A_141 : vector<1024x1xf32> to vector<1024x128xf32>
    %div3A_143 = arith.divf %slice3A_137, %div3A_142 : vector<1024x128xf32>
    %slice3A_144 = vector.extract_strided_slice %get3A_26 {offsets = [4, 0], sizes = [1, 1], strides = [1, 1]} : vector<8x4xf32> to vector<1x1xf32>
    %squeeze3A_145 = vector.extract %slice3A_144[0, 0] : f32 from vector<1x1xf32>
    %mul3A_146 = vector.broadcast %squeeze3A_145 : f32 to vector<1024x128xf32>
    %mul3A_147 = arith.mulf %mul3A_146, %div3A_143 : vector<1024x128xf32>
    %add3A_148 = arith.addf %add3A_121, %mul3A_147 : vector<1024x128xf32>
    %slice3A_149 = vector.extract_strided_slice %get3A_26 {offsets = [4, 1], sizes = [1, 1], strides = [1, 1]} : vector<8x4xf32> to vector<1x1xf32>
    %squeeze3A_150 = vector.extract %slice3A_149[0, 0] : f32 from vector<1x1xf32>
    %mul3A_151 = vector.broadcast %squeeze3A_150 : f32 to vector<1024x128xf32>
    %mul3A_152 = arith.mulf %mul3A_151, %div3A_143 : vector<1024x128xf32>
    %add3A_153 = arith.addf %add3A_126, %mul3A_152 : vector<1024x128xf32>
    %slice3A_154 = vector.extract_strided_slice %get3A_26 {offsets = [4, 2], sizes = [1, 1], strides = [1, 1]} : vector<8x4xf32> to vector<1x1xf32>
    %squeeze3A_155 = vector.extract %slice3A_154[0, 0] : f32 from vector<1x1xf32>
    %mul3A_156 = vector.broadcast %squeeze3A_155 : f32 to vector<1024x128xf32>
    %mul3A_157 = arith.mulf %mul3A_156, %div3A_143 : vector<1024x128xf32>
    %add3A_158 = arith.addf %add3A_131, %mul3A_157 : vector<1024x128xf32>
    %slice3A_159 = vector.extract_strided_slice %get3A_26 {offsets = [4, 3], sizes = [1, 1], strides = [1, 1]} : vector<8x4xf32> to vector<1x1xf32>
    %squeeze3A_160 = vector.extract %slice3A_159[0, 0] : f32 from vector<1x1xf32>
    %mul3A_161 = vector.broadcast %squeeze3A_160 : f32 to vector<1024x128xf32>
    %mul3A_162 = arith.mulf %mul3A_161, %div3A_143 : vector<1024x128xf32>
    %add3A_163 = arith.addf %add3A_136, %mul3A_162 : vector<1024x128xf32>
    %slice3A_164 = vector.extract_strided_slice %add3A {offsets = [5120, 0], sizes = [1024, 128], strides = [1, 1]} : vector<8192x128xf32> to vector<1024x128xf32>
    %slice3A_165 = vector.extract_strided_slice %add3A_23 {offsets = [0, 5], sizes = [1024, 1], strides = [1, 1]} : vector<1024x8xf32> to vector<1024x1xf32>
    %max3A_166 = arith.constant 1.000000e+00 : f32
    %max3A_167 = vector.broadcast %max3A_166 : f32 to vector<1024x1xf32>
    %max3A_168 = arith.maximumf %slice3A_165, %max3A_167 : vector<1024x1xf32>
    %div3A_169 = vector.broadcast %max3A_168 : vector<1024x1xf32> to vector<1024x128xf32>
    %div3A_170 = arith.divf %slice3A_164, %div3A_169 : vector<1024x128xf32>
    %slice3A_171 = vector.extract_strided_slice %get3A_26 {offsets = [5, 0], sizes = [1, 1], strides = [1, 1]} : vector<8x4xf32> to vector<1x1xf32>
    %squeeze3A_172 = vector.extract %slice3A_171[0, 0] : f32 from vector<1x1xf32>
    %mul3A_173 = vector.broadcast %squeeze3A_172 : f32 to vector<1024x128xf32>
    %mul3A_174 = arith.mulf %mul3A_173, %div3A_170 : vector<1024x128xf32>
    %add3A_175 = arith.addf %add3A_148, %mul3A_174 : vector<1024x128xf32>
    %slice3A_176 = vector.extract_strided_slice %get3A_26 {offsets = [5, 1], sizes = [1, 1], strides = [1, 1]} : vector<8x4xf32> to vector<1x1xf32>
    %squeeze3A_177 = vector.extract %slice3A_176[0, 0] : f32 from vector<1x1xf32>
    %mul3A_178 = vector.broadcast %squeeze3A_177 : f32 to vector<1024x128xf32>
    %mul3A_179 = arith.mulf %mul3A_178, %div3A_170 : vector<1024x128xf32>
    %add3A_180 = arith.addf %add3A_153, %mul3A_179 : vector<1024x128xf32>
    %slice3A_181 = vector.extract_strided_slice %get3A_26 {offsets = [5, 2], sizes = [1, 1], strides = [1, 1]} : vector<8x4xf32> to vector<1x1xf32>
    %squeeze3A_182 = vector.extract %slice3A_181[0, 0] : f32 from vector<1x1xf32>
    %mul3A_183 = vector.broadcast %squeeze3A_182 : f32 to vector<1024x128xf32>
    %mul3A_184 = arith.mulf %mul3A_183, %div3A_170 : vector<1024x128xf32>
    %add3A_185 = arith.addf %add3A_158, %mul3A_184 : vector<1024x128xf32>
    %slice3A_186 = vector.extract_strided_slice %get3A_26 {offsets = [5, 3], sizes = [1, 1], strides = [1, 1]} : vector<8x4xf32> to vector<1x1xf32>
    %squeeze3A_187 = vector.extract %slice3A_186[0, 0] : f32 from vector<1x1xf32>
    %mul3A_188 = vector.broadcast %squeeze3A_187 : f32 to vector<1024x128xf32>
    %mul3A_189 = arith.mulf %mul3A_188, %div3A_170 : vector<1024x128xf32>
    %add3A_190 = arith.addf %add3A_163, %mul3A_189 : vector<1024x128xf32>
    %slice3A_191 = vector.extract_strided_slice %add3A {offsets = [6144, 0], sizes = [1024, 128], strides = [1, 1]} : vector<8192x128xf32> to vector<1024x128xf32>
    %slice3A_192 = vector.extract_strided_slice %add3A_23 {offsets = [0, 6], sizes = [1024, 1], strides = [1, 1]} : vector<1024x8xf32> to vector<1024x1xf32>
    %max3A_193 = arith.constant 1.000000e+00 : f32
    %max3A_194 = vector.broadcast %max3A_193 : f32 to vector<1024x1xf32>
    %max3A_195 = arith.maximumf %slice3A_192, %max3A_194 : vector<1024x1xf32>
    %div3A_196 = vector.broadcast %max3A_195 : vector<1024x1xf32> to vector<1024x128xf32>
    %div3A_197 = arith.divf %slice3A_191, %div3A_196 : vector<1024x128xf32>
    %slice3A_198 = vector.extract_strided_slice %get3A_26 {offsets = [6, 0], sizes = [1, 1], strides = [1, 1]} : vector<8x4xf32> to vector<1x1xf32>
    %squeeze3A_199 = vector.extract %slice3A_198[0, 0] : f32 from vector<1x1xf32>
    %mul3A_200 = vector.broadcast %squeeze3A_199 : f32 to vector<1024x128xf32>
    %mul3A_201 = arith.mulf %mul3A_200, %div3A_197 : vector<1024x128xf32>
    %add3A_202 = arith.addf %add3A_175, %mul3A_201 : vector<1024x128xf32>
    %slice3A_203 = vector.extract_strided_slice %get3A_26 {offsets = [6, 1], sizes = [1, 1], strides = [1, 1]} : vector<8x4xf32> to vector<1x1xf32>
    %squeeze3A_204 = vector.extract %slice3A_203[0, 0] : f32 from vector<1x1xf32>
    %mul3A_205 = vector.broadcast %squeeze3A_204 : f32 to vector<1024x128xf32>
    %mul3A_206 = arith.mulf %mul3A_205, %div3A_197 : vector<1024x128xf32>
    %add3A_207 = arith.addf %add3A_180, %mul3A_206 : vector<1024x128xf32>
    %slice3A_208 = vector.extract_strided_slice %get3A_26 {offsets = [6, 2], sizes = [1, 1], strides = [1, 1]} : vector<8x4xf32> to vector<1x1xf32>
    %squeeze3A_209 = vector.extract %slice3A_208[0, 0] : f32 from vector<1x1xf32>
    %mul3A_210 = vector.broadcast %squeeze3A_209 : f32 to vector<1024x128xf32>
    %mul3A_211 = arith.mulf %mul3A_210, %div3A_197 : vector<1024x128xf32>
    %add3A_212 = arith.addf %add3A_185, %mul3A_211 : vector<1024x128xf32>
    %slice3A_213 = vector.extract_strided_slice %get3A_26 {offsets = [6, 3], sizes = [1, 1], strides = [1, 1]} : vector<8x4xf32> to vector<1x1xf32>
    %squeeze3A_214 = vector.extract %slice3A_213[0, 0] : f32 from vector<1x1xf32>
    %mul3A_215 = vector.broadcast %squeeze3A_214 : f32 to vector<1024x128xf32>
    %mul3A_216 = arith.mulf %mul3A_215, %div3A_197 : vector<1024x128xf32>
    %add3A_217 = arith.addf %add3A_190, %mul3A_216 : vector<1024x128xf32>
    %slice3A_218 = vector.extract_strided_slice %add3A {offsets = [7168, 0], sizes = [1024, 128], strides = [1, 1]} : vector<8192x128xf32> to vector<1024x128xf32>
    %slice3A_219 = vector.extract_strided_slice %add3A_23 {offsets = [0, 7], sizes = [1024, 1], strides = [1, 1]} : vector<1024x8xf32> to vector<1024x1xf32>
    %max3A_220 = arith.constant 1.000000e+00 : f32
    %max3A_221 = vector.broadcast %max3A_220 : f32 to vector<1024x1xf32>
    %max3A_222 = arith.maximumf %slice3A_219, %max3A_221 : vector<1024x1xf32>
    %div3A_223 = vector.broadcast %max3A_222 : vector<1024x1xf32> to vector<1024x128xf32>
    %div3A_224 = arith.divf %slice3A_218, %div3A_223 : vector<1024x128xf32>
    %slice3A_225 = vector.extract_strided_slice %get3A_26 {offsets = [7, 0], sizes = [1, 1], strides = [1, 1]} : vector<8x4xf32> to vector<1x1xf32>
    %squeeze3A_226 = vector.extract %slice3A_225[0, 0] : f32 from vector<1x1xf32>
    %mul3A_227 = vector.broadcast %squeeze3A_226 : f32 to vector<1024x128xf32>
    %mul3A_228 = arith.mulf %mul3A_227, %div3A_224 : vector<1024x128xf32>
    %add3A_229 = arith.addf %add3A_202, %mul3A_228 : vector<1024x128xf32>
    %slice3A_230 = vector.extract_strided_slice %get3A_26 {offsets = [7, 1], sizes = [1, 1], strides = [1, 1]} : vector<8x4xf32> to vector<1x1xf32>
    %squeeze3A_231 = vector.extract %slice3A_230[0, 0] : f32 from vector<1x1xf32>
    %mul3A_232 = vector.broadcast %squeeze3A_231 : f32 to vector<1024x128xf32>
    %mul3A_233 = arith.mulf %mul3A_232, %div3A_224 : vector<1024x128xf32>
    %add3A_234 = arith.addf %add3A_207, %mul3A_233 : vector<1024x128xf32>
    %slice3A_235 = vector.extract_strided_slice %get3A_26 {offsets = [7, 2], sizes = [1, 1], strides = [1, 1]} : vector<8x4xf32> to vector<1x1xf32>
    %squeeze3A_236 = vector.extract %slice3A_235[0, 0] : f32 from vector<1x1xf32>
    %mul3A_237 = vector.broadcast %squeeze3A_236 : f32 to vector<1024x128xf32>
    %mul3A_238 = arith.mulf %mul3A_237, %div3A_224 : vector<1024x128xf32>
    %add3A_239 = arith.addf %add3A_212, %mul3A_238 : vector<1024x128xf32>
    %slice3A_240 = vector.extract_strided_slice %get3A_26 {offsets = [7, 3], sizes = [1, 1], strides = [1, 1]} : vector<8x4xf32> to vector<1x1xf32>
    %squeeze3A_241 = vector.extract %slice3A_240[0, 0] : f32 from vector<1x1xf32>
    %mul3A_242 = vector.broadcast %squeeze3A_241 : f32 to vector<1024x128xf32>
    %mul3A_243 = arith.mulf %mul3A_242, %div3A_224 : vector<1024x128xf32>
    %add3A_244 = arith.addf %add3A_217, %mul3A_243 : vector<1024x128xf32>
    %get3A_245 = arith.constant 0 : index
    %get3A_246 = arith.constant 0 : index
    %get3A_247 = vector.load %arg1[%get3A_245, %get3A_246] : memref<1024x128xf32, #tpu.memory_space<vmem>>, vector<1024x128xf32>
    %get3A_248 = arith.constant 0 : index
    %get3A_249 = arith.constant 0 : index
    %get3A_250 = vector.load %arg6[%get3A_248, %get3A_249] : memref<128x128xf32, #tpu.memory_space<vmem>>, vector<128x128xf32>
    %dot_general3A = arith.constant dense<0.000000e+00> : vector<1024x128xf32>
    %dot_general3A_251 = tpu.matmul %get3A_247, %get3A_250, %dot_general3A {dimension_numbers = #tpu.dot_dimension_numbers<[1], [0], [0], [1], [0, 0, 1, 1], [], []>, transpose_lhs_hint = false} : vector<1024x128xf32>, vector<128x128xf32>, vector<1024x128xf32> -> vector<1024x128xf32>
    %get3A_252 = arith.constant 0 : index
    %get3A_253 = arith.constant 0 : index
    %get3A_254 = arith.constant 0 : index
    %get3A_255 = vector.load %arg5[%get3A_252, %get3A_253, %get3A_254] : memref<4x128x128xf32, #tpu.memory_space<vmem>>, vector<1x128x128xf32>
    %get3A_256 = vector.shape_cast %get3A_255 : vector<1x128x128xf32> to vector<128x128xf32>
    %dot_general3A_257 = arith.constant dense<0.000000e+00> : vector<1024x128xf32>
    %dot_general3A_258 = tpu.matmul %add3A_229, %get3A_256, %dot_general3A_257 {dimension_numbers = #tpu.dot_dimension_numbers<[1], [0], [0], [1], [0, 0, 1, 1], [], []>, transpose_lhs_hint = false} : vector<1024x128xf32>, vector<128x128xf32>, vector<1024x128xf32> -> vector<1024x128xf32>
    %add3A_259 = arith.addf %dot_general3A_251, %dot_general3A_258 : vector<1024x128xf32>
    %get3A_260 = arith.constant 1 : index
    %get3A_261 = arith.constant 0 : index
    %get3A_262 = arith.constant 0 : index
    %get3A_263 = vector.load %arg5[%get3A_260, %get3A_261, %get3A_262] : memref<4x128x128xf32, #tpu.memory_space<vmem>>, vector<1x128x128xf32>
    %get3A_264 = vector.shape_cast %get3A_263 : vector<1x128x128xf32> to vector<128x128xf32>
    %dot_general3A_265 = arith.constant dense<0.000000e+00> : vector<1024x128xf32>
    %dot_general3A_266 = tpu.matmul %add3A_234, %get3A_264, %dot_general3A_265 {dimension_numbers = #tpu.dot_dimension_numbers<[1], [0], [0], [1], [0, 0, 1, 1], [], []>, transpose_lhs_hint = false} : vector<1024x128xf32>, vector<128x128xf32>, vector<1024x128xf32> -> vector<1024x128xf32>
    %add3A_267 = arith.addf %add3A_259, %dot_general3A_266 : vector<1024x128xf32>
    %get3A_268 = arith.constant 2 : index
    %get3A_269 = arith.constant 0 : index
    %get3A_270 = arith.constant 0 : index
    %get3A_271 = vector.load %arg5[%get3A_268, %get3A_269, %get3A_270] : memref<4x128x128xf32, #tpu.memory_space<vmem>>, vector<1x128x128xf32>
    %get3A_272 = vector.shape_cast %get3A_271 : vector<1x128x128xf32> to vector<128x128xf32>
    %dot_general3A_273 = arith.constant dense<0.000000e+00> : vector<1024x128xf32>
    %dot_general3A_274 = tpu.matmul %add3A_239, %get3A_272, %dot_general3A_273 {dimension_numbers = #tpu.dot_dimension_numbers<[1], [0], [0], [1], [0, 0, 1, 1], [], []>, transpose_lhs_hint = false} : vector<1024x128xf32>, vector<128x128xf32>, vector<1024x128xf32> -> vector<1024x128xf32>
    %add3A_275 = arith.addf %add3A_267, %dot_general3A_274 : vector<1024x128xf32>
    %get3A_276 = arith.constant 3 : index
    %get3A_277 = arith.constant 0 : index
    %get3A_278 = arith.constant 0 : index
    %get3A_279 = vector.load %arg5[%get3A_276, %get3A_277, %get3A_278] : memref<4x128x128xf32, #tpu.memory_space<vmem>>, vector<1x128x128xf32>
    %get3A_280 = vector.shape_cast %get3A_279 : vector<1x128x128xf32> to vector<128x128xf32>
    %dot_general3A_281 = arith.constant dense<0.000000e+00> : vector<1024x128xf32>
    %dot_general3A_282 = tpu.matmul %add3A_244, %get3A_280, %dot_general3A_281 {dimension_numbers = #tpu.dot_dimension_numbers<[1], [0], [0], [1], [0, 0, 1, 1], [], []>, transpose_lhs_hint = false} : vector<1024x128xf32>, vector<128x128xf32>, vector<1024x128xf32> -> vector<1024x128xf32>
    %add3A_283 = arith.addf %add3A_275, %dot_general3A_282 : vector<1024x128xf32>
    %get3A_284 = arith.constant 0 : index
    %get3A_285 = arith.constant 0 : index
    %get3A_286 = vector.load %arg7[%get3A_284, %get3A_285] : memref<8x128xf32, #tpu.memory_space<vmem>>, vector<1x128xf32>
    %add3A_287 = vector.broadcast %get3A_286 : vector<1x128xf32> to vector<1024x128xf32>
    %add3A_288 = arith.addf %add3A_283, %add3A_287 : vector<1024x128xf32>
    %swap3A = arith.constant 0 : index
    %swap3A_289 = arith.constant 0 : index
    %swap3A_290 = vector.load %arg8[%swap3A, %swap3A_289] : memref<1024x128xf32, #tpu.memory_space<vmem>>, vector<1024x128xf32>
    tpu.vector_store %arg8[%swap3A, %swap3A_289], %add3A_288 {strides = array<i32>} : memref<1024x128xf32, #tpu.memory_space<vmem>>, vector<1024x128xf32>,
    return
  }
  func.func @transform_0(%arg0: i32) -> (i32, i32) {
    %c0_i32 = arith.constant 0 : i32
    %c0_i32_0 = arith.constant 0 : i32
    return %arg0, %c0_i32 : i32, i32
  }
  func.func @transform_1(%arg0: i32) -> (i32, i32, i32, i32) {
    %c0_i32 = arith.constant 0 : i32
    %c0_i32_0 = arith.constant 0 : i32
    %c0_i32_1 = arith.constant 0 : i32
    %c0_i32_2 = arith.constant 0 : i32
    return %c0_i32, %arg0, %c0_i32_0, %c0_i32_1 : i32, i32, i32, i32
  }
  func.func @transform_2(%arg0: i32) -> (i32, i32, i32, i32) {
    %c0_i32 = arith.constant 0 : i32
    %c0_i32_0 = arith.constant 0 : i32
    %c0_i32_1 = arith.constant 0 : i32
    %c0_i32_2 = arith.constant 0 : i32
    return %c0_i32, %arg0, %c0_i32_0, %c0_i32_1 : i32, i32, i32, i32
  }
  func.func @transform_3(%arg0: i32) -> (i32, i32) {
    %c0_i32 = arith.constant 0 : i32
    %c0_i32_0 = arith.constant 0 : i32
    %c0_i32_1 = arith.constant 0 : i32
    return %c0_i32, %c0_i32_0 : i32, i32
  }
  func.func @transform_4(%arg0: i32) -> (i32, i32, i32) {
    %c0_i32 = arith.constant 0 : i32
    %c0_i32_0 = arith.constant 0 : i32
    %c0_i32_1 = arith.constant 0 : i32
    %c0_i32_2 = arith.constant 0 : i32
    return %c0_i32, %c0_i32_0, %c0_i32_1 : i32, i32, i32
  }
  func.func @transform_5(%arg0: i32) -> (i32, i32) {
    %c0_i32 = arith.constant 0 : i32
    %c0_i32_0 = arith.constant 0 : i32
    %c0_i32_1 = arith.constant 0 : i32
    return %c0_i32, %c0_i32_0 : i32, i32
  }
  func.func @transform_6(%arg0: i32) -> (i32, i32) {
    %c0_i32 = arith.constant 0 : i32
    %c0_i32_0 = arith.constant 0 : i32
    %c0_i32_1 = arith.constant 0 : i32
    return %c0_i32, %c0_i32_0 : i32, i32
  }
  func.func @transform_7(%arg0: i32) -> (i32, i32) {
    %c0_i32 = arith.constant 0 : i32
    %c0_i32_0 = arith.constant 0 : i32
    return %arg0, %c0_i32 : i32, i32
  }
}

</mosaic_0001>

<sc_bundles>
// kernel: kernel.6.cloned.1.call-start
scs
__scs_entry_jumppad:
0x0: {  	(pc) =	sbr.rel $0x88, $3  }
0x1: {  	(tag) =	ssettag $0x0;
	lr =	simm.s32 $0x1  }
0x2: {  	[smem:$0x3F96] =	sst lr;
	_ =	strace $0xD0000000  }
0x3: {  	_ = 	snop  }
0x4: {  	_ = 	snop  }
0x5: {  	_ = 	snop  }
0x6: {  	_ = 	snop  }
0x7: {  	_ = 	snop  }
__scs_overlays_trampoline_lowered:
0x8: {  	[smem:$0x3FA5] =	sst s0  }
0x9: {  	[smem:$0x3FA6] =	sst s1  }
0xa: {  	[smem:$0x3FA7] =	sst s2  }
0xb: {  	[smem:$0x3FA8] =	sst s3  }
0xc: {  	[smem:$0x3FA9] =	sst s4  }
0xd: {  	[smem:$0x3FAA] =	sst s5  }
0xe: {  	[smem:$0x3FAB] =	sst s6  }
0xf: {  	[smem:$0x3FAC] =	sst s7  }
0x10: {  	[smem:$0x3FAD] =	sst s8  }
0x11: {  	[smem:$0x3FAE] =	sst s9;
	s0 =	simm.s32 @!p0 $0x0  }
0x12: {  	s1 =	sld [smem:$0x3F94];
	s0 =	simm.s32 @p0 $0x1  }
0x13: {  	[smem:$0x3FAF] =	sst s0;
	s0 =	simm.s32 @!p1 $0x0  }
0x14: {  	s2 =	sld [smem:$0x3F93];
	s0 =	simm.s32 @p1 $0x1  }
0x15: {  	[smem:$0x3FB0] =	sst s0;
	s0 =	simm.s32 @!p2 $0x0  }
0x16: {  	s3 =	sld [smem:$0x3FDB];
	s0 =	simm.s32 @p2 $0x1  }
0x17: {  	s4 =	simm.s32 $0x1BF5;
	[smem:$0x3FB2] =	sst s0  }
0x18: {  	s0 =	sld [smem:$0x3F95];
	_ =	swait.ge [sflag:s4], $0x0  }
0x19: {  	s7 =	sld [smem:$0x3F96]  }
0x1a: {  	s8 =	sadd.s32 $0xFFFFE003, lr  }
0x1b: {  	s9 =	sadd.s32 $0xFFFFFEF7, lr;
	s5 =	simm.s32 $0xFFFFFFFF;
	p2 =	slt.u32 s8, $0xFFFFF086  }
0x1c: {  	p1 =	slt.u32 s9, $0xF7A;
	s5 =	simm.s32 @!p2 $0x0  }
0x1d: {  	s5 =	simm.s32 @p1 $0x1;
	p0 =	seq.s32 s7, s2  }
0x1e: {  	s7 =	smul.u32 @!p0 $0xF7A, s2;
	p2 =	seq.s32 @!p0 s5, $0x0  }
0x1f: {  	s9 =	smul.u32 $0xF7A, s1;
	s8 =	simm.s32 @!p0 $0x1BF5;
	p2 =	por !p2, p0  }
0x20: {  	[sflag:s8] =	ssyncset.s32 @!p0 $0xFFFFF086;
	s6 =	sadd.s32 @!p0 s3, s7;
	s7 =	simm.s32 @!p0 $0x108  }
0x21: {  	s3 =	sadd.s32 s3, s9;
	s6 =	sadd.s32 @!p0 $0x88, s6;
	s7 =	simm.s32 @p2 $0x1082  }
0x22: {  	[simem:s7], [sflag:s8] =	dma.local @!p0 [hbm:s6], $0xF7A  }
0x23: {  	s9 =	sor.u32 $0xD0000000, s2;
	s6 =	simm.s32 $0x108;
	_ =	swait.ge @!p0 [sflag:s8], $0x0  }
0x24: {  	s3 =	sadd.s32 $0x88, s3;
	s6 =	simm.s32 @!p1 $0x1082;
	[sflag:s4] =	ssyncset.s32 $0xFFFFF086  }
0x25: {  	[simem:s6], [sflag:s4] =	dma.local [hbm:s3], $0xF7A  }
0x26: {  	[smem:$0x3F96] =	sst s1;
	(tag) =	ssettag s2;
	_ =	strace s9  }
0x27: {  	s1 =	sld [smem:$0x3FA6]  }
0x28: {  	s2 =	sld [smem:$0x3FA7]  }
0x29: {  	s4 =	sld [smem:$0x3FA9]  }
0x2a: {  	p0 =	seq.s32 s5, $0x0;
	s5 =	sld [smem:$0x3FAA]  }
0x2b: {  	s6 =	sld [smem:$0x3FAB]  }
0x2c: {  	s7 =	sld [smem:$0x3FAC]  }
0x2d: {  	s3 =	simm.s32 $0x108;
	s8 =	sld [smem:$0x3FAD]  }
0x2e: {  	s3 =	simm.s32 @!p0 $0x1082;
	s9 =	sld [smem:$0x3FAE]  }
0x2f: {  	lr =	sadd.s32 s0, s3;
	s0 =	sld [smem:$0x3FA5]  }
0x30: {  	s3 =	sld [smem:$0x3FA8]  }
0x31: {  	[smem:$0x3FB1] =	sst s10  }
0x32: {  	s10 =	sld [smem:$0x3FAF];
	_ =	sdelay $0x3  }
0x33: {  	p0 =	seq.s32 s10, $0x1;
	s10 =	sld [smem:$0x3FB1];
	_ =	sdelay $0x3  }
0x34: {  	[smem:$0x3FB1] =	sst s10  }
0x35: {  	s10 =	sld [smem:$0x3FB0];
	_ =	sdelay $0x3  }
0x36: {  	p1 =	seq.s32 s10, $0x1;
	s10 =	sld [smem:$0x3FB1];
	_ =	sdelay $0x3  }
0x37: {  	[smem:$0x3FB1] =	sst s10  }
0x38: {  	s10 =	sld [smem:$0x3FB2]  }
0x39: {  	_ = 	snop;
	(pc) =	sbr.ind lr, $3  }
0x3a: {  	_ = 	snop  }
0x3b: {  	_ = 	snop  }
0x3c: {  	p2 =	seq.s32 s10, $0x1;
	s10 =	sld [smem:$0x3FB1]  }
0x3d: {  	_ =	shalt  }
0x3e: {  	_ =	shalt  }
0x3f: {  	_ =	shalt  }
0x40: {  	_ =	shalt  }
0x41: {  	_ =	shalt  }
0x42: {  	_ =	shalt  }
0x43: {  	_ =	shalt  }
0x44: {  	_ =	shalt  }
0x45: {  	_ =	shalt  }
0x46: {  	_ =	shalt  }
0x47: {  	_ =	shalt  }
0x48: {  	_ =	shalt  }
0x49: {  	_ =	shalt  }
0x4a: {  	_ =	shalt  }
0x4b: {  	_ =	shalt  }
0x4c: {  	_ =	shalt  }
0x4d: {  	_ =	shalt  }
0x4e: {  	_ =	shalt  }
0x4f: {  	_ =	shalt  }
0x50: {  	_ =	shalt  }
0x51: {  	_ =	shalt  }
0x52: {  	_ =	shalt  }
0x53: {  	_ =	shalt  }
0x54: {  	_ =	shalt  }
0x55: {  	_ =	shalt  }
0x56: {  	_ =	shalt  }
0x57: {  	_ =	shalt  }
0x58: {  	_ =	shalt  }
0x59: {  	_ =	shalt  }
0x5a: {  	_ =	shalt  }
0x5b: {  	_ =	shalt  }
0x5c: {  	_ =	shalt  }
0x5d: {  	_ =	shalt  }
0x5e: {  	_ =	shalt  }
0x5f: {  	_ =	shalt  }
0x60: {  	_ =	shalt  }
0x61: {  	_ =	shalt  }
0x62: {  	_ =	shalt  }
0x63: {  	_ =	shalt  }
0x64: {  	_ =	shalt  }
0x65: {  	_ =	shalt  }
0x66: {  	_ =	shalt  }
0x67: {  	_ =	shalt  }
0x68: {  	_ =	shalt  }
0x69: {  	_ =	shalt  }
0x6a: {  	_ =	shalt  }
0x6b: {  	_ =	shalt  }
0x6c: {  	_ =	shalt  }
0x6d: {  	_ =	shalt  }
0x6e: {  	_ =	shalt  }
0x6f: {  	_ =	shalt  }
0x70: {  	_ =	shalt  }
0x71: {  	_ =	shalt  }
0x72: {  	_ =	shalt  }
0x73: {  	_ =	shalt  }
0x74: {  	_ =	shalt  }
0x75: {  	_ =	shalt  }
0x76: {  	_ =	shalt  }
0x77: {  	_ =	shalt  }
0x78: {  	_ =	shalt  }
0x79: {  	_ =	shalt  }
0x7a: {  	_ =	shalt  }
0x7b: {  	_ =	shalt  }
0x7c: {  	_ =	shalt  }
0x7d: {  	_ =	shalt  }
0x7e: {  	_ =	shalt  }
0x7f: {  	_ =	shalt  }
0x80: {  	_ =	shalt  }
0x81: {  	_ =	shalt  }
0x82: {  	_ =	shalt  }
0x83: {  	_ =	shalt  }
0x84: {  	_ =	shalt  }
0x85: {  	_ =	shalt  }
0x86: {  	_ =	shalt  }
0x87: {  	_ =	shalt  }
.Lfunc_end0:
.L_simem_size_0:
called_computation_lowered:
.L_overlay_start_0:
0x88: {  	s2 =	sld [smem:$0x3FD9]  }
0x89: {  	s3 =	sld [smem:$0x3FFE];
	_ =	sdelay $0x1  }
0x8a: {  	s1 =	srdreg.scid  }
0x8b: {  	s0 =	sand.u32 $0x1, s1  }
0x8c: {  	s17 =	sshll.u32 s0, $0xA;
	s2 =	sadd.s32 s3, s2  }
0x8d: {  	s2 =	sadd.s32 s2, s17  }
0x8e: {  	[smem:$0x3FBD] =	sst s2  }
0x8f: {  	_ = 	snop  }
0x90: {  	s2 =	sld [smem:$0x3FD0];
	(tm) =	ssettm $0x1  }
0x91: {  	s18 =	sld [smem:$0x3FFB];
	_ =	sdelay $0x3  }
0x92: {  	_ =	strace s18  }
0x93: {  	s3 =	sld [smem:$0x3FFC];
	_ =	sdelay $0x3  }
0x94: {  	_ =	strace s3  }
0x95: {  	s3 =	sld [smem:$0x3FFD];
	_ =	sdelay $0x3  }
0x96: {  	_ =	strace s3  }
0x97: {  	_ =	strace $0x8FFFFFFF  }
0x98: {  	s19 =	sld [smem:$0x3FDB];
	_ =	sdelay $0x1  }
0x99: {  	s4 =	simm.s32 $_scs_section_size  }
0x9a: {  	s5 =	simm.s32 $_size__tile_overlayer_lowered;
	s6 =	simm.s32 $_tile_overlayer_lowered  }
0x9b: {  	s22 =	simm.s32 $0x1BFF;
	s21 =	sshll.u32 s6, $0x1;
	s3 =	sadd.s32 s4, s19  }
0x9c: {  	s7 =	simm.s32 $0x0;
	s20 =	sshll.u32 s5, $0x1;
	s5 =	sadd.s32 s21, s3  }
0x9d: {  	[timem:s7], [sflag:s22] =	dma.local [hbm:s5], s20  }
0x9e: {  	_ =	swait.ge [sflag:s22], s20  }
0x9f: {  	s4 =	ssub.s32 $0x0, s20;
	[sflag:s22] =	ssyncset.done $0x0  }
0xa0: {  	[sflag:s22] =	ssyncadd.s32 s4;
	_ =	sdelay $0x1  }
0xa1: {  	s23 =	simm.s32 $0x1B8B  }
0xa2: {  	_ =	swait.ge [sflag:s23], $0x1  }
0xa3: {  	[sflag:s23] =	ssyncset.done $0x0  }
0xa4: {  	s25 =	simm.s32 $0x1B8E;
	s24 =	sld [smem:$0x3FFE];
	[sflag:s23] =	ssyncadd.s32 $0xFFFFFFFF  }
0xa5: {  	s26 =	simm.s32 $execute0_lowered;
	[smem:$0x3FD2] =	sst s25  }
0xa6: {  	s5 =	sshll.u32 s26, $0x1;
	_ =	strace $0x80000046;
	[dreg:$0x1] =	wrdreg $0xFFFFFFFF  }
0xa7: {  	s28 =	simm.s32 $_size_execute0_lowered;
	s3 =	sadd.s32 s3, s5;
	[dreg:$0x0] =	wrdreg $0x0  }
0xa8: {  	s5 =	sshll.u32 s28, $0x1;
	[dreg:$0x2] =	wrdreg s3  }
0xa9: {  	[dreg:$0x3] =	wrdreg s5  }
0xaa: {  	[dreg:$0x4] =	wrdreg $0xC0  }
0xab: {  	_ =	task [dreg:s7], $0x5FFFF  }
0xac: {  	[dreg:$0x1] =	wrdreg $0xFFFFFFFF  }
0xad: {  	[dreg:$0x0] =	wrdreg $0x60  }
0xae: {  	[dreg:$0x2] =	wrdreg s24  }
0xaf: {  	[dreg:$0x3] =	wrdreg s2  }
0xb0: {  	[dreg:$0x4] =	wrdreg $0xF0800  }
0xb1: {  	[dreg:$0x5] =	wrdreg $0x1F1000  }
0xb2: {  	[dreg:$0x6] =	wrdreg $0x9  }
0xb3: {  	_ =	task.clear_ibuf [dreg:s7], $0x7FFFF;
	_ =	strace $0x90000046  }
0xb4: {  	s29 =	simm.s32 $0x9;
	_ =	strace $0x80000048  }
0xb5: {  	_ =	swait.ge [sflag:s29], $0x1  }
0xb6: {  	[sflag:s29] =	ssyncadd.s32 $0xFFFFFFFF  }
0xb7: {  	_ =	strace $0x90000048  }
0xb8: {  	_ =	sfence  }
0xb9: {  	s30 =	sld [smem:$0x0];
	_ =	sdelay $0x2  }
0xba: {  	s31 =	sshll.u32 s1, $0xD;
	s1 =	sshrl.u32 s1, $0x2  }
0xbb: {  	s3 =	sand.u32 $0x4000, s31;
	s1 =	sadd.s32 s1, s30  }
0xbc: {  	s0 =	sor.u32 s3, s0;
	s1 =	sshll.u32 s1, $0x11  }
0xbd: {  	s0 =	sor.u32 s1, s0  }
0xbe: {  	s0 =	sadd.s32 $0x8F2B, s0  }
0xbf: {  	[sflag:s0] =	ssyncadd.remote.s32 $0x1  }
0xc0: {  	_ =	sfence.sel $0xFFFF  }
0xc1: {  	[dreg:$0x0] =	wrdreg $0xFFFFFFFF;
	(pc) =	sbr.abs _section_cstart, $3  }
0xc2: {  	[dreg:$0x1] =	wrdreg $0xFFFFFFFF  }
0xc3: {  	_ =	task.clear_ibuf [dreg:s7], $0x2FFFF;
	_ =	strace $0x9FFFFFFF  }
0xc4: {  	(tm) =	ssettm $0x7FFFFFFF  }
0xc5: {  	_ =	shalt  }
tec
execute0_lowered:
.L_overlay_start_1:
0x0: {  	(tag) =	ssettag $0x1  }
0x1: {  	s0 =	rddreg [dreg:$0x0]  }
0x2: {  	s2 =	rddreg [dreg:$0x1]  }
0x3: {  	s1 =	rddreg [dreg:$0x2]  }
0x4: {  	s10 =	rddreg [dreg:$0x3];
	s3 =	simm.s32 $0x0;
	s9 =	srdreg.scid  }
0x5: {  	s11 =	stileid.u32;
	[smem:$0x7FF] =	sst s3  }
0x6: {  	s5 =	sadd.s32 $0x3000, s0;
	s3 =	sand.u32 $0x1, s9;
	s4 =	sadd.s32 $0x2B000, s0  }
0x7: {  	s6 =	smul.u32 $0x40200, s11;
	s7 =	sadd.s32 $0x30600, s0;
	s0 =	sadd.s32 $0x2B600, s0  }
0x8: {  	s21 =	smul.u32 $0xA00, s11;
	s23 =	sshll.u32 s11, $0x10;
	s25 =	sshll.u32 s11, $0x9  }
0x9: {  	_ =	strace $0x80000047;
	[dreg:$0x5] =	wrdreg s4;
	s12 =	sshll.u32 s3, $0x4  }
0xa: {  	[dreg:$0x6] =	wrdreg s7;
	s13 =	ssub.s32 $0x2, s3;
	s22 =	smul.u32 $0xA00000, s3  }
0xb: {  	[dreg:$0x7] =	wrdreg s0;
	s3 =	smul.u32 $0x14000, s3;
	s26 =	sadd.s32 s23, s1  }
0xc: {  	s7 =	simm.s32 $0x2800;
	s4 =	sor.u32 s11, s12;
	s8 =	sshrl.u32 s13, $0x1  }
0xd: {  	s6 =	sshrl.u32 s6, $0x2;
	s11 =	simm.s32 $0x1;
	s4 =	smul.u32 $0x500, s4  }
0xe: {  	s14 =	ssub.s32 s13, s8;
	s9 =	sadd.s32 s6, s1;
	s24 =	sor.u32 s23, s22  }
0xf: {  	s3 =	sor.u32 s3, s25;
	s23 =	simm.s32 $0xB800;
	s8 =	simm.s32 $0x80  }
0x10: {  	s6 =	simm.s32 $0x7800;
	s13 =	simm.s32 $0x0;
	s15 =	sadd.s32 $0x1000, s9  }
0x11: {  	s16 =	sadd.s32 $0x2000, s9;
	s17 =	sadd.s32 $0x3000, s9;
	[dreg:$0xf] =	wrdreg s24  }
0x12: {  	s18 =	sadd.s32 $0x4000, s9;
	s19 =	sadd.s32 $0x5000, s9;
	[dreg:$0x10] =	wrdreg s3  }
0x13: {  	s20 =	sadd.s32 $0x6000, s9;
	s0 =	smax.u32 s14, $0x1;
	[dreg:$0x9] =	wrdreg s15  }
0x14: {  	s24 =	sshrl.u32 s26, $0x3;
	s26 =	sadd.s32 $0xA000, s9;
	[dreg:$0xa] =	wrdreg s16  }
0x15: {  	s28 =	sadd.s32 $0xB000, s9;
	s29 =	sadd.s32 $0xC000, s9;
	[dreg:$0xb] =	wrdreg s17  }
0x16: {  	s30 =	sadd.s32 $0xD000, s9;
	s31 =	sadd.s32 $0xE000, s9;
	[dreg:$0xc] =	wrdreg s18  }
0x17: {  	s3 =	sadd.s32 $0x10000, s9;
	s2 =	sadd.s32 s2, s4;
	[dreg:$0xd] =	wrdreg s19  }
.Ltmp0:
0x18: {  	[dreg:$0xe] =	wrdreg s20;
	s17 =	sadd.s32 $0x7000, s9;
	(pc) =	sbr.rel .LBB2_1-.Ltmp0, $4  }
0x19: {  	s18 =	sadd.s32 $0x8000, s9;
	s19 =	sadd.s32 $0x9000, s9;
	[dreg:$0x11] =	wrdreg s0  }
0x1a: {  	v0 =	vlaneseq.u32;
	v5 =	vimm.s32 $0x0;
	s0 =	sadd.s32 $0xF000, s9;
	[dreg:$0x8] =	wrdreg s2;
	s2 =	sshrl.u32 s21, $0x2  }
0x1b: {  	v6 =	vimm.f32 $1.000000000e+00;
	v7 =	vimm.s32 $0x2000;
	v1 =	vor.u32 $0x10, v0;
	s4 =	simm.s32 $0x5000;
	s20 =	sadd.s32 s2, s10;
	s2 =	sadd.s32 s25, s10  }
0x1c: {  	v2 =	vor.u32 $0x20, v0;
	v3 =	vor.u32 $0x30, v0;
	v4 =	vor.u32 $0x40, v0;
	s10 =	simm.s32 $0x2;
	s25 =	sshrl.u32 s2, $0x3;
	s2 =	simm.s32 $0xC800  }
.LBB2_9:
0x1d: {  	s13 =	rddreg [dreg:$0x12]  }
0x1e: {  	s12 =	rddreg [dreg:$0x11];
	s13 =	sadd.s32 $0x1, s13  }
0x1f: {  	p0 =	sne.s32 s13, s12  }
.Ltmp1:
0x20: {  	_ = 	snop;
	(pc) =	sbr.rel @!p0 .LBB2_10-.Ltmp1, $1  }
0x21: {  	_ =	sdelay $0x3  }
.LBB2_1:
0x22: {  	[dreg:$0x12] =	wrdreg s13  }
0x23: {  	s12 =	simm.s32 $0x0;
	s21 =	rddreg [dreg:$0x8]  }
0x24: {  	[tilespmem:s12], [sflag:$0x2] =	stream.linear.gather [hbm4b:s21+s12], $0x2800, $0x38;
	[tilespmem:$0x1F380] =	vst v63  }
0x25: {  	_ =	swait.ge [sflag:s10], $0x2800  }
0x26: {  	[sflag:s10] =	ssyncset.done $0x0  }
0x27: {  	s22 =	rddreg [dreg:$0x5];
	[sflag:s10] =	ssyncadd.s32 $0xFFFFD800  }
0x28: {  	[tilespmem:s23], [sflag:$0x2] =	stream.linear.gather [hbm4b:s22+s12], $0x1000, $0x38;
	[tilespmem:$0x1F380] =	vst v63  }
0x29: {  	_ =	swait.ge [sflag:s10], $0x1000  }
0x2a: {  	[sflag:s10] =	ssyncset.done $0x0  }
0x2b: {  	[sflag:s10] =	ssyncadd.s32 $0xFFFFF000  }
0x2c: {  	[tilespmem:$0xF000] =	vst v0  }
0x2d: {  	[tilespmem:$0xF010] =	vst v1  }
0x2e: {  	[tilespmem:$0xF020] =	vst v2  }
0x2f: {  	[tilespmem:$0xF030] =	vst v3  }
0x30: {  	[tilespmem:$0xF040] =	vst v4  }
0x31: {  	[spmem:s9] =	stream.linear.scatter [tilespmem:s23], [sflag:$0x2], $0x1000, $0x38;
	[tilespmem:$0x1F380] =	vst v63  }
0x32: {  	_ =	swait.ge [sflag:s10], $0x1000  }
0x33: {  	[sflag:s10] =	ssyncset.done $0x0  }
0x34: {  	s13 =	rddreg [dreg:$0x9];
	[sflag:s10] =	ssyncadd.s32 $0xFFFFF000  }
0x35: {  	[spmem:s13] =	stream.linear.scatter [tilespmem:s23], [sflag:$0x2], $0x1000, $0x38;
	[tilespmem:$0x1F380] =	vst v63  }
0x36: {  	_ =	swait.ge [sflag:s10], $0x1000  }
0x37: {  	[sflag:s10] =	ssyncset.done $0x0  }
0x38: {  	s14 =	rddreg [dreg:$0xa];
	[sflag:s10] =	ssyncadd.s32 $0xFFFFF000  }
0x39: {  	[spmem:s14] =	stream.linear.scatter [tilespmem:s23], [sflag:$0x2], $0x1000, $0x38;
	[tilespmem:$0x1F380] =	vst v63  }
0x3a: {  	_ =	swait.ge [sflag:s10], $0x1000  }
0x3b: {  	[sflag:s10] =	ssyncset.done $0x0  }
0x3c: {  	s15 =	rddreg [dreg:$0xb];
	[sflag:s10] =	ssyncadd.s32 $0xFFFFF000  }
0x3d: {  	[spmem:s15] =	stream.linear.scatter [tilespmem:s23], [sflag:$0x2], $0x1000, $0x38;
	[tilespmem:$0x1F380] =	vst v63  }
0x3e: {  	_ =	swait.ge [sflag:s10], $0x1000  }
0x3f: {  	[sflag:s10] =	ssyncset.done $0x0  }
0x40: {  	s16 =	rddreg [dreg:$0xc];
	[sflag:s10] =	ssyncadd.s32 $0xFFFFF000  }
0x41: {  	[spmem:s16] =	stream.linear.scatter [tilespmem:s23], [sflag:$0x2], $0x1000, $0x38;
	[tilespmem:$0x1F380] =	vst v63  }
0x42: {  	_ =	swait.ge [sflag:s10], $0x1000  }
0x43: {  	[sflag:s10] =	ssyncset.done $0x0  }
0x44: {  	s21 =	rddreg [dreg:$0xd];
	[sflag:s10] =	ssyncadd.s32 $0xFFFFF000  }
0x45: {  	[spmem:s21] =	stream.linear.scatter [tilespmem:s23], [sflag:$0x2], $0x1000, $0x38;
	[tilespmem:$0x1F380] =	vst v63  }
0x46: {  	_ =	swait.ge [sflag:s10], $0x1000  }
0x47: {  	[sflag:s10] =	ssyncset.done $0x0  }
0x48: {  	s22 =	rddreg [dreg:$0xe];
	[sflag:s10] =	ssyncadd.s32 $0xFFFFF000  }
0x49: {  	[spmem:s22] =	stream.linear.scatter [tilespmem:s23], [sflag:$0x2], $0x1000, $0x38;
	[tilespmem:$0x1F380] =	vst v63  }
0x4a: {  	_ =	swait.ge [sflag:s10], $0x1000  }
0x4b: {  	[sflag:s10] =	ssyncset.done $0x0  }
0x4c: {  	[sflag:s10] =	ssyncadd.s32 $0xFFFFF000  }
0x4d: {  	[spmem:s17] =	stream.linear.scatter [tilespmem:s23], [sflag:$0x2], $0x1000, $0x38;
	[tilespmem:$0x1F380] =	vst v63  }
0x4e: {  	_ =	swait.ge [sflag:s10], $0x1000  }
0x4f: {  	[sflag:s10] =	ssyncset.done $0x0  }
0x50: {  	[sflag:s10] =	ssyncadd.s32 $0xFFFFF000  }
0x51: {  	[spmem:s18] =	stream.linear.scatter [tilespmem:s23], [sflag:$0x2], $0x1000, $0x38;
	[tilespmem:$0x1F380] =	vst v63  }
0x52: {  	_ =	swait.ge [sflag:s10], $0x1000  }
0x53: {  	[sflag:s10] =	ssyncset.done $0x0  }
0x54: {  	[sflag:s10] =	ssyncadd.s32 $0xFFFFF000  }
0x55: {  	[spmem:s19] =	stream.linear.scatter [tilespmem:s23], [sflag:$0x2], $0x1000, $0x38;
	[tilespmem:$0x1F380] =	vst v63  }
0x56: {  	_ =	swait.ge [sflag:s10], $0x1000  }
0x57: {  	[sflag:s10] =	ssyncset.done $0x0  }
0x58: {  	[sflag:s10] =	ssyncadd.s32 $0xFFFFF000  }
0x59: {  	[spmem:s26] =	stream.linear.scatter [tilespmem:s23], [sflag:$0x2], $0x1000, $0x38;
	[tilespmem:$0x1F380] =	vst v63  }
0x5a: {  	_ =	swait.ge [sflag:s10], $0x1000  }
0x5b: {  	[sflag:s10] =	ssyncset.done $0x0  }
0x5c: {  	[sflag:s10] =	ssyncadd.s32 $0xFFFFF000  }
0x5d: {  	[spmem:s28] =	stream.linear.scatter [tilespmem:s23], [sflag:$0x2], $0x1000, $0x38;
	[tilespmem:$0x1F380] =	vst v63  }
0x5e: {  	_ =	swait.ge [sflag:s10], $0x1000  }
0x5f: {  	[sflag:s10] =	ssyncset.done $0x0  }
0x60: {  	[sflag:s10] =	ssyncadd.s32 $0xFFFFF000  }
0x61: {  	[spmem:s29] =	stream.linear.scatter [tilespmem:s23], [sflag:$0x2], $0x1000, $0x38;
	[tilespmem:$0x1F380] =	vst v63  }
0x62: {  	_ =	swait.ge [sflag:s10], $0x1000  }
0x63: {  	[sflag:s10] =	ssyncset.done $0x0  }
0x64: {  	[sflag:s10] =	ssyncadd.s32 $0xFFFFF000  }
0x65: {  	[spmem:s30] =	stream.linear.scatter [tilespmem:s23], [sflag:$0x2], $0x1000, $0x38;
	[tilespmem:$0x1F380] =	vst v63  }
0x66: {  	_ =	swait.ge [sflag:s10], $0x1000  }
0x67: {  	[sflag:s10] =	ssyncset.done $0x0  }
0x68: {  	[sflag:s10] =	ssyncadd.s32 $0xFFFFF000  }
0x69: {  	[spmem:s31] =	stream.linear.scatter [tilespmem:s23], [sflag:$0x2], $0x1000, $0x38;
	[tilespmem:$0x1F380] =	vst v63  }
0x6a: {  	_ =	swait.ge [sflag:s10], $0x1000  }
0x6b: {  	[sflag:s10] =	ssyncset.done $0x0  }
0x6c: {  	[sflag:s10] =	ssyncadd.s32 $0xFFFFF000  }
0x6d: {  	[spmem:s0] =	stream.linear.scatter [tilespmem:s23], [sflag:$0x2], $0x1000, $0x38;
	[tilespmem:$0x1F380] =	vst v63  }
0x6e: {  	_ =	swait.ge [sflag:s10], $0x1000  }
0x6f: {  	[sflag:s10] =	ssyncset.done $0x0  }
0x70: {  	[sflag:s10] =	ssyncadd.s32 $0xFFFFF000  }
0x71: {  	[spmem:s3] =	stream.linear.scatter [tilespmem:s23], [sflag:$0x2], $0x80, $0x38;
	[tilespmem:$0x1F380] =	vst v63  }
0x72: {  	_ =	swait.ge [sflag:s10], $0x80  }
0x73: {  	[sflag:s10] =	ssyncset.done $0x0  }
0x74: {  	[sflag:s10] =	ssyncadd.s32 $0xFFFFFF80  }
0x75: {  	[spmem:s20] =	stream.linear.scatter [tilespmem:s23], [sflag:$0x2], $0x280, $0x38;
	[tilespmem:$0x1F380] =	vst v63  }
.Ltmp2:
0x76: {  	_ =	swait.ge [sflag:s10], $0x280;
	(pc) =	sbr.rel .LBB2_2-.Ltmp2, $4  }
0x77: {  	[sflag:s10] =	ssyncset.done $0x0  }
0x78: {  	[sflag:s10] =	ssyncadd.s32 $0xFFFFFD80  }
0x79: {  	[bflag:$0x0] =	sbarrier.arrive $0xFFFF  }
0x7a: {  	s21 =	simm.s32 $0x0  }
.LBB2_7:
0x7b: {  	[sflag:s10] =	ssyncadd.s32 $0xFFFFC000  }
.LBB2_8:
0x7c: {  	s12 =	rddreg [dreg:$0x3];
	s13 =	simm.s32 $0x50;
	s14 =	simm.s32 $0xF000  }
0x7d: {  	[spmem:s12] =	stream.indirect.scatter.add.f32 [tilespmem:s2], [sflag:$0x2], $0x80, s14, s13, $0xb8;
	[tilespmem:$0x1F380] =	vst v63  }
0x7e: {  	_ =	swait.ge [sflag:s10], $0x2800  }
0x7f: {  	[sflag:s10] =	ssyncset.done $0x0  }
0x80: {  	s14 =	sshll.u32 s21, $0x14;
	s15 =	rddreg [dreg:$0xf];
	[sflag:s10] =	ssyncadd.s32 $0xFFFFD800  }
0x81: {  	s16 =	stileid.u32;
	s12 =	sadd.s32 s14, s15;
	[bflag:$0x0] =	sbarrier.arrive $0xFFFF  }
0x82: {  	s13 =	sshll.u32 s16, $0x6;
	s12 =	sshrl.u32 s12, $0x3;
	s22 =	rddreg [dreg:$0x6]  }
0x83: {  	s13 =	sor.u32 $0x1C02, s13;
	s12 =	sadd.s32 s22, s12  }
0x84: {  	[hbm:s12], [sflag:s13] =	dma.local [spmem:s24], $0x2000  }
0x85: {  	_ =	swait.ge [sflag:s10], $0x2000  }
0x86: {  	s14 =	sshll.u32 s21, $0xD;
	s15 =	rddreg [dreg:$0x10]  }
0x87: {  	s12 =	sadd.s32 s14, s15  }
0x88: {  	[sflag:s10] =	ssyncset.done $0x0;
	s16 =	rddreg [dreg:$0x7];
	s12 =	sshrl.u32 s12, $0x3  }
0x89: {  	[sflag:s10] =	ssyncadd.s32 $0xFFFFE000;
	s12 =	sadd.s32 s16, s12  }
0x8a: {  	[hbm:s12], [sflag:s13] =	dma.local [spmem:s25], $0x40  }
0x8b: {  	_ =	swait.ge [sflag:s10], $0x40  }
0x8c: {  	[sflag:s10] =	ssyncset.done $0x0  }
0x8d: {  	[sflag:s10] =	ssyncadd.s32 $0xFFFFFFC0  }
0x8e: {  	[spmem:s9] =	stream.linear.scatter [tilespmem:s23], [sflag:$0x2], $0x1000, $0x38;
	[tilespmem:$0x1F380] =	vst v63  }
0x8f: {  	_ =	swait.ge [sflag:s10], $0x1000  }
0x90: {  	[sflag:s10] =	ssyncset.done $0x0  }
0x91: {  	s22 =	rddreg [dreg:$0x9];
	[sflag:s10] =	ssyncadd.s32 $0xFFFFF000  }
0x92: {  	[spmem:s22] =	stream.linear.scatter [tilespmem:s23], [sflag:$0x2], $0x1000, $0x38;
	[tilespmem:$0x1F380] =	vst v63  }
0x93: {  	_ =	swait.ge [sflag:s10], $0x1000  }
0x94: {  	[sflag:s10] =	ssyncset.done $0x0  }
0x95: {  	s13 =	rddreg [dreg:$0xa];
	[sflag:s10] =	ssyncadd.s32 $0xFFFFF000  }
0x96: {  	[spmem:s13] =	stream.linear.scatter [tilespmem:s23], [sflag:$0x2], $0x1000, $0x38;
	[tilespmem:$0x1F380] =	vst v63  }
0x97: {  	_ =	swait.ge [sflag:s10], $0x1000  }
0x98: {  	[sflag:s10] =	ssyncset.done $0x0  }
0x99: {  	s14 =	rddreg [dreg:$0xb];
	[sflag:s10] =	ssyncadd.s32 $0xFFFFF000  }
0x9a: {  	[spmem:s14] =	stream.linear.scatter [tilespmem:s23], [sflag:$0x2], $0x1000, $0x38;
	[tilespmem:$0x1F380] =	vst v63  }
0x9b: {  	_ =	swait.ge [sflag:s10], $0x1000  }
0x9c: {  	[sflag:s10] =	ssyncset.done $0x0  }
0x9d: {  	s15 =	rddreg [dreg:$0xc];
	[sflag:s10] =	ssyncadd.s32 $0xFFFFF000  }
0x9e: {  	[spmem:s15] =	stream.linear.scatter [tilespmem:s23], [sflag:$0x2], $0x1000, $0x38;
	[tilespmem:$0x1F380] =	vst v63  }
0x9f: {  	_ =	swait.ge [sflag:s10], $0x1000  }
0xa0: {  	[sflag:s10] =	ssyncset.done $0x0  }
0xa1: {  	s16 =	rddreg [dreg:$0xd];
	[sflag:s10] =	ssyncadd.s32 $0xFFFFF000  }
0xa2: {  	[spmem:s16] =	stream.linear.scatter [tilespmem:s23], [sflag:$0x2], $0x1000, $0x38;
	[tilespmem:$0x1F380] =	vst v63  }
0xa3: {  	_ =	swait.ge [sflag:s10], $0x1000  }
0xa4: {  	[sflag:s10] =	ssyncset.done $0x0  }
0xa5: {  	s22 =	rddreg [dreg:$0xe];
	[sflag:s10] =	ssyncadd.s32 $0xFFFFF000  }
0xa6: {  	[spmem:s22] =	stream.linear.scatter [tilespmem:s23], [sflag:$0x2], $0x1000, $0x38;
	[tilespmem:$0x1F380] =	vst v63  }
0xa7: {  	_ =	swait.ge [sflag:s10], $0x1000  }
0xa8: {  	[sflag:s10] =	ssyncset.done $0x0  }
0xa9: {  	[sflag:s10] =	ssyncadd.s32 $0xFFFFF000  }
0xaa: {  	[spmem:s17] =	stream.linear.scatter [tilespmem:s23], [sflag:$0x2], $0x1000, $0x38;
	[tilespmem:$0x1F380] =	vst v63  }
0xab: {  	_ =	swait.ge [sflag:s10], $0x1000  }
0xac: {  	[sflag:s10] =	ssyncset.done $0x0  }
0xad: {  	[sflag:s10] =	ssyncadd.s32 $0xFFFFF000  }
0xae: {  	[spmem:s18] =	stream.linear.scatter [tilespmem:s23], [sflag:$0x2], $0x1000, $0x38;
	[tilespmem:$0x1F380] =	vst v63  }
0xaf: {  	_ =	swait.ge [sflag:s10], $0x1000  }
0xb0: {  	[sflag:s10] =	ssyncset.done $0x0  }
0xb1: {  	[sflag:s10] =	ssyncadd.s32 $0xFFFFF000  }
0xb2: {  	[spmem:s19] =	stream.linear.scatter [tilespmem:s23], [sflag:$0x2], $0x1000, $0x38;
	[tilespmem:$0x1F380] =	vst v63  }
0xb3: {  	_ =	swait.ge [sflag:s10], $0x1000  }
0xb4: {  	[sflag:s10] =	ssyncset.done $0x0  }
0xb5: {  	[sflag:s10] =	ssyncadd.s32 $0xFFFFF000  }
0xb6: {  	[spmem:s26] =	stream.linear.scatter [tilespmem:s23], [sflag:$0x2], $0x1000, $0x38;
	[tilespmem:$0x1F380] =	vst v63  }
0xb7: {  	_ =	swait.ge [sflag:s10], $0x1000  }
0xb8: {  	[sflag:s10] =	ssyncset.done $0x0  }
0xb9: {  	[sflag:s10] =	ssyncadd.s32 $0xFFFFF000  }
0xba: {  	[spmem:s28] =	stream.linear.scatter [tilespmem:s23], [sflag:$0x2], $0x1000, $0x38;
	[tilespmem:$0x1F380] =	vst v63  }
0xbb: {  	_ =	swait.ge [sflag:s10], $0x1000  }
0xbc: {  	[sflag:s10] =	ssyncset.done $0x0  }
0xbd: {  	[sflag:s10] =	ssyncadd.s32 $0xFFFFF000  }
0xbe: {  	[spmem:s29] =	stream.linear.scatter [tilespmem:s23], [sflag:$0x2], $0x1000, $0x38;
	[tilespmem:$0x1F380] =	vst v63  }
0xbf: {  	_ =	swait.ge [sflag:s10], $0x1000  }
0xc0: {  	[sflag:s10] =	ssyncset.done $0x0  }
0xc1: {  	[sflag:s10] =	ssyncadd.s32 $0xFFFFF000  }
0xc2: {  	[spmem:s30] =	stream.linear.scatter [tilespmem:s23], [sflag:$0x2], $0x1000, $0x38;
	[tilespmem:$0x1F380] =	vst v63  }
0xc3: {  	_ =	swait.ge [sflag:s10], $0x1000  }
0xc4: {  	[sflag:s10] =	ssyncset.done $0x0  }
0xc5: {  	[sflag:s10] =	ssyncadd.s32 $0xFFFFF000  }
0xc6: {  	[spmem:s31] =	stream.linear.scatter [tilespmem:s23], [sflag:$0x2], $0x1000, $0x38;
	[tilespmem:$0x1F380] =	vst v63  }
0xc7: {  	_ =	swait.ge [sflag:s10], $0x1000  }
0xc8: {  	[sflag:s10] =	ssyncset.done $0x0  }
0xc9: {  	[sflag:s10] =	ssyncadd.s32 $0xFFFFF000  }
0xca: {  	[spmem:s0] =	stream.linear.scatter [tilespmem:s23], [sflag:$0x2], $0x1000, $0x38;
	[tilespmem:$0x1F380] =	vst v63  }
0xcb: {  	_ =	swait.ge [sflag:s10], $0x1000  }
0xcc: {  	[sflag:s10] =	ssyncset.done $0x0  }
0xcd: {  	[sflag:s10] =	ssyncadd.s32 $0xFFFFF000  }
0xce: {  	[spmem:s3] =	stream.linear.scatter [tilespmem:s23], [sflag:$0x2], $0x80, $0x38;
	[tilespmem:$0x1F380] =	vst v63  }
0xcf: {  	_ =	swait.ge [sflag:s10], $0x80  }
0xd0: {  	s21 =	sadd.s32 $0x1, s21;
	[sflag:s10] =	ssyncset.done $0x0  }
0xd1: {  	p0 =	sne.s32 s21, $0xA;
	[sflag:s10] =	ssyncadd.s32 $0xFFFFFF80  }
0xd2: {  	[spmem:s20] =	stream.linear.scatter [tilespmem:s23], [sflag:$0x2], $0x280, $0x38;
	[tilespmem:$0x1F380] =	vst v63  }
.Ltmp3:
0xd3: {  	_ =	swait.ge [sflag:s10], $0x280;
	(pc) =	sbr.rel @!p0 .LBB2_9-.Ltmp3, $3  }
0xd4: {  	[sflag:s10] =	ssyncset.done $0x0  }
0xd5: {  	[sflag:s10] =	ssyncadd.s32 $0xFFFFFD80  }
0xd6: {  	[bflag:$0x0] =	sbarrier.arrive $0xFFFF;
	_ =	sdelay $0x1  }
.LBB2_2:
0xd7: {  	s12 =	simm.s32 $0x0;
	s13 =	rddreg [dreg:$0x5]  }
0xd8: {  	[tilespmem:s2], [sflag:$0x2] =	stream.linear.gather [hbm4b:s13+s12], $0x2800, $0x38;
	[tilespmem:$0x1F380] =	vst v63  }
0xd9: {  	_ =	swait.ge [sflag:s10], $0x2800  }
0xda: {  	[sflag:s10] =	ssyncset.done $0x0  }
0xdb: {  	s16 =	simm.s32 $0x0;
	[sflag:s10] =	ssyncadd.s32 $0xFFFFD800  }
0xdc: {  	v10 =	vld [tilespmem:s16+$0x0];
	_ =	sdelay $0x3  }
0xdd: {  	s22 =	sshll.u32 s21, $0xA  }
0xde: {  	s14 =	sadd.s32 $0x400, s22;
	v11 =	vshrl.u32 v10, $0xE  }
0xdf: {  	v8 =	vmov s22;
	v9 =	vmov s14;
	v11 =	vand.u32 $0x3FFF, v11  }
0xe0: {  	vm0 =	vge.u32 v11, v8;
	vm1 =	vlt.u32 v11, v9  }
0xe1: {  	vm0 =	vmand vm0, vm1  }
0xe2: {  	v13 =	vsel vm0, $0x1, v5  }
0xe3: {  	(xrf0) =	vadd.scan.msk.s32 $0xffff, v13;
	_ =	sdelay $0x2  }
0xe4: {  	v12 =	vmov s12  }
0xe5: {  	v12 =	vadd.s32 $0xFFFFFFFF, v12  }
0xe6: {  	s13 =	simm.s32 $0x40;
	s14 =	simm.s32 $0x80;
	v12 =	vbroadcast v12, $0x0;
	v11 =	vsub.s32 v11, v8  }
.LBB2_3:
0xe7: {  	p0 =	sne.s32 s14, $0x9FC0;
	v13 =	vshrl.u32 v10, $0x1C;
	v14 =	vshll.u32 v11, $0x3;
	v15, _, _ =	vpop (xrf0)  }
0xe8: {  	v14 =	vadd.s32 v13, v14;
	v12 =	vadd.s32 v15, v12;
	(v2sf) =	vpush v15, $0xF  }
0xe9: {  	v12 =	vnsel vm0, $0x0, v12;
	_ =	sdelay $0x2  }
0xea: {  	v13 =	vshll.u32 v13, $0xA  }
0xeb: {  	v11 =	vadd.s32 v13, v11;
	[tilespmem:v14+s2+$0x0] =	vst.idx.add.f32.msk vm0, v6  }
0xec: {  	v10 =	vand.u32 $0x3FFF, v10;
	[tilespmem:v12+s4+$0x0] =	vst.idx.msk vm0, v11  }
0xed: {  	s22 =	sshra.s32 s13, $0x2;
	s13 =	smov.u32 s14;
	[tilespmem:v12+s7+$0x0] =	vst.idx.msk vm0, v10  }
0xee: {  	v10 =	vld [tilespmem:s22+$0x0];
	_ =	sdelay $0x4  }
0xef: {  	v11 =	vshrl.u32 v10, $0xE  }
0xf0: {  	v11 =	vand.u32 $0x3FFF, v11  }
0xf1: {  	vm0 =	vge.u32 v11, v8;
	vm1 =	vlt.u32 v11, v9;
	s22 =	spop (v2sf)  }
0xf2: {  	vm0 =	vmand vm0, vm1;
	s12 =	sadd.s32 s12, s22  }
0xf3: {  	v12 =	vsel vm0, $0x1, v5  }
0xf4: {  	(xrf0) =	vadd.scan.msk.s32 $0xffff, v12  }
.Ltmp4:
0xf5: {  	(pc) =	sbr.rel @p0 .LBB2_3-.Ltmp4, $4  }
0xf6: {  	_ = 	snop  }
0xf7: {  	v12 =	vmov s12  }
0xf8: {  	v12 =	vadd.s32 $0xFFFFFFFF, v12  }
0xf9: {  	s14 =	sadd.s32 $0x40, s14;
	v11 =	vsub.s32 v11, v8;
	v12 =	vbroadcast v12, $0x0  }
0xfa: {  	v13 =	vshrl.u32 v10, $0x1C;
	v14 =	vshll.u32 v11, $0x3;
	v15, _, _ =	vpop (xrf0)  }
0xfb: {  	v14 =	vadd.s32 v13, v14;
	v12 =	vadd.s32 v15, v12  }
0xfc: {  	v12 =	vnsel vm0, $0x0, v12;
	_ =	sdelay $0x2  }
0xfd: {  	v13 =	vshll.u32 v13, $0xA  }
0xfe: {  	v50 =	vadd.s32 v13, v11;
	[tilespmem:v14+s2+$0x0] =	vst.idx.add.f32.msk vm0, v6  }
0xff: {  	v51 =	vand.u32 $0x3FFF, v10;
	[tilespmem:v12+s4+$0x0] =	vst.idx.msk vm0, v50  }
0x100: {  	s13 =	sshra.s32 s13, $0x2;
	[tilespmem:v12+s7+$0x0] =	vst.idx.msk vm0, v51  }
0x101: {  	v10 =	vld [tilespmem:s13+$0x0];
	_ =	sdelay $0x4  }
0x102: {  	v52 =	vshrl.u32 v10, $0xE  }
0x103: {  	v11 =	vand.u32 $0x3FFF, v52  }
0x104: {  	vm9 =	vge.u32 v11, v8;
	vm1 =	vlt.u32 v11, v9  }
0x105: {  	vm0 =	vmand vm9, vm1  }
0x106: {  	v53 =	vsel vm0, $0x1, v5  }
0x107: {  	(xrf0) =	vadd.scan.msk.s32 $0xffff, v53;
	_ =	sdelay $0x2  }
0x108: {  	(v2sf) =	vpush v15, $0xF;
	_ =	sdelay $0x2  }
0x109: {  	v9, _, _ =	vpop (xrf0)  }
0x10a: {  	(v2sf) =	vpush v9, $0xF;
	_ =	sdelay $0xa  }
0x10b: {  	s14 =	spop (v2sf)  }
0x10c: {  	s12 =	sadd.s32 s12, s14  }
0x10d: {  	v54 =	vmov s12  }
0x10e: {  	v12 =	vadd.s32 $0xFFFFFFFF, v54  }
0x10f: {  	v8 =	vsub.s32 v11, v8;
	v55 =	vbroadcast v12, $0x0;
	s15 =	spop (v2sf)  }
0x110: {  	v56 =	vshrl.u32 v10, $0x1C;
	v57 =	vshll.u32 v8, $0x3;
	s14 =	sadd.s32 s12, s15  }
0x111: {  	v13 =	vadd.s32 v56, v57;
	v9 =	vadd.s32 v9, v55;
	s22 =	sadd.s32 $0x7F, s14  }
0x112: {  	v9 =	vnsel vm0, $0x0, v9;
	v58 =	vadd.s32 s14, v0;
	s15 =	sand.u32 $0xFFFFFF80, s22  }
0x113: {  	s12 =	sadd.s32 $0x10, s14;
	vm10 =	vlt.s32 v58, s15  }
0x114: {  	v59 =	vadd.s32 s12, v0  }
0x115: {  	v12 =	vshll.u32 v56, $0xA;
	s16 =	sadd.s32 $0x20, s14;
	vm2 =	vlt.s32 v59, s15  }
0x116: {  	v8 =	vadd.s32 v12, v8;
	[tilespmem:v13+s2+$0x0] =	vst.idx.add.f32.msk vm0, v6;
	v60 =	vadd.s32 s16, v0  }
0x117: {  	v10 =	vand.u32 $0x3FFF, v10;
	[tilespmem:v9+s4+$0x0] =	vst.idx.msk vm0, v8;
	s13 =	sadd.s32 $0x30, s14;
	vm3 =	vlt.s32 v60, s15  }
0x118: {  	[tilespmem:v9+s7+$0x0] =	vst.idx.msk vm0, v10;
	s12 =	simm.s32 $0x5000;
	v8 =	vadd.s32 s13, v0  }
0x119: {  	s13 =	simm.s32 $0x2800;
	s16 =	sadd.s32 $0x40, s14;
	vm11 =	vlt.s32 v8, s15;
	[tilespmem:v58+s12+$0x0] =	vst.idx.msk vm10, v7  }
0x11a: {  	v61 =	vadd.s32 s16, v0;
	[tilespmem:v58+s13+$0x0] =	vst.idx.msk vm10, v5  }
0x11b: {  	s16 =	sadd.s32 $0x50, s14;
	vm12 =	vlt.s32 v61, s15;
	[tilespmem:v59+s12+$0x0] =	vst.idx.msk vm2, v7  }
0x11c: {  	v62 =	vadd.s32 s16, v0;
	[tilespmem:v59+s13+$0x0] =	vst.idx.msk vm2, v5  }
0x11d: {  	s16 =	sadd.s32 $0x60, s14;
	vm13 =	vlt.s32 v62, s15;
	[tilespmem:v60+s12+$0x0] =	vst.idx.msk vm3, v7  }
0x11e: {  	v63 =	vadd.s32 s16, v0;
	[tilespmem:v60+s13+$0x0] =	vst.idx.msk vm3, v5  }
0x11f: {  	s14 =	sadd.s32 $0x70, s14;
	vm14 =	vlt.s32 v63, s15;
	[tilespmem:v8+s12+$0x0] =	vst.idx.msk vm11, v7  }
0x120: {  	[tilespmem:v8+s13+$0x0] =	vst.idx.msk vm11, v5;
	v8 =	vadd.s32 s14, v0  }
0x121: {  	[tilespmem:v61+s12+$0x0] =	vst.idx.msk vm12, v7;
	vm15 =	vlt.s32 v8, s15  }
0x122: {  	s14 =	sshrl.u32 s22, $0x7;
	[tilespmem:v61+s13+$0x0] =	vst.idx.msk vm12, v5  }
0x123: {  	p0 =	seq.s32 s14, $0x0;
	[tilespmem:v62+s12+$0x0] =	vst.idx.msk vm13, v7  }
.Ltmp5:
0x124: {  	[tilespmem:v62+s13+$0x0] =	vst.idx.msk vm13, v5;
	(pc) =	sbr.rel @p0 .LBB2_8-.Ltmp5, $4  }
0x125: {  	[tilespmem:v63+s12+$0x0] =	vst.idx.msk vm14, v7  }
0x126: {  	[tilespmem:v63+s13+$0x0] =	vst.idx.msk vm14, v5  }
0x127: {  	[tilespmem:v8+s12+$0x0] =	vst.idx.msk vm15, v7  }
0x128: {  	[tilespmem:v8+s13+$0x0] =	vst.idx.msk vm15, v5  }
0x129: {  	[tilespmem:s6], [sflag:$0x1] =	stream.indirect.gather [hbm4b:s5+s8], $0x80, s13, s8, $0xb8;
	[tilespmem:$0x1F380] =	vst v63  }
0x12a: {  	p0 =	sne.s32 s14, $0x1;
	_ =	swait.ge [sflag:s11], $0x4000  }
.Ltmp6:
0x12b: {  	[sflag:s11] =	ssyncset.done $0x0;
	(pc) =	sbr.rel @!p0 .LBB2_7-.Ltmp6, $4  }
0x12c: {  	[sflag:s11] =	ssyncadd.s32 $0xFFFFC000  }
0x12d: {  	[spmem:s1] =	stream.indirect.scatter.add.f32 [tilespmem:s6], [sflag:$0x2], $0x80, s12, s8, $0xb8;
	[tilespmem:$0x1F380] =	vst v63  }
0x12e: {  	_ =	swait.ge [sflag:s10], $0x4000  }
0x12f: {  	s14 =	sadd.s32 $0xFFFFFFFF, s14;
	[sflag:s10] =	ssyncset.done $0x0  }
.LBB2_6:
0x130: {  	[sflag:s10] =	ssyncadd.s32 $0xFFFFC000;
	s13 =	sadd.s32 $0x80, s13;
	s12 =	sadd.s32 $0x80, s12  }
0x131: {  	[tilespmem:s6], [sflag:$0x1] =	stream.indirect.gather [hbm4b:s5+s8], $0x80, s13, s8, $0xb8;
	[tilespmem:$0x1F380] =	vst v63  }
0x132: {  	p0 =	sne.s32 s14, $0x1;
	s14 =	sadd.s32 $0xFFFFFFFF, s14;
	_ =	swait.ge [sflag:s11], $0x4000  }
.Ltmp7:
0x133: {  	[sflag:s11] =	ssyncset.done $0x0;
	(pc) =	sbr.rel @p0 .LBB2_6-.Ltmp7, $4  }
0x134: {  	[sflag:s11] =	ssyncadd.s32 $0xFFFFC000  }
0x135: {  	[spmem:s1] =	stream.indirect.scatter.add.f32 [tilespmem:s6], [sflag:$0x2], $0x80, s12, s8, $0xb8;
	[tilespmem:$0x1F380] =	vst v63  }
0x136: {  	_ =	swait.ge [sflag:s10], $0x4000  }
0x137: {  	[sflag:s10] =	ssyncset.done $0x0  }
.Ltmp8:
0x138: {  	_ = 	snop;
	(pc) =	sbr.rel .LBB2_7-.Ltmp8, $1  }
0x139: {  	_ =	sdelay $0x3  }
.LBB2_10:
0x13a: {  	_ =	sfence.sel $0x180000  }
0x13b: {  	[bflag:$0x0] =	sbarrier.arrive $0xFFFF  }
0x13c: {  	_ =	strace $0x90000047  }
0x13d: {  	s0 =	stileid.u32;
	[bflag:$0x2] =	sbarrier.arrive $0xFFFF  }
0x13e: {  	p0 =	sne.s32 s0, $0x0;
	s0 =	rddreg [dreg:$0x4]  }
0x13f: {  	s0 =	sadd.s32 @!p0 $0x100000, s0  }
0x140: {  	[sflag:s0] =	ssyncadd.tile.s32 @!p0 $0x1;
	_ =	shalt  }
.Lfunc_end2:
_tile_overlayer_lowered:
.L_overlay_start_2:
0x141: {  	(tag) =	ssettag $0x2  }
0x142: {  	s0 =	rddreg [dreg:$0x0];
	s2 =	stileid.u32  }
0x143: {  	s1 =	rddreg [dreg:$0x1];
	p0 =	sne.s32 s2, $0x0  }
0x144: {  	s3 =	rddreg [dreg:$0x2];
	[bflag:$0x3] =	sbarrier.arrive $0xFFFF;
	s2 =	simm.s32 @!p0 $0x1C02  }
0x145: {  	[timem:s3], [sflag:s2] =	dma.local @!p0 [hbm:s0], s1  }
0x146: {  	s0 =	simm.s32 @!p0 $0x2  }
0x147: {  	_ =	swait.ge @!p0 [sflag:s0], s1  }
0x148: {  	s1 =	ssub.s32 @!p0 $0x0, s1;
	[sflag:s0] =	ssyncset.done @!p0 $0x0  }
0x149: {  	[sflag:s0] =	ssyncadd.s32 @!p0 s1  }
0x14a: {  	[bflag:$0x3] =	sbarrier.arrive $0xFFFF  }
0x14b: {  	_ =	shalt  }

// kernel: kernel.9.cloned.1.call-start
scs
__scs_entry_jumppad:
0x0: {  	(pc) =	sbr.rel $0x88, $3  }
0x1: {  	(tag) =	ssettag $0x0;
	lr =	simm.s32 $0x1  }
0x2: {  	[smem:$0x3F96] =	sst lr;
	_ =	strace $0xD0000000  }
0x3: {  	_ = 	snop  }
0x4: {  	_ = 	snop  }
0x5: {  	_ = 	snop  }
0x6: {  	_ = 	snop  }
0x7: {  	_ = 	snop  }
__scs_overlays_trampoline_lowered:
0x8: {  	[smem:$0x3FA5] =	sst s0  }
0x9: {  	[smem:$0x3FA6] =	sst s1  }
0xa: {  	[smem:$0x3FA7] =	sst s2  }
0xb: {  	[smem:$0x3FA8] =	sst s3  }
0xc: {  	[smem:$0x3FA9] =	sst s4  }
0xd: {  	[smem:$0x3FAA] =	sst s5  }
0xe: {  	[smem:$0x3FAB] =	sst s6  }
0xf: {  	[smem:$0x3FAC] =	sst s7  }
0x10: {  	[smem:$0x3FAD] =	sst s8  }
0x11: {  	[smem:$0x3FAE] =	sst s9;
	s0 =	simm.s32 @!p0 $0x0  }
0x12: {  	s1 =	sld [smem:$0x3F94];
	s0 =	simm.s32 @p0 $0x1  }
0x13: {  	[smem:$0x3FAF] =	sst s0;
	s0 =	simm.s32 @!p1 $0x0  }
0x14: {  	s2 =	sld [smem:$0x3F93];
	s0 =	simm.s32 @p1 $0x1  }
0x15: {  	[smem:$0x3FB0] =	sst s0;
	s0 =	simm.s32 @!p2 $0x0  }
0x16: {  	s3 =	sld [smem:$0x3FDB];
	s0 =	simm.s32 @p2 $0x1  }
0x17: {  	s4 =	simm.s32 $0x1BF5;
	[smem:$0x3FB2] =	sst s0  }
0x18: {  	s0 =	sld [smem:$0x3F95];
	_ =	swait.ge [sflag:s4], $0x0  }
0x19: {  	s7 =	sld [smem:$0x3F96]  }
0x1a: {  	s8 =	sadd.s32 $0xFFFFE003, lr  }
0x1b: {  	s9 =	sadd.s32 $0xFFFFFEF7, lr;
	s5 =	simm.s32 $0xFFFFFFFF;
	p2 =	slt.u32 s8, $0xFFFFF086  }
0x1c: {  	p1 =	slt.u32 s9, $0xF7A;
	s5 =	simm.s32 @!p2 $0x0  }
0x1d: {  	s5 =	simm.s32 @p1 $0x1;
	p0 =	seq.s32 s7, s2  }
0x1e: {  	s7 =	smul.u32 @!p0 $0xF7A, s2;
	p2 =	seq.s32 @!p0 s5, $0x0  }
0x1f: {  	s9 =	smul.u32 $0xF7A, s1;
	s8 =	simm.s32 @!p0 $0x1BF5;
	p2 =	por !p2, p0  }
0x20: {  	[sflag:s8] =	ssyncset.s32 @!p0 $0xFFFFF086;
	s6 =	sadd.s32 @!p0 s3, s7;
	s7 =	simm.s32 @!p0 $0x108  }
0x21: {  	s3 =	sadd.s32 s3, s9;
	s6 =	sadd.s32 @!p0 $0x88, s6;
	s7 =	simm.s32 @p2 $0x1082  }
0x22: {  	[simem:s7], [sflag:s8] =	dma.local @!p0 [hbm:s6], $0xF7A  }
0x23: {  	s9 =	sor.u32 $0xD0000000, s2;
	s6 =	simm.s32 $0x108;
	_ =	swait.ge @!p0 [sflag:s8], $0x0  }
0x24: {  	s3 =	sadd.s32 $0x88, s3;
	s6 =	simm.s32 @!p1 $0x1082;
	[sflag:s4] =	ssyncset.s32 $0xFFFFF086  }
0x25: {  	[simem:s6], [sflag:s4] =	dma.local [hbm:s3], $0xF7A  }
0x26: {  	[smem:$0x3F96] =	sst s1;
	(tag) =	ssettag s2;
	_ =	strace s9  }
0x27: {  	s1 =	sld [smem:$0x3FA6]  }
0x28: {  	s2 =	sld [smem:$0x3FA7]  }
0x29: {  	s4 =	sld [smem:$0x3FA9]  }
0x2a: {  	p0 =	seq.s32 s5, $0x0;
	s5 =	sld [smem:$0x3FAA]  }
0x2b: {  	s6 =	sld [smem:$0x3FAB]  }
0x2c: {  	s7 =	sld [smem:$0x3FAC]  }
0x2d: {  	s3 =	simm.s32 $0x108;
	s8 =	sld [smem:$0x3FAD]  }
0x2e: {  	s3 =	simm.s32 @!p0 $0x1082;
	s9 =	sld [smem:$0x3FAE]  }
0x2f: {  	lr =	sadd.s32 s0, s3;
	s0 =	sld [smem:$0x3FA5]  }
0x30: {  	s3 =	sld [smem:$0x3FA8]  }
0x31: {  	[smem:$0x3FB1] =	sst s10  }
0x32: {  	s10 =	sld [smem:$0x3FAF];
	_ =	sdelay $0x3  }
0x33: {  	p0 =	seq.s32 s10, $0x1;
	s10 =	sld [smem:$0x3FB1];
	_ =	sdelay $0x3  }
0x34: {  	[smem:$0x3FB1] =	sst s10  }
0x35: {  	s10 =	sld [smem:$0x3FB0];
	_ =	sdelay $0x3  }
0x36: {  	p1 =	seq.s32 s10, $0x1;
	s10 =	sld [smem:$0x3FB1];
	_ =	sdelay $0x3  }
0x37: {  	[smem:$0x3FB1] =	sst s10  }
0x38: {  	s10 =	sld [smem:$0x3FB2]  }
0x39: {  	_ = 	snop;
	(pc) =	sbr.ind lr, $3  }
0x3a: {  	_ = 	snop  }
0x3b: {  	_ = 	snop  }
0x3c: {  	p2 =	seq.s32 s10, $0x1;
	s10 =	sld [smem:$0x3FB1]  }
0x3d: {  	_ =	shalt  }
0x3e: {  	_ =	shalt  }
0x3f: {  	_ =	shalt  }
0x40: {  	_ =	shalt  }
0x41: {  	_ =	shalt  }
0x42: {  	_ =	shalt  }
0x43: {  	_ =	shalt  }
0x44: {  	_ =	shalt  }
0x45: {  	_ =	shalt  }
0x46: {  	_ =	shalt  }
0x47: {  	_ =	shalt  }
0x48: {  	_ =	shalt  }
0x49: {  	_ =	shalt  }
0x4a: {  	_ =	shalt  }
0x4b: {  	_ =	shalt  }
0x4c: {  	_ =	shalt  }
0x4d: {  	_ =	shalt  }
0x4e: {  	_ =	shalt  }
0x4f: {  	_ =	shalt  }
0x50: {  	_ =	shalt  }
0x51: {  	_ =	shalt  }
0x52: {  	_ =	shalt  }
0x53: {  	_ =	shalt  }
0x54: {  	_ =	shalt  }
0x55: {  	_ =	shalt  }
0x56: {  	_ =	shalt  }
0x57: {  	_ =	shalt  }
0x58: {  	_ =	shalt  }
0x59: {  	_ =	shalt  }
0x5a: {  	_ =	shalt  }
0x5b: {  	_ =	shalt  }
0x5c: {  	_ =	shalt  }
0x5d: {  	_ =	shalt  }
0x5e: {  	_ =	shalt  }
0x5f: {  	_ =	shalt  }
0x60: {  	_ =	shalt  }
0x61: {  	_ =	shalt  }
0x62: {  	_ =	shalt  }
0x63: {  	_ =	shalt  }
0x64: {  	_ =	shalt  }
0x65: {  	_ =	shalt  }
0x66: {  	_ =	shalt  }
0x67: {  	_ =	shalt  }
0x68: {  	_ =	shalt  }
0x69: {  	_ =	shalt  }
0x6a: {  	_ =	shalt  }
0x6b: {  	_ =	shalt  }
0x6c: {  	_ =	shalt  }
0x6d: {  	_ =	shalt  }
0x6e: {  	_ =	shalt  }
0x6f: {  	_ =	shalt  }
0x70: {  	_ =	shalt  }
0x71: {  	_ =	shalt  }
0x72: {  	_ =	shalt  }
0x73: {  	_ =	shalt  }
0x74: {  	_ =	shalt  }
0x75: {  	_ =	shalt  }
0x76: {  	_ =	shalt  }
0x77: {  	_ =	shalt  }
0x78: {  	_ =	shalt  }
0x79: {  	_ =	shalt  }
0x7a: {  	_ =	shalt  }
0x7b: {  	_ =	shalt  }
0x7c: {  	_ =	shalt  }
0x7d: {  	_ =	shalt  }
0x7e: {  	_ =	shalt  }
0x7f: {  	_ =	shalt  }
0x80: {  	_ =	shalt  }
0x81: {  	_ =	shalt  }
0x82: {  	_ =	shalt  }
0x83: {  	_ =	shalt  }
0x84: {  	_ =	shalt  }
0x85: {  	_ =	shalt  }
0x86: {  	_ =	shalt  }
0x87: {  	_ =	shalt  }
.Lfunc_end0:
.L_simem_size_0:
called_computation.1_lowered:
.L_overlay_start_0:
0x88: {  	s2 =	sld [smem:$0x3FD9]  }
0x89: {  	s3 =	sld [smem:$0x3FFE];
	_ =	sdelay $0x1  }
0x8a: {  	s1 =	srdreg.scid  }
0x8b: {  	s0 =	sand.u32 $0x1, s1  }
0x8c: {  	s17 =	sshll.u32 s0, $0xA;
	s2 =	sadd.s32 s3, s2  }
0x8d: {  	s2 =	sadd.s32 s2, s17  }
0x8e: {  	[smem:$0x3FBD] =	sst s2  }
0x8f: {  	_ = 	snop  }
0x90: {  	s2 =	sld [smem:$0x3FD0];
	(tm) =	ssettm $0x1  }
0x91: {  	s18 =	sld [smem:$0x3FFB];
	_ =	sdelay $0x3  }
0x92: {  	_ =	strace s18  }
0x93: {  	s3 =	sld [smem:$0x3FFC];
	_ =	sdelay $0x3  }
0x94: {  	_ =	strace s3  }
0x95: {  	s3 =	sld [smem:$0x3FFD];
	_ =	sdelay $0x3  }
0x96: {  	_ =	strace s3  }
0x97: {  	_ =	strace $0x8FFFFFFF  }
0x98: {  	s19 =	sld [smem:$0x3FDB];
	_ =	sdelay $0x1  }
0x99: {  	s4 =	simm.s32 $_scs_section_size  }
0x9a: {  	s5 =	simm.s32 $_size__tile_overlayer_lowered;
	s6 =	simm.s32 $_tile_overlayer_lowered  }
0x9b: {  	s22 =	simm.s32 $0x1BFF;
	s21 =	sshll.u32 s6, $0x1;
	s3 =	sadd.s32 s4, s19  }
0x9c: {  	s7 =	simm.s32 $0x0;
	s20 =	sshll.u32 s5, $0x1;
	s5 =	sadd.s32 s21, s3  }
0x9d: {  	[timem:s7], [sflag:s22] =	dma.local [hbm:s5], s20  }
0x9e: {  	_ =	swait.ge [sflag:s22], s20  }
0x9f: {  	s4 =	ssub.s32 $0x0, s20;
	[sflag:s22] =	ssyncset.done $0x0  }
0xa0: {  	[sflag:s22] =	ssyncadd.s32 s4;
	_ =	sdelay $0x1  }
0xa1: {  	s23 =	simm.s32 $0x1B8B  }
0xa2: {  	_ =	swait.ge [sflag:s23], $0x1  }
0xa3: {  	[sflag:s23] =	ssyncset.done $0x0  }
0xa4: {  	s25 =	simm.s32 $0x1B8E;
	s24 =	sld [smem:$0x3FFE];
	[sflag:s23] =	ssyncadd.s32 $0xFFFFFFFF  }
0xa5: {  	s26 =	simm.s32 $execute0_lowered;
	[smem:$0x3FD2] =	sst s25  }
0xa6: {  	s5 =	sshll.u32 s26, $0x1;
	_ =	strace $0x80000049;
	[dreg:$0x1] =	wrdreg $0xFFFFFFFF  }
0xa7: {  	s28 =	simm.s32 $_size_execute0_lowered;
	s3 =	sadd.s32 s3, s5;
	[dreg:$0x0] =	wrdreg $0x0  }
0xa8: {  	s5 =	sshll.u32 s28, $0x1;
	[dreg:$0x2] =	wrdreg s3  }
0xa9: {  	[dreg:$0x3] =	wrdreg s5  }
0xaa: {  	[dreg:$0x4] =	wrdreg $0xC0  }
0xab: {  	_ =	task [dreg:s7], $0x5FFFF  }
0xac: {  	[dreg:$0x1] =	wrdreg $0xFFFFFFFF  }
0xad: {  	[dreg:$0x0] =	wrdreg $0x60  }
0xae: {  	[dreg:$0x2] =	wrdreg s24  }
0xaf: {  	[dreg:$0x3] =	wrdreg s2  }
0xb0: {  	[dreg:$0x4] =	wrdreg $0xF0800  }
0xb1: {  	[dreg:$0x5] =	wrdreg $0x1F1000  }
0xb2: {  	[dreg:$0x6] =	wrdreg $0x9  }
0xb3: {  	_ =	task.clear_ibuf [dreg:s7], $0x7FFFF;
	_ =	strace $0x90000049  }
0xb4: {  	s29 =	simm.s32 $0x9;
	_ =	strace $0x8000004B  }
0xb5: {  	_ =	swait.ge [sflag:s29], $0x1  }
0xb6: {  	[sflag:s29] =	ssyncadd.s32 $0xFFFFFFFF  }
0xb7: {  	_ =	strace $0x9000004B  }
0xb8: {  	_ =	sfence  }
0xb9: {  	s30 =	sld [smem:$0x0];
	_ =	sdelay $0x2  }
0xba: {  	s31 =	sshll.u32 s1, $0xD;
	s1 =	sshrl.u32 s1, $0x2  }
0xbb: {  	s3 =	sand.u32 $0x4000, s31;
	s1 =	sadd.s32 s1, s30  }
0xbc: {  	s0 =	sor.u32 s3, s0;
	s1 =	sshll.u32 s1, $0x11  }
0xbd: {  	s0 =	sor.u32 s1, s0  }
0xbe: {  	s0 =	sadd.s32 $0x8F2B, s0  }
0xbf: {  	[sflag:s0] =	ssyncadd.remote.s32 $0x1  }
0xc0: {  	_ =	sfence.sel $0xFFFF  }
0xc1: {  	[dreg:$0x0] =	wrdreg $0xFFFFFFFF;
	(pc) =	sbr.abs _section_cstart, $3  }
0xc2: {  	[dreg:$0x1] =	wrdreg $0xFFFFFFFF  }
0xc3: {  	_ =	task.clear_ibuf [dreg:s7], $0x2FFFF;
	_ =	strace $0x9FFFFFFF  }
0xc4: {  	(tm) =	ssettm $0x7FFFFFFF  }
0xc5: {  	_ =	shalt  }
tec
execute0_lowered:
.L_overlay_start_1:
0x0: {  	(tag) =	ssettag $0x1  }
0x1: {  	s0 =	rddreg [dreg:$0x0]  }
0x2: {  	s2 =	rddreg [dreg:$0x1]  }
0x3: {  	s1 =	rddreg [dreg:$0x2]  }
0x4: {  	s10 =	rddreg [dreg:$0x3];
	s3 =	simm.s32 $0x0;
	s9 =	srdreg.scid  }
0x5: {  	s11 =	stileid.u32;
	[smem:$0x7FF] =	sst s3  }
0x6: {  	s5 =	sadd.s32 $0x3000, s0;
	s3 =	sand.u32 $0x1, s9;
	s4 =	sadd.s32 $0x2B000, s0  }
0x7: {  	s6 =	smul.u32 $0x40200, s11;
	s7 =	sadd.s32 $0x30600, s0;
	s0 =	sadd.s32 $0x2B600, s0  }
0x8: {  	s21 =	smul.u32 $0xA00, s11;
	s23 =	sshll.u32 s11, $0x10;
	s25 =	sshll.u32 s11, $0x9  }
0x9: {  	_ =	strace $0x8000004A;
	[dreg:$0x5] =	wrdreg s4;
	s12 =	sshll.u32 s3, $0x4  }
0xa: {  	[dreg:$0x6] =	wrdreg s7;
	s13 =	ssub.s32 $0x2, s3;
	s22 =	smul.u32 $0xA00000, s3  }
0xb: {  	[dreg:$0x7] =	wrdreg s0;
	s3 =	smul.u32 $0x14000, s3;
	s26 =	sadd.s32 s23, s1  }
0xc: {  	s7 =	simm.s32 $0x2800;
	s4 =	sor.u32 s11, s12;
	s8 =	sshrl.u32 s13, $0x1  }
0xd: {  	s6 =	sshrl.u32 s6, $0x2;
	s11 =	simm.s32 $0x1;
	s4 =	smul.u32 $0x500, s4  }
0xe: {  	s14 =	ssub.s32 s13, s8;
	s9 =	sadd.s32 s6, s1;
	s24 =	sor.u32 s23, s22  }
0xf: {  	s3 =	sor.u32 s3, s25;
	s23 =	simm.s32 $0xB800;
	s8 =	simm.s32 $0x80  }
0x10: {  	s6 =	simm.s32 $0x7800;
	s13 =	simm.s32 $0x0;
	s15 =	sadd.s32 $0x1000, s9  }
0x11: {  	s16 =	sadd.s32 $0x2000, s9;
	s17 =	sadd.s32 $0x3000, s9;
	[dreg:$0xf] =	wrdreg s24  }
0x12: {  	s18 =	sadd.s32 $0x4000, s9;
	s19 =	sadd.s32 $0x5000, s9;
	[dreg:$0x10] =	wrdreg s3  }
0x13: {  	s20 =	sadd.s32 $0x6000, s9;
	s0 =	smax.u32 s14, $0x1;
	[dreg:$0x9] =	wrdreg s15  }
0x14: {  	s24 =	sshrl.u32 s26, $0x3;
	s26 =	sadd.s32 $0xA000, s9;
	[dreg:$0xa] =	wrdreg s16  }
0x15: {  	s28 =	sadd.s32 $0xB000, s9;
	s29 =	sadd.s32 $0xC000, s9;
	[dreg:$0xb] =	wrdreg s17  }
0x16: {  	s30 =	sadd.s32 $0xD000, s9;
	s31 =	sadd.s32 $0xE000, s9;
	[dreg:$0xc] =	wrdreg s18  }
0x17: {  	s3 =	sadd.s32 $0x10000, s9;
	s2 =	sadd.s32 s2, s4;
	[dreg:$0xd] =	wrdreg s19  }
.Ltmp0:
0x18: {  	[dreg:$0xe] =	wrdreg s20;
	s17 =	sadd.s32 $0x7000, s9;
	(pc) =	sbr.rel .LBB2_1-.Ltmp0, $4  }
0x19: {  	s18 =	sadd.s32 $0x8000, s9;
	s19 =	sadd.s32 $0x9000, s9;
	[dreg:$0x11] =	wrdreg s0  }
0x1a: {  	v0 =	vlaneseq.u32;
	v5 =	vimm.s32 $0x0;
	s0 =	sadd.s32 $0xF000, s9;
	[dreg:$0x8] =	wrdreg s2;
	s2 =	sshrl.u32 s21, $0x2  }
0x1b: {  	v6 =	vimm.f32 $1.000000000e+00;
	v7 =	vimm.s32 $0x2000;
	v1 =	vor.u32 $0x10, v0;
	s4 =	simm.s32 $0x5000;
	s20 =	sadd.s32 s2, s10;
	s2 =	sadd.s32 s25, s10  }
0x1c: {  	v2 =	vor.u32 $0x20, v0;
	v3 =	vor.u32 $0x30, v0;
	v4 =	vor.u32 $0x40, v0;
	s10 =	simm.s32 $0x2;
	s25 =	sshrl.u32 s2, $0x3;
	s2 =	simm.s32 $0xC800  }
.LBB2_9:
0x1d: {  	s13 =	rddreg [dreg:$0x12]  }
0x1e: {  	s12 =	rddreg [dreg:$0x11];
	s13 =	sadd.s32 $0x1, s13  }
0x1f: {  	p0 =	sne.s32 s13, s12  }
.Ltmp1:
0x20: {  	_ = 	snop;
	(pc) =	sbr.rel @!p0 .LBB2_10-.Ltmp1, $1  }
0x21: {  	_ =	sdelay $0x3  }
.LBB2_1:
0x22: {  	[dreg:$0x12] =	wrdreg s13  }
0x23: {  	s12 =	simm.s32 $0x0;
	s21 =	rddreg [dreg:$0x8]  }
0x24: {  	[tilespmem:s12], [sflag:$0x2] =	stream.linear.gather [hbm4b:s21+s12], $0x2800, $0x38;
	[tilespmem:$0x1F380] =	vst v63  }
0x25: {  	_ =	swait.ge [sflag:s10], $0x2800  }
0x26: {  	[sflag:s10] =	ssyncset.done $0x0  }
0x27: {  	s22 =	rddreg [dreg:$0x5];
	[sflag:s10] =	ssyncadd.s32 $0xFFFFD800  }
0x28: {  	[tilespmem:s23], [sflag:$0x2] =	stream.linear.gather [hbm4b:s22+s12], $0x1000, $0x38;
	[tilespmem:$0x1F380] =	vst v63  }
0x29: {  	_ =	swait.ge [sflag:s10], $0x1000  }
0x2a: {  	[sflag:s10] =	ssyncset.done $0x0  }
0x2b: {  	[sflag:s10] =	ssyncadd.s32 $0xFFFFF000  }
0x2c: {  	[tilespmem:$0xF000] =	vst v0  }
0x2d: {  	[tilespmem:$0xF010] =	vst v1  }
0x2e: {  	[tilespmem:$0xF020] =	vst v2  }
0x2f: {  	[tilespmem:$0xF030] =	vst v3  }
0x30: {  	[tilespmem:$0xF040] =	vst v4  }
0x31: {  	[spmem:s9] =	stream.linear.scatter [tilespmem:s23], [sflag:$0x2], $0x1000, $0x38;
	[tilespmem:$0x1F380] =	vst v63  }
0x32: {  	_ =	swait.ge [sflag:s10], $0x1000  }
0x33: {  	[sflag:s10] =	ssyncset.done $0x0  }
0x34: {  	s13 =	rddreg [dreg:$0x9];
	[sflag:s10] =	ssyncadd.s32 $0xFFFFF000  }
0x35: {  	[spmem:s13] =	stream.linear.scatter [tilespmem:s23], [sflag:$0x2], $0x1000, $0x38;
	[tilespmem:$0x1F380] =	vst v63  }
0x36: {  	_ =	swait.ge [sflag:s10], $0x1000  }
0x37: {  	[sflag:s10] =	ssyncset.done $0x0  }
0x38: {  	s14 =	rddreg [dreg:$0xa];
	[sflag:s10] =	ssyncadd.s32 $0xFFFFF000  }
0x39: {  	[spmem:s14] =	stream.linear.scatter [tilespmem:s23], [sflag:$0x2], $0x1000, $0x38;
	[tilespmem:$0x1F380] =	vst v63  }
0x3a: {  	_ =	swait.ge [sflag:s10], $0x1000  }
0x3b: {  	[sflag:s10] =	ssyncset.done $0x0  }
0x3c: {  	s15 =	rddreg [dreg:$0xb];
	[sflag:s10] =	ssyncadd.s32 $0xFFFFF000  }
0x3d: {  	[spmem:s15] =	stream.linear.scatter [tilespmem:s23], [sflag:$0x2], $0x1000, $0x38;
	[tilespmem:$0x1F380] =	vst v63  }
0x3e: {  	_ =	swait.ge [sflag:s10], $0x1000  }
0x3f: {  	[sflag:s10] =	ssyncset.done $0x0  }
0x40: {  	s16 =	rddreg [dreg:$0xc];
	[sflag:s10] =	ssyncadd.s32 $0xFFFFF000  }
0x41: {  	[spmem:s16] =	stream.linear.scatter [tilespmem:s23], [sflag:$0x2], $0x1000, $0x38;
	[tilespmem:$0x1F380] =	vst v63  }
0x42: {  	_ =	swait.ge [sflag:s10], $0x1000  }
0x43: {  	[sflag:s10] =	ssyncset.done $0x0  }
0x44: {  	s21 =	rddreg [dreg:$0xd];
	[sflag:s10] =	ssyncadd.s32 $0xFFFFF000  }
0x45: {  	[spmem:s21] =	stream.linear.scatter [tilespmem:s23], [sflag:$0x2], $0x1000, $0x38;
	[tilespmem:$0x1F380] =	vst v63  }
0x46: {  	_ =	swait.ge [sflag:s10], $0x1000  }
0x47: {  	[sflag:s10] =	ssyncset.done $0x0  }
0x48: {  	s22 =	rddreg [dreg:$0xe];
	[sflag:s10] =	ssyncadd.s32 $0xFFFFF000  }
0x49: {  	[spmem:s22] =	stream.linear.scatter [tilespmem:s23], [sflag:$0x2], $0x1000, $0x38;
	[tilespmem:$0x1F380] =	vst v63  }
0x4a: {  	_ =	swait.ge [sflag:s10], $0x1000  }
0x4b: {  	[sflag:s10] =	ssyncset.done $0x0  }
0x4c: {  	[sflag:s10] =	ssyncadd.s32 $0xFFFFF000  }
0x4d: {  	[spmem:s17] =	stream.linear.scatter [tilespmem:s23], [sflag:$0x2], $0x1000, $0x38;
	[tilespmem:$0x1F380] =	vst v63  }
0x4e: {  	_ =	swait.ge [sflag:s10], $0x1000  }
0x4f: {  	[sflag:s10] =	ssyncset.done $0x0  }
0x50: {  	[sflag:s10] =	ssyncadd.s32 $0xFFFFF000  }
0x51: {  	[spmem:s18] =	stream.linear.scatter [tilespmem:s23], [sflag:$0x2], $0x1000, $0x38;
	[tilespmem:$0x1F380] =	vst v63  }
0x52: {  	_ =	swait.ge [sflag:s10], $0x1000  }
0x53: {  	[sflag:s10] =	ssyncset.done $0x0  }
0x54: {  	[sflag:s10] =	ssyncadd.s32 $0xFFFFF000  }
0x55: {  	[spmem:s19] =	stream.linear.scatter [tilespmem:s23], [sflag:$0x2], $0x1000, $0x38;
	[tilespmem:$0x1F380] =	vst v63  }
0x56: {  	_ =	swait.ge [sflag:s10], $0x1000  }
0x57: {  	[sflag:s10] =	ssyncset.done $0x0  }
0x58: {  	[sflag:s10] =	ssyncadd.s32 $0xFFFFF000  }
0x59: {  	[spmem:s26] =	stream.linear.scatter [tilespmem:s23], [sflag:$0x2], $0x1000, $0x38;
	[tilespmem:$0x1F380] =	vst v63  }
0x5a: {  	_ =	swait.ge [sflag:s10], $0x1000  }
0x5b: {  	[sflag:s10] =	ssyncset.done $0x0  }
0x5c: {  	[sflag:s10] =	ssyncadd.s32 $0xFFFFF000  }
0x5d: {  	[spmem:s28] =	stream.linear.scatter [tilespmem:s23], [sflag:$0x2], $0x1000, $0x38;
	[tilespmem:$0x1F380] =	vst v63  }
0x5e: {  	_ =	swait.ge [sflag:s10], $0x1000  }
0x5f: {  	[sflag:s10] =	ssyncset.done $0x0  }
0x60: {  	[sflag:s10] =	ssyncadd.s32 $0xFFFFF000  }
0x61: {  	[spmem:s29] =	stream.linear.scatter [tilespmem:s23], [sflag:$0x2], $0x1000, $0x38;
	[tilespmem:$0x1F380] =	vst v63  }
0x62: {  	_ =	swait.ge [sflag:s10], $0x1000  }
0x63: {  	[sflag:s10] =	ssyncset.done $0x0  }
0x64: {  	[sflag:s10] =	ssyncadd.s32 $0xFFFFF000  }
0x65: {  	[spmem:s30] =	stream.linear.scatter [tilespmem:s23], [sflag:$0x2], $0x1000, $0x38;
	[tilespmem:$0x1F380] =	vst v63  }
0x66: {  	_ =	swait.ge [sflag:s10], $0x1000  }
0x67: {  	[sflag:s10] =	ssyncset.done $0x0  }
0x68: {  	[sflag:s10] =	ssyncadd.s32 $0xFFFFF000  }
0x69: {  	[spmem:s31] =	stream.linear.scatter [tilespmem:s23], [sflag:$0x2], $0x1000, $0x38;
	[tilespmem:$0x1F380] =	vst v63  }
0x6a: {  	_ =	swait.ge [sflag:s10], $0x1000  }
0x6b: {  	[sflag:s10] =	ssyncset.done $0x0  }
0x6c: {  	[sflag:s10] =	ssyncadd.s32 $0xFFFFF000  }
0x6d: {  	[spmem:s0] =	stream.linear.scatter [tilespmem:s23], [sflag:$0x2], $0x1000, $0x38;
	[tilespmem:$0x1F380] =	vst v63  }
0x6e: {  	_ =	swait.ge [sflag:s10], $0x1000  }
0x6f: {  	[sflag:s10] =	ssyncset.done $0x0  }
0x70: {  	[sflag:s10] =	ssyncadd.s32 $0xFFFFF000  }
0x71: {  	[spmem:s3] =	stream.linear.scatter [tilespmem:s23], [sflag:$0x2], $0x80, $0x38;
	[tilespmem:$0x1F380] =	vst v63  }
0x72: {  	_ =	swait.ge [sflag:s10], $0x80  }
0x73: {  	[sflag:s10] =	ssyncset.done $0x0  }
0x74: {  	[sflag:s10] =	ssyncadd.s32 $0xFFFFFF80  }
0x75: {  	[spmem:s20] =	stream.linear.scatter [tilespmem:s23], [sflag:$0x2], $0x280, $0x38;
	[tilespmem:$0x1F380] =	vst v63  }
.Ltmp2:
0x76: {  	_ =	swait.ge [sflag:s10], $0x280;
	(pc) =	sbr.rel .LBB2_2-.Ltmp2, $4  }
0x77: {  	[sflag:s10] =	ssyncset.done $0x0  }
0x78: {  	[sflag:s10] =	ssyncadd.s32 $0xFFFFFD80  }
0x79: {  	[bflag:$0x0] =	sbarrier.arrive $0xFFFF  }
0x7a: {  	s21 =	simm.s32 $0x0  }
.LBB2_7:
0x7b: {  	[sflag:s10] =	ssyncadd.s32 $0xFFFFC000  }
.LBB2_8:
0x7c: {  	s12 =	rddreg [dreg:$0x3];
	s13 =	simm.s32 $0x50;
	s14 =	simm.s32 $0xF000  }
0x7d: {  	[spmem:s12] =	stream.indirect.scatter.add.f32 [tilespmem:s2], [sflag:$0x2], $0x80, s14, s13, $0xb8;
	[tilespmem:$0x1F380] =	vst v63  }
0x7e: {  	_ =	swait.ge [sflag:s10], $0x2800  }
0x7f: {  	[sflag:s10] =	ssyncset.done $0x0  }
0x80: {  	s14 =	sshll.u32 s21, $0x14;
	s15 =	rddreg [dreg:$0xf];
	[sflag:s10] =	ssyncadd.s32 $0xFFFFD800  }
0x81: {  	s16 =	stileid.u32;
	s12 =	sadd.s32 s14, s15;
	[bflag:$0x0] =	sbarrier.arrive $0xFFFF  }
0x82: {  	s13 =	sshll.u32 s16, $0x6;
	s12 =	sshrl.u32 s12, $0x3;
	s22 =	rddreg [dreg:$0x6]  }
0x83: {  	s13 =	sor.u32 $0x1C02, s13;
	s12 =	sadd.s32 s22, s12  }
0x84: {  	[hbm:s12], [sflag:s13] =	dma.local [spmem:s24], $0x2000  }
0x85: {  	_ =	swait.ge [sflag:s10], $0x2000  }
0x86: {  	s14 =	sshll.u32 s21, $0xD;
	s15 =	rddreg [dreg:$0x10]  }
0x87: {  	s12 =	sadd.s32 s14, s15  }
0x88: {  	[sflag:s10] =	ssyncset.done $0x0;
	s16 =	rddreg [dreg:$0x7];
	s12 =	sshrl.u32 s12, $0x3  }
0x89: {  	[sflag:s10] =	ssyncadd.s32 $0xFFFFE000;
	s12 =	sadd.s32 s16, s12  }
0x8a: {  	[hbm:s12], [sflag:s13] =	dma.local [spmem:s25], $0x40  }
0x8b: {  	_ =	swait.ge [sflag:s10], $0x40  }
0x8c: {  	[sflag:s10] =	ssyncset.done $0x0  }
0x8d: {  	[sflag:s10] =	ssyncadd.s32 $0xFFFFFFC0  }
0x8e: {  	[spmem:s9] =	stream.linear.scatter [tilespmem:s23], [sflag:$0x2], $0x1000, $0x38;
	[tilespmem:$0x1F380] =	vst v63  }
0x8f: {  	_ =	swait.ge [sflag:s10], $0x1000  }
0x90: {  	[sflag:s10] =	ssyncset.done $0x0  }
0x91: {  	s22 =	rddreg [dreg:$0x9];
	[sflag:s10] =	ssyncadd.s32 $0xFFFFF000  }
0x92: {  	[spmem:s22] =	stream.linear.scatter [tilespmem:s23], [sflag:$0x2], $0x1000, $0x38;
	[tilespmem:$0x1F380] =	vst v63  }
0x93: {  	_ =	swait.ge [sflag:s10], $0x1000  }
0x94: {  	[sflag:s10] =	ssyncset.done $0x0  }
0x95: {  	s13 =	rddreg [dreg:$0xa];
	[sflag:s10] =	ssyncadd.s32 $0xFFFFF000  }
0x96: {  	[spmem:s13] =	stream.linear.scatter [tilespmem:s23], [sflag:$0x2], $0x1000, $0x38;
	[tilespmem:$0x1F380] =	vst v63  }
0x97: {  	_ =	swait.ge [sflag:s10], $0x1000  }
0x98: {  	[sflag:s10] =	ssyncset.done $0x0  }
0x99: {  	s14 =	rddreg [dreg:$0xb];
	[sflag:s10] =	ssyncadd.s32 $0xFFFFF000  }
0x9a: {  	[spmem:s14] =	stream.linear.scatter [tilespmem:s23], [sflag:$0x2], $0x1000, $0x38;
	[tilespmem:$0x1F380] =	vst v63  }
0x9b: {  	_ =	swait.ge [sflag:s10], $0x1000  }
0x9c: {  	[sflag:s10] =	ssyncset.done $0x0  }
0x9d: {  	s15 =	rddreg [dreg:$0xc];
	[sflag:s10] =	ssyncadd.s32 $0xFFFFF000  }
0x9e: {  	[spmem:s15] =	stream.linear.scatter [tilespmem:s23], [sflag:$0x2], $0x1000, $0x38;
	[tilespmem:$0x1F380] =	vst v63  }
0x9f: {  	_ =	swait.ge [sflag:s10], $0x1000  }
0xa0: {  	[sflag:s10] =	ssyncset.done $0x0  }
0xa1: {  	s16 =	rddreg [dreg:$0xd];
	[sflag:s10] =	ssyncadd.s32 $0xFFFFF000  }
0xa2: {  	[spmem:s16] =	stream.linear.scatter [tilespmem:s23], [sflag:$0x2], $0x1000, $0x38;
	[tilespmem:$0x1F380] =	vst v63  }
0xa3: {  	_ =	swait.ge [sflag:s10], $0x1000  }
0xa4: {  	[sflag:s10] =	ssyncset.done $0x0  }
0xa5: {  	s22 =	rddreg [dreg:$0xe];
	[sflag:s10] =	ssyncadd.s32 $0xFFFFF000  }
0xa6: {  	[spmem:s22] =	stream.linear.scatter [tilespmem:s23], [sflag:$0x2], $0x1000, $0x38;
	[tilespmem:$0x1F380] =	vst v63  }
0xa7: {  	_ =	swait.ge [sflag:s10], $0x1000  }
0xa8: {  	[sflag:s10] =	ssyncset.done $0x0  }
0xa9: {  	[sflag:s10] =	ssyncadd.s32 $0xFFFFF000  }
0xaa: {  	[spmem:s17] =	stream.linear.scatter [tilespmem:s23], [sflag:$0x2], $0x1000, $0x38;
	[tilespmem:$0x1F380] =	vst v63  }
0xab: {  	_ =	swait.ge [sflag:s10], $0x1000  }
0xac: {  	[sflag:s10] =	ssyncset.done $0x0  }
0xad: {  	[sflag:s10] =	ssyncadd.s32 $0xFFFFF000  }
0xae: {  	[spmem:s18] =	stream.linear.scatter [tilespmem:s23], [sflag:$0x2], $0x1000, $0x38;
	[tilespmem:$0x1F380] =	vst v63  }
0xaf: {  	_ =	swait.ge [sflag:s10], $0x1000  }
0xb0: {  	[sflag:s10] =	ssyncset.done $0x0  }
0xb1: {  	[sflag:s10] =	ssyncadd.s32 $0xFFFFF000  }
0xb2: {  	[spmem:s19] =	stream.linear.scatter [tilespmem:s23], [sflag:$0x2], $0x1000, $0x38;
	[tilespmem:$0x1F380] =	vst v63  }
0xb3: {  	_ =	swait.ge [sflag:s10], $0x1000  }
0xb4: {  	[sflag:s10] =	ssyncset.done $0x0  }
0xb5: {  	[sflag:s10] =	ssyncadd.s32 $0xFFFFF000  }
0xb6: {  	[spmem:s26] =	stream.linear.scatter [tilespmem:s23], [sflag:$0x2], $0x1000, $0x38;
	[tilespmem:$0x1F380] =	vst v63  }
0xb7: {  	_ =	swait.ge [sflag:s10], $0x1000  }
0xb8: {  	[sflag:s10] =	ssyncset.done $0x0  }
0xb9: {  	[sflag:s10] =	ssyncadd.s32 $0xFFFFF000  }
0xba: {  	[spmem:s28] =	stream.linear.scatter [tilespmem:s23], [sflag:$0x2], $0x1000, $0x38;
	[tilespmem:$0x1F380] =	vst v63  }
0xbb: {  	_ =	swait.ge [sflag:s10], $0x1000  }
0xbc: {  	[sflag:s10] =	ssyncset.done $0x0  }
0xbd: {  	[sflag:s10] =	ssyncadd.s32 $0xFFFFF000  }
0xbe: {  	[spmem:s29] =	stream.linear.scatter [tilespmem:s23], [sflag:$0x2], $0x1000, $0x38;
	[tilespmem:$0x1F380] =	vst v63  }
0xbf: {  	_ =	swait.ge [sflag:s10], $0x1000  }
0xc0: {  	[sflag:s10] =	ssyncset.done $0x0  }
0xc1: {  	[sflag:s10] =	ssyncadd.s32 $0xFFFFF000  }
0xc2: {  	[spmem:s30] =	stream.linear.scatter [tilespmem:s23], [sflag:$0x2], $0x1000, $0x38;
	[tilespmem:$0x1F380] =	vst v63  }
0xc3: {  	_ =	swait.ge [sflag:s10], $0x1000  }
0xc4: {  	[sflag:s10] =	ssyncset.done $0x0  }
0xc5: {  	[sflag:s10] =	ssyncadd.s32 $0xFFFFF000  }
0xc6: {  	[spmem:s31] =	stream.linear.scatter [tilespmem:s23], [sflag:$0x2], $0x1000, $0x38;
	[tilespmem:$0x1F380] =	vst v63  }
0xc7: {  	_ =	swait.ge [sflag:s10], $0x1000  }
0xc8: {  	[sflag:s10] =	ssyncset.done $0x0  }
0xc9: {  	[sflag:s10] =	ssyncadd.s32 $0xFFFFF000  }
0xca: {  	[spmem:s0] =	stream.linear.scatter [tilespmem:s23], [sflag:$0x2], $0x1000, $0x38;
	[tilespmem:$0x1F380] =	vst v63  }
0xcb: {  	_ =	swait.ge [sflag:s10], $0x1000  }
0xcc: {  	[sflag:s10] =	ssyncset.done $0x0  }
0xcd: {  	[sflag:s10] =	ssyncadd.s32 $0xFFFFF000  }
0xce: {  	[spmem:s3] =	stream.linear.scatter [tilespmem:s23], [sflag:$0x2], $0x80, $0x38;
	[tilespmem:$0x1F380] =	vst v63  }
0xcf: {  	_ =	swait.ge [sflag:s10], $0x80  }
0xd0: {  	s21 =	sadd.s32 $0x1, s21;
	[sflag:s10] =	ssyncset.done $0x0  }
0xd1: {  	p0 =	sne.s32 s21, $0xA;
	[sflag:s10] =	ssyncadd.s32 $0xFFFFFF80  }
0xd2: {  	[spmem:s20] =	stream.linear.scatter [tilespmem:s23], [sflag:$0x2], $0x280, $0x38;
	[tilespmem:$0x1F380] =	vst v63  }
.Ltmp3:
0xd3: {  	_ =	swait.ge [sflag:s10], $0x280;
	(pc) =	sbr.rel @!p0 .LBB2_9-.Ltmp3, $3  }
0xd4: {  	[sflag:s10] =	ssyncset.done $0x0  }
0xd5: {  	[sflag:s10] =	ssyncadd.s32 $0xFFFFFD80  }
0xd6: {  	[bflag:$0x0] =	sbarrier.arrive $0xFFFF;
	_ =	sdelay $0x1  }
.LBB2_2:
0xd7: {  	s12 =	simm.s32 $0x0;
	s13 =	rddreg [dreg:$0x5]  }
0xd8: {  	[tilespmem:s2], [sflag:$0x2] =	stream.linear.gather [hbm4b:s13+s12], $0x2800, $0x38;
	[tilespmem:$0x1F380] =	vst v63  }
0xd9: {  	_ =	swait.ge [sflag:s10], $0x2800  }
0xda: {  	[sflag:s10] =	ssyncset.done $0x0  }
0xdb: {  	s16 =	simm.s32 $0x0;
	[sflag:s10] =	ssyncadd.s32 $0xFFFFD800  }
0xdc: {  	v10 =	vld [tilespmem:s16+$0x0];
	_ =	sdelay $0x3  }
0xdd: {  	s22 =	sshll.u32 s21, $0xA  }
0xde: {  	s14 =	sadd.s32 $0x400, s22;
	v11 =	vshrl.u32 v10, $0xE  }
0xdf: {  	v8 =	vmov s22;
	v9 =	vmov s14;
	v11 =	vand.u32 $0x3FFF, v11  }
0xe0: {  	vm0 =	vge.u32 v11, v8;
	vm1 =	vlt.u32 v11, v9  }
0xe1: {  	vm0 =	vmand vm0, vm1  }
0xe2: {  	v13 =	vsel vm0, $0x1, v5  }
0xe3: {  	(xrf0) =	vadd.scan.msk.s32 $0xffff, v13;
	_ =	sdelay $0x2  }
0xe4: {  	v12 =	vmov s12  }
0xe5: {  	v12 =	vadd.s32 $0xFFFFFFFF, v12  }
0xe6: {  	s13 =	simm.s32 $0x40;
	s14 =	simm.s32 $0x80;
	v12 =	vbroadcast v12, $0x0;
	v11 =	vsub.s32 v11, v8  }
.LBB2_3:
0xe7: {  	p0 =	sne.s32 s14, $0x9FC0;
	v13 =	vshrl.u32 v10, $0x1C;
	v14 =	vshll.u32 v11, $0x3;
	v15, _, _ =	vpop (xrf0)  }
0xe8: {  	v14 =	vadd.s32 v13, v14;
	v12 =	vadd.s32 v15, v12;
	(v2sf) =	vpush v15, $0xF  }
0xe9: {  	v12 =	vnsel vm0, $0x0, v12;
	_ =	sdelay $0x2  }
0xea: {  	v13 =	vshll.u32 v13, $0xA  }
0xeb: {  	v11 =	vadd.s32 v13, v11;
	[tilespmem:v14+s2+$0x0] =	vst.idx.add.f32.msk vm0, v6  }
0xec: {  	v10 =	vand.u32 $0x3FFF, v10;
	[tilespmem:v12+s4+$0x0] =	vst.idx.msk vm0, v11  }
0xed: {  	s22 =	sshra.s32 s13, $0x2;
	s13 =	smov.u32 s14;
	[tilespmem:v12+s7+$0x0] =	vst.idx.msk vm0, v10  }
0xee: {  	v10 =	vld [tilespmem:s22+$0x0];
	_ =	sdelay $0x4  }
0xef: {  	v11 =	vshrl.u32 v10, $0xE  }
0xf0: {  	v11 =	vand.u32 $0x3FFF, v11  }
0xf1: {  	vm0 =	vge.u32 v11, v8;
	vm1 =	vlt.u32 v11, v9;
	s22 =	spop (v2sf)  }
0xf2: {  	vm0 =	vmand vm0, vm1;
	s12 =	sadd.s32 s12, s22  }
0xf3: {  	v12 =	vsel vm0, $0x1, v5  }
0xf4: {  	(xrf0) =	vadd.scan.msk.s32 $0xffff, v12  }
.Ltmp4:
0xf5: {  	(pc) =	sbr.rel @p0 .LBB2_3-.Ltmp4, $4  }
0xf6: {  	_ = 	snop  }
0xf7: {  	v12 =	vmov s12  }
0xf8: {  	v12 =	vadd.s32 $0xFFFFFFFF, v12  }
0xf9: {  	s14 =	sadd.s32 $0x40, s14;
	v11 =	vsub.s32 v11, v8;
	v12 =	vbroadcast v12, $0x0  }
0xfa: {  	v13 =	vshrl.u32 v10, $0x1C;
	v14 =	vshll.u32 v11, $0x3;
	v15, _, _ =	vpop (xrf0)  }
0xfb: {  	v14 =	vadd.s32 v13, v14;
	v12 =	vadd.s32 v15, v12  }
0xfc: {  	v12 =	vnsel vm0, $0x0, v12;
	_ =	sdelay $0x2  }
0xfd: {  	v13 =	vshll.u32 v13, $0xA  }
0xfe: {  	v50 =	vadd.s32 v13, v11;
	[tilespmem:v14+s2+$0x0] =	vst.idx.add.f32.msk vm0, v6  }
0xff: {  	v51 =	vand.u32 $0x3FFF, v10;
	[tilespmem:v12+s4+$0x0] =	vst.idx.msk vm0, v50  }
0x100: {  	s13 =	sshra.s32 s13, $0x2;
	[tilespmem:v12+s7+$0x0] =	vst.idx.msk vm0, v51  }
0x101: {  	v10 =	vld [tilespmem:s13+$0x0];
	_ =	sdelay $0x4  }
0x102: {  	v52 =	vshrl.u32 v10, $0xE  }
0x103: {  	v11 =	vand.u32 $0x3FFF, v52  }
0x104: {  	vm9 =	vge.u32 v11, v8;
	vm1 =	vlt.u32 v11, v9  }
0x105: {  	vm0 =	vmand vm9, vm1  }
0x106: {  	v53 =	vsel vm0, $0x1, v5  }
0x107: {  	(xrf0) =	vadd.scan.msk.s32 $0xffff, v53;
	_ =	sdelay $0x2  }
0x108: {  	(v2sf) =	vpush v15, $0xF;
	_ =	sdelay $0x2  }
0x109: {  	v9, _, _ =	vpop (xrf0)  }
0x10a: {  	(v2sf) =	vpush v9, $0xF;
	_ =	sdelay $0xa  }
0x10b: {  	s14 =	spop (v2sf)  }
0x10c: {  	s12 =	sadd.s32 s12, s14  }
0x10d: {  	v54 =	vmov s12  }
0x10e: {  	v12 =	vadd.s32 $0xFFFFFFFF, v54  }
0x10f: {  	v8 =	vsub.s32 v11, v8;
	v55 =	vbroadcast v12, $0x0;
	s15 =	spop (v2sf)  }
0x110: {  	v56 =	vshrl.u32 v10, $0x1C;
	v57 =	vshll.u32 v8, $0x3;
	s14 =	sadd.s32 s12, s15  }
0x111: {  	v13 =	vadd.s32 v56, v57;
	v9 =	vadd.s32 v9, v55;
	s22 =	sadd.s32 $0x7F, s14  }
0x112: {  	v9 =	vnsel vm0, $0x0, v9;
	v58 =	vadd.s32 s14, v0;
	s15 =	sand.u32 $0xFFFFFF80, s22  }
0x113: {  	s12 =	sadd.s32 $0x10, s14;
	vm10 =	vlt.s32 v58, s15  }
0x114: {  	v59 =	vadd.s32 s12, v0  }
0x115: {  	v12 =	vshll.u32 v56, $0xA;
	s16 =	sadd.s32 $0x20, s14;
	vm2 =	vlt.s32 v59, s15  }
0x116: {  	v8 =	vadd.s32 v12, v8;
	[tilespmem:v13+s2+$0x0] =	vst.idx.add.f32.msk vm0, v6;
	v60 =	vadd.s32 s16, v0  }
0x117: {  	v10 =	vand.u32 $0x3FFF, v10;
	[tilespmem:v9+s4+$0x0] =	vst.idx.msk vm0, v8;
	s13 =	sadd.s32 $0x30, s14;
	vm3 =	vlt.s32 v60, s15  }
0x118: {  	[tilespmem:v9+s7+$0x0] =	vst.idx.msk vm0, v10;
	s12 =	simm.s32 $0x5000;
	v8 =	vadd.s32 s13, v0  }
0x119: {  	s13 =	simm.s32 $0x2800;
	s16 =	sadd.s32 $0x40, s14;
	vm11 =	vlt.s32 v8, s15;
	[tilespmem:v58+s12+$0x0] =	vst.idx.msk vm10, v7  }
0x11a: {  	v61 =	vadd.s32 s16, v0;
	[tilespmem:v58+s13+$0x0] =	vst.idx.msk vm10, v5  }
0x11b: {  	s16 =	sadd.s32 $0x50, s14;
	vm12 =	vlt.s32 v61, s15;
	[tilespmem:v59+s12+$0x0] =	vst.idx.msk vm2, v7  }
0x11c: {  	v62 =	vadd.s32 s16, v0;
	[tilespmem:v59+s13+$0x0] =	vst.idx.msk vm2, v5  }
0x11d: {  	s16 =	sadd.s32 $0x60, s14;
	vm13 =	vlt.s32 v62, s15;
	[tilespmem:v60+s12+$0x0] =	vst.idx.msk vm3, v7  }
0x11e: {  	v63 =	vadd.s32 s16, v0;
	[tilespmem:v60+s13+$0x0] =	vst.idx.msk vm3, v5  }
0x11f: {  	s14 =	sadd.s32 $0x70, s14;
	vm14 =	vlt.s32 v63, s15;
	[tilespmem:v8+s12+$0x0] =	vst.idx.msk vm11, v7  }
0x120: {  	[tilespmem:v8+s13+$0x0] =	vst.idx.msk vm11, v5;
	v8 =	vadd.s32 s14, v0  }
0x121: {  	[tilespmem:v61+s12+$0x0] =	vst.idx.msk vm12, v7;
	vm15 =	vlt.s32 v8, s15  }
0x122: {  	s14 =	sshrl.u32 s22, $0x7;
	[tilespmem:v61+s13+$0x0] =	vst.idx.msk vm12, v5  }
0x123: {  	p0 =	seq.s32 s14, $0x0;
	[tilespmem:v62+s12+$0x0] =	vst.idx.msk vm13, v7  }
.Ltmp5:
0x124: {  	[tilespmem:v62+s13+$0x0] =	vst.idx.msk vm13, v5;
	(pc) =	sbr.rel @p0 .LBB2_8-.Ltmp5, $4  }
0x125: {  	[tilespmem:v63+s12+$0x0] =	vst.idx.msk vm14, v7  }
0x126: {  	[tilespmem:v63+s13+$0x0] =	vst.idx.msk vm14, v5  }
0x127: {  	[tilespmem:v8+s12+$0x0] =	vst.idx.msk vm15, v7  }
0x128: {  	[tilespmem:v8+s13+$0x0] =	vst.idx.msk vm15, v5  }
0x129: {  	[tilespmem:s6], [sflag:$0x1] =	stream.indirect.gather [hbm4b:s5+s8], $0x80, s13, s8, $0xb8;
	[tilespmem:$0x1F380] =	vst v63  }
0x12a: {  	p0 =	sne.s32 s14, $0x1;
	_ =	swait.ge [sflag:s11], $0x4000  }
.Ltmp6:
0x12b: {  	[sflag:s11] =	ssyncset.done $0x0;
	(pc) =	sbr.rel @!p0 .LBB2_7-.Ltmp6, $4  }
0x12c: {  	[sflag:s11] =	ssyncadd.s32 $0xFFFFC000  }
0x12d: {  	[spmem:s1] =	stream.indirect.scatter.add.f32 [tilespmem:s6], [sflag:$0x2], $0x80, s12, s8, $0xb8;
	[tilespmem:$0x1F380] =	vst v63  }
0x12e: {  	_ =	swait.ge [sflag:s10], $0x4000  }
0x12f: {  	s14 =	sadd.s32 $0xFFFFFFFF, s14;
	[sflag:s10] =	ssyncset.done $0x0  }
.LBB2_6:
0x130: {  	[sflag:s10] =	ssyncadd.s32 $0xFFFFC000;
	s13 =	sadd.s32 $0x80, s13;
	s12 =	sadd.s32 $0x80, s12  }
0x131: {  	[tilespmem:s6], [sflag:$0x1] =	stream.indirect.gather [hbm4b:s5+s8], $0x80, s13, s8, $0xb8;
	[tilespmem:$0x1F380] =	vst v63  }
0x132: {  	p0 =	sne.s32 s14, $0x1;
	s14 =	sadd.s32 $0xFFFFFFFF, s14;
	_ =	swait.ge [sflag:s11], $0x4000  }
.Ltmp7:
0x133: {  	[sflag:s11] =	ssyncset.done $0x0;
	(pc) =	sbr.rel @p0 .LBB2_6-.Ltmp7, $4  }
0x134: {  	[sflag:s11] =	ssyncadd.s32 $0xFFFFC000  }
0x135: {  	[spmem:s1] =	stream.indirect.scatter.add.f32 [tilespmem:s6], [sflag:$0x2], $0x80, s12, s8, $0xb8;
	[tilespmem:$0x1F380] =	vst v63  }
0x136: {  	_ =	swait.ge [sflag:s10], $0x4000  }
0x137: {  	[sflag:s10] =	ssyncset.done $0x0  }
.Ltmp8:
0x138: {  	_ = 	snop;
	(pc) =	sbr.rel .LBB2_7-.Ltmp8, $1  }
0x139: {  	_ =	sdelay $0x3  }
.LBB2_10:
0x13a: {  	_ =	sfence.sel $0x180000  }
0x13b: {  	[bflag:$0x0] =	sbarrier.arrive $0xFFFF  }
0x13c: {  	_ =	strace $0x9000004A  }
0x13d: {  	s0 =	stileid.u32;
	[bflag:$0x2] =	sbarrier.arrive $0xFFFF  }
0x13e: {  	p0 =	sne.s32 s0, $0x0;
	s0 =	rddreg [dreg:$0x4]  }
0x13f: {  	s0 =	sadd.s32 @!p0 $0x100000, s0  }
0x140: {  	[sflag:s0] =	ssyncadd.tile.s32 @!p0 $0x1;
	_ =	shalt  }
.Lfunc_end2:
_tile_overlayer_lowered:
.L_overlay_start_2:
0x141: {  	(tag) =	ssettag $0x2  }
0x142: {  	s0 =	rddreg [dreg:$0x0];
	s2 =	stileid.u32  }
0x143: {  	s1 =	rddreg [dreg:$0x1];
	p0 =	sne.s32 s2, $0x0  }
0x144: {  	s3 =	rddreg [dreg:$0x2];
	[bflag:$0x3] =	sbarrier.arrive $0xFFFF;
	s2 =	simm.s32 @!p0 $0x1C02  }
0x145: {  	[timem:s3], [sflag:s2] =	dma.local @!p0 [hbm:s0], s1  }
0x146: {  	s0 =	simm.s32 @!p0 $0x2  }
0x147: {  	_ =	swait.ge @!p0 [sflag:s0], s1  }
0x148: {  	s1 =	ssub.s32 @!p0 $0x0, s1;
	[sflag:s0] =	ssyncset.done @!p0 $0x0  }
0x149: {  	[sflag:s0] =	ssyncadd.s32 @!p0 s1  }
0x14a: {  	[bflag:$0x3] =	sbarrier.arrive $0xFFFF  }
0x14b: {  	_ =	shalt  }

</sc_bundles>
